<compile_context>
chip_gen: v7x
topology: tpu7x:2x2x1
jax: 0.10.2.dev20260603
libtpu: 0.0.44.dev20260713+nightly
codegen_flags: <defaults>
</compile_context>

<pallas_src>
import jax
import jax.numpy as jnp
from jax import lax
from jax.experimental import pallas as pl
from jax.experimental.pallas import tpu as pltpu
from jax.experimental.pallas import tpu_sc as plsc

_B, _C, _N, _NB, _M = 4, 64, 4096, 4, 1024
_TQ = 512
_NQT = _N // _TQ
_TI = 256
_NIT = _N // _TI
_W = _N + 128
_PREC = None


def _stats_kernel(x_full_ref, x_tile_ref, bins_ref, wq_ref, wk_ref,
                  apst_ref, bpp_ref, xt_ref, k_scr, accl_scr, bacc_scr):
    t = pl.program_id(1)

    @pl.when(t == 0)
    def _():
        wk = wk_ref[...]
        k_main = lax.dot_general(wk, x_full_ref[0], (((1,), (0,)), ((), ())),
                                 preferred_element_type=jnp.float32,
                                 precision=_PREC)
        bins = bins_ref[0]
        binp = jnp.concatenate(
            [bins, jnp.zeros((_C, 128 - _NB), jnp.float32)], axis=1)
        k_bin = lax.dot_general(wk, binp, (((1,), (0,)), ((), ())),
                                preferred_element_type=jnp.float32,
                                precision=_PREC)
        k_scr[:, :_N] = k_main
        k_scr[:, _N:] = k_bin
        accl_scr[...] = jnp.zeros_like(accl_scr)
        bacc_scr[...] = jnp.zeros_like(bacc_scr)

    x_tile = x_tile_ref[0]
    q = lax.dot_general(wq_ref[...], x_tile, (((1,), (0,)), ((), ())),
                        preferred_element_type=jnp.float32, precision=_PREC)
    e = lax.dot_general(k_scr[...], q, (((0,), (0,)), ((), ())),
                        preferred_element_type=jnp.float32, precision=_PREC)
    row = lax.broadcasted_iota(jnp.int32, (_W, _TQ), 0)
    e = jnp.where(row < _N + _NB, e, -jnp.inf)
    macc = e[0:8, :]
    for r in range(1, _W // 8):
        macc = jnp.maximum(macc, e[8 * r:8 * (r + 1), :])
    m4 = jnp.maximum(macc[0:4], macc[4:8])
    m2 = jnp.maximum(m4[0:2], m4[2:4])
    m = jnp.maximum(m2[0:1], m2[1:2])
    p = jnp.exp(e - m)
    zacc = p[0:8, :]
    for r in range(1, _W // 8):
        zacc = zacc + p[8 * r:8 * (r + 1), :]
    z4 = zacc[0:4] + zacc[4:8]
    z2 = z4[0:2] + z4[2:4]
    z = z2[0:1] + z2[1:2]
    attn = p * (1.0 / z)
    acc = accl_scr[...]
    for l in range(_TQ // 128):
        acc = acc + attn[:, 128 * l:128 * (l + 1)]
    accl_scr[...] = acc
    bacc = bacc_scr[...]
    for l in range(_TQ // 128):
        bacc = jnp.maximum(bacc, attn[_N:_N + 8, 128 * l:128 * (l + 1)])
    bacc_scr[...] = bacc

    @pl.when(t == _NQT - 1)
    def _():
        a = accl_scr[...]
        w = 64
        while w >= 1:
            a = a[:, :w] + a[:, w:2 * w]
            w //= 2
        apst_ref[0] = a[:_N, :]
        bpp_ref[0] = bacc_scr[...]

    xt_ref[0] = jnp.concatenate(
        [lax.transpose(x_tile, (1, 0)), jnp.zeros((_TQ, 128 - _C), jnp.float32)],
        axis=1)


def _rank_kernel(apst_ref, bpp_ref, rank_ref, cumks_ref, aps_s):
    it = pl.program_id(1)

    @pl.when(it == 0)
    def _():
        aps_s[...] = lax.transpose(apst_ref[0], (1, 0))
        bpm = jnp.max(bpp_ref[0], axis=1, keepdims=True)
        lane = lax.broadcasted_iota(jnp.int32, (1, 128), 1)
        mtot = jnp.full((1, 1), _M, jnp.int32)
        s = jnp.zeros((1, 1), jnp.int32)
        ck = jnp.zeros((1, 128), jnp.int32)
        for j in range(_NB - 1):
            kkj = jnp.floor(512.0 * bpm[j:j + 1, :]).astype(jnp.int32)
            kj = jnp.minimum(kkj, mtot - s)
            ck = ck + jnp.where(lane == 8 + j, kj, 0)
            s = s + kj
            ck = ck + jnp.where(lane == j + 1, s, 0)
        ck = ck + jnp.where(lane == 8 + _NB - 1, mtot - s, 0)
        ck = ck + jnp.where(lane == _NB, mtot, 0)
        cumks_ref[0] = ck

    i0 = it * _TI
    ai = apst_ref[0, pl.ds(i0, _TI), :]
    arow = aps_s[...]
    gt = arow > ai
    eq = arow == ai
    jidx = lax.broadcasted_iota(jnp.int32, (_TI, _N), 1)
    iidx = lax.broadcasted_iota(jnp.int32, (_TI, 1), 0) + i0
    cond = gt | (eq & (jidx < iidx))
    rank_ref[0] = jnp.sum(cond.astype(jnp.int32), axis=1, keepdims=True)


def _stats_call(x, bin_tokens, wq, wk):
    return pl.pallas_call(
        _stats_kernel,
        grid=(_B, _NQT),
        in_specs=[
            pl.BlockSpec((1, _C, _N), lambda b, t: (b, 0, 0)),
            pl.BlockSpec((1, _C, _TQ), lambda b, t: (b, 0, t)),
            pl.BlockSpec((1, _C, _NB), lambda b, t: (0, 0, 0)),
            pl.BlockSpec((_C, _C), lambda b, t: (0, 0)),
            pl.BlockSpec((_C, _C), lambda b, t: (0, 0)),
        ],
        out_specs=[
            pl.BlockSpec((1, _N, 1), lambda b, t: (b, 0, 0)),
            pl.BlockSpec((1, 8, 128), lambda b, t: (b, 0, 0)),
            pl.BlockSpec((1, _TQ, 128), lambda b, t: (b, t, 0)),
        ],
        out_shape=[
            jax.ShapeDtypeStruct((_B, _N, 1), jnp.float32),
            jax.ShapeDtypeStruct((_B, 8, 128), jnp.float32),
            jax.ShapeDtypeStruct((_B, _N, 128), jnp.float32),
        ],
        scratch_shapes=[
            pltpu.VMEM((_C, _W), jnp.float32),
            pltpu.VMEM((_W, 128), jnp.float32),
            pltpu.VMEM((8, 128), jnp.float32),
        ],
        compiler_params=pltpu.CompilerParams(
            dimension_semantics=("arbitrary", "arbitrary")),
    )(x, x, bin_tokens, wq, wk)


def _rank_call(apst, bpp):
    return pl.pallas_call(
        _rank_kernel,
        grid=(_B, _NIT),
        in_specs=[
            pl.BlockSpec((1, _N, 1), lambda b, it: (b, 0, 0)),
            pl.BlockSpec((1, 8, 128), lambda b, it: (b, 0, 0)),
        ],
        out_specs=[
            pl.BlockSpec((1, _TI, 1), lambda b, it: (b, it, 0)),
            pl.BlockSpec((1, 1, 128), lambda b, it: (b, 0, 0)),
        ],
        out_shape=[
            jax.ShapeDtypeStruct((_B, _N, 1), jnp.int32),
            jax.ShapeDtypeStruct((_B, 1, 128), jnp.int32),
        ],
        scratch_shapes=[
            pltpu.VMEM((1, _N), jnp.float32),
        ],
        compiler_params=pltpu.CompilerParams(
            dimension_semantics=("arbitrary", "arbitrary")),
    )(apst, bpp)


def _select_call(rank, cumks):
    mesh = plsc.VectorSubcoreMesh(core_axis_name="c", subcore_axis_name="s")

    @pl.kernel(
        out_type=jax.ShapeDtypeStruct((_B, _M), jnp.int32),
        mesh=mesh,
        scratch_types=[
            pltpu.VMEM((_N,), jnp.int32),
            pltpu.VMEM((128,), jnp.int32),
            pltpu.VMEM((_M,), jnp.int32),
        ],
        compiler_params=pltpu.CompilerParams(needs_layout_passes=False),
    )
    def sel_kernel(rank_hbm, ck_hbm, idx_hbm, rank_v, ck_v, idx_v):
        cid = lax.axis_index("c")
        sid = lax.axis_index("s")

        @pl.when((cid == 0) & (sid < _B))
        def _():
            b = sid
            pltpu.sync_copy(rank_hbm.at[b], rank_v)
            pltpu.sync_copy(ck_hbm.at[b], ck_v)

            @pl.loop(0, _N // 16)
            def _(i):
                r = rank_v[pl.ds(i * 16, 16)]
                j = jnp.right_shift(r, 10)
                t = jnp.bitwise_and(r, 1023)
                cumj = plsc.load_gather(ck_v, [j])
                ksj = plsc.load_gather(ck_v, [j + 8])
                p = cumj + t
                iv = lax.iota(jnp.int32, 16) + i * 16
                plsc.store_scatter(idx_v, [p], iv, mask=t < ksj)

            pltpu.sync_copy(idx_v, idx_hbm.at[b])

    return sel_kernel(rank, cumks)


def _gather_call(idx, xt):
    mesh = plsc.VectorSubcoreMesh(core_axis_name="c", subcore_axis_name="s")
    chunk = _M // 8

    @pl.kernel(
        out_type=jax.ShapeDtypeStruct((_B, _M, 128), jnp.float32),
        mesh=mesh,
        scratch_types=[
            pltpu.VMEM((chunk,), jnp.int32),
            pltpu.VMEM((chunk, 128), jnp.float32),
            pltpu.SemaphoreType.DMA,
        ],
        compiler_params=pltpu.CompilerParams(needs_layout_passes=False),
    )
    def gather_kernel(idx_hbm, xt_hbm, xg_hbm, idx_v, rows_v, sem):
        cid = lax.axis_index("c")
        sid = lax.axis_index("s")
        w = sid * 2 + cid
        b = jnp.right_shift(w, 3)
        ch = jnp.bitwise_and(w, 7)
        pltpu.sync_copy(idx_hbm.at[b].at[pl.ds(ch * chunk, chunk)], idx_v)
        pltpu.async_copy(xt_hbm.at[b].at[idx_v], rows_v, sem).wait()
        pltpu.sync_copy(rows_v, xg_hbm.at[b].at[pl.ds(ch * chunk, chunk)])

    return gather_kernel(idx, xt)


def _v_kernel(wv_ref, xg_ref, o_ref):
    xg = xg_ref[0][:, :_C]
    o_ref[0] = lax.dot_general(wv_ref[...], xg, (((1,), (1,)), ((), ())),
                               preferred_element_type=jnp.float32,
                               precision=_PREC)


def _v_call(wv, xg):
    return pl.pallas_call(
        _v_kernel,
        grid=(_B,),
        in_specs=[
            pl.BlockSpec((_C, _C), lambda b: (0, 0)),
            pl.BlockSpec((1, _M, 128), lambda b: (b, 0, 0)),
        ],
        out_specs=pl.BlockSpec((1, _C, _M), lambda b: (b, 0, 0)),
        out_shape=jax.ShapeDtypeStruct((_B, _C, _M), jnp.float32),
        compiler_params=pltpu.CompilerParams(
            dimension_semantics=("arbitrary",)),
    )(wv, xg)


def kernel(x, bin_tokens, Wq, Wk, Wv):
    apst, bpp, xt = _stats_call(x, bin_tokens, Wq, Wk)
    rank3, cumks3 = _rank_call(apst, bpp)
    rank = rank3.reshape(_B, _N)
    cumks = cumks3.reshape(_B, 128)
    idx = _select_call(rank, cumks)
    xg = _gather_call(idx, xt)
    out = _v_call(Wv, xg)
    return out, idx

# --- scband reference (transcript-rebuilt; emitter-appended) ---
"""Pipeline reference for scband-down-sample-token-7524782703187 (READ-ONLY COPY).

The authoritative reference and input builder live on the scoring server;
editing this copy changes nothing except your own understanding.
"""

import jax, jax.numpy as jnp
import numpy as np

B, C, N = 4, 64, 4096
NB, M = 4, 1024

def setup_inputs(seed: int = 0):
    key = jax.random.key(seed)
    k1, k2, k3, k4, k5 = jax.random.split(key, 5)
    s = 1.0 / np.sqrt(C)
    return {
        "x": jax.random.normal(k1, (B, C, N), dtype=jnp.float32),
        "bin_tokens": jax.random.normal(k2, (1, C, NB), dtype=jnp.float32),
        "Wq": jax.random.normal(k3, (C, C), dtype=jnp.float32) * s,
        "Wk": jax.random.normal(k4, (C, C), dtype=jnp.float32) * s,
        "Wv": jax.random.normal(k5, (C, C), dtype=jnp.float32) * s,
    }

def _core(x, bin_tokens, Wq, Wk, Wv):
    b, c, n = x.shape
    nb = bin_tokens.shape[2]
    xt = jnp.concatenate([x, jnp.broadcast_to(bin_tokens, (b, c, nb))], axis=2)
    q = jnp.einsum('oc,bcn->bon', Wq, x)
    k = jnp.einsum('oc,bcm->bom', Wk, xt)
    v = jnp.einsum('oc,bcm->bom', Wv, xt)
    energy = jnp.einsum('bcn,bcm->bnm', q, k)
    attn = jax.nn.softmax(energy, axis=-1)
    bin_prob = jnp.max(attn[:, :, n:], axis=1)
    aps = jnp.sum(attn[:, :, :n], axis=1)
    return v, bin_prob, aps

def _select_idx(aps, bin_prob, n, nb, m):
    order = jnp.argsort(-aps, axis=-1)
    b = aps.shape[0]
    chunk = n // nb
    kk_raw = jnp.floor((2.0 * m / nb) * bin_prob[:, :nb - 1]).astype(jnp.int32)
    ks = []
    s = jnp.zeros((b,), dtype=jnp.int32)
    for j in range(nb - 1):
        kj = jnp.minimum(kk_raw[:, j], m - s)
        ks.append(kj)
        s = s + kj
    ks.append(m - s)
    ks = jnp.stack(ks, axis=1)
    cum = jnp.concatenate(
        [jnp.zeros((b, 1), dtype=jnp.int32), jnp.cumsum(ks, axis=1)], axis=1
    )
    p = jnp.arange(m, dtype=jnp.int32)
    bin_idx = jnp.sum(
        (p[None, None, :] >= cum[:, 1:nb, None]).astype(jnp.int32), axis=1
    )
    offset = p[None, :] - jnp.take_along_axis(cum, bin_idx, axis=1)
    src = bin_idx * chunk + offset
    return jnp.take_along_axis(order, src, axis=1).astype(jnp.int32)

def reference(x, bin_tokens, Wq, Wk, Wv):
    v, bin_prob, aps = _core(x, bin_tokens, Wq, Wk, Wv)
    idx = _select_idx(aps, bin_prob, x.shape[2], bin_tokens.shape[2], M)
    out = jnp.take_along_axis(v[:, :, :x.shape[2]], idx[:, None, :], axis=2)
    return out, idx

if __name__ == "__main__":
    import jax
    _d = setup_inputs()
    print(jax.jit(kernel)(*tuple(_d.values())))

</pallas_src>

<mosaic_0001>
#map = affine_map<(d0, d1) -> (0, 0)>
#map1 = affine_map<(d0, d1) -> (0, 0, 0)>
module attributes {stable_mosaic.version = 14 : i64} {
  func.func @gather_kernel(%arg0: i32, %arg1: i32, %arg2: memref<4x1024xi32, #tpu.memory_space<hbm>>, %arg3: memref<4x4096x128xf32, #tpu.memory_space<hbm>>, %arg4: memref<4x1024x128xf32, #tpu.memory_space<hbm>>, %arg5: memref<128xi32, #tpu.memory_space<vmem>>, %arg6: memref<128x128xf32, #tpu.memory_space<vmem>>, %arg7: memref<!tpu.dma_semaphore, #tpu.memory_space<semaphore_mem>>) attributes {dimension_semantics = [#tpu.dimension_semantics<core_parallel>, #tpu.dimension_semantics<subcore_parallel>], iteration_bounds = array<i64: 2, 16>, scalar_prefetch = 0 : i64, scratch_operands = 3 : i64, tpu.core_type = #tpu.core_type<sc_vector_subcore>, window_params = [{transform_indices = #map}, {transform_indices = #map1}, {transform_indices = #map1}]} {
    %mul3A = arith.constant 2 : i32
    %mul3A_0 = arith.muli %arg1, %mul3A : i32
    %add3A = arith.addi %mul3A_0, %arg0 : i32
    %shift_right_arithmetic3A = arith.constant 3 : i32
    %shift_right_arithmetic3A_1 = arith.shrsi %add3A, %shift_right_arithmetic3A : i32
    %and3A = arith.constant 7 : i32
    %and3A_2 = arith.andi %add3A, %and3A : i32
    %mul3A_3 = arith.constant 128 : i32
    %mul3A_4 = arith.muli %and3A_2, %mul3A_3 : i32
    "tpu.region"() ({
      %run_scoped3A = tpu.sem_alloc : memref<!tpu.dma_semaphore, #tpu.memory_space<semaphore_mem>>
      %dma_start3A_19 = arith.constant 0 : i32
      %dma_start3A_20 = tpu.memref_slice %arg2[%shift_right_arithmetic3A_1, %dma_start3A_19] : memref<4x1024xi32, #tpu.memory_space<hbm>> -> memref<1x1024xi32, #tpu.memory_space<hbm>>
      %dma_start3A_21 = tpu.memref_squeeze %dma_start3A_20 : memref<1x1024xi32, #tpu.memory_space<hbm>> -> memref<1024xi32, #tpu.memory_space<hbm>>
      %dma_start3A_22 = tpu.memref_slice %dma_start3A_21[%mul3A_4] : memref<1024xi32, #tpu.memory_space<hbm>> -> memref<128xi32, #tpu.memory_space<hbm>>
      %dma_start3A_23 = arith.constant 0 : i32
      %dma_start3A_24 = tpu.memref_slice %arg2[%shift_right_arithmetic3A_1, %dma_start3A_23] : memref<4x1024xi32, #tpu.memory_space<hbm>> -> memref<1x1024xi32, #tpu.memory_space<hbm>>
      %dma_start3A_25 = tpu.memref_squeeze %dma_start3A_24 : memref<1x1024xi32, #tpu.memory_space<hbm>> -> memref<1024xi32, #tpu.memory_space<hbm>>
      %dma_start3A_26 = tpu.memref_slice %dma_start3A_25[%mul3A_4] : memref<1024xi32, #tpu.memory_space<hbm>> -> memref<128xi32, #tpu.memory_space<hbm>>
      tpu.enqueue_dma source(%dma_start3A_26 : memref<128xi32, #tpu.memory_space<hbm>>) target(%arg5 : memref<128xi32, #tpu.memory_space<vmem>>) target_semaphore(%run_scoped3A : memref<!tpu.dma_semaphore, #tpu.memory_space<semaphore_mem>>)
      %dma_wait3A_27 = arith.constant 0 : i32
      %dma_wait3A_28 = tpu.memref_slice %arg2[%shift_right_arithmetic3A_1, %dma_wait3A_27] : memref<4x1024xi32, #tpu.memory_space<hbm>> -> memref<1x1024xi32, #tpu.memory_space<hbm>>
      %dma_wait3A_29 = tpu.memref_squeeze %dma_wait3A_28 : memref<1x1024xi32, #tpu.memory_space<hbm>> -> memref<1024xi32, #tpu.memory_space<hbm>>
      %dma_wait3A_30 = tpu.memref_slice %dma_wait3A_29[%mul3A_4] : memref<1024xi32, #tpu.memory_space<hbm>> -> memref<128xi32, #tpu.memory_space<hbm>>
      %dma_wait3A_31 = arith.constant 0 : i32
      %dma_wait3A_32 = tpu.memref_slice %arg2[%shift_right_arithmetic3A_1, %dma_wait3A_31] : memref<4x1024xi32, #tpu.memory_space<hbm>> -> memref<1x1024xi32, #tpu.memory_space<hbm>>
      %dma_wait3A_33 = tpu.memref_squeeze %dma_wait3A_32 : memref<1x1024xi32, #tpu.memory_space<hbm>> -> memref<1024xi32, #tpu.memory_space<hbm>>
      %dma_wait3A_34 = tpu.memref_slice %dma_wait3A_33[%mul3A_4] : memref<1024xi32, #tpu.memory_space<hbm>> -> memref<128xi32, #tpu.memory_space<hbm>>
      tpu.wait_dma2 semaphore(%run_scoped3A : memref<!tpu.dma_semaphore, #tpu.memory_space<semaphore_mem>>) src(%dma_wait3A_34 : memref<128xi32, #tpu.memory_space<hbm>>) dst(%arg5 : memref<128xi32, #tpu.memory_space<vmem>>)
      tpu.yield
    }) : () -> ()
    %dma_start3A = arith.constant 0 : i32
    %dma_start3A_5 = arith.constant 0 : i32
    %dma_start3A_6 = tpu.memref_slice %arg3[%shift_right_arithmetic3A_1, %dma_start3A, %dma_start3A_5] : memref<4x4096x128xf32, #tpu.memory_space<hbm>> -> memref<1x4096x128xf32, #tpu.memory_space<hbm>>
    %dma_start3A_7 = tpu.memref_squeeze %dma_start3A_6 : memref<1x4096x128xf32, #tpu.memory_space<hbm>> -> memref<4096x128xf32, #tpu.memory_space<hbm>>
    %dma_start3A_8 = arith.constant 0 : i32
    %dma_start3A_9 = arith.constant 0 : i32
    %dma_start3A_10 = tpu.memref_slice %dma_start3A_7[%dma_start3A_8, %dma_start3A_9] : memref<4096x128xf32, #tpu.memory_space<hbm>> -> memref<4096x128xf32, #tpu.memory_space<hbm>>
    tpu.enqueue_indirect_dma source(%dma_start3A_10 : memref<4096x128xf32, #tpu.memory_space<hbm>>) target(%arg6 : memref<128x128xf32, #tpu.memory_space<vmem>>) offsets(%arg5 : memref<128xi32, #tpu.memory_space<vmem>>) semaphore(%arg7 : memref<!tpu.dma_semaphore, #tpu.memory_space<semaphore_mem>>)
    %dma_wait3A = arith.constant 0 : i32
    %dma_wait3A_11 = arith.constant 0 : i32
    %dma_wait3A_12 = tpu.memref_slice %arg3[%shift_right_arithmetic3A_1, %dma_wait3A, %dma_wait3A_11] : memref<4x4096x128xf32, #tpu.memory_space<hbm>> -> memref<1x4096x128xf32, #tpu.memory_space<hbm>>
    %dma_wait3A_13 = tpu.memref_squeeze %dma_wait3A_12 : memref<1x4096x128xf32, #tpu.memory_space<hbm>> -> memref<4096x128xf32, #tpu.memory_space<hbm>>
    %dma_wait3A_14 = arith.constant 0 : i32
    %dma_wait3A_15 = arith.constant 0 : i32
    %dma_wait3A_16 = tpu.memref_slice %dma_wait3A_13[%dma_wait3A_14, %dma_wait3A_15] : memref<4096x128xf32, #tpu.memory_space<hbm>> -> memref<4096x128xf32, #tpu.memory_space<hbm>>
    tpu.wait_indirect_dma semaphore(%arg7 : memref<!tpu.dma_semaphore, #tpu.memory_space<semaphore_mem>>) src(%dma_wait3A_16 : memref<4096x128xf32, #tpu.memory_space<hbm>>) dst(%arg6 : memref<128x128xf32, #tpu.memory_space<vmem>>)
    %mul3A_17 = arith.constant 128 : i32
    %mul3A_18 = arith.muli %and3A_2, %mul3A_17 : i32
    "tpu.region"() ({
      %run_scoped3A = tpu.sem_alloc : memref<!tpu.dma_semaphore, #tpu.memory_space<semaphore_mem>>
      %dma_start3A_19 = arith.constant 0 : i32
      %dma_start3A_20 = arith.constant 0 : i32
      %dma_start3A_21 = tpu.memref_slice %arg4[%shift_right_arithmetic3A_1, %dma_start3A_19, %dma_start3A_20] : memref<4x1024x128xf32, #tpu.memory_space<hbm>> -> memref<1x1024x128xf32, #tpu.memory_space<hbm>>
      %dma_start3A_22 = tpu.memref_squeeze %dma_start3A_21 : memref<1x1024x128xf32, #tpu.memory_space<hbm>> -> memref<1024x128xf32, #tpu.memory_space<hbm>>
      %dma_start3A_23 = arith.constant 0 : i32
      %dma_start3A_24 = tpu.memref_slice %dma_start3A_22[%mul3A_18, %dma_start3A_23] : memref<1024x128xf32, #tpu.memory_space<hbm>> -> memref<128x128xf32, #tpu.memory_space<hbm>>
      %dma_start3A_25 = arith.constant 0 : i32
      %dma_start3A_26 = arith.constant 0 : i32
      %dma_start3A_27 = tpu.memref_slice %arg4[%shift_right_arithmetic3A_1, %dma_start3A_25, %dma_start3A_26] : memref<4x1024x128xf32, #tpu.memory_space<hbm>> -> memref<1x1024x128xf32, #tpu.memory_space<hbm>>
      %dma_start3A_28 = tpu.memref_squeeze %dma_start3A_27 : memref<1x1024x128xf32, #tpu.memory_space<hbm>> -> memref<1024x128xf32, #tpu.memory_space<hbm>>
      %dma_start3A_29 = arith.constant 0 : i32
      %dma_start3A_30 = tpu.memref_slice %dma_start3A_28[%mul3A_18, %dma_start3A_29] : memref<1024x128xf32, #tpu.memory_space<hbm>> -> memref<128x128xf32, #tpu.memory_space<hbm>>
      tpu.enqueue_dma source(%arg6 : memref<128x128xf32, #tpu.memory_space<vmem>>) target(%dma_start3A_30 : memref<128x128xf32, #tpu.memory_space<hbm>>) target_semaphore(%run_scoped3A : memref<!tpu.dma_semaphore, #tpu.memory_space<semaphore_mem>>)
      %dma_wait3A_31 = arith.constant 0 : i32
      %dma_wait3A_32 = arith.constant 0 : i32
      %dma_wait3A_33 = tpu.memref_slice %arg4[%shift_right_arithmetic3A_1, %dma_wait3A_31, %dma_wait3A_32] : memref<4x1024x128xf32, #tpu.memory_space<hbm>> -> memref<1x1024x128xf32, #tpu.memory_space<hbm>>
      %dma_wait3A_34 = tpu.memref_squeeze %dma_wait3A_33 : memref<1x1024x128xf32, #tpu.memory_space<hbm>> -> memref<1024x128xf32, #tpu.memory_space<hbm>>
      %dma_wait3A_35 = arith.constant 0 : i32
      %dma_wait3A_36 = tpu.memref_slice %dma_wait3A_34[%mul3A_18, %dma_wait3A_35] : memref<1024x128xf32, #tpu.memory_space<hbm>> -> memref<128x128xf32, #tpu.memory_space<hbm>>
      %dma_wait3A_37 = arith.constant 0 : i32
      %dma_wait3A_38 = arith.constant 0 : i32
      %dma_wait3A_39 = tpu.memref_slice %arg4[%shift_right_arithmetic3A_1, %dma_wait3A_37, %dma_wait3A_38] : memref<4x1024x128xf32, #tpu.memory_space<hbm>> -> memref<1x1024x128xf32, #tpu.memory_space<hbm>>
      %dma_wait3A_40 = tpu.memref_squeeze %dma_wait3A_39 : memref<1x1024x128xf32, #tpu.memory_space<hbm>> -> memref<1024x128xf32, #tpu.memory_space<hbm>>
      %dma_wait3A_41 = arith.constant 0 : i32
      %dma_wait3A_42 = tpu.memref_slice %dma_wait3A_40[%mul3A_18, %dma_wait3A_41] : memref<1024x128xf32, #tpu.memory_space<hbm>> -> memref<128x128xf32, #tpu.memory_space<hbm>>
      tpu.wait_dma2 semaphore(%run_scoped3A : memref<!tpu.dma_semaphore, #tpu.memory_space<semaphore_mem>>) src(%arg6 : memref<128x128xf32, #tpu.memory_space<vmem>>) dst(%dma_wait3A_42 : memref<128x128xf32, #tpu.memory_space<hbm>>)
      tpu.yield
    }) : () -> ()
    return
  }
}

#map = affine_map<(d0, d1) -> (0, 0)>
module attributes {stable_mosaic.version = 14 : i64} {
  func.func @sel_kernel(%arg0: i32, %arg1: i32, %arg2: memref<4x4096xi32, #tpu.memory_space<hbm>>, %arg3: memref<4x128xi32, #tpu.memory_space<hbm>>, %arg4: memref<4x1024xi32, #tpu.memory_space<hbm>>, %arg5: memref<4096xi32, #tpu.memory_space<vmem>>, %arg6: memref<128xi32, #tpu.memory_space<vmem>>, %arg7: memref<1024xi32, #tpu.memory_space<vmem>>) attributes {dimension_semantics = [#tpu.dimension_semantics<core_parallel>, #tpu.dimension_semantics<subcore_parallel>], iteration_bounds = array<i64: 2, 16>, scalar_prefetch = 0 : i64, scratch_operands = 3 : i64, tpu.core_type = #tpu.core_type<sc_vector_subcore>, window_params = [{transform_indices = #map}, {transform_indices = #map}, {transform_indices = #map}]} {
    %eq3A = arith.constant 0 : i32
    %eq3A_0 = arith.cmpi eq, %arg0, %eq3A : i32
    %lt3A = arith.constant 4 : i32
    %lt3A_1 = arith.cmpi slt, %arg1, %lt3A : i32
    %and3A = arith.andi %eq3A_0, %lt3A_1 : i1
    %convert_element_type3A = arith.extui %and3A : i1 to i32
    %cond3A = arith.constant 0 : i32
    %cond3A_2 = arith.cmpi ne, %convert_element_type3A, %cond3A : i32
    scf.if %cond3A_2 {
      "tpu.region"() ({
        %run_scoped3A = tpu.sem_alloc : memref<!tpu.dma_semaphore, #tpu.memory_space<semaphore_mem>>
        %dma_start3A = arith.constant 0 : i32
        %dma_start3A_7 = tpu.memref_slice %arg2[%arg1, %dma_start3A] : memref<4x4096xi32, #tpu.memory_space<hbm>> -> memref<1x4096xi32, #tpu.memory_space<hbm>>
        %dma_start3A_8 = tpu.memref_squeeze %dma_start3A_7 : memref<1x4096xi32, #tpu.memory_space<hbm>> -> memref<4096xi32, #tpu.memory_space<hbm>>
        %dma_start3A_9 = arith.constant 0 : i32
        %dma_start3A_10 = tpu.memref_slice %arg2[%arg1, %dma_start3A_9] : memref<4x4096xi32, #tpu.memory_space<hbm>> -> memref<1x4096xi32, #tpu.memory_space<hbm>>
        %dma_start3A_11 = tpu.memref_squeeze %dma_start3A_10 : memref<1x4096xi32, #tpu.memory_space<hbm>> -> memref<4096xi32, #tpu.memory_space<hbm>>
        tpu.enqueue_dma source(%dma_start3A_11 : memref<4096xi32, #tpu.memory_space<hbm>>) target(%arg5 : memref<4096xi32, #tpu.memory_space<vmem>>) target_semaphore(%run_scoped3A : memref<!tpu.dma_semaphore, #tpu.memory_space<semaphore_mem>>)
        %dma_wait3A = arith.constant 0 : i32
        %dma_wait3A_12 = tpu.memref_slice %arg2[%arg1, %dma_wait3A] : memref<4x4096xi32, #tpu.memory_space<hbm>> -> memref<1x4096xi32, #tpu.memory_space<hbm>>
        %dma_wait3A_13 = tpu.memref_squeeze %dma_wait3A_12 : memref<1x4096xi32, #tpu.memory_space<hbm>> -> memref<4096xi32, #tpu.memory_space<hbm>>
        %dma_wait3A_14 = arith.constant 0 : i32
        %dma_wait3A_15 = tpu.memref_slice %arg2[%arg1, %dma_wait3A_14] : memref<4x4096xi32, #tpu.memory_space<hbm>> -> memref<1x4096xi32, #tpu.memory_space<hbm>>
        %dma_wait3A_16 = tpu.memref_squeeze %dma_wait3A_15 : memref<1x4096xi32, #tpu.memory_space<hbm>> -> memref<4096xi32, #tpu.memory_space<hbm>>
        tpu.wait_dma2 semaphore(%run_scoped3A : memref<!tpu.dma_semaphore, #tpu.memory_space<semaphore_mem>>) src(%dma_wait3A_16 : memref<4096xi32, #tpu.memory_space<hbm>>) dst(%arg5 : memref<4096xi32, #tpu.memory_space<vmem>>)
        tpu.yield
      }) : () -> ()
      "tpu.region"() ({
        %run_scoped3A = tpu.sem_alloc : memref<!tpu.dma_semaphore, #tpu.memory_space<semaphore_mem>>
        %dma_start3A = arith.constant 0 : i32
        %dma_start3A_7 = tpu.memref_slice %arg3[%arg1, %dma_start3A] : memref<4x128xi32, #tpu.memory_space<hbm>> -> memref<1x128xi32, #tpu.memory_space<hbm>>
        %dma_start3A_8 = tpu.memref_squeeze %dma_start3A_7 : memref<1x128xi32, #tpu.memory_space<hbm>> -> memref<128xi32, #tpu.memory_space<hbm>>
        %dma_start3A_9 = arith.constant 0 : i32
        %dma_start3A_10 = tpu.memref_slice %arg3[%arg1, %dma_start3A_9] : memref<4x128xi32, #tpu.memory_space<hbm>> -> memref<1x128xi32, #tpu.memory_space<hbm>>
        %dma_start3A_11 = tpu.memref_squeeze %dma_start3A_10 : memref<1x128xi32, #tpu.memory_space<hbm>> -> memref<128xi32, #tpu.memory_space<hbm>>
        tpu.enqueue_dma source(%dma_start3A_11 : memref<128xi32, #tpu.memory_space<hbm>>) target(%arg6 : memref<128xi32, #tpu.memory_space<vmem>>) target_semaphore(%run_scoped3A : memref<!tpu.dma_semaphore, #tpu.memory_space<semaphore_mem>>)
        %dma_wait3A = arith.constant 0 : i32
        %dma_wait3A_12 = tpu.memref_slice %arg3[%arg1, %dma_wait3A] : memref<4x128xi32, #tpu.memory_space<hbm>> -> memref<1x128xi32, #tpu.memory_space<hbm>>
        %dma_wait3A_13 = tpu.memref_squeeze %dma_wait3A_12 : memref<1x128xi32, #tpu.memory_space<hbm>> -> memref<128xi32, #tpu.memory_space<hbm>>
        %dma_wait3A_14 = arith.constant 0 : i32
        %dma_wait3A_15 = tpu.memref_slice %arg3[%arg1, %dma_wait3A_14] : memref<4x128xi32, #tpu.memory_space<hbm>> -> memref<1x128xi32, #tpu.memory_space<hbm>>
        %dma_wait3A_16 = tpu.memref_squeeze %dma_wait3A_15 : memref<1x128xi32, #tpu.memory_space<hbm>> -> memref<128xi32, #tpu.memory_space<hbm>>
        tpu.wait_dma2 semaphore(%run_scoped3A : memref<!tpu.dma_semaphore, #tpu.memory_space<semaphore_mem>>) src(%dma_wait3A_16 : memref<128xi32, #tpu.memory_space<hbm>>) dst(%arg6 : memref<128xi32, #tpu.memory_space<vmem>>)
        tpu.yield
      }) : () -> ()
      %scan3A = arith.constant 0 : i32
      %scan3A_3 = arith.constant 256 : i32
      %scan3A_4 = arith.addi %scan3A, %scan3A_3 : i32
      %scan3A_5 = arith.constant 1 : i32
      scf.for %scan3A_7 = %scan3A to %scan3A_4 step %scan3A_5  : i32 {
        %mul3A = arith.constant 1 : i32
        %mul3A_8 = arith.muli %scan3A_7, %mul3A : i32
        %add3A = arith.constant 0 : i32
        %add3A_9 = arith.addi %add3A, %mul3A_8 : i32
        %mul3A_10 = arith.constant 16 : i32
        %mul3A_11 = arith.muli %add3A_9, %mul3A_10 : i32
        %get3A = arith.index_cast %mul3A_11 : i32 to index
        %get3A_12 = tpu.vector_load %arg5[%get3A] {strides = array<i32>} : memref<4096xi32, #tpu.memory_space<vmem>>, vector<16xi32>,
        %shift_right_arithmetic3A = arith.constant 10 : i32
        %shift_right_arithmetic3A_13 = vector.broadcast %shift_right_arithmetic3A : i32 to vector<16xi32>
        %shift_right_arithmetic3A_14 = arith.shrsi %get3A_12, %shift_right_arithmetic3A_13 : vector<16xi32>
        %and3A_15 = arith.constant 1023 : i32
        %and3A_16 = vector.broadcast %and3A_15 : i32 to vector<16xi32>
        %and3A_17 = arith.andi %get3A_12, %and3A_16 : vector<16xi32>
        %gather3A = tpu.vector_load_idx %arg6[%shift_right_arithmetic3A_14] : memref<128xi32, #tpu.memory_space<vmem>>[vector<16xi32>], vector<16xi32>,
        %add3A_18 = arith.constant 8 : i32
        %add3A_19 = vector.broadcast %add3A_18 : i32 to vector<16xi32>
        %add3A_20 = arith.addi %shift_right_arithmetic3A_14, %add3A_19 : vector<16xi32>
        %gather3A_21 = tpu.vector_load_idx %arg6[%add3A_20] : memref<128xi32, #tpu.memory_space<vmem>>[vector<16xi32>], vector<16xi32>,
        %add3A_22 = arith.addi %gather3A, %and3A_17 : vector<16xi32>
        %iota3A = tpu.iota {dimensions = array<i32: 0>} : vector<16xi32>
        %mul3A_23 = arith.constant 16 : i32
        %mul3A_24 = arith.muli %add3A_9, %mul3A_23 : i32
        %add3A_25 = vector.broadcast %mul3A_24 : i32 to vector<16xi32>
        %add3A_26 = arith.addi %iota3A, %add3A_25 : vector<16xi32>
        %lt3A_27 = arith.cmpi slt, %and3A_17, %gather3A_21 : vector<16xi32>
        tpu.vector_store_idx %arg7[%add3A_22], %add3A_26 masked %lt3A_27 : memref<1024xi32, #tpu.memory_space<vmem>>[vector<16xi32>], vector<16xi32>, vector<16xi1>
      }
      %scan3A_6 = arith.constant 256 : i32
      "tpu.region"() ({
        %run_scoped3A = tpu.sem_alloc : memref<!tpu.dma_semaphore, #tpu.memory_space<semaphore_mem>>
        %dma_start3A = arith.constant 0 : i32
        %dma_start3A_7 = tpu.memref_slice %arg4[%arg1, %dma_start3A] : memref<4x1024xi32, #tpu.memory_space<hbm>> -> memref<1x1024xi32, #tpu.memory_space<hbm>>
        %dma_start3A_8 = tpu.memref_squeeze %dma_start3A_7 : memref<1x1024xi32, #tpu.memory_space<hbm>> -> memref<1024xi32, #tpu.memory_space<hbm>>
        %dma_start3A_9 = arith.constant 0 : i32
        %dma_start3A_10 = tpu.memref_slice %arg4[%arg1, %dma_start3A_9] : memref<4x1024xi32, #tpu.memory_space<hbm>> -> memref<1x1024xi32, #tpu.memory_space<hbm>>
        %dma_start3A_11 = tpu.memref_squeeze %dma_start3A_10 : memref<1x1024xi32, #tpu.memory_space<hbm>> -> memref<1024xi32, #tpu.memory_space<hbm>>
        tpu.enqueue_dma source(%arg7 : memref<1024xi32, #tpu.memory_space<vmem>>) target(%dma_start3A_11 : memref<1024xi32, #tpu.memory_space<hbm>>) target_semaphore(%run_scoped3A : memref<!tpu.dma_semaphore, #tpu.memory_space<semaphore_mem>>)
        %dma_wait3A = arith.constant 0 : i32
        %dma_wait3A_12 = tpu.memref_slice %arg4[%arg1, %dma_wait3A] : memref<4x1024xi32, #tpu.memory_space<hbm>> -> memref<1x1024xi32, #tpu.memory_space<hbm>>
        %dma_wait3A_13 = tpu.memref_squeeze %dma_wait3A_12 : memref<1x1024xi32, #tpu.memory_space<hbm>> -> memref<1024xi32, #tpu.memory_space<hbm>>
        %dma_wait3A_14 = arith.constant 0 : i32
        %dma_wait3A_15 = tpu.memref_slice %arg4[%arg1, %dma_wait3A_14] : memref<4x1024xi32, #tpu.memory_space<hbm>> -> memref<1x1024xi32, #tpu.memory_space<hbm>>
        %dma_wait3A_16 = tpu.memref_squeeze %dma_wait3A_15 : memref<1x1024xi32, #tpu.memory_space<hbm>> -> memref<1024xi32, #tpu.memory_space<hbm>>
        tpu.wait_dma2 semaphore(%run_scoped3A : memref<!tpu.dma_semaphore, #tpu.memory_space<semaphore_mem>>) src(%arg7 : memref<1024xi32, #tpu.memory_space<vmem>>) dst(%dma_wait3A_16 : memref<1024xi32, #tpu.memory_space<hbm>>)
        tpu.yield
      }) : () -> ()
    } else {
    }
    return
  }
}

module attributes {stable_mosaic.version = 14 : i64} {
  func.func @_v_kernel(%arg0: i32, %arg1: memref<64x64xf32, #tpu.memory_space<vmem>>, %arg2: memref<1x1024x128xf32, #tpu.memory_space<vmem>>, %arg3: memref<1x64x1024xf32, #tpu.memory_space<vmem>>) attributes {dimension_semantics = [#tpu.dimension_semantics<arbitrary>], iteration_bounds = array<i64: 4>, scalar_prefetch = 0 : i64, scratch_operands = 0 : i64, tpu.core_type = #tpu.core_type<tc>, window_params = [{pipeline_mode = #tpu.pipeline_mode<synchronous>, transform_indices = @transform_0, window_bounds = array<i64: 64, 64>}, {transform_indices = @transform_1, window_bounds = array<i64: 1, 1024, 128>}, {transform_indices = @transform_2, window_bounds = array<i64: 1, 64, 1024>}]} {
    %get3A = arith.constant 0 : index
    %get3A_0 = arith.constant 0 : index
    %get3A_1 = arith.constant 0 : index
    %get3A_2 = vector.load %arg2[%get3A, %get3A_0, %get3A_1] : memref<1x1024x128xf32, #tpu.memory_space<vmem>>, vector<1x1024x128xf32>
    %get3A_3 = vector.shape_cast %get3A_2 : vector<1x1024x128xf32> to vector<1024x128xf32>
    %slice3A = vector.extract_strided_slice %get3A_3 {offsets = [0, 0], sizes = [1024, 64], strides = [1, 1]} : vector<1024x128xf32> to vector<1024x64xf32>
    %get3A_4 = arith.constant 0 : index
    %get3A_5 = arith.constant 0 : index
    %get3A_6 = vector.load %arg1[%get3A_4, %get3A_5] : memref<64x64xf32, #tpu.memory_space<vmem>>, vector<64x64xf32>
    %dot_general3A = arith.constant dense<0.000000e+00> : vector<64x1024xf32>
    %dot_general3A_7 = tpu.matmul %get3A_6, %slice3A, %dot_general3A {dimension_numbers = #tpu.dot_dimension_numbers<[1], [1], [0], [0], [0, 0, 1, 0], [], []>, transpose_lhs_hint = false} : vector<64x64xf32>, vector<1024x64xf32>, vector<64x1024xf32> -> vector<64x1024xf32>
    %swap3A = arith.constant 0 : index
    %swap3A_8 = arith.constant 0 : index
    %swap3A_9 = arith.constant 0 : index
    %swap3A_10 = vector.load %arg3[%swap3A, %swap3A_8, %swap3A_9] : memref<1x64x1024xf32, #tpu.memory_space<vmem>>, vector<1x64x1024xf32>
    %swap3A_11 = vector.shape_cast %swap3A_10 : vector<1x64x1024xf32> to vector<64x1024xf32>
    %swap3A_12 = vector.shape_cast %dot_general3A_7 : vector<64x1024xf32> to vector<1x64x1024xf32>
    tpu.vector_store %arg3[%swap3A, %swap3A_8, %swap3A_9], %swap3A_12 {strides = array<i32>} : memref<1x64x1024xf32, #tpu.memory_space<vmem>>, vector<1x64x1024xf32>,
    return
  }
  func.func @transform_0(%arg0: i32) -> (i32, i32) {
    %c0_i32 = arith.constant 0 : i32
    %c0_i32_0 = arith.constant 0 : i32
    %c0_i32_1 = arith.constant 0 : i32
    return %c0_i32, %c0_i32_0 : i32, i32
  }
  func.func @transform_1(%arg0: i32) -> (i32, i32, i32) {
    %c0_i32 = arith.constant 0 : i32
    %c0_i32_0 = arith.constant 0 : i32
    %c0_i32_1 = arith.constant 0 : i32
    return %arg0, %c0_i32, %c0_i32_0 : i32, i32, i32
  }
  func.func @transform_2(%arg0: i32) -> (i32, i32, i32) {
    %c0_i32 = arith.constant 0 : i32
    %c0_i32_0 = arith.constant 0 : i32
    %c0_i32_1 = arith.constant 0 : i32
    return %arg0, %c0_i32, %c0_i32_0 : i32, i32, i32
  }
}

module attributes {stable_mosaic.version = 14 : i64} {
  func.func @_rank_kernel(%arg0: i32, %arg1: i32, %arg2: memref<1x4096x1xf32, #tpu.memory_space<vmem>>, %arg3: memref<1x8x128xf32, #tpu.memory_space<vmem>>, %arg4: memref<1x256x1xi32, #tpu.memory_space<vmem>>, %arg5: memref<1x1x128xi32, #tpu.memory_space<vmem>>, %arg6: memref<1x4096xf32, #tpu.memory_space<vmem>>) attributes {dimension_semantics = [#tpu.dimension_semantics<arbitrary>, #tpu.dimension_semantics<arbitrary>], iteration_bounds = array<i64: 4, 16>, scalar_prefetch = 0 : i64, scratch_operands = 1 : i64, tpu.core_type = #tpu.core_type<tc>, window_params = [{transform_indices = @transform_0, window_bounds = array<i64: 1, 4096, 1>}, {transform_indices = @transform_1, window_bounds = array<i64: 1, 8, 128>}, {transform_indices = @transform_2, window_bounds = array<i64: 1, 256, 1>}, {transform_indices = @transform_3, window_bounds = array<i64: 1, 1, 128>}]} {
    %eq3A = arith.constant 0 : i32
    %eq3A_0 = arith.cmpi eq, %arg1, %eq3A : i32
    %convert_element_type3A = arith.extui %eq3A_0 : i1 to i32
    %cond3A = arith.constant 0 : i32
    %cond3A_1 = arith.cmpi ne, %convert_element_type3A, %cond3A : i32
    scf.if %cond3A_1 {
      %get3A_25 = arith.constant 0 : index
      %get3A_26 = arith.constant 0 : index
      %get3A_27 = arith.constant 0 : index
      %get3A_28 = vector.load %arg2[%get3A_25, %get3A_26, %get3A_27] : memref<1x4096x1xf32, #tpu.memory_space<vmem>>, vector<1x4096x1xf32>
      %get3A_29 = vector.shape_cast %get3A_28 : vector<1x4096x1xf32> to vector<4096x1xf32>
      %transpose3A = tpu.transpose %get3A_29, [1, 0] : vector<4096x1xf32> -> vector<1x4096xf32>
      %swap3A_30 = arith.constant 0 : index
      %swap3A_31 = arith.constant 0 : index
      %swap3A_32 = vector.load %arg6[%swap3A_30, %swap3A_31] : memref<1x4096xf32, #tpu.memory_space<vmem>>, vector<1x4096xf32>
      tpu.vector_store %arg6[%swap3A_30, %swap3A_31], %transpose3A {strides = array<i32>} : memref<1x4096xf32, #tpu.memory_space<vmem>>, vector<1x4096xf32>,
      %get3A_33 = arith.constant 0 : index
      %get3A_34 = arith.constant 0 : index
      %get3A_35 = arith.constant 0 : index
      %get3A_36 = vector.load %arg3[%get3A_33, %get3A_34, %get3A_35] : memref<1x8x128xf32, #tpu.memory_space<vmem>>, vector<1x8x128xf32>
      %get3A_37 = vector.shape_cast %get3A_36 : vector<1x8x128xf32> to vector<8x128xf32>
      %reduce_max3A = arith.constant dense<0xFF800000> : vector<8xf32>
      %reduce_max3A_38 = vector.multi_reduction <maximumf>, %get3A_37, %reduce_max3A [1] : vector<8x128xf32> to vector<8xf32>
      %broadcast_in_dim3A_39 = vector.shape_cast %reduce_max3A_38 : vector<8xf32> to vector<8x1xf32>
      %iota3A_40 = tpu.iota {dimensions = array<i32: 1>} : vector<1x128xi32>
      %broadcast_in_dim3A_41 = arith.constant 1024 : i32
      %broadcast_in_dim3A_42 = vector.broadcast %broadcast_in_dim3A_41 : i32 to vector<1x1xi32>
      %broadcast_in_dim3A_43 = arith.constant 0 : i32
      %broadcast_in_dim3A_44 = vector.broadcast %broadcast_in_dim3A_43 : i32 to vector<1x1xi32>
      %broadcast_in_dim3A_45 = arith.constant 0 : i32
      %broadcast_in_dim3A_46 = vector.broadcast %broadcast_in_dim3A_45 : i32 to vector<1x128xi32>
      %slice3A = vector.extract_strided_slice %broadcast_in_dim3A_39 {offsets = [0, 0], sizes = [1, 1], strides = [1, 1]} : vector<8x1xf32> to vector<1x1xf32>
      %mul3A_47 = arith.constant 5.120000e+02 : f32
      %mul3A_48 = vector.broadcast %mul3A_47 : f32 to vector<1x1xf32>
      %mul3A_49 = arith.mulf %mul3A_48, %slice3A : vector<1x1xf32>
      %floor3A = math.floor %mul3A_49 : vector<1x1xf32>
      %convert_element_type3A_50 = arith.fptosi %floor3A : vector<1x1xf32> to vector<1x1xi32>
      %sub3A = arith.subi %broadcast_in_dim3A_42, %broadcast_in_dim3A_44 : vector<1x1xi32>
      %min3A = arith.minsi %convert_element_type3A_50, %sub3A : vector<1x1xi32>
      %eq3A_51 = arith.constant 8 : i32
      %eq3A_52 = vector.broadcast %eq3A_51 : i32 to vector<1x128xi32>
      %eq3A_53 = arith.cmpi eq, %iota3A_40, %eq3A_52 : vector<1x128xi32>
      %jit3A = arith.constant 0 : i32
      %broadcast_in_dim3A_54 = vector.shape_cast %min3A : vector<1x1xi32> to vector<1x1xi32>
      %broadcast_in_dim3A_55 = vector.broadcast %broadcast_in_dim3A_54 : vector<1x1xi32> to vector<1x128xi32>
      %broadcast_in_dim3A_56 = vector.broadcast %jit3A : i32 to vector<1x128xi32>
      %select_n3A = arith.select %eq3A_53, %broadcast_in_dim3A_55, %broadcast_in_dim3A_56 : vector<1x128xi1>, vector<1x128xi32>
      %add3A_57 = arith.addi %broadcast_in_dim3A_46, %select_n3A : vector<1x128xi32>
      %add3A_58 = arith.addi %broadcast_in_dim3A_44, %min3A : vector<1x1xi32>
      %eq3A_59 = arith.constant 1 : i32
      %eq3A_60 = vector.broadcast %eq3A_59 : i32 to vector<1x128xi32>
      %eq3A_61 = arith.cmpi eq, %iota3A_40, %eq3A_60 : vector<1x128xi32>
      %jit3A_62 = arith.constant 0 : i32
      %broadcast_in_dim3A_63 = vector.shape_cast %add3A_58 : vector<1x1xi32> to vector<1x1xi32>
      %broadcast_in_dim3A_64 = vector.broadcast %broadcast_in_dim3A_63 : vector<1x1xi32> to vector<1x128xi32>
      %broadcast_in_dim3A_65 = vector.broadcast %jit3A_62 : i32 to vector<1x128xi32>
      %select_n3A_66 = arith.select %eq3A_61, %broadcast_in_dim3A_64, %broadcast_in_dim3A_65 : vector<1x128xi1>, vector<1x128xi32>
      %add3A_67 = arith.addi %add3A_57, %select_n3A_66 : vector<1x128xi32>
      %slice3A_68 = vector.extract_strided_slice %broadcast_in_dim3A_39 {offsets = [1, 0], sizes = [1, 1], strides = [1, 1]} : vector<8x1xf32> to vector<1x1xf32>
      %mul3A_69 = arith.constant 5.120000e+02 : f32
      %mul3A_70 = vector.broadcast %mul3A_69 : f32 to vector<1x1xf32>
      %mul3A_71 = arith.mulf %mul3A_70, %slice3A_68 : vector<1x1xf32>
      %floor3A_72 = math.floor %mul3A_71 : vector<1x1xf32>
      %convert_element_type3A_73 = arith.fptosi %floor3A_72 : vector<1x1xf32> to vector<1x1xi32>
      %sub3A_74 = arith.subi %broadcast_in_dim3A_42, %add3A_58 : vector<1x1xi32>
      %min3A_75 = arith.minsi %convert_element_type3A_73, %sub3A_74 : vector<1x1xi32>
      %eq3A_76 = arith.constant 9 : i32
      %eq3A_77 = vector.broadcast %eq3A_76 : i32 to vector<1x128xi32>
      %eq3A_78 = arith.cmpi eq, %iota3A_40, %eq3A_77 : vector<1x128xi32>
      %jit3A_79 = arith.constant 0 : i32
      %broadcast_in_dim3A_80 = vector.shape_cast %min3A_75 : vector<1x1xi32> to vector<1x1xi32>
      %broadcast_in_dim3A_81 = vector.broadcast %broadcast_in_dim3A_80 : vector<1x1xi32> to vector<1x128xi32>
      %broadcast_in_dim3A_82 = vector.broadcast %jit3A_79 : i32 to vector<1x128xi32>
      %select_n3A_83 = arith.select %eq3A_78, %broadcast_in_dim3A_81, %broadcast_in_dim3A_82 : vector<1x128xi1>, vector<1x128xi32>
      %add3A_84 = arith.addi %add3A_67, %select_n3A_83 : vector<1x128xi32>
      %add3A_85 = arith.addi %add3A_58, %min3A_75 : vector<1x1xi32>
      %eq3A_86 = arith.constant 2 : i32
      %eq3A_87 = vector.broadcast %eq3A_86 : i32 to vector<1x128xi32>
      %eq3A_88 = arith.cmpi eq, %iota3A_40, %eq3A_87 : vector<1x128xi32>
      %jit3A_89 = arith.constant 0 : i32
      %broadcast_in_dim3A_90 = vector.shape_cast %add3A_85 : vector<1x1xi32> to vector<1x1xi32>
      %broadcast_in_dim3A_91 = vector.broadcast %broadcast_in_dim3A_90 : vector<1x1xi32> to vector<1x128xi32>
      %broadcast_in_dim3A_92 = vector.broadcast %jit3A_89 : i32 to vector<1x128xi32>
      %select_n3A_93 = arith.select %eq3A_88, %broadcast_in_dim3A_91, %broadcast_in_dim3A_92 : vector<1x128xi1>, vector<1x128xi32>
      %add3A_94 = arith.addi %add3A_84, %select_n3A_93 : vector<1x128xi32>
      %slice3A_95 = vector.extract_strided_slice %broadcast_in_dim3A_39 {offsets = [2, 0], sizes = [1, 1], strides = [1, 1]} : vector<8x1xf32> to vector<1x1xf32>
      %mul3A_96 = arith.constant 5.120000e+02 : f32
      %mul3A_97 = vector.broadcast %mul3A_96 : f32 to vector<1x1xf32>
      %mul3A_98 = arith.mulf %mul3A_97, %slice3A_95 : vector<1x1xf32>
      %floor3A_99 = math.floor %mul3A_98 : vector<1x1xf32>
      %convert_element_type3A_100 = arith.fptosi %floor3A_99 : vector<1x1xf32> to vector<1x1xi32>
      %sub3A_101 = arith.subi %broadcast_in_dim3A_42, %add3A_85 : vector<1x1xi32>
      %min3A_102 = arith.minsi %convert_element_type3A_100, %sub3A_101 : vector<1x1xi32>
      %eq3A_103 = arith.constant 10 : i32
      %eq3A_104 = vector.broadcast %eq3A_103 : i32 to vector<1x128xi32>
      %eq3A_105 = arith.cmpi eq, %iota3A_40, %eq3A_104 : vector<1x128xi32>
      %jit3A_106 = arith.constant 0 : i32
      %broadcast_in_dim3A_107 = vector.shape_cast %min3A_102 : vector<1x1xi32> to vector<1x1xi32>
      %broadcast_in_dim3A_108 = vector.broadcast %broadcast_in_dim3A_107 : vector<1x1xi32> to vector<1x128xi32>
      %broadcast_in_dim3A_109 = vector.broadcast %jit3A_106 : i32 to vector<1x128xi32>
      %select_n3A_110 = arith.select %eq3A_105, %broadcast_in_dim3A_108, %broadcast_in_dim3A_109 : vector<1x128xi1>, vector<1x128xi32>
      %add3A_111 = arith.addi %add3A_94, %select_n3A_110 : vector<1x128xi32>
      %add3A_112 = arith.addi %add3A_85, %min3A_102 : vector<1x1xi32>
      %eq3A_113 = arith.constant 3 : i32
      %eq3A_114 = vector.broadcast %eq3A_113 : i32 to vector<1x128xi32>
      %eq3A_115 = arith.cmpi eq, %iota3A_40, %eq3A_114 : vector<1x128xi32>
      %jit3A_116 = arith.constant 0 : i32
      %broadcast_in_dim3A_117 = vector.shape_cast %add3A_112 : vector<1x1xi32> to vector<1x1xi32>
      %broadcast_in_dim3A_118 = vector.broadcast %broadcast_in_dim3A_117 : vector<1x1xi32> to vector<1x128xi32>
      %broadcast_in_dim3A_119 = vector.broadcast %jit3A_116 : i32 to vector<1x128xi32>
      %select_n3A_120 = arith.select %eq3A_115, %broadcast_in_dim3A_118, %broadcast_in_dim3A_119 : vector<1x128xi1>, vector<1x128xi32>
      %add3A_121 = arith.addi %add3A_111, %select_n3A_120 : vector<1x128xi32>
      %eq3A_122 = arith.constant 11 : i32
      %eq3A_123 = vector.broadcast %eq3A_122 : i32 to vector<1x128xi32>
      %eq3A_124 = arith.cmpi eq, %iota3A_40, %eq3A_123 : vector<1x128xi32>
      %sub3A_125 = arith.subi %broadcast_in_dim3A_42, %add3A_112 : vector<1x1xi32>
      %jit3A_126 = arith.constant 0 : i32
      %broadcast_in_dim3A_127 = vector.shape_cast %sub3A_125 : vector<1x1xi32> to vector<1x1xi32>
      %broadcast_in_dim3A_128 = vector.broadcast %broadcast_in_dim3A_127 : vector<1x1xi32> to vector<1x128xi32>
      %broadcast_in_dim3A_129 = vector.broadcast %jit3A_126 : i32 to vector<1x128xi32>
      %select_n3A_130 = arith.select %eq3A_124, %broadcast_in_dim3A_128, %broadcast_in_dim3A_129 : vector<1x128xi1>, vector<1x128xi32>
      %add3A_131 = arith.addi %add3A_121, %select_n3A_130 : vector<1x128xi32>
      %eq3A_132 = arith.constant 4 : i32
      %eq3A_133 = vector.broadcast %eq3A_132 : i32 to vector<1x128xi32>
      %eq3A_134 = arith.cmpi eq, %iota3A_40, %eq3A_133 : vector<1x128xi32>
      %jit3A_135 = arith.constant 0 : i32
      %broadcast_in_dim3A_136 = vector.shape_cast %broadcast_in_dim3A_42 : vector<1x1xi32> to vector<1x1xi32>
      %broadcast_in_dim3A_137 = vector.broadcast %broadcast_in_dim3A_136 : vector<1x1xi32> to vector<1x128xi32>
      %broadcast_in_dim3A_138 = vector.broadcast %jit3A_135 : i32 to vector<1x128xi32>
      %select_n3A_139 = arith.select %eq3A_134, %broadcast_in_dim3A_137, %broadcast_in_dim3A_138 : vector<1x128xi1>, vector<1x128xi32>
      %add3A_140 = arith.addi %add3A_131, %select_n3A_139 : vector<1x128xi32>
      %swap3A_141 = arith.constant 0 : index
      %swap3A_142 = arith.constant 0 : index
      %swap3A_143 = arith.constant 0 : index
      %swap3A_144 = vector.load %arg5[%swap3A_141, %swap3A_142, %swap3A_143] : memref<1x1x128xi32, #tpu.memory_space<vmem>>, vector<1x1x128xi32>
      %swap3A_145 = vector.shape_cast %swap3A_144 : vector<1x1x128xi32> to vector<1x128xi32>
      %swap3A_146 = vector.shape_cast %add3A_140 : vector<1x128xi32> to vector<1x1x128xi32>
      tpu.vector_store %arg5[%swap3A_141, %swap3A_142, %swap3A_143], %swap3A_146 {strides = array<i32>} : memref<1x1x128xi32, #tpu.memory_space<vmem>>, vector<1x1x128xi32>,
    } else {
    }
    %mul3A = arith.constant 256 : i32
    %mul3A_2 = arith.muli %arg1, %mul3A : i32
    %get3A = arith.constant 0 : index
    %get3A_3 = arith.index_cast %mul3A_2 : i32 to index
    %get3A_4 = arith.constant 0 : index
    %get3A_5 = vector.load %arg2[%get3A, %get3A_3, %get3A_4] : memref<1x4096x1xf32, #tpu.memory_space<vmem>>, vector<1x256x1xf32>
    %get3A_6 = vector.shape_cast %get3A_5 : vector<1x256x1xf32> to vector<256x1xf32>
    %get3A_7 = arith.constant 0 : index
    %get3A_8 = arith.constant 0 : index
    %get3A_9 = vector.load %arg6[%get3A_7, %get3A_8] : memref<1x4096xf32, #tpu.memory_space<vmem>>, vector<1x4096xf32>
    %gt3A = vector.broadcast %get3A_9 : vector<1x4096xf32> to vector<256x4096xf32>
    %gt3A_10 = vector.broadcast %get3A_6 : vector<256x1xf32> to vector<256x4096xf32>
    %gt3A_11 = arith.cmpf ogt, %gt3A, %gt3A_10 : vector<256x4096xf32>
    %eq3A_12 = vector.broadcast %get3A_9 : vector<1x4096xf32> to vector<256x4096xf32>
    %eq3A_13 = vector.broadcast %get3A_6 : vector<256x1xf32> to vector<256x4096xf32>
    %eq3A_14 = arith.cmpf oeq, %eq3A_12, %eq3A_13 : vector<256x4096xf32>
    %iota3A = tpu.iota {dimensions = array<i32: 1>} : vector<256x4096xi32>
    %iota3A_15 = tpu.iota {dimensions = array<i32: 0>} : vector<256x1xi32>
    %add3A = vector.broadcast %mul3A_2 : i32 to vector<256x1xi32>
    %add3A_16 = arith.addi %iota3A_15, %add3A : vector<256x1xi32>
    %lt3A = vector.broadcast %add3A_16 : vector<256x1xi32> to vector<256x4096xi32>
    %lt3A_17 = arith.cmpi slt, %iota3A, %lt3A : vector<256x4096xi32>
    %and3A = arith.andi %eq3A_14, %lt3A_17 : vector<256x4096xi1>
    %or3A = arith.ori %gt3A_11, %and3A : vector<256x4096xi1>
    %convert_element_type3A_18 = arith.extui %or3A : vector<256x4096xi1> to vector<256x4096xi32>
    %reduce_sum3A = arith.constant dense<0> : vector<256xi32>
    %reduce_sum3A_19 = vector.multi_reduction <add>, %convert_element_type3A_18, %reduce_sum3A [1] : vector<256x4096xi32> to vector<256xi32>
    %broadcast_in_dim3A = vector.shape_cast %reduce_sum3A_19 : vector<256xi32> to vector<256x1xi32>
    %swap3A = arith.constant 0 : index
    %swap3A_20 = arith.constant 0 : index
    %swap3A_21 = arith.constant 0 : index
    %swap3A_22 = vector.load %arg4[%swap3A, %swap3A_20, %swap3A_21] : memref<1x256x1xi32, #tpu.memory_space<vmem>>, vector<1x256x1xi32>
    %swap3A_23 = vector.shape_cast %swap3A_22 : vector<1x256x1xi32> to vector<256x1xi32>
    %swap3A_24 = vector.shape_cast %broadcast_in_dim3A : vector<256x1xi32> to vector<1x256x1xi32>
    tpu.vector_store %arg4[%swap3A, %swap3A_20, %swap3A_21], %swap3A_24 {strides = array<i32>} : memref<1x256x1xi32, #tpu.memory_space<vmem>>, vector<1x256x1xi32>,
    return
  }
  func.func @transform_0(%arg0: i32, %arg1: i32) -> (i32, i32, i32) {
    %c0_i32 = arith.constant 0 : i32
    %c0_i32_0 = arith.constant 0 : i32
    %c0_i32_1 = arith.constant 0 : i32
    return %arg0, %c0_i32, %c0_i32_0 : i32, i32, i32
  }
  func.func @transform_1(%arg0: i32, %arg1: i32) -> (i32, i32, i32) {
    %c0_i32 = arith.constant 0 : i32
    %c0_i32_0 = arith.constant 0 : i32
    %c0_i32_1 = arith.constant 0 : i32
    return %arg0, %c0_i32, %c0_i32_0 : i32, i32, i32
  }
  func.func @transform_2(%arg0: i32, %arg1: i32) -> (i32, i32, i32) {
    %c0_i32 = arith.constant 0 : i32
    %c0_i32_0 = arith.constant 0 : i32
    return %arg0, %arg1, %c0_i32 : i32, i32, i32
  }
  func.func @transform_3(%arg0: i32, %arg1: i32) -> (i32, i32, i32) {
    %c0_i32 = arith.constant 0 : i32
    %c0_i32_0 = arith.constant 0 : i32
    %c0_i32_1 = arith.constant 0 : i32
    return %arg0, %c0_i32, %c0_i32_0 : i32, i32, i32
  }
}

module attributes {stable_mosaic.version = 14 : i64} {
  func.func @_stats_kernel(%arg0: i32, %arg1: i32, %arg2: memref<1x64x4096xf32, #tpu.memory_space<vmem>>, %arg3: memref<1x64x512xf32, #tpu.memory_space<vmem>>, %arg4: memref<1x64x4xf32, #tpu.memory_space<vmem>>, %arg5: memref<64x64xf32, #tpu.memory_space<vmem>>, %arg6: memref<64x64xf32, #tpu.memory_space<vmem>>, %arg7: memref<1x4096x1xf32, #tpu.memory_space<vmem>>, %arg8: memref<1x8x128xf32, #tpu.memory_space<vmem>>, %arg9: memref<1x512x128xf32, #tpu.memory_space<vmem>>, %arg10: memref<64x4224xf32, #tpu.memory_space<vmem>>, %arg11: memref<4224x128xf32, #tpu.memory_space<vmem>>, %arg12: memref<8x128xf32, #tpu.memory_space<vmem>>) attributes {dimension_semantics = [#tpu.dimension_semantics<arbitrary>, #tpu.dimension_semantics<arbitrary>], iteration_bounds = array<i64: 4, 8>, scalar_prefetch = 0 : i64, scratch_operands = 3 : i64, tpu.core_type = #tpu.core_type<tc>, window_params = [{transform_indices = @transform_0, window_bounds = array<i64: 1, 64, 4096>}, {transform_indices = @transform_1, window_bounds = array<i64: 1, 64, 512>}, {pipeline_mode = #tpu.pipeline_mode<synchronous>, transform_indices = @transform_2, window_bounds = array<i64: 1, 64, 4>}, {pipeline_mode = #tpu.pipeline_mode<synchronous>, transform_indices = @transform_3, window_bounds = array<i64: 64, 64>}, {pipeline_mode = #tpu.pipeline_mode<synchronous>, transform_indices = @transform_4, window_bounds = array<i64: 64, 64>}, {transform_indices = @transform_5, window_bounds = array<i64: 1, 4096, 1>}, {transform_indices = @transform_6, window_bounds = array<i64: 1, 8, 128>}, {transform_indices = @transform_7, window_bounds = array<i64: 1, 512, 128>}]} {
    %eq3A = arith.constant 0 : i32
    %eq3A_0 = arith.cmpi eq, %arg1, %eq3A : i32
    %convert_element_type3A = arith.extui %eq3A_0 : i1 to i32
    %cond3A = arith.constant 0 : i32
    %cond3A_1 = arith.cmpi ne, %convert_element_type3A, %cond3A : i32
    scf.if %cond3A_1 {
      %get3A_2186 = arith.constant 0 : index
      %get3A_2187 = arith.constant 0 : index
      %get3A_2188 = vector.load %arg6[%get3A_2186, %get3A_2187] : memref<64x64xf32, #tpu.memory_space<vmem>>, vector<64x64xf32>
      %get3A_2189 = arith.constant 0 : index
      %get3A_2190 = arith.constant 0 : index
      %get3A_2191 = arith.constant 0 : index
      %get3A_2192 = vector.load %arg2[%get3A_2189, %get3A_2190, %get3A_2191] : memref<1x64x4096xf32, #tpu.memory_space<vmem>>, vector<1x64x4096xf32>
      %get3A_2193 = vector.shape_cast %get3A_2192 : vector<1x64x4096xf32> to vector<64x4096xf32>
      %dot_general3A_2194 = arith.constant dense<0.000000e+00> : vector<64x4096xf32>
      %dot_general3A_2195 = tpu.matmul %get3A_2188, %get3A_2193, %dot_general3A_2194 {dimension_numbers = #tpu.dot_dimension_numbers<[1], [0], [0], [1], [0, 0, 1, 1], [], []>, transpose_lhs_hint = false} : vector<64x64xf32>, vector<64x4096xf32>, vector<64x4096xf32> -> vector<64x4096xf32>
      %get3A_2196 = arith.constant 0 : index
      %get3A_2197 = arith.constant 0 : index
      %get3A_2198 = arith.constant 0 : index
      %get3A_2199 = vector.load %arg4[%get3A_2196, %get3A_2197, %get3A_2198] : memref<1x64x4xf32, #tpu.memory_space<vmem>>, vector<1x64x4xf32>
      %get3A_2200 = vector.shape_cast %get3A_2199 : vector<1x64x4xf32> to vector<64x4xf32>
      %broadcast_in_dim3A_2201 = arith.constant 0.000000e+00 : f32
      %broadcast_in_dim3A_2202 = vector.broadcast %broadcast_in_dim3A_2201 : f32 to vector<64x124xf32>
      %concatenate3A_2203 = tpu.concatenate %get3A_2200, %broadcast_in_dim3A_2202 in 1 : vector<64x4xf32>, vector<64x124xf32> -> vector<64x128xf32>
      %dot_general3A_2204 = arith.constant dense<0.000000e+00> : vector<64x128xf32>
      %dot_general3A_2205 = tpu.matmul %get3A_2188, %concatenate3A_2203, %dot_general3A_2204 {dimension_numbers = #tpu.dot_dimension_numbers<[1], [0], [0], [1], [0, 0, 1, 1], [], []>, transpose_lhs_hint = false} : vector<64x64xf32>, vector<64x128xf32>, vector<64x128xf32> -> vector<64x128xf32>
      %swap3A_2206 = arith.constant 0 : index
      %swap3A_2207 = arith.constant 0 : index
      %swap3A_2208 = vector.load %arg10[%swap3A_2206, %swap3A_2207] : memref<64x4224xf32, #tpu.memory_space<vmem>>, vector<64x4096xf32>
      tpu.vector_store %arg10[%swap3A_2206, %swap3A_2207], %dot_general3A_2195 {strides = array<i32>} : memref<64x4224xf32, #tpu.memory_space<vmem>>, vector<64x4096xf32>,
      %swap3A_2209 = arith.constant 0 : index
      %swap3A_2210 = arith.constant 4096 : index
      %swap3A_2211 = vector.load %arg10[%swap3A_2209, %swap3A_2210] : memref<64x4224xf32, #tpu.memory_space<vmem>>, vector<64x128xf32>
      tpu.vector_store %arg10[%swap3A_2209, %swap3A_2210], %dot_general3A_2205 {strides = array<i32>} : memref<64x4224xf32, #tpu.memory_space<vmem>>, vector<64x128xf32>,
      %broadcast_in_dim3A_2212 = arith.constant 0.000000e+00 : f32
      %broadcast_in_dim3A_2213 = vector.broadcast %broadcast_in_dim3A_2212 : f32 to vector<4224x128xf32>
      %swap3A_2214 = arith.constant 0 : index
      %swap3A_2215 = arith.constant 0 : index
      %swap3A_2216 = vector.load %arg11[%swap3A_2214, %swap3A_2215] : memref<4224x128xf32, #tpu.memory_space<vmem>>, vector<4224x128xf32>
      tpu.vector_store %arg11[%swap3A_2214, %swap3A_2215], %broadcast_in_dim3A_2213 {strides = array<i32>} : memref<4224x128xf32, #tpu.memory_space<vmem>>, vector<4224x128xf32>,
      %broadcast_in_dim3A_2217 = arith.constant 0.000000e+00 : f32
      %broadcast_in_dim3A_2218 = vector.broadcast %broadcast_in_dim3A_2217 : f32 to vector<8x128xf32>
      %swap3A_2219 = arith.constant 0 : index
      %swap3A_2220 = arith.constant 0 : index
      %swap3A_2221 = vector.load %arg12[%swap3A_2219, %swap3A_2220] : memref<8x128xf32, #tpu.memory_space<vmem>>, vector<8x128xf32>
      tpu.vector_store %arg12[%swap3A_2219, %swap3A_2220], %broadcast_in_dim3A_2218 {strides = array<i32>} : memref<8x128xf32, #tpu.memory_space<vmem>>, vector<8x128xf32>,
    } else {
    }
    %get3A = arith.constant 0 : index
    %get3A_2 = arith.constant 0 : index
    %get3A_3 = arith.constant 0 : index
    %get3A_4 = vector.load %arg3[%get3A, %get3A_2, %get3A_3] : memref<1x64x512xf32, #tpu.memory_space<vmem>>, vector<1x64x512xf32>
    %get3A_5 = vector.shape_cast %get3A_4 : vector<1x64x512xf32> to vector<64x512xf32>
    %get3A_6 = arith.constant 0 : index
    %get3A_7 = arith.constant 0 : index
    %get3A_8 = vector.load %arg5[%get3A_6, %get3A_7] : memref<64x64xf32, #tpu.memory_space<vmem>>, vector<64x64xf32>
    %dot_general3A = arith.constant dense<0.000000e+00> : vector<64x512xf32>
    %dot_general3A_9 = tpu.matmul %get3A_8, %get3A_5, %dot_general3A {dimension_numbers = #tpu.dot_dimension_numbers<[1], [0], [0], [1], [0, 0, 1, 1], [], []>, transpose_lhs_hint = false} : vector<64x64xf32>, vector<64x512xf32>, vector<64x512xf32> -> vector<64x512xf32>
    %get3A_10 = arith.constant 0 : index
    %get3A_11 = arith.constant 0 : index
    %get3A_12 = vector.load %arg10[%get3A_10, %get3A_11] : memref<64x4224xf32, #tpu.memory_space<vmem>>, vector<64x4224xf32>
    %dot_general3A_13 = arith.constant dense<0.000000e+00> : vector<4224x512xf32>
    %dot_general3A_14 = tpu.matmul %get3A_12, %dot_general3A_9, %dot_general3A_13 {dimension_numbers = #tpu.dot_dimension_numbers<[0], [0], [1], [1], [0, 1, 1, 1], [], []>, transpose_lhs_hint = false} : vector<64x4224xf32>, vector<64x512xf32>, vector<4224x512xf32> -> vector<4224x512xf32>
    %iota3A = tpu.iota {dimensions = array<i32: 0>} : vector<4224x512xi32>
    %lt3A = arith.constant 4100 : i32
    %lt3A_15 = vector.broadcast %lt3A : i32 to vector<4224x512xi32>
    %lt3A_16 = arith.cmpi slt, %iota3A, %lt3A_15 : vector<4224x512xi32>
    %jit3A = arith.constant 0xFF800000 : f32
    %broadcast_in_dim3A = vector.broadcast %jit3A : f32 to vector<4224x512xf32>
    %select_n3A = arith.select %lt3A_16, %dot_general3A_14, %broadcast_in_dim3A : vector<4224x512xi1>, vector<4224x512xf32>
    %slice3A = vector.extract_strided_slice %select_n3A {offsets = [0, 0], sizes = [8, 512], strides = [1, 1]} : vector<4224x512xf32> to vector<8x512xf32>
    %slice3A_17 = vector.extract_strided_slice %select_n3A {offsets = [8, 0], sizes = [8, 512], strides = [1, 1]} : vector<4224x512xf32> to vector<8x512xf32>
    %max3A = arith.maximumf %slice3A, %slice3A_17 : vector<8x512xf32>
    %slice3A_18 = vector.extract_strided_slice %select_n3A {offsets = [16, 0], sizes = [8, 512], strides = [1, 1]} : vector<4224x512xf32> to vector<8x512xf32>
    %max3A_19 = arith.maximumf %max3A, %slice3A_18 : vector<8x512xf32>
    %slice3A_20 = vector.extract_strided_slice %select_n3A {offsets = [24, 0], sizes = [8, 512], strides = [1, 1]} : vector<4224x512xf32> to vector<8x512xf32>
    %max3A_21 = arith.maximumf %max3A_19, %slice3A_20 : vector<8x512xf32>
    %slice3A_22 = vector.extract_strided_slice %select_n3A {offsets = [32, 0], sizes = [8, 512], strides = [1, 1]} : vector<4224x512xf32> to vector<8x512xf32>
    %max3A_23 = arith.maximumf %max3A_21, %slice3A_22 : vector<8x512xf32>
    %slice3A_24 = vector.extract_strided_slice %select_n3A {offsets = [40, 0], sizes = [8, 512], strides = [1, 1]} : vector<4224x512xf32> to vector<8x512xf32>
    %max3A_25 = arith.maximumf %max3A_23, %slice3A_24 : vector<8x512xf32>
    %slice3A_26 = vector.extract_strided_slice %select_n3A {offsets = [48, 0], sizes = [8, 512], strides = [1, 1]} : vector<4224x512xf32> to vector<8x512xf32>
    %max3A_27 = arith.maximumf %max3A_25, %slice3A_26 : vector<8x512xf32>
    %slice3A_28 = vector.extract_strided_slice %select_n3A {offsets = [56, 0], sizes = [8, 512], strides = [1, 1]} : vector<4224x512xf32> to vector<8x512xf32>
    %max3A_29 = arith.maximumf %max3A_27, %slice3A_28 : vector<8x512xf32>
    %slice3A_30 = vector.extract_strided_slice %select_n3A {offsets = [64, 0], sizes = [8, 512], strides = [1, 1]} : vector<4224x512xf32> to vector<8x512xf32>
    %max3A_31 = arith.maximumf %max3A_29, %slice3A_30 : vector<8x512xf32>
    %slice3A_32 = vector.extract_strided_slice %select_n3A {offsets = [72, 0], sizes = [8, 512], strides = [1, 1]} : vector<4224x512xf32> to vector<8x512xf32>
    %max3A_33 = arith.maximumf %max3A_31, %slice3A_32 : vector<8x512xf32>
    %slice3A_34 = vector.extract_strided_slice %select_n3A {offsets = [80, 0], sizes = [8, 512], strides = [1, 1]} : vector<4224x512xf32> to vector<8x512xf32>
    %max3A_35 = arith.maximumf %max3A_33, %slice3A_34 : vector<8x512xf32>
    %slice3A_36 = vector.extract_strided_slice %select_n3A {offsets = [88, 0], sizes = [8, 512], strides = [1, 1]} : vector<4224x512xf32> to vector<8x512xf32>
    %max3A_37 = arith.maximumf %max3A_35, %slice3A_36 : vector<8x512xf32>
    %slice3A_38 = vector.extract_strided_slice %select_n3A {offsets = [96, 0], sizes = [8, 512], strides = [1, 1]} : vector<4224x512xf32> to vector<8x512xf32>
    %max3A_39 = arith.maximumf %max3A_37, %slice3A_38 : vector<8x512xf32>
    %slice3A_40 = vector.extract_strided_slice %select_n3A {offsets = [104, 0], sizes = [8, 512], strides = [1, 1]} : vector<4224x512xf32> to vector<8x512xf32>
    %max3A_41 = arith.maximumf %max3A_39, %slice3A_40 : vector<8x512xf32>
    %slice3A_42 = vector.extract_strided_slice %select_n3A {offsets = [112, 0], sizes = [8, 512], strides = [1, 1]} : vector<4224x512xf32> to vector<8x512xf32>
    %max3A_43 = arith.maximumf %max3A_41, %slice3A_42 : vector<8x512xf32>
    %slice3A_44 = vector.extract_strided_slice %select_n3A {offsets = [120, 0], sizes = [8, 512], strides = [1, 1]} : vector<4224x512xf32> to vector<8x512xf32>
    %max3A_45 = arith.maximumf %max3A_43, %slice3A_44 : vector<8x512xf32>
    %slice3A_46 = vector.extract_strided_slice %select_n3A {offsets = [128, 0], sizes = [8, 512], strides = [1, 1]} : vector<4224x512xf32> to vector<8x512xf32>
    %max3A_47 = arith.maximumf %max3A_45, %slice3A_46 : vector<8x512xf32>
    %slice3A_48 = vector.extract_strided_slice %select_n3A {offsets = [136, 0], sizes = [8, 512], strides = [1, 1]} : vector<4224x512xf32> to vector<8x512xf32>
    %max3A_49 = arith.maximumf %max3A_47, %slice3A_48 : vector<8x512xf32>
    %slice3A_50 = vector.extract_strided_slice %select_n3A {offsets = [144, 0], sizes = [8, 512], strides = [1, 1]} : vector<4224x512xf32> to vector<8x512xf32>
    %max3A_51 = arith.maximumf %max3A_49, %slice3A_50 : vector<8x512xf32>
    %slice3A_52 = vector.extract_strided_slice %select_n3A {offsets = [152, 0], sizes = [8, 512], strides = [1, 1]} : vector<4224x512xf32> to vector<8x512xf32>
    %max3A_53 = arith.maximumf %max3A_51, %slice3A_52 : vector<8x512xf32>
    %slice3A_54 = vector.extract_strided_slice %select_n3A {offsets = [160, 0], sizes = [8, 512], strides = [1, 1]} : vector<4224x512xf32> to vector<8x512xf32>
    %max3A_55 = arith.maximumf %max3A_53, %slice3A_54 : vector<8x512xf32>
    %slice3A_56 = vector.extract_strided_slice %select_n3A {offsets = [168, 0], sizes = [8, 512], strides = [1, 1]} : vector<4224x512xf32> to vector<8x512xf32>
    %max3A_57 = arith.maximumf %max3A_55, %slice3A_56 : vector<8x512xf32>
    %slice3A_58 = vector.extract_strided_slice %select_n3A {offsets = [176, 0], sizes = [8, 512], strides = [1, 1]} : vector<4224x512xf32> to vector<8x512xf32>
    %max3A_59 = arith.maximumf %max3A_57, %slice3A_58 : vector<8x512xf32>
    %slice3A_60 = vector.extract_strided_slice %select_n3A {offsets = [184, 0], sizes = [8, 512], strides = [1, 1]} : vector<4224x512xf32> to vector<8x512xf32>
    %max3A_61 = arith.maximumf %max3A_59, %slice3A_60 : vector<8x512xf32>
    %slice3A_62 = vector.extract_strided_slice %select_n3A {offsets = [192, 0], sizes = [8, 512], strides = [1, 1]} : vector<4224x512xf32> to vector<8x512xf32>
    %max3A_63 = arith.maximumf %max3A_61, %slice3A_62 : vector<8x512xf32>
    %slice3A_64 = vector.extract_strided_slice %select_n3A {offsets = [200, 0], sizes = [8, 512], strides = [1, 1]} : vector<4224x512xf32> to vector<8x512xf32>
    %max3A_65 = arith.maximumf %max3A_63, %slice3A_64 : vector<8x512xf32>
    %slice3A_66 = vector.extract_strided_slice %select_n3A {offsets = [208, 0], sizes = [8, 512], strides = [1, 1]} : vector<4224x512xf32> to vector<8x512xf32>
    %max3A_67 = arith.maximumf %max3A_65, %slice3A_66 : vector<8x512xf32>
    %slice3A_68 = vector.extract_strided_slice %select_n3A {offsets = [216, 0], sizes = [8, 512], strides = [1, 1]} : vector<4224x512xf32> to vector<8x512xf32>
    %max3A_69 = arith.maximumf %max3A_67, %slice3A_68 : vector<8x512xf32>
    %slice3A_70 = vector.extract_strided_slice %select_n3A {offsets = [224, 0], sizes = [8, 512], strides = [1, 1]} : vector<4224x512xf32> to vector<8x512xf32>
    %max3A_71 = arith.maximumf %max3A_69, %slice3A_70 : vector<8x512xf32>
    %slice3A_72 = vector.extract_strided_slice %select_n3A {offsets = [232, 0], sizes = [8, 512], strides = [1, 1]} : vector<4224x512xf32> to vector<8x512xf32>
    %max3A_73 = arith.maximumf %max3A_71, %slice3A_72 : vector<8x512xf32>
    %slice3A_74 = vector.extract_strided_slice %select_n3A {offsets = [240, 0], sizes = [8, 512], strides = [1, 1]} : vector<4224x512xf32> to vector<8x512xf32>
    %max3A_75 = arith.maximumf %max3A_73, %slice3A_74 : vector<8x512xf32>
    %slice3A_76 = vector.extract_strided_slice %select_n3A {offsets = [248, 0], sizes = [8, 512], strides = [1, 1]} : vector<4224x512xf32> to vector<8x512xf32>
    %max3A_77 = arith.maximumf %max3A_75, %slice3A_76 : vector<8x512xf32>
    %slice3A_78 = vector.extract_strided_slice %select_n3A {offsets = [256, 0], sizes = [8, 512], strides = [1, 1]} : vector<4224x512xf32> to vector<8x512xf32>
    %max3A_79 = arith.maximumf %max3A_77, %slice3A_78 : vector<8x512xf32>
    %slice3A_80 = vector.extract_strided_slice %select_n3A {offsets = [264, 0], sizes = [8, 512], strides = [1, 1]} : vector<4224x512xf32> to vector<8x512xf32>
    %max3A_81 = arith.maximumf %max3A_79, %slice3A_80 : vector<8x512xf32>
    %slice3A_82 = vector.extract_strided_slice %select_n3A {offsets = [272, 0], sizes = [8, 512], strides = [1, 1]} : vector<4224x512xf32> to vector<8x512xf32>
    %max3A_83 = arith.maximumf %max3A_81, %slice3A_82 : vector<8x512xf32>
    %slice3A_84 = vector.extract_strided_slice %select_n3A {offsets = [280, 0], sizes = [8, 512], strides = [1, 1]} : vector<4224x512xf32> to vector<8x512xf32>
    %max3A_85 = arith.maximumf %max3A_83, %slice3A_84 : vector<8x512xf32>
    %slice3A_86 = vector.extract_strided_slice %select_n3A {offsets = [288, 0], sizes = [8, 512], strides = [1, 1]} : vector<4224x512xf32> to vector<8x512xf32>
    %max3A_87 = arith.maximumf %max3A_85, %slice3A_86 : vector<8x512xf32>
    %slice3A_88 = vector.extract_strided_slice %select_n3A {offsets = [296, 0], sizes = [8, 512], strides = [1, 1]} : vector<4224x512xf32> to vector<8x512xf32>
    %max3A_89 = arith.maximumf %max3A_87, %slice3A_88 : vector<8x512xf32>
    %slice3A_90 = vector.extract_strided_slice %select_n3A {offsets = [304, 0], sizes = [8, 512], strides = [1, 1]} : vector<4224x512xf32> to vector<8x512xf32>
    %max3A_91 = arith.maximumf %max3A_89, %slice3A_90 : vector<8x512xf32>
    %slice3A_92 = vector.extract_strided_slice %select_n3A {offsets = [312, 0], sizes = [8, 512], strides = [1, 1]} : vector<4224x512xf32> to vector<8x512xf32>
    %max3A_93 = arith.maximumf %max3A_91, %slice3A_92 : vector<8x512xf32>
    %slice3A_94 = vector.extract_strided_slice %select_n3A {offsets = [320, 0], sizes = [8, 512], strides = [1, 1]} : vector<4224x512xf32> to vector<8x512xf32>
    %max3A_95 = arith.maximumf %max3A_93, %slice3A_94 : vector<8x512xf32>
    %slice3A_96 = vector.extract_strided_slice %select_n3A {offsets = [328, 0], sizes = [8, 512], strides = [1, 1]} : vector<4224x512xf32> to vector<8x512xf32>
    %max3A_97 = arith.maximumf %max3A_95, %slice3A_96 : vector<8x512xf32>
    %slice3A_98 = vector.extract_strided_slice %select_n3A {offsets = [336, 0], sizes = [8, 512], strides = [1, 1]} : vector<4224x512xf32> to vector<8x512xf32>
    %max3A_99 = arith.maximumf %max3A_97, %slice3A_98 : vector<8x512xf32>
    %slice3A_100 = vector.extract_strided_slice %select_n3A {offsets = [344, 0], sizes = [8, 512], strides = [1, 1]} : vector<4224x512xf32> to vector<8x512xf32>
    %max3A_101 = arith.maximumf %max3A_99, %slice3A_100 : vector<8x512xf32>
    %slice3A_102 = vector.extract_strided_slice %select_n3A {offsets = [352, 0], sizes = [8, 512], strides = [1, 1]} : vector<4224x512xf32> to vector<8x512xf32>
    %max3A_103 = arith.maximumf %max3A_101, %slice3A_102 : vector<8x512xf32>
    %slice3A_104 = vector.extract_strided_slice %select_n3A {offsets = [360, 0], sizes = [8, 512], strides = [1, 1]} : vector<4224x512xf32> to vector<8x512xf32>
    %max3A_105 = arith.maximumf %max3A_103, %slice3A_104 : vector<8x512xf32>
    %slice3A_106 = vector.extract_strided_slice %select_n3A {offsets = [368, 0], sizes = [8, 512], strides = [1, 1]} : vector<4224x512xf32> to vector<8x512xf32>
    %max3A_107 = arith.maximumf %max3A_105, %slice3A_106 : vector<8x512xf32>
    %slice3A_108 = vector.extract_strided_slice %select_n3A {offsets = [376, 0], sizes = [8, 512], strides = [1, 1]} : vector<4224x512xf32> to vector<8x512xf32>
    %max3A_109 = arith.maximumf %max3A_107, %slice3A_108 : vector<8x512xf32>
    %slice3A_110 = vector.extract_strided_slice %select_n3A {offsets = [384, 0], sizes = [8, 512], strides = [1, 1]} : vector<4224x512xf32> to vector<8x512xf32>
    %max3A_111 = arith.maximumf %max3A_109, %slice3A_110 : vector<8x512xf32>
    %slice3A_112 = vector.extract_strided_slice %select_n3A {offsets = [392, 0], sizes = [8, 512], strides = [1, 1]} : vector<4224x512xf32> to vector<8x512xf32>
    %max3A_113 = arith.maximumf %max3A_111, %slice3A_112 : vector<8x512xf32>
    %slice3A_114 = vector.extract_strided_slice %select_n3A {offsets = [400, 0], sizes = [8, 512], strides = [1, 1]} : vector<4224x512xf32> to vector<8x512xf32>
    %max3A_115 = arith.maximumf %max3A_113, %slice3A_114 : vector<8x512xf32>
    %slice3A_116 = vector.extract_strided_slice %select_n3A {offsets = [408, 0], sizes = [8, 512], strides = [1, 1]} : vector<4224x512xf32> to vector<8x512xf32>
    %max3A_117 = arith.maximumf %max3A_115, %slice3A_116 : vector<8x512xf32>
    %slice3A_118 = vector.extract_strided_slice %select_n3A {offsets = [416, 0], sizes = [8, 512], strides = [1, 1]} : vector<4224x512xf32> to vector<8x512xf32>
    %max3A_119 = arith.maximumf %max3A_117, %slice3A_118 : vector<8x512xf32>
    %slice3A_120 = vector.extract_strided_slice %select_n3A {offsets = [424, 0], sizes = [8, 512], strides = [1, 1]} : vector<4224x512xf32> to vector<8x512xf32>
    %max3A_121 = arith.maximumf %max3A_119, %slice3A_120 : vector<8x512xf32>
    %slice3A_122 = vector.extract_strided_slice %select_n3A {offsets = [432, 0], sizes = [8, 512], strides = [1, 1]} : vector<4224x512xf32> to vector<8x512xf32>
    %max3A_123 = arith.maximumf %max3A_121, %slice3A_122 : vector<8x512xf32>
    %slice3A_124 = vector.extract_strided_slice %select_n3A {offsets = [440, 0], sizes = [8, 512], strides = [1, 1]} : vector<4224x512xf32> to vector<8x512xf32>
    %max3A_125 = arith.maximumf %max3A_123, %slice3A_124 : vector<8x512xf32>
    %slice3A_126 = vector.extract_strided_slice %select_n3A {offsets = [448, 0], sizes = [8, 512], strides = [1, 1]} : vector<4224x512xf32> to vector<8x512xf32>
    %max3A_127 = arith.maximumf %max3A_125, %slice3A_126 : vector<8x512xf32>
    %slice3A_128 = vector.extract_strided_slice %select_n3A {offsets = [456, 0], sizes = [8, 512], strides = [1, 1]} : vector<4224x512xf32> to vector<8x512xf32>
    %max3A_129 = arith.maximumf %max3A_127, %slice3A_128 : vector<8x512xf32>
    %slice3A_130 = vector.extract_strided_slice %select_n3A {offsets = [464, 0], sizes = [8, 512], strides = [1, 1]} : vector<4224x512xf32> to vector<8x512xf32>
    %max3A_131 = arith.maximumf %max3A_129, %slice3A_130 : vector<8x512xf32>
    %slice3A_132 = vector.extract_strided_slice %select_n3A {offsets = [472, 0], sizes = [8, 512], strides = [1, 1]} : vector<4224x512xf32> to vector<8x512xf32>
    %max3A_133 = arith.maximumf %max3A_131, %slice3A_132 : vector<8x512xf32>
    %slice3A_134 = vector.extract_strided_slice %select_n3A {offsets = [480, 0], sizes = [8, 512], strides = [1, 1]} : vector<4224x512xf32> to vector<8x512xf32>
    %max3A_135 = arith.maximumf %max3A_133, %slice3A_134 : vector<8x512xf32>
    %slice3A_136 = vector.extract_strided_slice %select_n3A {offsets = [488, 0], sizes = [8, 512], strides = [1, 1]} : vector<4224x512xf32> to vector<8x512xf32>
    %max3A_137 = arith.maximumf %max3A_135, %slice3A_136 : vector<8x512xf32>
    %slice3A_138 = vector.extract_strided_slice %select_n3A {offsets = [496, 0], sizes = [8, 512], strides = [1, 1]} : vector<4224x512xf32> to vector<8x512xf32>
    %max3A_139 = arith.maximumf %max3A_137, %slice3A_138 : vector<8x512xf32>
    %slice3A_140 = vector.extract_strided_slice %select_n3A {offsets = [504, 0], sizes = [8, 512], strides = [1, 1]} : vector<4224x512xf32> to vector<8x512xf32>
    %max3A_141 = arith.maximumf %max3A_139, %slice3A_140 : vector<8x512xf32>
    %slice3A_142 = vector.extract_strided_slice %select_n3A {offsets = [512, 0], sizes = [8, 512], strides = [1, 1]} : vector<4224x512xf32> to vector<8x512xf32>
    %max3A_143 = arith.maximumf %max3A_141, %slice3A_142 : vector<8x512xf32>
    %slice3A_144 = vector.extract_strided_slice %select_n3A {offsets = [520, 0], sizes = [8, 512], strides = [1, 1]} : vector<4224x512xf32> to vector<8x512xf32>
    %max3A_145 = arith.maximumf %max3A_143, %slice3A_144 : vector<8x512xf32>
    %slice3A_146 = vector.extract_strided_slice %select_n3A {offsets = [528, 0], sizes = [8, 512], strides = [1, 1]} : vector<4224x512xf32> to vector<8x512xf32>
    %max3A_147 = arith.maximumf %max3A_145, %slice3A_146 : vector<8x512xf32>
    %slice3A_148 = vector.extract_strided_slice %select_n3A {offsets = [536, 0], sizes = [8, 512], strides = [1, 1]} : vector<4224x512xf32> to vector<8x512xf32>
    %max3A_149 = arith.maximumf %max3A_147, %slice3A_148 : vector<8x512xf32>
    %slice3A_150 = vector.extract_strided_slice %select_n3A {offsets = [544, 0], sizes = [8, 512], strides = [1, 1]} : vector<4224x512xf32> to vector<8x512xf32>
    %max3A_151 = arith.maximumf %max3A_149, %slice3A_150 : vector<8x512xf32>
    %slice3A_152 = vector.extract_strided_slice %select_n3A {offsets = [552, 0], sizes = [8, 512], strides = [1, 1]} : vector<4224x512xf32> to vector<8x512xf32>
    %max3A_153 = arith.maximumf %max3A_151, %slice3A_152 : vector<8x512xf32>
    %slice3A_154 = vector.extract_strided_slice %select_n3A {offsets = [560, 0], sizes = [8, 512], strides = [1, 1]} : vector<4224x512xf32> to vector<8x512xf32>
    %max3A_155 = arith.maximumf %max3A_153, %slice3A_154 : vector<8x512xf32>
    %slice3A_156 = vector.extract_strided_slice %select_n3A {offsets = [568, 0], sizes = [8, 512], strides = [1, 1]} : vector<4224x512xf32> to vector<8x512xf32>
    %max3A_157 = arith.maximumf %max3A_155, %slice3A_156 : vector<8x512xf32>
    %slice3A_158 = vector.extract_strided_slice %select_n3A {offsets = [576, 0], sizes = [8, 512], strides = [1, 1]} : vector<4224x512xf32> to vector<8x512xf32>
    %max3A_159 = arith.maximumf %max3A_157, %slice3A_158 : vector<8x512xf32>
    %slice3A_160 = vector.extract_strided_slice %select_n3A {offsets = [584, 0], sizes = [8, 512], strides = [1, 1]} : vector<4224x512xf32> to vector<8x512xf32>
    %max3A_161 = arith.maximumf %max3A_159, %slice3A_160 : vector<8x512xf32>
    %slice3A_162 = vector.extract_strided_slice %select_n3A {offsets = [592, 0], sizes = [8, 512], strides = [1, 1]} : vector<4224x512xf32> to vector<8x512xf32>
    %max3A_163 = arith.maximumf %max3A_161, %slice3A_162 : vector<8x512xf32>
    %slice3A_164 = vector.extract_strided_slice %select_n3A {offsets = [600, 0], sizes = [8, 512], strides = [1, 1]} : vector<4224x512xf32> to vector<8x512xf32>
    %max3A_165 = arith.maximumf %max3A_163, %slice3A_164 : vector<8x512xf32>
    %slice3A_166 = vector.extract_strided_slice %select_n3A {offsets = [608, 0], sizes = [8, 512], strides = [1, 1]} : vector<4224x512xf32> to vector<8x512xf32>
    %max3A_167 = arith.maximumf %max3A_165, %slice3A_166 : vector<8x512xf32>
    %slice3A_168 = vector.extract_strided_slice %select_n3A {offsets = [616, 0], sizes = [8, 512], strides = [1, 1]} : vector<4224x512xf32> to vector<8x512xf32>
    %max3A_169 = arith.maximumf %max3A_167, %slice3A_168 : vector<8x512xf32>
    %slice3A_170 = vector.extract_strided_slice %select_n3A {offsets = [624, 0], sizes = [8, 512], strides = [1, 1]} : vector<4224x512xf32> to vector<8x512xf32>
    %max3A_171 = arith.maximumf %max3A_169, %slice3A_170 : vector<8x512xf32>
    %slice3A_172 = vector.extract_strided_slice %select_n3A {offsets = [632, 0], sizes = [8, 512], strides = [1, 1]} : vector<4224x512xf32> to vector<8x512xf32>
    %max3A_173 = arith.maximumf %max3A_171, %slice3A_172 : vector<8x512xf32>
    %slice3A_174 = vector.extract_strided_slice %select_n3A {offsets = [640, 0], sizes = [8, 512], strides = [1, 1]} : vector<4224x512xf32> to vector<8x512xf32>
    %max3A_175 = arith.maximumf %max3A_173, %slice3A_174 : vector<8x512xf32>
    %slice3A_176 = vector.extract_strided_slice %select_n3A {offsets = [648, 0], sizes = [8, 512], strides = [1, 1]} : vector<4224x512xf32> to vector<8x512xf32>
    %max3A_177 = arith.maximumf %max3A_175, %slice3A_176 : vector<8x512xf32>
    %slice3A_178 = vector.extract_strided_slice %select_n3A {offsets = [656, 0], sizes = [8, 512], strides = [1, 1]} : vector<4224x512xf32> to vector<8x512xf32>
    %max3A_179 = arith.maximumf %max3A_177, %slice3A_178 : vector<8x512xf32>
    %slice3A_180 = vector.extract_strided_slice %select_n3A {offsets = [664, 0], sizes = [8, 512], strides = [1, 1]} : vector<4224x512xf32> to vector<8x512xf32>
    %max3A_181 = arith.maximumf %max3A_179, %slice3A_180 : vector<8x512xf32>
    %slice3A_182 = vector.extract_strided_slice %select_n3A {offsets = [672, 0], sizes = [8, 512], strides = [1, 1]} : vector<4224x512xf32> to vector<8x512xf32>
    %max3A_183 = arith.maximumf %max3A_181, %slice3A_182 : vector<8x512xf32>
    %slice3A_184 = vector.extract_strided_slice %select_n3A {offsets = [680, 0], sizes = [8, 512], strides = [1, 1]} : vector<4224x512xf32> to vector<8x512xf32>
    %max3A_185 = arith.maximumf %max3A_183, %slice3A_184 : vector<8x512xf32>
    %slice3A_186 = vector.extract_strided_slice %select_n3A {offsets = [688, 0], sizes = [8, 512], strides = [1, 1]} : vector<4224x512xf32> to vector<8x512xf32>
    %max3A_187 = arith.maximumf %max3A_185, %slice3A_186 : vector<8x512xf32>
    %slice3A_188 = vector.extract_strided_slice %select_n3A {offsets = [696, 0], sizes = [8, 512], strides = [1, 1]} : vector<4224x512xf32> to vector<8x512xf32>
    %max3A_189 = arith.maximumf %max3A_187, %slice3A_188 : vector<8x512xf32>
    %slice3A_190 = vector.extract_strided_slice %select_n3A {offsets = [704, 0], sizes = [8, 512], strides = [1, 1]} : vector<4224x512xf32> to vector<8x512xf32>
    %max3A_191 = arith.maximumf %max3A_189, %slice3A_190 : vector<8x512xf32>
    %slice3A_192 = vector.extract_strided_slice %select_n3A {offsets = [712, 0], sizes = [8, 512], strides = [1, 1]} : vector<4224x512xf32> to vector<8x512xf32>
    %max3A_193 = arith.maximumf %max3A_191, %slice3A_192 : vector<8x512xf32>
    %slice3A_194 = vector.extract_strided_slice %select_n3A {offsets = [720, 0], sizes = [8, 512], strides = [1, 1]} : vector<4224x512xf32> to vector<8x512xf32>
    %max3A_195 = arith.maximumf %max3A_193, %slice3A_194 : vector<8x512xf32>
    %slice3A_196 = vector.extract_strided_slice %select_n3A {offsets = [728, 0], sizes = [8, 512], strides = [1, 1]} : vector<4224x512xf32> to vector<8x512xf32>
    %max3A_197 = arith.maximumf %max3A_195, %slice3A_196 : vector<8x512xf32>
    %slice3A_198 = vector.extract_strided_slice %select_n3A {offsets = [736, 0], sizes = [8, 512], strides = [1, 1]} : vector<4224x512xf32> to vector<8x512xf32>
    %max3A_199 = arith.maximumf %max3A_197, %slice3A_198 : vector<8x512xf32>
    %slice3A_200 = vector.extract_strided_slice %select_n3A {offsets = [744, 0], sizes = [8, 512], strides = [1, 1]} : vector<4224x512xf32> to vector<8x512xf32>
    %max3A_201 = arith.maximumf %max3A_199, %slice3A_200 : vector<8x512xf32>
    %slice3A_202 = vector.extract_strided_slice %select_n3A {offsets = [752, 0], sizes = [8, 512], strides = [1, 1]} : vector<4224x512xf32> to vector<8x512xf32>
    %max3A_203 = arith.maximumf %max3A_201, %slice3A_202 : vector<8x512xf32>
    %slice3A_204 = vector.extract_strided_slice %select_n3A {offsets = [760, 0], sizes = [8, 512], strides = [1, 1]} : vector<4224x512xf32> to vector<8x512xf32>
    %max3A_205 = arith.maximumf %max3A_203, %slice3A_204 : vector<8x512xf32>
    %slice3A_206 = vector.extract_strided_slice %select_n3A {offsets = [768, 0], sizes = [8, 512], strides = [1, 1]} : vector<4224x512xf32> to vector<8x512xf32>
    %max3A_207 = arith.maximumf %max3A_205, %slice3A_206 : vector<8x512xf32>
    %slice3A_208 = vector.extract_strided_slice %select_n3A {offsets = [776, 0], sizes = [8, 512], strides = [1, 1]} : vector<4224x512xf32> to vector<8x512xf32>
    %max3A_209 = arith.maximumf %max3A_207, %slice3A_208 : vector<8x512xf32>
    %slice3A_210 = vector.extract_strided_slice %select_n3A {offsets = [784, 0], sizes = [8, 512], strides = [1, 1]} : vector<4224x512xf32> to vector<8x512xf32>
    %max3A_211 = arith.maximumf %max3A_209, %slice3A_210 : vector<8x512xf32>
    %slice3A_212 = vector.extract_strided_slice %select_n3A {offsets = [792, 0], sizes = [8, 512], strides = [1, 1]} : vector<4224x512xf32> to vector<8x512xf32>
    %max3A_213 = arith.maximumf %max3A_211, %slice3A_212 : vector<8x512xf32>
    %slice3A_214 = vector.extract_strided_slice %select_n3A {offsets = [800, 0], sizes = [8, 512], strides = [1, 1]} : vector<4224x512xf32> to vector<8x512xf32>
    %max3A_215 = arith.maximumf %max3A_213, %slice3A_214 : vector<8x512xf32>
    %slice3A_216 = vector.extract_strided_slice %select_n3A {offsets = [808, 0], sizes = [8, 512], strides = [1, 1]} : vector<4224x512xf32> to vector<8x512xf32>
    %max3A_217 = arith.maximumf %max3A_215, %slice3A_216 : vector<8x512xf32>
    %slice3A_218 = vector.extract_strided_slice %select_n3A {offsets = [816, 0], sizes = [8, 512], strides = [1, 1]} : vector<4224x512xf32> to vector<8x512xf32>
    %max3A_219 = arith.maximumf %max3A_217, %slice3A_218 : vector<8x512xf32>
    %slice3A_220 = vector.extract_strided_slice %select_n3A {offsets = [824, 0], sizes = [8, 512], strides = [1, 1]} : vector<4224x512xf32> to vector<8x512xf32>
    %max3A_221 = arith.maximumf %max3A_219, %slice3A_220 : vector<8x512xf32>
    %slice3A_222 = vector.extract_strided_slice %select_n3A {offsets = [832, 0], sizes = [8, 512], strides = [1, 1]} : vector<4224x512xf32> to vector<8x512xf32>
    %max3A_223 = arith.maximumf %max3A_221, %slice3A_222 : vector<8x512xf32>
    %slice3A_224 = vector.extract_strided_slice %select_n3A {offsets = [840, 0], sizes = [8, 512], strides = [1, 1]} : vector<4224x512xf32> to vector<8x512xf32>
    %max3A_225 = arith.maximumf %max3A_223, %slice3A_224 : vector<8x512xf32>
    %slice3A_226 = vector.extract_strided_slice %select_n3A {offsets = [848, 0], sizes = [8, 512], strides = [1, 1]} : vector<4224x512xf32> to vector<8x512xf32>
    %max3A_227 = arith.maximumf %max3A_225, %slice3A_226 : vector<8x512xf32>
    %slice3A_228 = vector.extract_strided_slice %select_n3A {offsets = [856, 0], sizes = [8, 512], strides = [1, 1]} : vector<4224x512xf32> to vector<8x512xf32>
    %max3A_229 = arith.maximumf %max3A_227, %slice3A_228 : vector<8x512xf32>
    %slice3A_230 = vector.extract_strided_slice %select_n3A {offsets = [864, 0], sizes = [8, 512], strides = [1, 1]} : vector<4224x512xf32> to vector<8x512xf32>
    %max3A_231 = arith.maximumf %max3A_229, %slice3A_230 : vector<8x512xf32>
    %slice3A_232 = vector.extract_strided_slice %select_n3A {offsets = [872, 0], sizes = [8, 512], strides = [1, 1]} : vector<4224x512xf32> to vector<8x512xf32>
    %max3A_233 = arith.maximumf %max3A_231, %slice3A_232 : vector<8x512xf32>
    %slice3A_234 = vector.extract_strided_slice %select_n3A {offsets = [880, 0], sizes = [8, 512], strides = [1, 1]} : vector<4224x512xf32> to vector<8x512xf32>
    %max3A_235 = arith.maximumf %max3A_233, %slice3A_234 : vector<8x512xf32>
    %slice3A_236 = vector.extract_strided_slice %select_n3A {offsets = [888, 0], sizes = [8, 512], strides = [1, 1]} : vector<4224x512xf32> to vector<8x512xf32>
    %max3A_237 = arith.maximumf %max3A_235, %slice3A_236 : vector<8x512xf32>
    %slice3A_238 = vector.extract_strided_slice %select_n3A {offsets = [896, 0], sizes = [8, 512], strides = [1, 1]} : vector<4224x512xf32> to vector<8x512xf32>
    %max3A_239 = arith.maximumf %max3A_237, %slice3A_238 : vector<8x512xf32>
    %slice3A_240 = vector.extract_strided_slice %select_n3A {offsets = [904, 0], sizes = [8, 512], strides = [1, 1]} : vector<4224x512xf32> to vector<8x512xf32>
    %max3A_241 = arith.maximumf %max3A_239, %slice3A_240 : vector<8x512xf32>
    %slice3A_242 = vector.extract_strided_slice %select_n3A {offsets = [912, 0], sizes = [8, 512], strides = [1, 1]} : vector<4224x512xf32> to vector<8x512xf32>
    %max3A_243 = arith.maximumf %max3A_241, %slice3A_242 : vector<8x512xf32>
    %slice3A_244 = vector.extract_strided_slice %select_n3A {offsets = [920, 0], sizes = [8, 512], strides = [1, 1]} : vector<4224x512xf32> to vector<8x512xf32>
    %max3A_245 = arith.maximumf %max3A_243, %slice3A_244 : vector<8x512xf32>
    %slice3A_246 = vector.extract_strided_slice %select_n3A {offsets = [928, 0], sizes = [8, 512], strides = [1, 1]} : vector<4224x512xf32> to vector<8x512xf32>
    %max3A_247 = arith.maximumf %max3A_245, %slice3A_246 : vector<8x512xf32>
    %slice3A_248 = vector.extract_strided_slice %select_n3A {offsets = [936, 0], sizes = [8, 512], strides = [1, 1]} : vector<4224x512xf32> to vector<8x512xf32>
    %max3A_249 = arith.maximumf %max3A_247, %slice3A_248 : vector<8x512xf32>
    %slice3A_250 = vector.extract_strided_slice %select_n3A {offsets = [944, 0], sizes = [8, 512], strides = [1, 1]} : vector<4224x512xf32> to vector<8x512xf32>
    %max3A_251 = arith.maximumf %max3A_249, %slice3A_250 : vector<8x512xf32>
    %slice3A_252 = vector.extract_strided_slice %select_n3A {offsets = [952, 0], sizes = [8, 512], strides = [1, 1]} : vector<4224x512xf32> to vector<8x512xf32>
    %max3A_253 = arith.maximumf %max3A_251, %slice3A_252 : vector<8x512xf32>
    %slice3A_254 = vector.extract_strided_slice %select_n3A {offsets = [960, 0], sizes = [8, 512], strides = [1, 1]} : vector<4224x512xf32> to vector<8x512xf32>
    %max3A_255 = arith.maximumf %max3A_253, %slice3A_254 : vector<8x512xf32>
    %slice3A_256 = vector.extract_strided_slice %select_n3A {offsets = [968, 0], sizes = [8, 512], strides = [1, 1]} : vector<4224x512xf32> to vector<8x512xf32>
    %max3A_257 = arith.maximumf %max3A_255, %slice3A_256 : vector<8x512xf32>
    %slice3A_258 = vector.extract_strided_slice %select_n3A {offsets = [976, 0], sizes = [8, 512], strides = [1, 1]} : vector<4224x512xf32> to vector<8x512xf32>
    %max3A_259 = arith.maximumf %max3A_257, %slice3A_258 : vector<8x512xf32>
    %slice3A_260 = vector.extract_strided_slice %select_n3A {offsets = [984, 0], sizes = [8, 512], strides = [1, 1]} : vector<4224x512xf32> to vector<8x512xf32>
    %max3A_261 = arith.maximumf %max3A_259, %slice3A_260 : vector<8x512xf32>
    %slice3A_262 = vector.extract_strided_slice %select_n3A {offsets = [992, 0], sizes = [8, 512], strides = [1, 1]} : vector<4224x512xf32> to vector<8x512xf32>
    %max3A_263 = arith.maximumf %max3A_261, %slice3A_262 : vector<8x512xf32>
    %slice3A_264 = vector.extract_strided_slice %select_n3A {offsets = [1000, 0], sizes = [8, 512], strides = [1, 1]} : vector<4224x512xf32> to vector<8x512xf32>
    %max3A_265 = arith.maximumf %max3A_263, %slice3A_264 : vector<8x512xf32>
    %slice3A_266 = vector.extract_strided_slice %select_n3A {offsets = [1008, 0], sizes = [8, 512], strides = [1, 1]} : vector<4224x512xf32> to vector<8x512xf32>
    %max3A_267 = arith.maximumf %max3A_265, %slice3A_266 : vector<8x512xf32>
    %slice3A_268 = vector.extract_strided_slice %select_n3A {offsets = [1016, 0], sizes = [8, 512], strides = [1, 1]} : vector<4224x512xf32> to vector<8x512xf32>
    %max3A_269 = arith.maximumf %max3A_267, %slice3A_268 : vector<8x512xf32>
    %slice3A_270 = vector.extract_strided_slice %select_n3A {offsets = [1024, 0], sizes = [8, 512], strides = [1, 1]} : vector<4224x512xf32> to vector<8x512xf32>
    %max3A_271 = arith.maximumf %max3A_269, %slice3A_270 : vector<8x512xf32>
    %slice3A_272 = vector.extract_strided_slice %select_n3A {offsets = [1032, 0], sizes = [8, 512], strides = [1, 1]} : vector<4224x512xf32> to vector<8x512xf32>
    %max3A_273 = arith.maximumf %max3A_271, %slice3A_272 : vector<8x512xf32>
    %slice3A_274 = vector.extract_strided_slice %select_n3A {offsets = [1040, 0], sizes = [8, 512], strides = [1, 1]} : vector<4224x512xf32> to vector<8x512xf32>
    %max3A_275 = arith.maximumf %max3A_273, %slice3A_274 : vector<8x512xf32>
    %slice3A_276 = vector.extract_strided_slice %select_n3A {offsets = [1048, 0], sizes = [8, 512], strides = [1, 1]} : vector<4224x512xf32> to vector<8x512xf32>
    %max3A_277 = arith.maximumf %max3A_275, %slice3A_276 : vector<8x512xf32>
    %slice3A_278 = vector.extract_strided_slice %select_n3A {offsets = [1056, 0], sizes = [8, 512], strides = [1, 1]} : vector<4224x512xf32> to vector<8x512xf32>
    %max3A_279 = arith.maximumf %max3A_277, %slice3A_278 : vector<8x512xf32>
    %slice3A_280 = vector.extract_strided_slice %select_n3A {offsets = [1064, 0], sizes = [8, 512], strides = [1, 1]} : vector<4224x512xf32> to vector<8x512xf32>
    %max3A_281 = arith.maximumf %max3A_279, %slice3A_280 : vector<8x512xf32>
    %slice3A_282 = vector.extract_strided_slice %select_n3A {offsets = [1072, 0], sizes = [8, 512], strides = [1, 1]} : vector<4224x512xf32> to vector<8x512xf32>
    %max3A_283 = arith.maximumf %max3A_281, %slice3A_282 : vector<8x512xf32>
    %slice3A_284 = vector.extract_strided_slice %select_n3A {offsets = [1080, 0], sizes = [8, 512], strides = [1, 1]} : vector<4224x512xf32> to vector<8x512xf32>
    %max3A_285 = arith.maximumf %max3A_283, %slice3A_284 : vector<8x512xf32>
    %slice3A_286 = vector.extract_strided_slice %select_n3A {offsets = [1088, 0], sizes = [8, 512], strides = [1, 1]} : vector<4224x512xf32> to vector<8x512xf32>
    %max3A_287 = arith.maximumf %max3A_285, %slice3A_286 : vector<8x512xf32>
    %slice3A_288 = vector.extract_strided_slice %select_n3A {offsets = [1096, 0], sizes = [8, 512], strides = [1, 1]} : vector<4224x512xf32> to vector<8x512xf32>
    %max3A_289 = arith.maximumf %max3A_287, %slice3A_288 : vector<8x512xf32>
    %slice3A_290 = vector.extract_strided_slice %select_n3A {offsets = [1104, 0], sizes = [8, 512], strides = [1, 1]} : vector<4224x512xf32> to vector<8x512xf32>
    %max3A_291 = arith.maximumf %max3A_289, %slice3A_290 : vector<8x512xf32>
    %slice3A_292 = vector.extract_strided_slice %select_n3A {offsets = [1112, 0], sizes = [8, 512], strides = [1, 1]} : vector<4224x512xf32> to vector<8x512xf32>
    %max3A_293 = arith.maximumf %max3A_291, %slice3A_292 : vector<8x512xf32>
    %slice3A_294 = vector.extract_strided_slice %select_n3A {offsets = [1120, 0], sizes = [8, 512], strides = [1, 1]} : vector<4224x512xf32> to vector<8x512xf32>
    %max3A_295 = arith.maximumf %max3A_293, %slice3A_294 : vector<8x512xf32>
    %slice3A_296 = vector.extract_strided_slice %select_n3A {offsets = [1128, 0], sizes = [8, 512], strides = [1, 1]} : vector<4224x512xf32> to vector<8x512xf32>
    %max3A_297 = arith.maximumf %max3A_295, %slice3A_296 : vector<8x512xf32>
    %slice3A_298 = vector.extract_strided_slice %select_n3A {offsets = [1136, 0], sizes = [8, 512], strides = [1, 1]} : vector<4224x512xf32> to vector<8x512xf32>
    %max3A_299 = arith.maximumf %max3A_297, %slice3A_298 : vector<8x512xf32>
    %slice3A_300 = vector.extract_strided_slice %select_n3A {offsets = [1144, 0], sizes = [8, 512], strides = [1, 1]} : vector<4224x512xf32> to vector<8x512xf32>
    %max3A_301 = arith.maximumf %max3A_299, %slice3A_300 : vector<8x512xf32>
    %slice3A_302 = vector.extract_strided_slice %select_n3A {offsets = [1152, 0], sizes = [8, 512], strides = [1, 1]} : vector<4224x512xf32> to vector<8x512xf32>
    %max3A_303 = arith.maximumf %max3A_301, %slice3A_302 : vector<8x512xf32>
    %slice3A_304 = vector.extract_strided_slice %select_n3A {offsets = [1160, 0], sizes = [8, 512], strides = [1, 1]} : vector<4224x512xf32> to vector<8x512xf32>
    %max3A_305 = arith.maximumf %max3A_303, %slice3A_304 : vector<8x512xf32>
    %slice3A_306 = vector.extract_strided_slice %select_n3A {offsets = [1168, 0], sizes = [8, 512], strides = [1, 1]} : vector<4224x512xf32> to vector<8x512xf32>
    %max3A_307 = arith.maximumf %max3A_305, %slice3A_306 : vector<8x512xf32>
    %slice3A_308 = vector.extract_strided_slice %select_n3A {offsets = [1176, 0], sizes = [8, 512], strides = [1, 1]} : vector<4224x512xf32> to vector<8x512xf32>
    %max3A_309 = arith.maximumf %max3A_307, %slice3A_308 : vector<8x512xf32>
    %slice3A_310 = vector.extract_strided_slice %select_n3A {offsets = [1184, 0], sizes = [8, 512], strides = [1, 1]} : vector<4224x512xf32> to vector<8x512xf32>
    %max3A_311 = arith.maximumf %max3A_309, %slice3A_310 : vector<8x512xf32>
    %slice3A_312 = vector.extract_strided_slice %select_n3A {offsets = [1192, 0], sizes = [8, 512], strides = [1, 1]} : vector<4224x512xf32> to vector<8x512xf32>
    %max3A_313 = arith.maximumf %max3A_311, %slice3A_312 : vector<8x512xf32>
    %slice3A_314 = vector.extract_strided_slice %select_n3A {offsets = [1200, 0], sizes = [8, 512], strides = [1, 1]} : vector<4224x512xf32> to vector<8x512xf32>
    %max3A_315 = arith.maximumf %max3A_313, %slice3A_314 : vector<8x512xf32>
    %slice3A_316 = vector.extract_strided_slice %select_n3A {offsets = [1208, 0], sizes = [8, 512], strides = [1, 1]} : vector<4224x512xf32> to vector<8x512xf32>
    %max3A_317 = arith.maximumf %max3A_315, %slice3A_316 : vector<8x512xf32>
    %slice3A_318 = vector.extract_strided_slice %select_n3A {offsets = [1216, 0], sizes = [8, 512], strides = [1, 1]} : vector<4224x512xf32> to vector<8x512xf32>
    %max3A_319 = arith.maximumf %max3A_317, %slice3A_318 : vector<8x512xf32>
    %slice3A_320 = vector.extract_strided_slice %select_n3A {offsets = [1224, 0], sizes = [8, 512], strides = [1, 1]} : vector<4224x512xf32> to vector<8x512xf32>
    %max3A_321 = arith.maximumf %max3A_319, %slice3A_320 : vector<8x512xf32>
    %slice3A_322 = vector.extract_strided_slice %select_n3A {offsets = [1232, 0], sizes = [8, 512], strides = [1, 1]} : vector<4224x512xf32> to vector<8x512xf32>
    %max3A_323 = arith.maximumf %max3A_321, %slice3A_322 : vector<8x512xf32>
    %slice3A_324 = vector.extract_strided_slice %select_n3A {offsets = [1240, 0], sizes = [8, 512], strides = [1, 1]} : vector<4224x512xf32> to vector<8x512xf32>
    %max3A_325 = arith.maximumf %max3A_323, %slice3A_324 : vector<8x512xf32>
    %slice3A_326 = vector.extract_strided_slice %select_n3A {offsets = [1248, 0], sizes = [8, 512], strides = [1, 1]} : vector<4224x512xf32> to vector<8x512xf32>
    %max3A_327 = arith.maximumf %max3A_325, %slice3A_326 : vector<8x512xf32>
    %slice3A_328 = vector.extract_strided_slice %select_n3A {offsets = [1256, 0], sizes = [8, 512], strides = [1, 1]} : vector<4224x512xf32> to vector<8x512xf32>
    %max3A_329 = arith.maximumf %max3A_327, %slice3A_328 : vector<8x512xf32>
    %slice3A_330 = vector.extract_strided_slice %select_n3A {offsets = [1264, 0], sizes = [8, 512], strides = [1, 1]} : vector<4224x512xf32> to vector<8x512xf32>
    %max3A_331 = arith.maximumf %max3A_329, %slice3A_330 : vector<8x512xf32>
    %slice3A_332 = vector.extract_strided_slice %select_n3A {offsets = [1272, 0], sizes = [8, 512], strides = [1, 1]} : vector<4224x512xf32> to vector<8x512xf32>
    %max3A_333 = arith.maximumf %max3A_331, %slice3A_332 : vector<8x512xf32>
    %slice3A_334 = vector.extract_strided_slice %select_n3A {offsets = [1280, 0], sizes = [8, 512], strides = [1, 1]} : vector<4224x512xf32> to vector<8x512xf32>
    %max3A_335 = arith.maximumf %max3A_333, %slice3A_334 : vector<8x512xf32>
    %slice3A_336 = vector.extract_strided_slice %select_n3A {offsets = [1288, 0], sizes = [8, 512], strides = [1, 1]} : vector<4224x512xf32> to vector<8x512xf32>
    %max3A_337 = arith.maximumf %max3A_335, %slice3A_336 : vector<8x512xf32>
    %slice3A_338 = vector.extract_strided_slice %select_n3A {offsets = [1296, 0], sizes = [8, 512], strides = [1, 1]} : vector<4224x512xf32> to vector<8x512xf32>
    %max3A_339 = arith.maximumf %max3A_337, %slice3A_338 : vector<8x512xf32>
    %slice3A_340 = vector.extract_strided_slice %select_n3A {offsets = [1304, 0], sizes = [8, 512], strides = [1, 1]} : vector<4224x512xf32> to vector<8x512xf32>
    %max3A_341 = arith.maximumf %max3A_339, %slice3A_340 : vector<8x512xf32>
    %slice3A_342 = vector.extract_strided_slice %select_n3A {offsets = [1312, 0], sizes = [8, 512], strides = [1, 1]} : vector<4224x512xf32> to vector<8x512xf32>
    %max3A_343 = arith.maximumf %max3A_341, %slice3A_342 : vector<8x512xf32>
    %slice3A_344 = vector.extract_strided_slice %select_n3A {offsets = [1320, 0], sizes = [8, 512], strides = [1, 1]} : vector<4224x512xf32> to vector<8x512xf32>
    %max3A_345 = arith.maximumf %max3A_343, %slice3A_344 : vector<8x512xf32>
    %slice3A_346 = vector.extract_strided_slice %select_n3A {offsets = [1328, 0], sizes = [8, 512], strides = [1, 1]} : vector<4224x512xf32> to vector<8x512xf32>
    %max3A_347 = arith.maximumf %max3A_345, %slice3A_346 : vector<8x512xf32>
    %slice3A_348 = vector.extract_strided_slice %select_n3A {offsets = [1336, 0], sizes = [8, 512], strides = [1, 1]} : vector<4224x512xf32> to vector<8x512xf32>
    %max3A_349 = arith.maximumf %max3A_347, %slice3A_348 : vector<8x512xf32>
    %slice3A_350 = vector.extract_strided_slice %select_n3A {offsets = [1344, 0], sizes = [8, 512], strides = [1, 1]} : vector<4224x512xf32> to vector<8x512xf32>
    %max3A_351 = arith.maximumf %max3A_349, %slice3A_350 : vector<8x512xf32>
    %slice3A_352 = vector.extract_strided_slice %select_n3A {offsets = [1352, 0], sizes = [8, 512], strides = [1, 1]} : vector<4224x512xf32> to vector<8x512xf32>
    %max3A_353 = arith.maximumf %max3A_351, %slice3A_352 : vector<8x512xf32>
    %slice3A_354 = vector.extract_strided_slice %select_n3A {offsets = [1360, 0], sizes = [8, 512], strides = [1, 1]} : vector<4224x512xf32> to vector<8x512xf32>
    %max3A_355 = arith.maximumf %max3A_353, %slice3A_354 : vector<8x512xf32>
    %slice3A_356 = vector.extract_strided_slice %select_n3A {offsets = [1368, 0], sizes = [8, 512], strides = [1, 1]} : vector<4224x512xf32> to vector<8x512xf32>
    %max3A_357 = arith.maximumf %max3A_355, %slice3A_356 : vector<8x512xf32>
    %slice3A_358 = vector.extract_strided_slice %select_n3A {offsets = [1376, 0], sizes = [8, 512], strides = [1, 1]} : vector<4224x512xf32> to vector<8x512xf32>
    %max3A_359 = arith.maximumf %max3A_357, %slice3A_358 : vector<8x512xf32>
    %slice3A_360 = vector.extract_strided_slice %select_n3A {offsets = [1384, 0], sizes = [8, 512], strides = [1, 1]} : vector<4224x512xf32> to vector<8x512xf32>
    %max3A_361 = arith.maximumf %max3A_359, %slice3A_360 : vector<8x512xf32>
    %slice3A_362 = vector.extract_strided_slice %select_n3A {offsets = [1392, 0], sizes = [8, 512], strides = [1, 1]} : vector<4224x512xf32> to vector<8x512xf32>
    %max3A_363 = arith.maximumf %max3A_361, %slice3A_362 : vector<8x512xf32>
    %slice3A_364 = vector.extract_strided_slice %select_n3A {offsets = [1400, 0], sizes = [8, 512], strides = [1, 1]} : vector<4224x512xf32> to vector<8x512xf32>
    %max3A_365 = arith.maximumf %max3A_363, %slice3A_364 : vector<8x512xf32>
    %slice3A_366 = vector.extract_strided_slice %select_n3A {offsets = [1408, 0], sizes = [8, 512], strides = [1, 1]} : vector<4224x512xf32> to vector<8x512xf32>
    %max3A_367 = arith.maximumf %max3A_365, %slice3A_366 : vector<8x512xf32>
    %slice3A_368 = vector.extract_strided_slice %select_n3A {offsets = [1416, 0], sizes = [8, 512], strides = [1, 1]} : vector<4224x512xf32> to vector<8x512xf32>
    %max3A_369 = arith.maximumf %max3A_367, %slice3A_368 : vector<8x512xf32>
    %slice3A_370 = vector.extract_strided_slice %select_n3A {offsets = [1424, 0], sizes = [8, 512], strides = [1, 1]} : vector<4224x512xf32> to vector<8x512xf32>
    %max3A_371 = arith.maximumf %max3A_369, %slice3A_370 : vector<8x512xf32>
    %slice3A_372 = vector.extract_strided_slice %select_n3A {offsets = [1432, 0], sizes = [8, 512], strides = [1, 1]} : vector<4224x512xf32> to vector<8x512xf32>
    %max3A_373 = arith.maximumf %max3A_371, %slice3A_372 : vector<8x512xf32>
    %slice3A_374 = vector.extract_strided_slice %select_n3A {offsets = [1440, 0], sizes = [8, 512], strides = [1, 1]} : vector<4224x512xf32> to vector<8x512xf32>
    %max3A_375 = arith.maximumf %max3A_373, %slice3A_374 : vector<8x512xf32>
    %slice3A_376 = vector.extract_strided_slice %select_n3A {offsets = [1448, 0], sizes = [8, 512], strides = [1, 1]} : vector<4224x512xf32> to vector<8x512xf32>
    %max3A_377 = arith.maximumf %max3A_375, %slice3A_376 : vector<8x512xf32>
    %slice3A_378 = vector.extract_strided_slice %select_n3A {offsets = [1456, 0], sizes = [8, 512], strides = [1, 1]} : vector<4224x512xf32> to vector<8x512xf32>
    %max3A_379 = arith.maximumf %max3A_377, %slice3A_378 : vector<8x512xf32>
    %slice3A_380 = vector.extract_strided_slice %select_n3A {offsets = [1464, 0], sizes = [8, 512], strides = [1, 1]} : vector<4224x512xf32> to vector<8x512xf32>
    %max3A_381 = arith.maximumf %max3A_379, %slice3A_380 : vector<8x512xf32>
    %slice3A_382 = vector.extract_strided_slice %select_n3A {offsets = [1472, 0], sizes = [8, 512], strides = [1, 1]} : vector<4224x512xf32> to vector<8x512xf32>
    %max3A_383 = arith.maximumf %max3A_381, %slice3A_382 : vector<8x512xf32>
    %slice3A_384 = vector.extract_strided_slice %select_n3A {offsets = [1480, 0], sizes = [8, 512], strides = [1, 1]} : vector<4224x512xf32> to vector<8x512xf32>
    %max3A_385 = arith.maximumf %max3A_383, %slice3A_384 : vector<8x512xf32>
    %slice3A_386 = vector.extract_strided_slice %select_n3A {offsets = [1488, 0], sizes = [8, 512], strides = [1, 1]} : vector<4224x512xf32> to vector<8x512xf32>
    %max3A_387 = arith.maximumf %max3A_385, %slice3A_386 : vector<8x512xf32>
    %slice3A_388 = vector.extract_strided_slice %select_n3A {offsets = [1496, 0], sizes = [8, 512], strides = [1, 1]} : vector<4224x512xf32> to vector<8x512xf32>
    %max3A_389 = arith.maximumf %max3A_387, %slice3A_388 : vector<8x512xf32>
    %slice3A_390 = vector.extract_strided_slice %select_n3A {offsets = [1504, 0], sizes = [8, 512], strides = [1, 1]} : vector<4224x512xf32> to vector<8x512xf32>
    %max3A_391 = arith.maximumf %max3A_389, %slice3A_390 : vector<8x512xf32>
    %slice3A_392 = vector.extract_strided_slice %select_n3A {offsets = [1512, 0], sizes = [8, 512], strides = [1, 1]} : vector<4224x512xf32> to vector<8x512xf32>
    %max3A_393 = arith.maximumf %max3A_391, %slice3A_392 : vector<8x512xf32>
    %slice3A_394 = vector.extract_strided_slice %select_n3A {offsets = [1520, 0], sizes = [8, 512], strides = [1, 1]} : vector<4224x512xf32> to vector<8x512xf32>
    %max3A_395 = arith.maximumf %max3A_393, %slice3A_394 : vector<8x512xf32>
    %slice3A_396 = vector.extract_strided_slice %select_n3A {offsets = [1528, 0], sizes = [8, 512], strides = [1, 1]} : vector<4224x512xf32> to vector<8x512xf32>
    %max3A_397 = arith.maximumf %max3A_395, %slice3A_396 : vector<8x512xf32>
    %slice3A_398 = vector.extract_strided_slice %select_n3A {offsets = [1536, 0], sizes = [8, 512], strides = [1, 1]} : vector<4224x512xf32> to vector<8x512xf32>
    %max3A_399 = arith.maximumf %max3A_397, %slice3A_398 : vector<8x512xf32>
    %slice3A_400 = vector.extract_strided_slice %select_n3A {offsets = [1544, 0], sizes = [8, 512], strides = [1, 1]} : vector<4224x512xf32> to vector<8x512xf32>
    %max3A_401 = arith.maximumf %max3A_399, %slice3A_400 : vector<8x512xf32>
    %slice3A_402 = vector.extract_strided_slice %select_n3A {offsets = [1552, 0], sizes = [8, 512], strides = [1, 1]} : vector<4224x512xf32> to vector<8x512xf32>
    %max3A_403 = arith.maximumf %max3A_401, %slice3A_402 : vector<8x512xf32>
    %slice3A_404 = vector.extract_strided_slice %select_n3A {offsets = [1560, 0], sizes = [8, 512], strides = [1, 1]} : vector<4224x512xf32> to vector<8x512xf32>
    %max3A_405 = arith.maximumf %max3A_403, %slice3A_404 : vector<8x512xf32>
    %slice3A_406 = vector.extract_strided_slice %select_n3A {offsets = [1568, 0], sizes = [8, 512], strides = [1, 1]} : vector<4224x512xf32> to vector<8x512xf32>
    %max3A_407 = arith.maximumf %max3A_405, %slice3A_406 : vector<8x512xf32>
    %slice3A_408 = vector.extract_strided_slice %select_n3A {offsets = [1576, 0], sizes = [8, 512], strides = [1, 1]} : vector<4224x512xf32> to vector<8x512xf32>
    %max3A_409 = arith.maximumf %max3A_407, %slice3A_408 : vector<8x512xf32>
    %slice3A_410 = vector.extract_strided_slice %select_n3A {offsets = [1584, 0], sizes = [8, 512], strides = [1, 1]} : vector<4224x512xf32> to vector<8x512xf32>
    %max3A_411 = arith.maximumf %max3A_409, %slice3A_410 : vector<8x512xf32>
    %slice3A_412 = vector.extract_strided_slice %select_n3A {offsets = [1592, 0], sizes = [8, 512], strides = [1, 1]} : vector<4224x512xf32> to vector<8x512xf32>
    %max3A_413 = arith.maximumf %max3A_411, %slice3A_412 : vector<8x512xf32>
    %slice3A_414 = vector.extract_strided_slice %select_n3A {offsets = [1600, 0], sizes = [8, 512], strides = [1, 1]} : vector<4224x512xf32> to vector<8x512xf32>
    %max3A_415 = arith.maximumf %max3A_413, %slice3A_414 : vector<8x512xf32>
    %slice3A_416 = vector.extract_strided_slice %select_n3A {offsets = [1608, 0], sizes = [8, 512], strides = [1, 1]} : vector<4224x512xf32> to vector<8x512xf32>
    %max3A_417 = arith.maximumf %max3A_415, %slice3A_416 : vector<8x512xf32>
    %slice3A_418 = vector.extract_strided_slice %select_n3A {offsets = [1616, 0], sizes = [8, 512], strides = [1, 1]} : vector<4224x512xf32> to vector<8x512xf32>
    %max3A_419 = arith.maximumf %max3A_417, %slice3A_418 : vector<8x512xf32>
    %slice3A_420 = vector.extract_strided_slice %select_n3A {offsets = [1624, 0], sizes = [8, 512], strides = [1, 1]} : vector<4224x512xf32> to vector<8x512xf32>
    %max3A_421 = arith.maximumf %max3A_419, %slice3A_420 : vector<8x512xf32>
    %slice3A_422 = vector.extract_strided_slice %select_n3A {offsets = [1632, 0], sizes = [8, 512], strides = [1, 1]} : vector<4224x512xf32> to vector<8x512xf32>
    %max3A_423 = arith.maximumf %max3A_421, %slice3A_422 : vector<8x512xf32>
    %slice3A_424 = vector.extract_strided_slice %select_n3A {offsets = [1640, 0], sizes = [8, 512], strides = [1, 1]} : vector<4224x512xf32> to vector<8x512xf32>
    %max3A_425 = arith.maximumf %max3A_423, %slice3A_424 : vector<8x512xf32>
    %slice3A_426 = vector.extract_strided_slice %select_n3A {offsets = [1648, 0], sizes = [8, 512], strides = [1, 1]} : vector<4224x512xf32> to vector<8x512xf32>
    %max3A_427 = arith.maximumf %max3A_425, %slice3A_426 : vector<8x512xf32>
    %slice3A_428 = vector.extract_strided_slice %select_n3A {offsets = [1656, 0], sizes = [8, 512], strides = [1, 1]} : vector<4224x512xf32> to vector<8x512xf32>
    %max3A_429 = arith.maximumf %max3A_427, %slice3A_428 : vector<8x512xf32>
    %slice3A_430 = vector.extract_strided_slice %select_n3A {offsets = [1664, 0], sizes = [8, 512], strides = [1, 1]} : vector<4224x512xf32> to vector<8x512xf32>
    %max3A_431 = arith.maximumf %max3A_429, %slice3A_430 : vector<8x512xf32>
    %slice3A_432 = vector.extract_strided_slice %select_n3A {offsets = [1672, 0], sizes = [8, 512], strides = [1, 1]} : vector<4224x512xf32> to vector<8x512xf32>
    %max3A_433 = arith.maximumf %max3A_431, %slice3A_432 : vector<8x512xf32>
    %slice3A_434 = vector.extract_strided_slice %select_n3A {offsets = [1680, 0], sizes = [8, 512], strides = [1, 1]} : vector<4224x512xf32> to vector<8x512xf32>
    %max3A_435 = arith.maximumf %max3A_433, %slice3A_434 : vector<8x512xf32>
    %slice3A_436 = vector.extract_strided_slice %select_n3A {offsets = [1688, 0], sizes = [8, 512], strides = [1, 1]} : vector<4224x512xf32> to vector<8x512xf32>
    %max3A_437 = arith.maximumf %max3A_435, %slice3A_436 : vector<8x512xf32>
    %slice3A_438 = vector.extract_strided_slice %select_n3A {offsets = [1696, 0], sizes = [8, 512], strides = [1, 1]} : vector<4224x512xf32> to vector<8x512xf32>
    %max3A_439 = arith.maximumf %max3A_437, %slice3A_438 : vector<8x512xf32>
    %slice3A_440 = vector.extract_strided_slice %select_n3A {offsets = [1704, 0], sizes = [8, 512], strides = [1, 1]} : vector<4224x512xf32> to vector<8x512xf32>
    %max3A_441 = arith.maximumf %max3A_439, %slice3A_440 : vector<8x512xf32>
    %slice3A_442 = vector.extract_strided_slice %select_n3A {offsets = [1712, 0], sizes = [8, 512], strides = [1, 1]} : vector<4224x512xf32> to vector<8x512xf32>
    %max3A_443 = arith.maximumf %max3A_441, %slice3A_442 : vector<8x512xf32>
    %slice3A_444 = vector.extract_strided_slice %select_n3A {offsets = [1720, 0], sizes = [8, 512], strides = [1, 1]} : vector<4224x512xf32> to vector<8x512xf32>
    %max3A_445 = arith.maximumf %max3A_443, %slice3A_444 : vector<8x512xf32>
    %slice3A_446 = vector.extract_strided_slice %select_n3A {offsets = [1728, 0], sizes = [8, 512], strides = [1, 1]} : vector<4224x512xf32> to vector<8x512xf32>
    %max3A_447 = arith.maximumf %max3A_445, %slice3A_446 : vector<8x512xf32>
    %slice3A_448 = vector.extract_strided_slice %select_n3A {offsets = [1736, 0], sizes = [8, 512], strides = [1, 1]} : vector<4224x512xf32> to vector<8x512xf32>
    %max3A_449 = arith.maximumf %max3A_447, %slice3A_448 : vector<8x512xf32>
    %slice3A_450 = vector.extract_strided_slice %select_n3A {offsets = [1744, 0], sizes = [8, 512], strides = [1, 1]} : vector<4224x512xf32> to vector<8x512xf32>
    %max3A_451 = arith.maximumf %max3A_449, %slice3A_450 : vector<8x512xf32>
    %slice3A_452 = vector.extract_strided_slice %select_n3A {offsets = [1752, 0], sizes = [8, 512], strides = [1, 1]} : vector<4224x512xf32> to vector<8x512xf32>
    %max3A_453 = arith.maximumf %max3A_451, %slice3A_452 : vector<8x512xf32>
    %slice3A_454 = vector.extract_strided_slice %select_n3A {offsets = [1760, 0], sizes = [8, 512], strides = [1, 1]} : vector<4224x512xf32> to vector<8x512xf32>
    %max3A_455 = arith.maximumf %max3A_453, %slice3A_454 : vector<8x512xf32>
    %slice3A_456 = vector.extract_strided_slice %select_n3A {offsets = [1768, 0], sizes = [8, 512], strides = [1, 1]} : vector<4224x512xf32> to vector<8x512xf32>
    %max3A_457 = arith.maximumf %max3A_455, %slice3A_456 : vector<8x512xf32>
    %slice3A_458 = vector.extract_strided_slice %select_n3A {offsets = [1776, 0], sizes = [8, 512], strides = [1, 1]} : vector<4224x512xf32> to vector<8x512xf32>
    %max3A_459 = arith.maximumf %max3A_457, %slice3A_458 : vector<8x512xf32>
    %slice3A_460 = vector.extract_strided_slice %select_n3A {offsets = [1784, 0], sizes = [8, 512], strides = [1, 1]} : vector<4224x512xf32> to vector<8x512xf32>
    %max3A_461 = arith.maximumf %max3A_459, %slice3A_460 : vector<8x512xf32>
    %slice3A_462 = vector.extract_strided_slice %select_n3A {offsets = [1792, 0], sizes = [8, 512], strides = [1, 1]} : vector<4224x512xf32> to vector<8x512xf32>
    %max3A_463 = arith.maximumf %max3A_461, %slice3A_462 : vector<8x512xf32>
    %slice3A_464 = vector.extract_strided_slice %select_n3A {offsets = [1800, 0], sizes = [8, 512], strides = [1, 1]} : vector<4224x512xf32> to vector<8x512xf32>
    %max3A_465 = arith.maximumf %max3A_463, %slice3A_464 : vector<8x512xf32>
    %slice3A_466 = vector.extract_strided_slice %select_n3A {offsets = [1808, 0], sizes = [8, 512], strides = [1, 1]} : vector<4224x512xf32> to vector<8x512xf32>
    %max3A_467 = arith.maximumf %max3A_465, %slice3A_466 : vector<8x512xf32>
    %slice3A_468 = vector.extract_strided_slice %select_n3A {offsets = [1816, 0], sizes = [8, 512], strides = [1, 1]} : vector<4224x512xf32> to vector<8x512xf32>
    %max3A_469 = arith.maximumf %max3A_467, %slice3A_468 : vector<8x512xf32>
    %slice3A_470 = vector.extract_strided_slice %select_n3A {offsets = [1824, 0], sizes = [8, 512], strides = [1, 1]} : vector<4224x512xf32> to vector<8x512xf32>
    %max3A_471 = arith.maximumf %max3A_469, %slice3A_470 : vector<8x512xf32>
    %slice3A_472 = vector.extract_strided_slice %select_n3A {offsets = [1832, 0], sizes = [8, 512], strides = [1, 1]} : vector<4224x512xf32> to vector<8x512xf32>
    %max3A_473 = arith.maximumf %max3A_471, %slice3A_472 : vector<8x512xf32>
    %slice3A_474 = vector.extract_strided_slice %select_n3A {offsets = [1840, 0], sizes = [8, 512], strides = [1, 1]} : vector<4224x512xf32> to vector<8x512xf32>
    %max3A_475 = arith.maximumf %max3A_473, %slice3A_474 : vector<8x512xf32>
    %slice3A_476 = vector.extract_strided_slice %select_n3A {offsets = [1848, 0], sizes = [8, 512], strides = [1, 1]} : vector<4224x512xf32> to vector<8x512xf32>
    %max3A_477 = arith.maximumf %max3A_475, %slice3A_476 : vector<8x512xf32>
    %slice3A_478 = vector.extract_strided_slice %select_n3A {offsets = [1856, 0], sizes = [8, 512], strides = [1, 1]} : vector<4224x512xf32> to vector<8x512xf32>
    %max3A_479 = arith.maximumf %max3A_477, %slice3A_478 : vector<8x512xf32>
    %slice3A_480 = vector.extract_strided_slice %select_n3A {offsets = [1864, 0], sizes = [8, 512], strides = [1, 1]} : vector<4224x512xf32> to vector<8x512xf32>
    %max3A_481 = arith.maximumf %max3A_479, %slice3A_480 : vector<8x512xf32>
    %slice3A_482 = vector.extract_strided_slice %select_n3A {offsets = [1872, 0], sizes = [8, 512], strides = [1, 1]} : vector<4224x512xf32> to vector<8x512xf32>
    %max3A_483 = arith.maximumf %max3A_481, %slice3A_482 : vector<8x512xf32>
    %slice3A_484 = vector.extract_strided_slice %select_n3A {offsets = [1880, 0], sizes = [8, 512], strides = [1, 1]} : vector<4224x512xf32> to vector<8x512xf32>
    %max3A_485 = arith.maximumf %max3A_483, %slice3A_484 : vector<8x512xf32>
    %slice3A_486 = vector.extract_strided_slice %select_n3A {offsets = [1888, 0], sizes = [8, 512], strides = [1, 1]} : vector<4224x512xf32> to vector<8x512xf32>
    %max3A_487 = arith.maximumf %max3A_485, %slice3A_486 : vector<8x512xf32>
    %slice3A_488 = vector.extract_strided_slice %select_n3A {offsets = [1896, 0], sizes = [8, 512], strides = [1, 1]} : vector<4224x512xf32> to vector<8x512xf32>
    %max3A_489 = arith.maximumf %max3A_487, %slice3A_488 : vector<8x512xf32>
    %slice3A_490 = vector.extract_strided_slice %select_n3A {offsets = [1904, 0], sizes = [8, 512], strides = [1, 1]} : vector<4224x512xf32> to vector<8x512xf32>
    %max3A_491 = arith.maximumf %max3A_489, %slice3A_490 : vector<8x512xf32>
    %slice3A_492 = vector.extract_strided_slice %select_n3A {offsets = [1912, 0], sizes = [8, 512], strides = [1, 1]} : vector<4224x512xf32> to vector<8x512xf32>
    %max3A_493 = arith.maximumf %max3A_491, %slice3A_492 : vector<8x512xf32>
    %slice3A_494 = vector.extract_strided_slice %select_n3A {offsets = [1920, 0], sizes = [8, 512], strides = [1, 1]} : vector<4224x512xf32> to vector<8x512xf32>
    %max3A_495 = arith.maximumf %max3A_493, %slice3A_494 : vector<8x512xf32>
    %slice3A_496 = vector.extract_strided_slice %select_n3A {offsets = [1928, 0], sizes = [8, 512], strides = [1, 1]} : vector<4224x512xf32> to vector<8x512xf32>
    %max3A_497 = arith.maximumf %max3A_495, %slice3A_496 : vector<8x512xf32>
    %slice3A_498 = vector.extract_strided_slice %select_n3A {offsets = [1936, 0], sizes = [8, 512], strides = [1, 1]} : vector<4224x512xf32> to vector<8x512xf32>
    %max3A_499 = arith.maximumf %max3A_497, %slice3A_498 : vector<8x512xf32>
    %slice3A_500 = vector.extract_strided_slice %select_n3A {offsets = [1944, 0], sizes = [8, 512], strides = [1, 1]} : vector<4224x512xf32> to vector<8x512xf32>
    %max3A_501 = arith.maximumf %max3A_499, %slice3A_500 : vector<8x512xf32>
    %slice3A_502 = vector.extract_strided_slice %select_n3A {offsets = [1952, 0], sizes = [8, 512], strides = [1, 1]} : vector<4224x512xf32> to vector<8x512xf32>
    %max3A_503 = arith.maximumf %max3A_501, %slice3A_502 : vector<8x512xf32>
    %slice3A_504 = vector.extract_strided_slice %select_n3A {offsets = [1960, 0], sizes = [8, 512], strides = [1, 1]} : vector<4224x512xf32> to vector<8x512xf32>
    %max3A_505 = arith.maximumf %max3A_503, %slice3A_504 : vector<8x512xf32>
    %slice3A_506 = vector.extract_strided_slice %select_n3A {offsets = [1968, 0], sizes = [8, 512], strides = [1, 1]} : vector<4224x512xf32> to vector<8x512xf32>
    %max3A_507 = arith.maximumf %max3A_505, %slice3A_506 : vector<8x512xf32>
    %slice3A_508 = vector.extract_strided_slice %select_n3A {offsets = [1976, 0], sizes = [8, 512], strides = [1, 1]} : vector<4224x512xf32> to vector<8x512xf32>
    %max3A_509 = arith.maximumf %max3A_507, %slice3A_508 : vector<8x512xf32>
    %slice3A_510 = vector.extract_strided_slice %select_n3A {offsets = [1984, 0], sizes = [8, 512], strides = [1, 1]} : vector<4224x512xf32> to vector<8x512xf32>
    %max3A_511 = arith.maximumf %max3A_509, %slice3A_510 : vector<8x512xf32>
    %slice3A_512 = vector.extract_strided_slice %select_n3A {offsets = [1992, 0], sizes = [8, 512], strides = [1, 1]} : vector<4224x512xf32> to vector<8x512xf32>
    %max3A_513 = arith.maximumf %max3A_511, %slice3A_512 : vector<8x512xf32>
    %slice3A_514 = vector.extract_strided_slice %select_n3A {offsets = [2000, 0], sizes = [8, 512], strides = [1, 1]} : vector<4224x512xf32> to vector<8x512xf32>
    %max3A_515 = arith.maximumf %max3A_513, %slice3A_514 : vector<8x512xf32>
    %slice3A_516 = vector.extract_strided_slice %select_n3A {offsets = [2008, 0], sizes = [8, 512], strides = [1, 1]} : vector<4224x512xf32> to vector<8x512xf32>
    %max3A_517 = arith.maximumf %max3A_515, %slice3A_516 : vector<8x512xf32>
    %slice3A_518 = vector.extract_strided_slice %select_n3A {offsets = [2016, 0], sizes = [8, 512], strides = [1, 1]} : vector<4224x512xf32> to vector<8x512xf32>
    %max3A_519 = arith.maximumf %max3A_517, %slice3A_518 : vector<8x512xf32>
    %slice3A_520 = vector.extract_strided_slice %select_n3A {offsets = [2024, 0], sizes = [8, 512], strides = [1, 1]} : vector<4224x512xf32> to vector<8x512xf32>
    %max3A_521 = arith.maximumf %max3A_519, %slice3A_520 : vector<8x512xf32>
    %slice3A_522 = vector.extract_strided_slice %select_n3A {offsets = [2032, 0], sizes = [8, 512], strides = [1, 1]} : vector<4224x512xf32> to vector<8x512xf32>
    %max3A_523 = arith.maximumf %max3A_521, %slice3A_522 : vector<8x512xf32>
    %slice3A_524 = vector.extract_strided_slice %select_n3A {offsets = [2040, 0], sizes = [8, 512], strides = [1, 1]} : vector<4224x512xf32> to vector<8x512xf32>
    %max3A_525 = arith.maximumf %max3A_523, %slice3A_524 : vector<8x512xf32>
    %slice3A_526 = vector.extract_strided_slice %select_n3A {offsets = [2048, 0], sizes = [8, 512], strides = [1, 1]} : vector<4224x512xf32> to vector<8x512xf32>
    %max3A_527 = arith.maximumf %max3A_525, %slice3A_526 : vector<8x512xf32>
    %slice3A_528 = vector.extract_strided_slice %select_n3A {offsets = [2056, 0], sizes = [8, 512], strides = [1, 1]} : vector<4224x512xf32> to vector<8x512xf32>
    %max3A_529 = arith.maximumf %max3A_527, %slice3A_528 : vector<8x512xf32>
    %slice3A_530 = vector.extract_strided_slice %select_n3A {offsets = [2064, 0], sizes = [8, 512], strides = [1, 1]} : vector<4224x512xf32> to vector<8x512xf32>
    %max3A_531 = arith.maximumf %max3A_529, %slice3A_530 : vector<8x512xf32>
    %slice3A_532 = vector.extract_strided_slice %select_n3A {offsets = [2072, 0], sizes = [8, 512], strides = [1, 1]} : vector<4224x512xf32> to vector<8x512xf32>
    %max3A_533 = arith.maximumf %max3A_531, %slice3A_532 : vector<8x512xf32>
    %slice3A_534 = vector.extract_strided_slice %select_n3A {offsets = [2080, 0], sizes = [8, 512], strides = [1, 1]} : vector<4224x512xf32> to vector<8x512xf32>
    %max3A_535 = arith.maximumf %max3A_533, %slice3A_534 : vector<8x512xf32>
    %slice3A_536 = vector.extract_strided_slice %select_n3A {offsets = [2088, 0], sizes = [8, 512], strides = [1, 1]} : vector<4224x512xf32> to vector<8x512xf32>
    %max3A_537 = arith.maximumf %max3A_535, %slice3A_536 : vector<8x512xf32>
    %slice3A_538 = vector.extract_strided_slice %select_n3A {offsets = [2096, 0], sizes = [8, 512], strides = [1, 1]} : vector<4224x512xf32> to vector<8x512xf32>
    %max3A_539 = arith.maximumf %max3A_537, %slice3A_538 : vector<8x512xf32>
    %slice3A_540 = vector.extract_strided_slice %select_n3A {offsets = [2104, 0], sizes = [8, 512], strides = [1, 1]} : vector<4224x512xf32> to vector<8x512xf32>
    %max3A_541 = arith.maximumf %max3A_539, %slice3A_540 : vector<8x512xf32>
    %slice3A_542 = vector.extract_strided_slice %select_n3A {offsets = [2112, 0], sizes = [8, 512], strides = [1, 1]} : vector<4224x512xf32> to vector<8x512xf32>
    %max3A_543 = arith.maximumf %max3A_541, %slice3A_542 : vector<8x512xf32>
    %slice3A_544 = vector.extract_strided_slice %select_n3A {offsets = [2120, 0], sizes = [8, 512], strides = [1, 1]} : vector<4224x512xf32> to vector<8x512xf32>
    %max3A_545 = arith.maximumf %max3A_543, %slice3A_544 : vector<8x512xf32>
    %slice3A_546 = vector.extract_strided_slice %select_n3A {offsets = [2128, 0], sizes = [8, 512], strides = [1, 1]} : vector<4224x512xf32> to vector<8x512xf32>
    %max3A_547 = arith.maximumf %max3A_545, %slice3A_546 : vector<8x512xf32>
    %slice3A_548 = vector.extract_strided_slice %select_n3A {offsets = [2136, 0], sizes = [8, 512], strides = [1, 1]} : vector<4224x512xf32> to vector<8x512xf32>
    %max3A_549 = arith.maximumf %max3A_547, %slice3A_548 : vector<8x512xf32>
    %slice3A_550 = vector.extract_strided_slice %select_n3A {offsets = [2144, 0], sizes = [8, 512], strides = [1, 1]} : vector<4224x512xf32> to vector<8x512xf32>
    %max3A_551 = arith.maximumf %max3A_549, %slice3A_550 : vector<8x512xf32>
    %slice3A_552 = vector.extract_strided_slice %select_n3A {offsets = [2152, 0], sizes = [8, 512], strides = [1, 1]} : vector<4224x512xf32> to vector<8x512xf32>
    %max3A_553 = arith.maximumf %max3A_551, %slice3A_552 : vector<8x512xf32>
    %slice3A_554 = vector.extract_strided_slice %select_n3A {offsets = [2160, 0], sizes = [8, 512], strides = [1, 1]} : vector<4224x512xf32> to vector<8x512xf32>
    %max3A_555 = arith.maximumf %max3A_553, %slice3A_554 : vector<8x512xf32>
    %slice3A_556 = vector.extract_strided_slice %select_n3A {offsets = [2168, 0], sizes = [8, 512], strides = [1, 1]} : vector<4224x512xf32> to vector<8x512xf32>
    %max3A_557 = arith.maximumf %max3A_555, %slice3A_556 : vector<8x512xf32>
    %slice3A_558 = vector.extract_strided_slice %select_n3A {offsets = [2176, 0], sizes = [8, 512], strides = [1, 1]} : vector<4224x512xf32> to vector<8x512xf32>
    %max3A_559 = arith.maximumf %max3A_557, %slice3A_558 : vector<8x512xf32>
    %slice3A_560 = vector.extract_strided_slice %select_n3A {offsets = [2184, 0], sizes = [8, 512], strides = [1, 1]} : vector<4224x512xf32> to vector<8x512xf32>
    %max3A_561 = arith.maximumf %max3A_559, %slice3A_560 : vector<8x512xf32>
    %slice3A_562 = vector.extract_strided_slice %select_n3A {offsets = [2192, 0], sizes = [8, 512], strides = [1, 1]} : vector<4224x512xf32> to vector<8x512xf32>
    %max3A_563 = arith.maximumf %max3A_561, %slice3A_562 : vector<8x512xf32>
    %slice3A_564 = vector.extract_strided_slice %select_n3A {offsets = [2200, 0], sizes = [8, 512], strides = [1, 1]} : vector<4224x512xf32> to vector<8x512xf32>
    %max3A_565 = arith.maximumf %max3A_563, %slice3A_564 : vector<8x512xf32>
    %slice3A_566 = vector.extract_strided_slice %select_n3A {offsets = [2208, 0], sizes = [8, 512], strides = [1, 1]} : vector<4224x512xf32> to vector<8x512xf32>
    %max3A_567 = arith.maximumf %max3A_565, %slice3A_566 : vector<8x512xf32>
    %slice3A_568 = vector.extract_strided_slice %select_n3A {offsets = [2216, 0], sizes = [8, 512], strides = [1, 1]} : vector<4224x512xf32> to vector<8x512xf32>
    %max3A_569 = arith.maximumf %max3A_567, %slice3A_568 : vector<8x512xf32>
    %slice3A_570 = vector.extract_strided_slice %select_n3A {offsets = [2224, 0], sizes = [8, 512], strides = [1, 1]} : vector<4224x512xf32> to vector<8x512xf32>
    %max3A_571 = arith.maximumf %max3A_569, %slice3A_570 : vector<8x512xf32>
    %slice3A_572 = vector.extract_strided_slice %select_n3A {offsets = [2232, 0], sizes = [8, 512], strides = [1, 1]} : vector<4224x512xf32> to vector<8x512xf32>
    %max3A_573 = arith.maximumf %max3A_571, %slice3A_572 : vector<8x512xf32>
    %slice3A_574 = vector.extract_strided_slice %select_n3A {offsets = [2240, 0], sizes = [8, 512], strides = [1, 1]} : vector<4224x512xf32> to vector<8x512xf32>
    %max3A_575 = arith.maximumf %max3A_573, %slice3A_574 : vector<8x512xf32>
    %slice3A_576 = vector.extract_strided_slice %select_n3A {offsets = [2248, 0], sizes = [8, 512], strides = [1, 1]} : vector<4224x512xf32> to vector<8x512xf32>
    %max3A_577 = arith.maximumf %max3A_575, %slice3A_576 : vector<8x512xf32>
    %slice3A_578 = vector.extract_strided_slice %select_n3A {offsets = [2256, 0], sizes = [8, 512], strides = [1, 1]} : vector<4224x512xf32> to vector<8x512xf32>
    %max3A_579 = arith.maximumf %max3A_577, %slice3A_578 : vector<8x512xf32>
    %slice3A_580 = vector.extract_strided_slice %select_n3A {offsets = [2264, 0], sizes = [8, 512], strides = [1, 1]} : vector<4224x512xf32> to vector<8x512xf32>
    %max3A_581 = arith.maximumf %max3A_579, %slice3A_580 : vector<8x512xf32>
    %slice3A_582 = vector.extract_strided_slice %select_n3A {offsets = [2272, 0], sizes = [8, 512], strides = [1, 1]} : vector<4224x512xf32> to vector<8x512xf32>
    %max3A_583 = arith.maximumf %max3A_581, %slice3A_582 : vector<8x512xf32>
    %slice3A_584 = vector.extract_strided_slice %select_n3A {offsets = [2280, 0], sizes = [8, 512], strides = [1, 1]} : vector<4224x512xf32> to vector<8x512xf32>
    %max3A_585 = arith.maximumf %max3A_583, %slice3A_584 : vector<8x512xf32>
    %slice3A_586 = vector.extract_strided_slice %select_n3A {offsets = [2288, 0], sizes = [8, 512], strides = [1, 1]} : vector<4224x512xf32> to vector<8x512xf32>
    %max3A_587 = arith.maximumf %max3A_585, %slice3A_586 : vector<8x512xf32>
    %slice3A_588 = vector.extract_strided_slice %select_n3A {offsets = [2296, 0], sizes = [8, 512], strides = [1, 1]} : vector<4224x512xf32> to vector<8x512xf32>
    %max3A_589 = arith.maximumf %max3A_587, %slice3A_588 : vector<8x512xf32>
    %slice3A_590 = vector.extract_strided_slice %select_n3A {offsets = [2304, 0], sizes = [8, 512], strides = [1, 1]} : vector<4224x512xf32> to vector<8x512xf32>
    %max3A_591 = arith.maximumf %max3A_589, %slice3A_590 : vector<8x512xf32>
    %slice3A_592 = vector.extract_strided_slice %select_n3A {offsets = [2312, 0], sizes = [8, 512], strides = [1, 1]} : vector<4224x512xf32> to vector<8x512xf32>
    %max3A_593 = arith.maximumf %max3A_591, %slice3A_592 : vector<8x512xf32>
    %slice3A_594 = vector.extract_strided_slice %select_n3A {offsets = [2320, 0], sizes = [8, 512], strides = [1, 1]} : vector<4224x512xf32> to vector<8x512xf32>
    %max3A_595 = arith.maximumf %max3A_593, %slice3A_594 : vector<8x512xf32>
    %slice3A_596 = vector.extract_strided_slice %select_n3A {offsets = [2328, 0], sizes = [8, 512], strides = [1, 1]} : vector<4224x512xf32> to vector<8x512xf32>
    %max3A_597 = arith.maximumf %max3A_595, %slice3A_596 : vector<8x512xf32>
    %slice3A_598 = vector.extract_strided_slice %select_n3A {offsets = [2336, 0], sizes = [8, 512], strides = [1, 1]} : vector<4224x512xf32> to vector<8x512xf32>
    %max3A_599 = arith.maximumf %max3A_597, %slice3A_598 : vector<8x512xf32>
    %slice3A_600 = vector.extract_strided_slice %select_n3A {offsets = [2344, 0], sizes = [8, 512], strides = [1, 1]} : vector<4224x512xf32> to vector<8x512xf32>
    %max3A_601 = arith.maximumf %max3A_599, %slice3A_600 : vector<8x512xf32>
    %slice3A_602 = vector.extract_strided_slice %select_n3A {offsets = [2352, 0], sizes = [8, 512], strides = [1, 1]} : vector<4224x512xf32> to vector<8x512xf32>
    %max3A_603 = arith.maximumf %max3A_601, %slice3A_602 : vector<8x512xf32>
    %slice3A_604 = vector.extract_strided_slice %select_n3A {offsets = [2360, 0], sizes = [8, 512], strides = [1, 1]} : vector<4224x512xf32> to vector<8x512xf32>
    %max3A_605 = arith.maximumf %max3A_603, %slice3A_604 : vector<8x512xf32>
    %slice3A_606 = vector.extract_strided_slice %select_n3A {offsets = [2368, 0], sizes = [8, 512], strides = [1, 1]} : vector<4224x512xf32> to vector<8x512xf32>
    %max3A_607 = arith.maximumf %max3A_605, %slice3A_606 : vector<8x512xf32>
    %slice3A_608 = vector.extract_strided_slice %select_n3A {offsets = [2376, 0], sizes = [8, 512], strides = [1, 1]} : vector<4224x512xf32> to vector<8x512xf32>
    %max3A_609 = arith.maximumf %max3A_607, %slice3A_608 : vector<8x512xf32>
    %slice3A_610 = vector.extract_strided_slice %select_n3A {offsets = [2384, 0], sizes = [8, 512], strides = [1, 1]} : vector<4224x512xf32> to vector<8x512xf32>
    %max3A_611 = arith.maximumf %max3A_609, %slice3A_610 : vector<8x512xf32>
    %slice3A_612 = vector.extract_strided_slice %select_n3A {offsets = [2392, 0], sizes = [8, 512], strides = [1, 1]} : vector<4224x512xf32> to vector<8x512xf32>
    %max3A_613 = arith.maximumf %max3A_611, %slice3A_612 : vector<8x512xf32>
    %slice3A_614 = vector.extract_strided_slice %select_n3A {offsets = [2400, 0], sizes = [8, 512], strides = [1, 1]} : vector<4224x512xf32> to vector<8x512xf32>
    %max3A_615 = arith.maximumf %max3A_613, %slice3A_614 : vector<8x512xf32>
    %slice3A_616 = vector.extract_strided_slice %select_n3A {offsets = [2408, 0], sizes = [8, 512], strides = [1, 1]} : vector<4224x512xf32> to vector<8x512xf32>
    %max3A_617 = arith.maximumf %max3A_615, %slice3A_616 : vector<8x512xf32>
    %slice3A_618 = vector.extract_strided_slice %select_n3A {offsets = [2416, 0], sizes = [8, 512], strides = [1, 1]} : vector<4224x512xf32> to vector<8x512xf32>
    %max3A_619 = arith.maximumf %max3A_617, %slice3A_618 : vector<8x512xf32>
    %slice3A_620 = vector.extract_strided_slice %select_n3A {offsets = [2424, 0], sizes = [8, 512], strides = [1, 1]} : vector<4224x512xf32> to vector<8x512xf32>
    %max3A_621 = arith.maximumf %max3A_619, %slice3A_620 : vector<8x512xf32>
    %slice3A_622 = vector.extract_strided_slice %select_n3A {offsets = [2432, 0], sizes = [8, 512], strides = [1, 1]} : vector<4224x512xf32> to vector<8x512xf32>
    %max3A_623 = arith.maximumf %max3A_621, %slice3A_622 : vector<8x512xf32>
    %slice3A_624 = vector.extract_strided_slice %select_n3A {offsets = [2440, 0], sizes = [8, 512], strides = [1, 1]} : vector<4224x512xf32> to vector<8x512xf32>
    %max3A_625 = arith.maximumf %max3A_623, %slice3A_624 : vector<8x512xf32>
    %slice3A_626 = vector.extract_strided_slice %select_n3A {offsets = [2448, 0], sizes = [8, 512], strides = [1, 1]} : vector<4224x512xf32> to vector<8x512xf32>
    %max3A_627 = arith.maximumf %max3A_625, %slice3A_626 : vector<8x512xf32>
    %slice3A_628 = vector.extract_strided_slice %select_n3A {offsets = [2456, 0], sizes = [8, 512], strides = [1, 1]} : vector<4224x512xf32> to vector<8x512xf32>
    %max3A_629 = arith.maximumf %max3A_627, %slice3A_628 : vector<8x512xf32>
    %slice3A_630 = vector.extract_strided_slice %select_n3A {offsets = [2464, 0], sizes = [8, 512], strides = [1, 1]} : vector<4224x512xf32> to vector<8x512xf32>
    %max3A_631 = arith.maximumf %max3A_629, %slice3A_630 : vector<8x512xf32>
    %slice3A_632 = vector.extract_strided_slice %select_n3A {offsets = [2472, 0], sizes = [8, 512], strides = [1, 1]} : vector<4224x512xf32> to vector<8x512xf32>
    %max3A_633 = arith.maximumf %max3A_631, %slice3A_632 : vector<8x512xf32>
    %slice3A_634 = vector.extract_strided_slice %select_n3A {offsets = [2480, 0], sizes = [8, 512], strides = [1, 1]} : vector<4224x512xf32> to vector<8x512xf32>
    %max3A_635 = arith.maximumf %max3A_633, %slice3A_634 : vector<8x512xf32>
    %slice3A_636 = vector.extract_strided_slice %select_n3A {offsets = [2488, 0], sizes = [8, 512], strides = [1, 1]} : vector<4224x512xf32> to vector<8x512xf32>
    %max3A_637 = arith.maximumf %max3A_635, %slice3A_636 : vector<8x512xf32>
    %slice3A_638 = vector.extract_strided_slice %select_n3A {offsets = [2496, 0], sizes = [8, 512], strides = [1, 1]} : vector<4224x512xf32> to vector<8x512xf32>
    %max3A_639 = arith.maximumf %max3A_637, %slice3A_638 : vector<8x512xf32>
    %slice3A_640 = vector.extract_strided_slice %select_n3A {offsets = [2504, 0], sizes = [8, 512], strides = [1, 1]} : vector<4224x512xf32> to vector<8x512xf32>
    %max3A_641 = arith.maximumf %max3A_639, %slice3A_640 : vector<8x512xf32>
    %slice3A_642 = vector.extract_strided_slice %select_n3A {offsets = [2512, 0], sizes = [8, 512], strides = [1, 1]} : vector<4224x512xf32> to vector<8x512xf32>
    %max3A_643 = arith.maximumf %max3A_641, %slice3A_642 : vector<8x512xf32>
    %slice3A_644 = vector.extract_strided_slice %select_n3A {offsets = [2520, 0], sizes = [8, 512], strides = [1, 1]} : vector<4224x512xf32> to vector<8x512xf32>
    %max3A_645 = arith.maximumf %max3A_643, %slice3A_644 : vector<8x512xf32>
    %slice3A_646 = vector.extract_strided_slice %select_n3A {offsets = [2528, 0], sizes = [8, 512], strides = [1, 1]} : vector<4224x512xf32> to vector<8x512xf32>
    %max3A_647 = arith.maximumf %max3A_645, %slice3A_646 : vector<8x512xf32>
    %slice3A_648 = vector.extract_strided_slice %select_n3A {offsets = [2536, 0], sizes = [8, 512], strides = [1, 1]} : vector<4224x512xf32> to vector<8x512xf32>
    %max3A_649 = arith.maximumf %max3A_647, %slice3A_648 : vector<8x512xf32>
    %slice3A_650 = vector.extract_strided_slice %select_n3A {offsets = [2544, 0], sizes = [8, 512], strides = [1, 1]} : vector<4224x512xf32> to vector<8x512xf32>
    %max3A_651 = arith.maximumf %max3A_649, %slice3A_650 : vector<8x512xf32>
    %slice3A_652 = vector.extract_strided_slice %select_n3A {offsets = [2552, 0], sizes = [8, 512], strides = [1, 1]} : vector<4224x512xf32> to vector<8x512xf32>
    %max3A_653 = arith.maximumf %max3A_651, %slice3A_652 : vector<8x512xf32>
    %slice3A_654 = vector.extract_strided_slice %select_n3A {offsets = [2560, 0], sizes = [8, 512], strides = [1, 1]} : vector<4224x512xf32> to vector<8x512xf32>
    %max3A_655 = arith.maximumf %max3A_653, %slice3A_654 : vector<8x512xf32>
    %slice3A_656 = vector.extract_strided_slice %select_n3A {offsets = [2568, 0], sizes = [8, 512], strides = [1, 1]} : vector<4224x512xf32> to vector<8x512xf32>
    %max3A_657 = arith.maximumf %max3A_655, %slice3A_656 : vector<8x512xf32>
    %slice3A_658 = vector.extract_strided_slice %select_n3A {offsets = [2576, 0], sizes = [8, 512], strides = [1, 1]} : vector<4224x512xf32> to vector<8x512xf32>
    %max3A_659 = arith.maximumf %max3A_657, %slice3A_658 : vector<8x512xf32>
    %slice3A_660 = vector.extract_strided_slice %select_n3A {offsets = [2584, 0], sizes = [8, 512], strides = [1, 1]} : vector<4224x512xf32> to vector<8x512xf32>
    %max3A_661 = arith.maximumf %max3A_659, %slice3A_660 : vector<8x512xf32>
    %slice3A_662 = vector.extract_strided_slice %select_n3A {offsets = [2592, 0], sizes = [8, 512], strides = [1, 1]} : vector<4224x512xf32> to vector<8x512xf32>
    %max3A_663 = arith.maximumf %max3A_661, %slice3A_662 : vector<8x512xf32>
    %slice3A_664 = vector.extract_strided_slice %select_n3A {offsets = [2600, 0], sizes = [8, 512], strides = [1, 1]} : vector<4224x512xf32> to vector<8x512xf32>
    %max3A_665 = arith.maximumf %max3A_663, %slice3A_664 : vector<8x512xf32>
    %slice3A_666 = vector.extract_strided_slice %select_n3A {offsets = [2608, 0], sizes = [8, 512], strides = [1, 1]} : vector<4224x512xf32> to vector<8x512xf32>
    %max3A_667 = arith.maximumf %max3A_665, %slice3A_666 : vector<8x512xf32>
    %slice3A_668 = vector.extract_strided_slice %select_n3A {offsets = [2616, 0], sizes = [8, 512], strides = [1, 1]} : vector<4224x512xf32> to vector<8x512xf32>
    %max3A_669 = arith.maximumf %max3A_667, %slice3A_668 : vector<8x512xf32>
    %slice3A_670 = vector.extract_strided_slice %select_n3A {offsets = [2624, 0], sizes = [8, 512], strides = [1, 1]} : vector<4224x512xf32> to vector<8x512xf32>
    %max3A_671 = arith.maximumf %max3A_669, %slice3A_670 : vector<8x512xf32>
    %slice3A_672 = vector.extract_strided_slice %select_n3A {offsets = [2632, 0], sizes = [8, 512], strides = [1, 1]} : vector<4224x512xf32> to vector<8x512xf32>
    %max3A_673 = arith.maximumf %max3A_671, %slice3A_672 : vector<8x512xf32>
    %slice3A_674 = vector.extract_strided_slice %select_n3A {offsets = [2640, 0], sizes = [8, 512], strides = [1, 1]} : vector<4224x512xf32> to vector<8x512xf32>
    %max3A_675 = arith.maximumf %max3A_673, %slice3A_674 : vector<8x512xf32>
    %slice3A_676 = vector.extract_strided_slice %select_n3A {offsets = [2648, 0], sizes = [8, 512], strides = [1, 1]} : vector<4224x512xf32> to vector<8x512xf32>
    %max3A_677 = arith.maximumf %max3A_675, %slice3A_676 : vector<8x512xf32>
    %slice3A_678 = vector.extract_strided_slice %select_n3A {offsets = [2656, 0], sizes = [8, 512], strides = [1, 1]} : vector<4224x512xf32> to vector<8x512xf32>
    %max3A_679 = arith.maximumf %max3A_677, %slice3A_678 : vector<8x512xf32>
    %slice3A_680 = vector.extract_strided_slice %select_n3A {offsets = [2664, 0], sizes = [8, 512], strides = [1, 1]} : vector<4224x512xf32> to vector<8x512xf32>
    %max3A_681 = arith.maximumf %max3A_679, %slice3A_680 : vector<8x512xf32>
    %slice3A_682 = vector.extract_strided_slice %select_n3A {offsets = [2672, 0], sizes = [8, 512], strides = [1, 1]} : vector<4224x512xf32> to vector<8x512xf32>
    %max3A_683 = arith.maximumf %max3A_681, %slice3A_682 : vector<8x512xf32>
    %slice3A_684 = vector.extract_strided_slice %select_n3A {offsets = [2680, 0], sizes = [8, 512], strides = [1, 1]} : vector<4224x512xf32> to vector<8x512xf32>
    %max3A_685 = arith.maximumf %max3A_683, %slice3A_684 : vector<8x512xf32>
    %slice3A_686 = vector.extract_strided_slice %select_n3A {offsets = [2688, 0], sizes = [8, 512], strides = [1, 1]} : vector<4224x512xf32> to vector<8x512xf32>
    %max3A_687 = arith.maximumf %max3A_685, %slice3A_686 : vector<8x512xf32>
    %slice3A_688 = vector.extract_strided_slice %select_n3A {offsets = [2696, 0], sizes = [8, 512], strides = [1, 1]} : vector<4224x512xf32> to vector<8x512xf32>
    %max3A_689 = arith.maximumf %max3A_687, %slice3A_688 : vector<8x512xf32>
    %slice3A_690 = vector.extract_strided_slice %select_n3A {offsets = [2704, 0], sizes = [8, 512], strides = [1, 1]} : vector<4224x512xf32> to vector<8x512xf32>
    %max3A_691 = arith.maximumf %max3A_689, %slice3A_690 : vector<8x512xf32>
    %slice3A_692 = vector.extract_strided_slice %select_n3A {offsets = [2712, 0], sizes = [8, 512], strides = [1, 1]} : vector<4224x512xf32> to vector<8x512xf32>
    %max3A_693 = arith.maximumf %max3A_691, %slice3A_692 : vector<8x512xf32>
    %slice3A_694 = vector.extract_strided_slice %select_n3A {offsets = [2720, 0], sizes = [8, 512], strides = [1, 1]} : vector<4224x512xf32> to vector<8x512xf32>
    %max3A_695 = arith.maximumf %max3A_693, %slice3A_694 : vector<8x512xf32>
    %slice3A_696 = vector.extract_strided_slice %select_n3A {offsets = [2728, 0], sizes = [8, 512], strides = [1, 1]} : vector<4224x512xf32> to vector<8x512xf32>
    %max3A_697 = arith.maximumf %max3A_695, %slice3A_696 : vector<8x512xf32>
    %slice3A_698 = vector.extract_strided_slice %select_n3A {offsets = [2736, 0], sizes = [8, 512], strides = [1, 1]} : vector<4224x512xf32> to vector<8x512xf32>
    %max3A_699 = arith.maximumf %max3A_697, %slice3A_698 : vector<8x512xf32>
    %slice3A_700 = vector.extract_strided_slice %select_n3A {offsets = [2744, 0], sizes = [8, 512], strides = [1, 1]} : vector<4224x512xf32> to vector<8x512xf32>
    %max3A_701 = arith.maximumf %max3A_699, %slice3A_700 : vector<8x512xf32>
    %slice3A_702 = vector.extract_strided_slice %select_n3A {offsets = [2752, 0], sizes = [8, 512], strides = [1, 1]} : vector<4224x512xf32> to vector<8x512xf32>
    %max3A_703 = arith.maximumf %max3A_701, %slice3A_702 : vector<8x512xf32>
    %slice3A_704 = vector.extract_strided_slice %select_n3A {offsets = [2760, 0], sizes = [8, 512], strides = [1, 1]} : vector<4224x512xf32> to vector<8x512xf32>
    %max3A_705 = arith.maximumf %max3A_703, %slice3A_704 : vector<8x512xf32>
    %slice3A_706 = vector.extract_strided_slice %select_n3A {offsets = [2768, 0], sizes = [8, 512], strides = [1, 1]} : vector<4224x512xf32> to vector<8x512xf32>
    %max3A_707 = arith.maximumf %max3A_705, %slice3A_706 : vector<8x512xf32>
    %slice3A_708 = vector.extract_strided_slice %select_n3A {offsets = [2776, 0], sizes = [8, 512], strides = [1, 1]} : vector<4224x512xf32> to vector<8x512xf32>
    %max3A_709 = arith.maximumf %max3A_707, %slice3A_708 : vector<8x512xf32>
    %slice3A_710 = vector.extract_strided_slice %select_n3A {offsets = [2784, 0], sizes = [8, 512], strides = [1, 1]} : vector<4224x512xf32> to vector<8x512xf32>
    %max3A_711 = arith.maximumf %max3A_709, %slice3A_710 : vector<8x512xf32>
    %slice3A_712 = vector.extract_strided_slice %select_n3A {offsets = [2792, 0], sizes = [8, 512], strides = [1, 1]} : vector<4224x512xf32> to vector<8x512xf32>
    %max3A_713 = arith.maximumf %max3A_711, %slice3A_712 : vector<8x512xf32>
    %slice3A_714 = vector.extract_strided_slice %select_n3A {offsets = [2800, 0], sizes = [8, 512], strides = [1, 1]} : vector<4224x512xf32> to vector<8x512xf32>
    %max3A_715 = arith.maximumf %max3A_713, %slice3A_714 : vector<8x512xf32>
    %slice3A_716 = vector.extract_strided_slice %select_n3A {offsets = [2808, 0], sizes = [8, 512], strides = [1, 1]} : vector<4224x512xf32> to vector<8x512xf32>
    %max3A_717 = arith.maximumf %max3A_715, %slice3A_716 : vector<8x512xf32>
    %slice3A_718 = vector.extract_strided_slice %select_n3A {offsets = [2816, 0], sizes = [8, 512], strides = [1, 1]} : vector<4224x512xf32> to vector<8x512xf32>
    %max3A_719 = arith.maximumf %max3A_717, %slice3A_718 : vector<8x512xf32>
    %slice3A_720 = vector.extract_strided_slice %select_n3A {offsets = [2824, 0], sizes = [8, 512], strides = [1, 1]} : vector<4224x512xf32> to vector<8x512xf32>
    %max3A_721 = arith.maximumf %max3A_719, %slice3A_720 : vector<8x512xf32>
    %slice3A_722 = vector.extract_strided_slice %select_n3A {offsets = [2832, 0], sizes = [8, 512], strides = [1, 1]} : vector<4224x512xf32> to vector<8x512xf32>
    %max3A_723 = arith.maximumf %max3A_721, %slice3A_722 : vector<8x512xf32>
    %slice3A_724 = vector.extract_strided_slice %select_n3A {offsets = [2840, 0], sizes = [8, 512], strides = [1, 1]} : vector<4224x512xf32> to vector<8x512xf32>
    %max3A_725 = arith.maximumf %max3A_723, %slice3A_724 : vector<8x512xf32>
    %slice3A_726 = vector.extract_strided_slice %select_n3A {offsets = [2848, 0], sizes = [8, 512], strides = [1, 1]} : vector<4224x512xf32> to vector<8x512xf32>
    %max3A_727 = arith.maximumf %max3A_725, %slice3A_726 : vector<8x512xf32>
    %slice3A_728 = vector.extract_strided_slice %select_n3A {offsets = [2856, 0], sizes = [8, 512], strides = [1, 1]} : vector<4224x512xf32> to vector<8x512xf32>
    %max3A_729 = arith.maximumf %max3A_727, %slice3A_728 : vector<8x512xf32>
    %slice3A_730 = vector.extract_strided_slice %select_n3A {offsets = [2864, 0], sizes = [8, 512], strides = [1, 1]} : vector<4224x512xf32> to vector<8x512xf32>
    %max3A_731 = arith.maximumf %max3A_729, %slice3A_730 : vector<8x512xf32>
    %slice3A_732 = vector.extract_strided_slice %select_n3A {offsets = [2872, 0], sizes = [8, 512], strides = [1, 1]} : vector<4224x512xf32> to vector<8x512xf32>
    %max3A_733 = arith.maximumf %max3A_731, %slice3A_732 : vector<8x512xf32>
    %slice3A_734 = vector.extract_strided_slice %select_n3A {offsets = [2880, 0], sizes = [8, 512], strides = [1, 1]} : vector<4224x512xf32> to vector<8x512xf32>
    %max3A_735 = arith.maximumf %max3A_733, %slice3A_734 : vector<8x512xf32>
    %slice3A_736 = vector.extract_strided_slice %select_n3A {offsets = [2888, 0], sizes = [8, 512], strides = [1, 1]} : vector<4224x512xf32> to vector<8x512xf32>
    %max3A_737 = arith.maximumf %max3A_735, %slice3A_736 : vector<8x512xf32>
    %slice3A_738 = vector.extract_strided_slice %select_n3A {offsets = [2896, 0], sizes = [8, 512], strides = [1, 1]} : vector<4224x512xf32> to vector<8x512xf32>
    %max3A_739 = arith.maximumf %max3A_737, %slice3A_738 : vector<8x512xf32>
    %slice3A_740 = vector.extract_strided_slice %select_n3A {offsets = [2904, 0], sizes = [8, 512], strides = [1, 1]} : vector<4224x512xf32> to vector<8x512xf32>
    %max3A_741 = arith.maximumf %max3A_739, %slice3A_740 : vector<8x512xf32>
    %slice3A_742 = vector.extract_strided_slice %select_n3A {offsets = [2912, 0], sizes = [8, 512], strides = [1, 1]} : vector<4224x512xf32> to vector<8x512xf32>
    %max3A_743 = arith.maximumf %max3A_741, %slice3A_742 : vector<8x512xf32>
    %slice3A_744 = vector.extract_strided_slice %select_n3A {offsets = [2920, 0], sizes = [8, 512], strides = [1, 1]} : vector<4224x512xf32> to vector<8x512xf32>
    %max3A_745 = arith.maximumf %max3A_743, %slice3A_744 : vector<8x512xf32>
    %slice3A_746 = vector.extract_strided_slice %select_n3A {offsets = [2928, 0], sizes = [8, 512], strides = [1, 1]} : vector<4224x512xf32> to vector<8x512xf32>
    %max3A_747 = arith.maximumf %max3A_745, %slice3A_746 : vector<8x512xf32>
    %slice3A_748 = vector.extract_strided_slice %select_n3A {offsets = [2936, 0], sizes = [8, 512], strides = [1, 1]} : vector<4224x512xf32> to vector<8x512xf32>
    %max3A_749 = arith.maximumf %max3A_747, %slice3A_748 : vector<8x512xf32>
    %slice3A_750 = vector.extract_strided_slice %select_n3A {offsets = [2944, 0], sizes = [8, 512], strides = [1, 1]} : vector<4224x512xf32> to vector<8x512xf32>
    %max3A_751 = arith.maximumf %max3A_749, %slice3A_750 : vector<8x512xf32>
    %slice3A_752 = vector.extract_strided_slice %select_n3A {offsets = [2952, 0], sizes = [8, 512], strides = [1, 1]} : vector<4224x512xf32> to vector<8x512xf32>
    %max3A_753 = arith.maximumf %max3A_751, %slice3A_752 : vector<8x512xf32>
    %slice3A_754 = vector.extract_strided_slice %select_n3A {offsets = [2960, 0], sizes = [8, 512], strides = [1, 1]} : vector<4224x512xf32> to vector<8x512xf32>
    %max3A_755 = arith.maximumf %max3A_753, %slice3A_754 : vector<8x512xf32>
    %slice3A_756 = vector.extract_strided_slice %select_n3A {offsets = [2968, 0], sizes = [8, 512], strides = [1, 1]} : vector<4224x512xf32> to vector<8x512xf32>
    %max3A_757 = arith.maximumf %max3A_755, %slice3A_756 : vector<8x512xf32>
    %slice3A_758 = vector.extract_strided_slice %select_n3A {offsets = [2976, 0], sizes = [8, 512], strides = [1, 1]} : vector<4224x512xf32> to vector<8x512xf32>
    %max3A_759 = arith.maximumf %max3A_757, %slice3A_758 : vector<8x512xf32>
    %slice3A_760 = vector.extract_strided_slice %select_n3A {offsets = [2984, 0], sizes = [8, 512], strides = [1, 1]} : vector<4224x512xf32> to vector<8x512xf32>
    %max3A_761 = arith.maximumf %max3A_759, %slice3A_760 : vector<8x512xf32>
    %slice3A_762 = vector.extract_strided_slice %select_n3A {offsets = [2992, 0], sizes = [8, 512], strides = [1, 1]} : vector<4224x512xf32> to vector<8x512xf32>
    %max3A_763 = arith.maximumf %max3A_761, %slice3A_762 : vector<8x512xf32>
    %slice3A_764 = vector.extract_strided_slice %select_n3A {offsets = [3000, 0], sizes = [8, 512], strides = [1, 1]} : vector<4224x512xf32> to vector<8x512xf32>
    %max3A_765 = arith.maximumf %max3A_763, %slice3A_764 : vector<8x512xf32>
    %slice3A_766 = vector.extract_strided_slice %select_n3A {offsets = [3008, 0], sizes = [8, 512], strides = [1, 1]} : vector<4224x512xf32> to vector<8x512xf32>
    %max3A_767 = arith.maximumf %max3A_765, %slice3A_766 : vector<8x512xf32>
    %slice3A_768 = vector.extract_strided_slice %select_n3A {offsets = [3016, 0], sizes = [8, 512], strides = [1, 1]} : vector<4224x512xf32> to vector<8x512xf32>
    %max3A_769 = arith.maximumf %max3A_767, %slice3A_768 : vector<8x512xf32>
    %slice3A_770 = vector.extract_strided_slice %select_n3A {offsets = [3024, 0], sizes = [8, 512], strides = [1, 1]} : vector<4224x512xf32> to vector<8x512xf32>
    %max3A_771 = arith.maximumf %max3A_769, %slice3A_770 : vector<8x512xf32>
    %slice3A_772 = vector.extract_strided_slice %select_n3A {offsets = [3032, 0], sizes = [8, 512], strides = [1, 1]} : vector<4224x512xf32> to vector<8x512xf32>
    %max3A_773 = arith.maximumf %max3A_771, %slice3A_772 : vector<8x512xf32>
    %slice3A_774 = vector.extract_strided_slice %select_n3A {offsets = [3040, 0], sizes = [8, 512], strides = [1, 1]} : vector<4224x512xf32> to vector<8x512xf32>
    %max3A_775 = arith.maximumf %max3A_773, %slice3A_774 : vector<8x512xf32>
    %slice3A_776 = vector.extract_strided_slice %select_n3A {offsets = [3048, 0], sizes = [8, 512], strides = [1, 1]} : vector<4224x512xf32> to vector<8x512xf32>
    %max3A_777 = arith.maximumf %max3A_775, %slice3A_776 : vector<8x512xf32>
    %slice3A_778 = vector.extract_strided_slice %select_n3A {offsets = [3056, 0], sizes = [8, 512], strides = [1, 1]} : vector<4224x512xf32> to vector<8x512xf32>
    %max3A_779 = arith.maximumf %max3A_777, %slice3A_778 : vector<8x512xf32>
    %slice3A_780 = vector.extract_strided_slice %select_n3A {offsets = [3064, 0], sizes = [8, 512], strides = [1, 1]} : vector<4224x512xf32> to vector<8x512xf32>
    %max3A_781 = arith.maximumf %max3A_779, %slice3A_780 : vector<8x512xf32>
    %slice3A_782 = vector.extract_strided_slice %select_n3A {offsets = [3072, 0], sizes = [8, 512], strides = [1, 1]} : vector<4224x512xf32> to vector<8x512xf32>
    %max3A_783 = arith.maximumf %max3A_781, %slice3A_782 : vector<8x512xf32>
    %slice3A_784 = vector.extract_strided_slice %select_n3A {offsets = [3080, 0], sizes = [8, 512], strides = [1, 1]} : vector<4224x512xf32> to vector<8x512xf32>
    %max3A_785 = arith.maximumf %max3A_783, %slice3A_784 : vector<8x512xf32>
    %slice3A_786 = vector.extract_strided_slice %select_n3A {offsets = [3088, 0], sizes = [8, 512], strides = [1, 1]} : vector<4224x512xf32> to vector<8x512xf32>
    %max3A_787 = arith.maximumf %max3A_785, %slice3A_786 : vector<8x512xf32>
    %slice3A_788 = vector.extract_strided_slice %select_n3A {offsets = [3096, 0], sizes = [8, 512], strides = [1, 1]} : vector<4224x512xf32> to vector<8x512xf32>
    %max3A_789 = arith.maximumf %max3A_787, %slice3A_788 : vector<8x512xf32>
    %slice3A_790 = vector.extract_strided_slice %select_n3A {offsets = [3104, 0], sizes = [8, 512], strides = [1, 1]} : vector<4224x512xf32> to vector<8x512xf32>
    %max3A_791 = arith.maximumf %max3A_789, %slice3A_790 : vector<8x512xf32>
    %slice3A_792 = vector.extract_strided_slice %select_n3A {offsets = [3112, 0], sizes = [8, 512], strides = [1, 1]} : vector<4224x512xf32> to vector<8x512xf32>
    %max3A_793 = arith.maximumf %max3A_791, %slice3A_792 : vector<8x512xf32>
    %slice3A_794 = vector.extract_strided_slice %select_n3A {offsets = [3120, 0], sizes = [8, 512], strides = [1, 1]} : vector<4224x512xf32> to vector<8x512xf32>
    %max3A_795 = arith.maximumf %max3A_793, %slice3A_794 : vector<8x512xf32>
    %slice3A_796 = vector.extract_strided_slice %select_n3A {offsets = [3128, 0], sizes = [8, 512], strides = [1, 1]} : vector<4224x512xf32> to vector<8x512xf32>
    %max3A_797 = arith.maximumf %max3A_795, %slice3A_796 : vector<8x512xf32>
    %slice3A_798 = vector.extract_strided_slice %select_n3A {offsets = [3136, 0], sizes = [8, 512], strides = [1, 1]} : vector<4224x512xf32> to vector<8x512xf32>
    %max3A_799 = arith.maximumf %max3A_797, %slice3A_798 : vector<8x512xf32>
    %slice3A_800 = vector.extract_strided_slice %select_n3A {offsets = [3144, 0], sizes = [8, 512], strides = [1, 1]} : vector<4224x512xf32> to vector<8x512xf32>
    %max3A_801 = arith.maximumf %max3A_799, %slice3A_800 : vector<8x512xf32>
    %slice3A_802 = vector.extract_strided_slice %select_n3A {offsets = [3152, 0], sizes = [8, 512], strides = [1, 1]} : vector<4224x512xf32> to vector<8x512xf32>
    %max3A_803 = arith.maximumf %max3A_801, %slice3A_802 : vector<8x512xf32>
    %slice3A_804 = vector.extract_strided_slice %select_n3A {offsets = [3160, 0], sizes = [8, 512], strides = [1, 1]} : vector<4224x512xf32> to vector<8x512xf32>
    %max3A_805 = arith.maximumf %max3A_803, %slice3A_804 : vector<8x512xf32>
    %slice3A_806 = vector.extract_strided_slice %select_n3A {offsets = [3168, 0], sizes = [8, 512], strides = [1, 1]} : vector<4224x512xf32> to vector<8x512xf32>
    %max3A_807 = arith.maximumf %max3A_805, %slice3A_806 : vector<8x512xf32>
    %slice3A_808 = vector.extract_strided_slice %select_n3A {offsets = [3176, 0], sizes = [8, 512], strides = [1, 1]} : vector<4224x512xf32> to vector<8x512xf32>
    %max3A_809 = arith.maximumf %max3A_807, %slice3A_808 : vector<8x512xf32>
    %slice3A_810 = vector.extract_strided_slice %select_n3A {offsets = [3184, 0], sizes = [8, 512], strides = [1, 1]} : vector<4224x512xf32> to vector<8x512xf32>
    %max3A_811 = arith.maximumf %max3A_809, %slice3A_810 : vector<8x512xf32>
    %slice3A_812 = vector.extract_strided_slice %select_n3A {offsets = [3192, 0], sizes = [8, 512], strides = [1, 1]} : vector<4224x512xf32> to vector<8x512xf32>
    %max3A_813 = arith.maximumf %max3A_811, %slice3A_812 : vector<8x512xf32>
    %slice3A_814 = vector.extract_strided_slice %select_n3A {offsets = [3200, 0], sizes = [8, 512], strides = [1, 1]} : vector<4224x512xf32> to vector<8x512xf32>
    %max3A_815 = arith.maximumf %max3A_813, %slice3A_814 : vector<8x512xf32>
    %slice3A_816 = vector.extract_strided_slice %select_n3A {offsets = [3208, 0], sizes = [8, 512], strides = [1, 1]} : vector<4224x512xf32> to vector<8x512xf32>
    %max3A_817 = arith.maximumf %max3A_815, %slice3A_816 : vector<8x512xf32>
    %slice3A_818 = vector.extract_strided_slice %select_n3A {offsets = [3216, 0], sizes = [8, 512], strides = [1, 1]} : vector<4224x512xf32> to vector<8x512xf32>
    %max3A_819 = arith.maximumf %max3A_817, %slice3A_818 : vector<8x512xf32>
    %slice3A_820 = vector.extract_strided_slice %select_n3A {offsets = [3224, 0], sizes = [8, 512], strides = [1, 1]} : vector<4224x512xf32> to vector<8x512xf32>
    %max3A_821 = arith.maximumf %max3A_819, %slice3A_820 : vector<8x512xf32>
    %slice3A_822 = vector.extract_strided_slice %select_n3A {offsets = [3232, 0], sizes = [8, 512], strides = [1, 1]} : vector<4224x512xf32> to vector<8x512xf32>
    %max3A_823 = arith.maximumf %max3A_821, %slice3A_822 : vector<8x512xf32>
    %slice3A_824 = vector.extract_strided_slice %select_n3A {offsets = [3240, 0], sizes = [8, 512], strides = [1, 1]} : vector<4224x512xf32> to vector<8x512xf32>
    %max3A_825 = arith.maximumf %max3A_823, %slice3A_824 : vector<8x512xf32>
    %slice3A_826 = vector.extract_strided_slice %select_n3A {offsets = [3248, 0], sizes = [8, 512], strides = [1, 1]} : vector<4224x512xf32> to vector<8x512xf32>
    %max3A_827 = arith.maximumf %max3A_825, %slice3A_826 : vector<8x512xf32>
    %slice3A_828 = vector.extract_strided_slice %select_n3A {offsets = [3256, 0], sizes = [8, 512], strides = [1, 1]} : vector<4224x512xf32> to vector<8x512xf32>
    %max3A_829 = arith.maximumf %max3A_827, %slice3A_828 : vector<8x512xf32>
    %slice3A_830 = vector.extract_strided_slice %select_n3A {offsets = [3264, 0], sizes = [8, 512], strides = [1, 1]} : vector<4224x512xf32> to vector<8x512xf32>
    %max3A_831 = arith.maximumf %max3A_829, %slice3A_830 : vector<8x512xf32>
    %slice3A_832 = vector.extract_strided_slice %select_n3A {offsets = [3272, 0], sizes = [8, 512], strides = [1, 1]} : vector<4224x512xf32> to vector<8x512xf32>
    %max3A_833 = arith.maximumf %max3A_831, %slice3A_832 : vector<8x512xf32>
    %slice3A_834 = vector.extract_strided_slice %select_n3A {offsets = [3280, 0], sizes = [8, 512], strides = [1, 1]} : vector<4224x512xf32> to vector<8x512xf32>
    %max3A_835 = arith.maximumf %max3A_833, %slice3A_834 : vector<8x512xf32>
    %slice3A_836 = vector.extract_strided_slice %select_n3A {offsets = [3288, 0], sizes = [8, 512], strides = [1, 1]} : vector<4224x512xf32> to vector<8x512xf32>
    %max3A_837 = arith.maximumf %max3A_835, %slice3A_836 : vector<8x512xf32>
    %slice3A_838 = vector.extract_strided_slice %select_n3A {offsets = [3296, 0], sizes = [8, 512], strides = [1, 1]} : vector<4224x512xf32> to vector<8x512xf32>
    %max3A_839 = arith.maximumf %max3A_837, %slice3A_838 : vector<8x512xf32>
    %slice3A_840 = vector.extract_strided_slice %select_n3A {offsets = [3304, 0], sizes = [8, 512], strides = [1, 1]} : vector<4224x512xf32> to vector<8x512xf32>
    %max3A_841 = arith.maximumf %max3A_839, %slice3A_840 : vector<8x512xf32>
    %slice3A_842 = vector.extract_strided_slice %select_n3A {offsets = [3312, 0], sizes = [8, 512], strides = [1, 1]} : vector<4224x512xf32> to vector<8x512xf32>
    %max3A_843 = arith.maximumf %max3A_841, %slice3A_842 : vector<8x512xf32>
    %slice3A_844 = vector.extract_strided_slice %select_n3A {offsets = [3320, 0], sizes = [8, 512], strides = [1, 1]} : vector<4224x512xf32> to vector<8x512xf32>
    %max3A_845 = arith.maximumf %max3A_843, %slice3A_844 : vector<8x512xf32>
    %slice3A_846 = vector.extract_strided_slice %select_n3A {offsets = [3328, 0], sizes = [8, 512], strides = [1, 1]} : vector<4224x512xf32> to vector<8x512xf32>
    %max3A_847 = arith.maximumf %max3A_845, %slice3A_846 : vector<8x512xf32>
    %slice3A_848 = vector.extract_strided_slice %select_n3A {offsets = [3336, 0], sizes = [8, 512], strides = [1, 1]} : vector<4224x512xf32> to vector<8x512xf32>
    %max3A_849 = arith.maximumf %max3A_847, %slice3A_848 : vector<8x512xf32>
    %slice3A_850 = vector.extract_strided_slice %select_n3A {offsets = [3344, 0], sizes = [8, 512], strides = [1, 1]} : vector<4224x512xf32> to vector<8x512xf32>
    %max3A_851 = arith.maximumf %max3A_849, %slice3A_850 : vector<8x512xf32>
    %slice3A_852 = vector.extract_strided_slice %select_n3A {offsets = [3352, 0], sizes = [8, 512], strides = [1, 1]} : vector<4224x512xf32> to vector<8x512xf32>
    %max3A_853 = arith.maximumf %max3A_851, %slice3A_852 : vector<8x512xf32>
    %slice3A_854 = vector.extract_strided_slice %select_n3A {offsets = [3360, 0], sizes = [8, 512], strides = [1, 1]} : vector<4224x512xf32> to vector<8x512xf32>
    %max3A_855 = arith.maximumf %max3A_853, %slice3A_854 : vector<8x512xf32>
    %slice3A_856 = vector.extract_strided_slice %select_n3A {offsets = [3368, 0], sizes = [8, 512], strides = [1, 1]} : vector<4224x512xf32> to vector<8x512xf32>
    %max3A_857 = arith.maximumf %max3A_855, %slice3A_856 : vector<8x512xf32>
    %slice3A_858 = vector.extract_strided_slice %select_n3A {offsets = [3376, 0], sizes = [8, 512], strides = [1, 1]} : vector<4224x512xf32> to vector<8x512xf32>
    %max3A_859 = arith.maximumf %max3A_857, %slice3A_858 : vector<8x512xf32>
    %slice3A_860 = vector.extract_strided_slice %select_n3A {offsets = [3384, 0], sizes = [8, 512], strides = [1, 1]} : vector<4224x512xf32> to vector<8x512xf32>
    %max3A_861 = arith.maximumf %max3A_859, %slice3A_860 : vector<8x512xf32>
    %slice3A_862 = vector.extract_strided_slice %select_n3A {offsets = [3392, 0], sizes = [8, 512], strides = [1, 1]} : vector<4224x512xf32> to vector<8x512xf32>
    %max3A_863 = arith.maximumf %max3A_861, %slice3A_862 : vector<8x512xf32>
    %slice3A_864 = vector.extract_strided_slice %select_n3A {offsets = [3400, 0], sizes = [8, 512], strides = [1, 1]} : vector<4224x512xf32> to vector<8x512xf32>
    %max3A_865 = arith.maximumf %max3A_863, %slice3A_864 : vector<8x512xf32>
    %slice3A_866 = vector.extract_strided_slice %select_n3A {offsets = [3408, 0], sizes = [8, 512], strides = [1, 1]} : vector<4224x512xf32> to vector<8x512xf32>
    %max3A_867 = arith.maximumf %max3A_865, %slice3A_866 : vector<8x512xf32>
    %slice3A_868 = vector.extract_strided_slice %select_n3A {offsets = [3416, 0], sizes = [8, 512], strides = [1, 1]} : vector<4224x512xf32> to vector<8x512xf32>
    %max3A_869 = arith.maximumf %max3A_867, %slice3A_868 : vector<8x512xf32>
    %slice3A_870 = vector.extract_strided_slice %select_n3A {offsets = [3424, 0], sizes = [8, 512], strides = [1, 1]} : vector<4224x512xf32> to vector<8x512xf32>
    %max3A_871 = arith.maximumf %max3A_869, %slice3A_870 : vector<8x512xf32>
    %slice3A_872 = vector.extract_strided_slice %select_n3A {offsets = [3432, 0], sizes = [8, 512], strides = [1, 1]} : vector<4224x512xf32> to vector<8x512xf32>
    %max3A_873 = arith.maximumf %max3A_871, %slice3A_872 : vector<8x512xf32>
    %slice3A_874 = vector.extract_strided_slice %select_n3A {offsets = [3440, 0], sizes = [8, 512], strides = [1, 1]} : vector<4224x512xf32> to vector<8x512xf32>
    %max3A_875 = arith.maximumf %max3A_873, %slice3A_874 : vector<8x512xf32>
    %slice3A_876 = vector.extract_strided_slice %select_n3A {offsets = [3448, 0], sizes = [8, 512], strides = [1, 1]} : vector<4224x512xf32> to vector<8x512xf32>
    %max3A_877 = arith.maximumf %max3A_875, %slice3A_876 : vector<8x512xf32>
    %slice3A_878 = vector.extract_strided_slice %select_n3A {offsets = [3456, 0], sizes = [8, 512], strides = [1, 1]} : vector<4224x512xf32> to vector<8x512xf32>
    %max3A_879 = arith.maximumf %max3A_877, %slice3A_878 : vector<8x512xf32>
    %slice3A_880 = vector.extract_strided_slice %select_n3A {offsets = [3464, 0], sizes = [8, 512], strides = [1, 1]} : vector<4224x512xf32> to vector<8x512xf32>
    %max3A_881 = arith.maximumf %max3A_879, %slice3A_880 : vector<8x512xf32>
    %slice3A_882 = vector.extract_strided_slice %select_n3A {offsets = [3472, 0], sizes = [8, 512], strides = [1, 1]} : vector<4224x512xf32> to vector<8x512xf32>
    %max3A_883 = arith.maximumf %max3A_881, %slice3A_882 : vector<8x512xf32>
    %slice3A_884 = vector.extract_strided_slice %select_n3A {offsets = [3480, 0], sizes = [8, 512], strides = [1, 1]} : vector<4224x512xf32> to vector<8x512xf32>
    %max3A_885 = arith.maximumf %max3A_883, %slice3A_884 : vector<8x512xf32>
    %slice3A_886 = vector.extract_strided_slice %select_n3A {offsets = [3488, 0], sizes = [8, 512], strides = [1, 1]} : vector<4224x512xf32> to vector<8x512xf32>
    %max3A_887 = arith.maximumf %max3A_885, %slice3A_886 : vector<8x512xf32>
    %slice3A_888 = vector.extract_strided_slice %select_n3A {offsets = [3496, 0], sizes = [8, 512], strides = [1, 1]} : vector<4224x512xf32> to vector<8x512xf32>
    %max3A_889 = arith.maximumf %max3A_887, %slice3A_888 : vector<8x512xf32>
    %slice3A_890 = vector.extract_strided_slice %select_n3A {offsets = [3504, 0], sizes = [8, 512], strides = [1, 1]} : vector<4224x512xf32> to vector<8x512xf32>
    %max3A_891 = arith.maximumf %max3A_889, %slice3A_890 : vector<8x512xf32>
    %slice3A_892 = vector.extract_strided_slice %select_n3A {offsets = [3512, 0], sizes = [8, 512], strides = [1, 1]} : vector<4224x512xf32> to vector<8x512xf32>
    %max3A_893 = arith.maximumf %max3A_891, %slice3A_892 : vector<8x512xf32>
    %slice3A_894 = vector.extract_strided_slice %select_n3A {offsets = [3520, 0], sizes = [8, 512], strides = [1, 1]} : vector<4224x512xf32> to vector<8x512xf32>
    %max3A_895 = arith.maximumf %max3A_893, %slice3A_894 : vector<8x512xf32>
    %slice3A_896 = vector.extract_strided_slice %select_n3A {offsets = [3528, 0], sizes = [8, 512], strides = [1, 1]} : vector<4224x512xf32> to vector<8x512xf32>
    %max3A_897 = arith.maximumf %max3A_895, %slice3A_896 : vector<8x512xf32>
    %slice3A_898 = vector.extract_strided_slice %select_n3A {offsets = [3536, 0], sizes = [8, 512], strides = [1, 1]} : vector<4224x512xf32> to vector<8x512xf32>
    %max3A_899 = arith.maximumf %max3A_897, %slice3A_898 : vector<8x512xf32>
    %slice3A_900 = vector.extract_strided_slice %select_n3A {offsets = [3544, 0], sizes = [8, 512], strides = [1, 1]} : vector<4224x512xf32> to vector<8x512xf32>
    %max3A_901 = arith.maximumf %max3A_899, %slice3A_900 : vector<8x512xf32>
    %slice3A_902 = vector.extract_strided_slice %select_n3A {offsets = [3552, 0], sizes = [8, 512], strides = [1, 1]} : vector<4224x512xf32> to vector<8x512xf32>
    %max3A_903 = arith.maximumf %max3A_901, %slice3A_902 : vector<8x512xf32>
    %slice3A_904 = vector.extract_strided_slice %select_n3A {offsets = [3560, 0], sizes = [8, 512], strides = [1, 1]} : vector<4224x512xf32> to vector<8x512xf32>
    %max3A_905 = arith.maximumf %max3A_903, %slice3A_904 : vector<8x512xf32>
    %slice3A_906 = vector.extract_strided_slice %select_n3A {offsets = [3568, 0], sizes = [8, 512], strides = [1, 1]} : vector<4224x512xf32> to vector<8x512xf32>
    %max3A_907 = arith.maximumf %max3A_905, %slice3A_906 : vector<8x512xf32>
    %slice3A_908 = vector.extract_strided_slice %select_n3A {offsets = [3576, 0], sizes = [8, 512], strides = [1, 1]} : vector<4224x512xf32> to vector<8x512xf32>
    %max3A_909 = arith.maximumf %max3A_907, %slice3A_908 : vector<8x512xf32>
    %slice3A_910 = vector.extract_strided_slice %select_n3A {offsets = [3584, 0], sizes = [8, 512], strides = [1, 1]} : vector<4224x512xf32> to vector<8x512xf32>
    %max3A_911 = arith.maximumf %max3A_909, %slice3A_910 : vector<8x512xf32>
    %slice3A_912 = vector.extract_strided_slice %select_n3A {offsets = [3592, 0], sizes = [8, 512], strides = [1, 1]} : vector<4224x512xf32> to vector<8x512xf32>
    %max3A_913 = arith.maximumf %max3A_911, %slice3A_912 : vector<8x512xf32>
    %slice3A_914 = vector.extract_strided_slice %select_n3A {offsets = [3600, 0], sizes = [8, 512], strides = [1, 1]} : vector<4224x512xf32> to vector<8x512xf32>
    %max3A_915 = arith.maximumf %max3A_913, %slice3A_914 : vector<8x512xf32>
    %slice3A_916 = vector.extract_strided_slice %select_n3A {offsets = [3608, 0], sizes = [8, 512], strides = [1, 1]} : vector<4224x512xf32> to vector<8x512xf32>
    %max3A_917 = arith.maximumf %max3A_915, %slice3A_916 : vector<8x512xf32>
    %slice3A_918 = vector.extract_strided_slice %select_n3A {offsets = [3616, 0], sizes = [8, 512], strides = [1, 1]} : vector<4224x512xf32> to vector<8x512xf32>
    %max3A_919 = arith.maximumf %max3A_917, %slice3A_918 : vector<8x512xf32>
    %slice3A_920 = vector.extract_strided_slice %select_n3A {offsets = [3624, 0], sizes = [8, 512], strides = [1, 1]} : vector<4224x512xf32> to vector<8x512xf32>
    %max3A_921 = arith.maximumf %max3A_919, %slice3A_920 : vector<8x512xf32>
    %slice3A_922 = vector.extract_strided_slice %select_n3A {offsets = [3632, 0], sizes = [8, 512], strides = [1, 1]} : vector<4224x512xf32> to vector<8x512xf32>
    %max3A_923 = arith.maximumf %max3A_921, %slice3A_922 : vector<8x512xf32>
    %slice3A_924 = vector.extract_strided_slice %select_n3A {offsets = [3640, 0], sizes = [8, 512], strides = [1, 1]} : vector<4224x512xf32> to vector<8x512xf32>
    %max3A_925 = arith.maximumf %max3A_923, %slice3A_924 : vector<8x512xf32>
    %slice3A_926 = vector.extract_strided_slice %select_n3A {offsets = [3648, 0], sizes = [8, 512], strides = [1, 1]} : vector<4224x512xf32> to vector<8x512xf32>
    %max3A_927 = arith.maximumf %max3A_925, %slice3A_926 : vector<8x512xf32>
    %slice3A_928 = vector.extract_strided_slice %select_n3A {offsets = [3656, 0], sizes = [8, 512], strides = [1, 1]} : vector<4224x512xf32> to vector<8x512xf32>
    %max3A_929 = arith.maximumf %max3A_927, %slice3A_928 : vector<8x512xf32>
    %slice3A_930 = vector.extract_strided_slice %select_n3A {offsets = [3664, 0], sizes = [8, 512], strides = [1, 1]} : vector<4224x512xf32> to vector<8x512xf32>
    %max3A_931 = arith.maximumf %max3A_929, %slice3A_930 : vector<8x512xf32>
    %slice3A_932 = vector.extract_strided_slice %select_n3A {offsets = [3672, 0], sizes = [8, 512], strides = [1, 1]} : vector<4224x512xf32> to vector<8x512xf32>
    %max3A_933 = arith.maximumf %max3A_931, %slice3A_932 : vector<8x512xf32>
    %slice3A_934 = vector.extract_strided_slice %select_n3A {offsets = [3680, 0], sizes = [8, 512], strides = [1, 1]} : vector<4224x512xf32> to vector<8x512xf32>
    %max3A_935 = arith.maximumf %max3A_933, %slice3A_934 : vector<8x512xf32>
    %slice3A_936 = vector.extract_strided_slice %select_n3A {offsets = [3688, 0], sizes = [8, 512], strides = [1, 1]} : vector<4224x512xf32> to vector<8x512xf32>
    %max3A_937 = arith.maximumf %max3A_935, %slice3A_936 : vector<8x512xf32>
    %slice3A_938 = vector.extract_strided_slice %select_n3A {offsets = [3696, 0], sizes = [8, 512], strides = [1, 1]} : vector<4224x512xf32> to vector<8x512xf32>
    %max3A_939 = arith.maximumf %max3A_937, %slice3A_938 : vector<8x512xf32>
    %slice3A_940 = vector.extract_strided_slice %select_n3A {offsets = [3704, 0], sizes = [8, 512], strides = [1, 1]} : vector<4224x512xf32> to vector<8x512xf32>
    %max3A_941 = arith.maximumf %max3A_939, %slice3A_940 : vector<8x512xf32>
    %slice3A_942 = vector.extract_strided_slice %select_n3A {offsets = [3712, 0], sizes = [8, 512], strides = [1, 1]} : vector<4224x512xf32> to vector<8x512xf32>
    %max3A_943 = arith.maximumf %max3A_941, %slice3A_942 : vector<8x512xf32>
    %slice3A_944 = vector.extract_strided_slice %select_n3A {offsets = [3720, 0], sizes = [8, 512], strides = [1, 1]} : vector<4224x512xf32> to vector<8x512xf32>
    %max3A_945 = arith.maximumf %max3A_943, %slice3A_944 : vector<8x512xf32>
    %slice3A_946 = vector.extract_strided_slice %select_n3A {offsets = [3728, 0], sizes = [8, 512], strides = [1, 1]} : vector<4224x512xf32> to vector<8x512xf32>
    %max3A_947 = arith.maximumf %max3A_945, %slice3A_946 : vector<8x512xf32>
    %slice3A_948 = vector.extract_strided_slice %select_n3A {offsets = [3736, 0], sizes = [8, 512], strides = [1, 1]} : vector<4224x512xf32> to vector<8x512xf32>
    %max3A_949 = arith.maximumf %max3A_947, %slice3A_948 : vector<8x512xf32>
    %slice3A_950 = vector.extract_strided_slice %select_n3A {offsets = [3744, 0], sizes = [8, 512], strides = [1, 1]} : vector<4224x512xf32> to vector<8x512xf32>
    %max3A_951 = arith.maximumf %max3A_949, %slice3A_950 : vector<8x512xf32>
    %slice3A_952 = vector.extract_strided_slice %select_n3A {offsets = [3752, 0], sizes = [8, 512], strides = [1, 1]} : vector<4224x512xf32> to vector<8x512xf32>
    %max3A_953 = arith.maximumf %max3A_951, %slice3A_952 : vector<8x512xf32>
    %slice3A_954 = vector.extract_strided_slice %select_n3A {offsets = [3760, 0], sizes = [8, 512], strides = [1, 1]} : vector<4224x512xf32> to vector<8x512xf32>
    %max3A_955 = arith.maximumf %max3A_953, %slice3A_954 : vector<8x512xf32>
    %slice3A_956 = vector.extract_strided_slice %select_n3A {offsets = [3768, 0], sizes = [8, 512], strides = [1, 1]} : vector<4224x512xf32> to vector<8x512xf32>
    %max3A_957 = arith.maximumf %max3A_955, %slice3A_956 : vector<8x512xf32>
    %slice3A_958 = vector.extract_strided_slice %select_n3A {offsets = [3776, 0], sizes = [8, 512], strides = [1, 1]} : vector<4224x512xf32> to vector<8x512xf32>
    %max3A_959 = arith.maximumf %max3A_957, %slice3A_958 : vector<8x512xf32>
    %slice3A_960 = vector.extract_strided_slice %select_n3A {offsets = [3784, 0], sizes = [8, 512], strides = [1, 1]} : vector<4224x512xf32> to vector<8x512xf32>
    %max3A_961 = arith.maximumf %max3A_959, %slice3A_960 : vector<8x512xf32>
    %slice3A_962 = vector.extract_strided_slice %select_n3A {offsets = [3792, 0], sizes = [8, 512], strides = [1, 1]} : vector<4224x512xf32> to vector<8x512xf32>
    %max3A_963 = arith.maximumf %max3A_961, %slice3A_962 : vector<8x512xf32>
    %slice3A_964 = vector.extract_strided_slice %select_n3A {offsets = [3800, 0], sizes = [8, 512], strides = [1, 1]} : vector<4224x512xf32> to vector<8x512xf32>
    %max3A_965 = arith.maximumf %max3A_963, %slice3A_964 : vector<8x512xf32>
    %slice3A_966 = vector.extract_strided_slice %select_n3A {offsets = [3808, 0], sizes = [8, 512], strides = [1, 1]} : vector<4224x512xf32> to vector<8x512xf32>
    %max3A_967 = arith.maximumf %max3A_965, %slice3A_966 : vector<8x512xf32>
    %slice3A_968 = vector.extract_strided_slice %select_n3A {offsets = [3816, 0], sizes = [8, 512], strides = [1, 1]} : vector<4224x512xf32> to vector<8x512xf32>
    %max3A_969 = arith.maximumf %max3A_967, %slice3A_968 : vector<8x512xf32>
    %slice3A_970 = vector.extract_strided_slice %select_n3A {offsets = [3824, 0], sizes = [8, 512], strides = [1, 1]} : vector<4224x512xf32> to vector<8x512xf32>
    %max3A_971 = arith.maximumf %max3A_969, %slice3A_970 : vector<8x512xf32>
    %slice3A_972 = vector.extract_strided_slice %select_n3A {offsets = [3832, 0], sizes = [8, 512], strides = [1, 1]} : vector<4224x512xf32> to vector<8x512xf32>
    %max3A_973 = arith.maximumf %max3A_971, %slice3A_972 : vector<8x512xf32>
    %slice3A_974 = vector.extract_strided_slice %select_n3A {offsets = [3840, 0], sizes = [8, 512], strides = [1, 1]} : vector<4224x512xf32> to vector<8x512xf32>
    %max3A_975 = arith.maximumf %max3A_973, %slice3A_974 : vector<8x512xf32>
    %slice3A_976 = vector.extract_strided_slice %select_n3A {offsets = [3848, 0], sizes = [8, 512], strides = [1, 1]} : vector<4224x512xf32> to vector<8x512xf32>
    %max3A_977 = arith.maximumf %max3A_975, %slice3A_976 : vector<8x512xf32>
    %slice3A_978 = vector.extract_strided_slice %select_n3A {offsets = [3856, 0], sizes = [8, 512], strides = [1, 1]} : vector<4224x512xf32> to vector<8x512xf32>
    %max3A_979 = arith.maximumf %max3A_977, %slice3A_978 : vector<8x512xf32>
    %slice3A_980 = vector.extract_strided_slice %select_n3A {offsets = [3864, 0], sizes = [8, 512], strides = [1, 1]} : vector<4224x512xf32> to vector<8x512xf32>
    %max3A_981 = arith.maximumf %max3A_979, %slice3A_980 : vector<8x512xf32>
    %slice3A_982 = vector.extract_strided_slice %select_n3A {offsets = [3872, 0], sizes = [8, 512], strides = [1, 1]} : vector<4224x512xf32> to vector<8x512xf32>
    %max3A_983 = arith.maximumf %max3A_981, %slice3A_982 : vector<8x512xf32>
    %slice3A_984 = vector.extract_strided_slice %select_n3A {offsets = [3880, 0], sizes = [8, 512], strides = [1, 1]} : vector<4224x512xf32> to vector<8x512xf32>
    %max3A_985 = arith.maximumf %max3A_983, %slice3A_984 : vector<8x512xf32>
    %slice3A_986 = vector.extract_strided_slice %select_n3A {offsets = [3888, 0], sizes = [8, 512], strides = [1, 1]} : vector<4224x512xf32> to vector<8x512xf32>
    %max3A_987 = arith.maximumf %max3A_985, %slice3A_986 : vector<8x512xf32>
    %slice3A_988 = vector.extract_strided_slice %select_n3A {offsets = [3896, 0], sizes = [8, 512], strides = [1, 1]} : vector<4224x512xf32> to vector<8x512xf32>
    %max3A_989 = arith.maximumf %max3A_987, %slice3A_988 : vector<8x512xf32>
    %slice3A_990 = vector.extract_strided_slice %select_n3A {offsets = [3904, 0], sizes = [8, 512], strides = [1, 1]} : vector<4224x512xf32> to vector<8x512xf32>
    %max3A_991 = arith.maximumf %max3A_989, %slice3A_990 : vector<8x512xf32>
    %slice3A_992 = vector.extract_strided_slice %select_n3A {offsets = [3912, 0], sizes = [8, 512], strides = [1, 1]} : vector<4224x512xf32> to vector<8x512xf32>
    %max3A_993 = arith.maximumf %max3A_991, %slice3A_992 : vector<8x512xf32>
    %slice3A_994 = vector.extract_strided_slice %select_n3A {offsets = [3920, 0], sizes = [8, 512], strides = [1, 1]} : vector<4224x512xf32> to vector<8x512xf32>
    %max3A_995 = arith.maximumf %max3A_993, %slice3A_994 : vector<8x512xf32>
    %slice3A_996 = vector.extract_strided_slice %select_n3A {offsets = [3928, 0], sizes = [8, 512], strides = [1, 1]} : vector<4224x512xf32> to vector<8x512xf32>
    %max3A_997 = arith.maximumf %max3A_995, %slice3A_996 : vector<8x512xf32>
    %slice3A_998 = vector.extract_strided_slice %select_n3A {offsets = [3936, 0], sizes = [8, 512], strides = [1, 1]} : vector<4224x512xf32> to vector<8x512xf32>
    %max3A_999 = arith.maximumf %max3A_997, %slice3A_998 : vector<8x512xf32>
    %slice3A_1000 = vector.extract_strided_slice %select_n3A {offsets = [3944, 0], sizes = [8, 512], strides = [1, 1]} : vector<4224x512xf32> to vector<8x512xf32>
    %max3A_1001 = arith.maximumf %max3A_999, %slice3A_1000 : vector<8x512xf32>
    %slice3A_1002 = vector.extract_strided_slice %select_n3A {offsets = [3952, 0], sizes = [8, 512], strides = [1, 1]} : vector<4224x512xf32> to vector<8x512xf32>
    %max3A_1003 = arith.maximumf %max3A_1001, %slice3A_1002 : vector<8x512xf32>
    %slice3A_1004 = vector.extract_strided_slice %select_n3A {offsets = [3960, 0], sizes = [8, 512], strides = [1, 1]} : vector<4224x512xf32> to vector<8x512xf32>
    %max3A_1005 = arith.maximumf %max3A_1003, %slice3A_1004 : vector<8x512xf32>
    %slice3A_1006 = vector.extract_strided_slice %select_n3A {offsets = [3968, 0], sizes = [8, 512], strides = [1, 1]} : vector<4224x512xf32> to vector<8x512xf32>
    %max3A_1007 = arith.maximumf %max3A_1005, %slice3A_1006 : vector<8x512xf32>
    %slice3A_1008 = vector.extract_strided_slice %select_n3A {offsets = [3976, 0], sizes = [8, 512], strides = [1, 1]} : vector<4224x512xf32> to vector<8x512xf32>
    %max3A_1009 = arith.maximumf %max3A_1007, %slice3A_1008 : vector<8x512xf32>
    %slice3A_1010 = vector.extract_strided_slice %select_n3A {offsets = [3984, 0], sizes = [8, 512], strides = [1, 1]} : vector<4224x512xf32> to vector<8x512xf32>
    %max3A_1011 = arith.maximumf %max3A_1009, %slice3A_1010 : vector<8x512xf32>
    %slice3A_1012 = vector.extract_strided_slice %select_n3A {offsets = [3992, 0], sizes = [8, 512], strides = [1, 1]} : vector<4224x512xf32> to vector<8x512xf32>
    %max3A_1013 = arith.maximumf %max3A_1011, %slice3A_1012 : vector<8x512xf32>
    %slice3A_1014 = vector.extract_strided_slice %select_n3A {offsets = [4000, 0], sizes = [8, 512], strides = [1, 1]} : vector<4224x512xf32> to vector<8x512xf32>
    %max3A_1015 = arith.maximumf %max3A_1013, %slice3A_1014 : vector<8x512xf32>
    %slice3A_1016 = vector.extract_strided_slice %select_n3A {offsets = [4008, 0], sizes = [8, 512], strides = [1, 1]} : vector<4224x512xf32> to vector<8x512xf32>
    %max3A_1017 = arith.maximumf %max3A_1015, %slice3A_1016 : vector<8x512xf32>
    %slice3A_1018 = vector.extract_strided_slice %select_n3A {offsets = [4016, 0], sizes = [8, 512], strides = [1, 1]} : vector<4224x512xf32> to vector<8x512xf32>
    %max3A_1019 = arith.maximumf %max3A_1017, %slice3A_1018 : vector<8x512xf32>
    %slice3A_1020 = vector.extract_strided_slice %select_n3A {offsets = [4024, 0], sizes = [8, 512], strides = [1, 1]} : vector<4224x512xf32> to vector<8x512xf32>
    %max3A_1021 = arith.maximumf %max3A_1019, %slice3A_1020 : vector<8x512xf32>
    %slice3A_1022 = vector.extract_strided_slice %select_n3A {offsets = [4032, 0], sizes = [8, 512], strides = [1, 1]} : vector<4224x512xf32> to vector<8x512xf32>
    %max3A_1023 = arith.maximumf %max3A_1021, %slice3A_1022 : vector<8x512xf32>
    %slice3A_1024 = vector.extract_strided_slice %select_n3A {offsets = [4040, 0], sizes = [8, 512], strides = [1, 1]} : vector<4224x512xf32> to vector<8x512xf32>
    %max3A_1025 = arith.maximumf %max3A_1023, %slice3A_1024 : vector<8x512xf32>
    %slice3A_1026 = vector.extract_strided_slice %select_n3A {offsets = [4048, 0], sizes = [8, 512], strides = [1, 1]} : vector<4224x512xf32> to vector<8x512xf32>
    %max3A_1027 = arith.maximumf %max3A_1025, %slice3A_1026 : vector<8x512xf32>
    %slice3A_1028 = vector.extract_strided_slice %select_n3A {offsets = [4056, 0], sizes = [8, 512], strides = [1, 1]} : vector<4224x512xf32> to vector<8x512xf32>
    %max3A_1029 = arith.maximumf %max3A_1027, %slice3A_1028 : vector<8x512xf32>
    %slice3A_1030 = vector.extract_strided_slice %select_n3A {offsets = [4064, 0], sizes = [8, 512], strides = [1, 1]} : vector<4224x512xf32> to vector<8x512xf32>
    %max3A_1031 = arith.maximumf %max3A_1029, %slice3A_1030 : vector<8x512xf32>
    %slice3A_1032 = vector.extract_strided_slice %select_n3A {offsets = [4072, 0], sizes = [8, 512], strides = [1, 1]} : vector<4224x512xf32> to vector<8x512xf32>
    %max3A_1033 = arith.maximumf %max3A_1031, %slice3A_1032 : vector<8x512xf32>
    %slice3A_1034 = vector.extract_strided_slice %select_n3A {offsets = [4080, 0], sizes = [8, 512], strides = [1, 1]} : vector<4224x512xf32> to vector<8x512xf32>
    %max3A_1035 = arith.maximumf %max3A_1033, %slice3A_1034 : vector<8x512xf32>
    %slice3A_1036 = vector.extract_strided_slice %select_n3A {offsets = [4088, 0], sizes = [8, 512], strides = [1, 1]} : vector<4224x512xf32> to vector<8x512xf32>
    %max3A_1037 = arith.maximumf %max3A_1035, %slice3A_1036 : vector<8x512xf32>
    %slice3A_1038 = vector.extract_strided_slice %select_n3A {offsets = [4096, 0], sizes = [8, 512], strides = [1, 1]} : vector<4224x512xf32> to vector<8x512xf32>
    %max3A_1039 = arith.maximumf %max3A_1037, %slice3A_1038 : vector<8x512xf32>
    %slice3A_1040 = vector.extract_strided_slice %select_n3A {offsets = [4104, 0], sizes = [8, 512], strides = [1, 1]} : vector<4224x512xf32> to vector<8x512xf32>
    %max3A_1041 = arith.maximumf %max3A_1039, %slice3A_1040 : vector<8x512xf32>
    %slice3A_1042 = vector.extract_strided_slice %select_n3A {offsets = [4112, 0], sizes = [8, 512], strides = [1, 1]} : vector<4224x512xf32> to vector<8x512xf32>
    %max3A_1043 = arith.maximumf %max3A_1041, %slice3A_1042 : vector<8x512xf32>
    %slice3A_1044 = vector.extract_strided_slice %select_n3A {offsets = [4120, 0], sizes = [8, 512], strides = [1, 1]} : vector<4224x512xf32> to vector<8x512xf32>
    %max3A_1045 = arith.maximumf %max3A_1043, %slice3A_1044 : vector<8x512xf32>
    %slice3A_1046 = vector.extract_strided_slice %select_n3A {offsets = [4128, 0], sizes = [8, 512], strides = [1, 1]} : vector<4224x512xf32> to vector<8x512xf32>
    %max3A_1047 = arith.maximumf %max3A_1045, %slice3A_1046 : vector<8x512xf32>
    %slice3A_1048 = vector.extract_strided_slice %select_n3A {offsets = [4136, 0], sizes = [8, 512], strides = [1, 1]} : vector<4224x512xf32> to vector<8x512xf32>
    %max3A_1049 = arith.maximumf %max3A_1047, %slice3A_1048 : vector<8x512xf32>
    %slice3A_1050 = vector.extract_strided_slice %select_n3A {offsets = [4144, 0], sizes = [8, 512], strides = [1, 1]} : vector<4224x512xf32> to vector<8x512xf32>
    %max3A_1051 = arith.maximumf %max3A_1049, %slice3A_1050 : vector<8x512xf32>
    %slice3A_1052 = vector.extract_strided_slice %select_n3A {offsets = [4152, 0], sizes = [8, 512], strides = [1, 1]} : vector<4224x512xf32> to vector<8x512xf32>
    %max3A_1053 = arith.maximumf %max3A_1051, %slice3A_1052 : vector<8x512xf32>
    %slice3A_1054 = vector.extract_strided_slice %select_n3A {offsets = [4160, 0], sizes = [8, 512], strides = [1, 1]} : vector<4224x512xf32> to vector<8x512xf32>
    %max3A_1055 = arith.maximumf %max3A_1053, %slice3A_1054 : vector<8x512xf32>
    %slice3A_1056 = vector.extract_strided_slice %select_n3A {offsets = [4168, 0], sizes = [8, 512], strides = [1, 1]} : vector<4224x512xf32> to vector<8x512xf32>
    %max3A_1057 = arith.maximumf %max3A_1055, %slice3A_1056 : vector<8x512xf32>
    %slice3A_1058 = vector.extract_strided_slice %select_n3A {offsets = [4176, 0], sizes = [8, 512], strides = [1, 1]} : vector<4224x512xf32> to vector<8x512xf32>
    %max3A_1059 = arith.maximumf %max3A_1057, %slice3A_1058 : vector<8x512xf32>
    %slice3A_1060 = vector.extract_strided_slice %select_n3A {offsets = [4184, 0], sizes = [8, 512], strides = [1, 1]} : vector<4224x512xf32> to vector<8x512xf32>
    %max3A_1061 = arith.maximumf %max3A_1059, %slice3A_1060 : vector<8x512xf32>
    %slice3A_1062 = vector.extract_strided_slice %select_n3A {offsets = [4192, 0], sizes = [8, 512], strides = [1, 1]} : vector<4224x512xf32> to vector<8x512xf32>
    %max3A_1063 = arith.maximumf %max3A_1061, %slice3A_1062 : vector<8x512xf32>
    %slice3A_1064 = vector.extract_strided_slice %select_n3A {offsets = [4200, 0], sizes = [8, 512], strides = [1, 1]} : vector<4224x512xf32> to vector<8x512xf32>
    %max3A_1065 = arith.maximumf %max3A_1063, %slice3A_1064 : vector<8x512xf32>
    %slice3A_1066 = vector.extract_strided_slice %select_n3A {offsets = [4208, 0], sizes = [8, 512], strides = [1, 1]} : vector<4224x512xf32> to vector<8x512xf32>
    %max3A_1067 = arith.maximumf %max3A_1065, %slice3A_1066 : vector<8x512xf32>
    %slice3A_1068 = vector.extract_strided_slice %select_n3A {offsets = [4216, 0], sizes = [8, 512], strides = [1, 1]} : vector<4224x512xf32> to vector<8x512xf32>
    %max3A_1069 = arith.maximumf %max3A_1067, %slice3A_1068 : vector<8x512xf32>
    %slice3A_1070 = vector.extract_strided_slice %max3A_1069 {offsets = [0, 0], sizes = [4, 512], strides = [1, 1]} : vector<8x512xf32> to vector<4x512xf32>
    %slice3A_1071 = vector.extract_strided_slice %max3A_1069 {offsets = [4, 0], sizes = [4, 512], strides = [1, 1]} : vector<8x512xf32> to vector<4x512xf32>
    %max3A_1072 = arith.maximumf %slice3A_1070, %slice3A_1071 : vector<4x512xf32>
    %slice3A_1073 = vector.extract_strided_slice %max3A_1072 {offsets = [0, 0], sizes = [2, 512], strides = [1, 1]} : vector<4x512xf32> to vector<2x512xf32>
    %slice3A_1074 = vector.extract_strided_slice %max3A_1072 {offsets = [2, 0], sizes = [2, 512], strides = [1, 1]} : vector<4x512xf32> to vector<2x512xf32>
    %max3A_1075 = arith.maximumf %slice3A_1073, %slice3A_1074 : vector<2x512xf32>
    %slice3A_1076 = vector.extract_strided_slice %max3A_1075 {offsets = [0, 0], sizes = [1, 512], strides = [1, 1]} : vector<2x512xf32> to vector<1x512xf32>
    %slice3A_1077 = vector.extract_strided_slice %max3A_1075 {offsets = [1, 0], sizes = [1, 512], strides = [1, 1]} : vector<2x512xf32> to vector<1x512xf32>
    %max3A_1078 = arith.maximumf %slice3A_1076, %slice3A_1077 : vector<1x512xf32>
    %sub3A = vector.broadcast %max3A_1078 : vector<1x512xf32> to vector<4224x512xf32>
    %sub3A_1079 = arith.subf %select_n3A, %sub3A : vector<4224x512xf32>
    %exp3A = math.exp %sub3A_1079 : vector<4224x512xf32>
    %slice3A_1080 = vector.extract_strided_slice %exp3A {offsets = [0, 0], sizes = [8, 512], strides = [1, 1]} : vector<4224x512xf32> to vector<8x512xf32>
    %slice3A_1081 = vector.extract_strided_slice %exp3A {offsets = [8, 0], sizes = [8, 512], strides = [1, 1]} : vector<4224x512xf32> to vector<8x512xf32>
    %add3A = arith.addf %slice3A_1080, %slice3A_1081 : vector<8x512xf32>
    %slice3A_1082 = vector.extract_strided_slice %exp3A {offsets = [16, 0], sizes = [8, 512], strides = [1, 1]} : vector<4224x512xf32> to vector<8x512xf32>
    %add3A_1083 = arith.addf %add3A, %slice3A_1082 : vector<8x512xf32>
    %slice3A_1084 = vector.extract_strided_slice %exp3A {offsets = [24, 0], sizes = [8, 512], strides = [1, 1]} : vector<4224x512xf32> to vector<8x512xf32>
    %add3A_1085 = arith.addf %add3A_1083, %slice3A_1084 : vector<8x512xf32>
    %slice3A_1086 = vector.extract_strided_slice %exp3A {offsets = [32, 0], sizes = [8, 512], strides = [1, 1]} : vector<4224x512xf32> to vector<8x512xf32>
    %add3A_1087 = arith.addf %add3A_1085, %slice3A_1086 : vector<8x512xf32>
    %slice3A_1088 = vector.extract_strided_slice %exp3A {offsets = [40, 0], sizes = [8, 512], strides = [1, 1]} : vector<4224x512xf32> to vector<8x512xf32>
    %add3A_1089 = arith.addf %add3A_1087, %slice3A_1088 : vector<8x512xf32>
    %slice3A_1090 = vector.extract_strided_slice %exp3A {offsets = [48, 0], sizes = [8, 512], strides = [1, 1]} : vector<4224x512xf32> to vector<8x512xf32>
    %add3A_1091 = arith.addf %add3A_1089, %slice3A_1090 : vector<8x512xf32>
    %slice3A_1092 = vector.extract_strided_slice %exp3A {offsets = [56, 0], sizes = [8, 512], strides = [1, 1]} : vector<4224x512xf32> to vector<8x512xf32>
    %add3A_1093 = arith.addf %add3A_1091, %slice3A_1092 : vector<8x512xf32>
    %slice3A_1094 = vector.extract_strided_slice %exp3A {offsets = [64, 0], sizes = [8, 512], strides = [1, 1]} : vector<4224x512xf32> to vector<8x512xf32>
    %add3A_1095 = arith.addf %add3A_1093, %slice3A_1094 : vector<8x512xf32>
    %slice3A_1096 = vector.extract_strided_slice %exp3A {offsets = [72, 0], sizes = [8, 512], strides = [1, 1]} : vector<4224x512xf32> to vector<8x512xf32>
    %add3A_1097 = arith.addf %add3A_1095, %slice3A_1096 : vector<8x512xf32>
    %slice3A_1098 = vector.extract_strided_slice %exp3A {offsets = [80, 0], sizes = [8, 512], strides = [1, 1]} : vector<4224x512xf32> to vector<8x512xf32>
    %add3A_1099 = arith.addf %add3A_1097, %slice3A_1098 : vector<8x512xf32>
    %slice3A_1100 = vector.extract_strided_slice %exp3A {offsets = [88, 0], sizes = [8, 512], strides = [1, 1]} : vector<4224x512xf32> to vector<8x512xf32>
    %add3A_1101 = arith.addf %add3A_1099, %slice3A_1100 : vector<8x512xf32>
    %slice3A_1102 = vector.extract_strided_slice %exp3A {offsets = [96, 0], sizes = [8, 512], strides = [1, 1]} : vector<4224x512xf32> to vector<8x512xf32>
    %add3A_1103 = arith.addf %add3A_1101, %slice3A_1102 : vector<8x512xf32>
    %slice3A_1104 = vector.extract_strided_slice %exp3A {offsets = [104, 0], sizes = [8, 512], strides = [1, 1]} : vector<4224x512xf32> to vector<8x512xf32>
    %add3A_1105 = arith.addf %add3A_1103, %slice3A_1104 : vector<8x512xf32>
    %slice3A_1106 = vector.extract_strided_slice %exp3A {offsets = [112, 0], sizes = [8, 512], strides = [1, 1]} : vector<4224x512xf32> to vector<8x512xf32>
    %add3A_1107 = arith.addf %add3A_1105, %slice3A_1106 : vector<8x512xf32>
    %slice3A_1108 = vector.extract_strided_slice %exp3A {offsets = [120, 0], sizes = [8, 512], strides = [1, 1]} : vector<4224x512xf32> to vector<8x512xf32>
    %add3A_1109 = arith.addf %add3A_1107, %slice3A_1108 : vector<8x512xf32>
    %slice3A_1110 = vector.extract_strided_slice %exp3A {offsets = [128, 0], sizes = [8, 512], strides = [1, 1]} : vector<4224x512xf32> to vector<8x512xf32>
    %add3A_1111 = arith.addf %add3A_1109, %slice3A_1110 : vector<8x512xf32>
    %slice3A_1112 = vector.extract_strided_slice %exp3A {offsets = [136, 0], sizes = [8, 512], strides = [1, 1]} : vector<4224x512xf32> to vector<8x512xf32>
    %add3A_1113 = arith.addf %add3A_1111, %slice3A_1112 : vector<8x512xf32>
    %slice3A_1114 = vector.extract_strided_slice %exp3A {offsets = [144, 0], sizes = [8, 512], strides = [1, 1]} : vector<4224x512xf32> to vector<8x512xf32>
    %add3A_1115 = arith.addf %add3A_1113, %slice3A_1114 : vector<8x512xf32>
    %slice3A_1116 = vector.extract_strided_slice %exp3A {offsets = [152, 0], sizes = [8, 512], strides = [1, 1]} : vector<4224x512xf32> to vector<8x512xf32>
    %add3A_1117 = arith.addf %add3A_1115, %slice3A_1116 : vector<8x512xf32>
    %slice3A_1118 = vector.extract_strided_slice %exp3A {offsets = [160, 0], sizes = [8, 512], strides = [1, 1]} : vector<4224x512xf32> to vector<8x512xf32>
    %add3A_1119 = arith.addf %add3A_1117, %slice3A_1118 : vector<8x512xf32>
    %slice3A_1120 = vector.extract_strided_slice %exp3A {offsets = [168, 0], sizes = [8, 512], strides = [1, 1]} : vector<4224x512xf32> to vector<8x512xf32>
    %add3A_1121 = arith.addf %add3A_1119, %slice3A_1120 : vector<8x512xf32>
    %slice3A_1122 = vector.extract_strided_slice %exp3A {offsets = [176, 0], sizes = [8, 512], strides = [1, 1]} : vector<4224x512xf32> to vector<8x512xf32>
    %add3A_1123 = arith.addf %add3A_1121, %slice3A_1122 : vector<8x512xf32>
    %slice3A_1124 = vector.extract_strided_slice %exp3A {offsets = [184, 0], sizes = [8, 512], strides = [1, 1]} : vector<4224x512xf32> to vector<8x512xf32>
    %add3A_1125 = arith.addf %add3A_1123, %slice3A_1124 : vector<8x512xf32>
    %slice3A_1126 = vector.extract_strided_slice %exp3A {offsets = [192, 0], sizes = [8, 512], strides = [1, 1]} : vector<4224x512xf32> to vector<8x512xf32>
    %add3A_1127 = arith.addf %add3A_1125, %slice3A_1126 : vector<8x512xf32>
    %slice3A_1128 = vector.extract_strided_slice %exp3A {offsets = [200, 0], sizes = [8, 512], strides = [1, 1]} : vector<4224x512xf32> to vector<8x512xf32>
    %add3A_1129 = arith.addf %add3A_1127, %slice3A_1128 : vector<8x512xf32>
    %slice3A_1130 = vector.extract_strided_slice %exp3A {offsets = [208, 0], sizes = [8, 512], strides = [1, 1]} : vector<4224x512xf32> to vector<8x512xf32>
    %add3A_1131 = arith.addf %add3A_1129, %slice3A_1130 : vector<8x512xf32>
    %slice3A_1132 = vector.extract_strided_slice %exp3A {offsets = [216, 0], sizes = [8, 512], strides = [1, 1]} : vector<4224x512xf32> to vector<8x512xf32>
    %add3A_1133 = arith.addf %add3A_1131, %slice3A_1132 : vector<8x512xf32>
    %slice3A_1134 = vector.extract_strided_slice %exp3A {offsets = [224, 0], sizes = [8, 512], strides = [1, 1]} : vector<4224x512xf32> to vector<8x512xf32>
    %add3A_1135 = arith.addf %add3A_1133, %slice3A_1134 : vector<8x512xf32>
    %slice3A_1136 = vector.extract_strided_slice %exp3A {offsets = [232, 0], sizes = [8, 512], strides = [1, 1]} : vector<4224x512xf32> to vector<8x512xf32>
    %add3A_1137 = arith.addf %add3A_1135, %slice3A_1136 : vector<8x512xf32>
    %slice3A_1138 = vector.extract_strided_slice %exp3A {offsets = [240, 0], sizes = [8, 512], strides = [1, 1]} : vector<4224x512xf32> to vector<8x512xf32>
    %add3A_1139 = arith.addf %add3A_1137, %slice3A_1138 : vector<8x512xf32>
    %slice3A_1140 = vector.extract_strided_slice %exp3A {offsets = [248, 0], sizes = [8, 512], strides = [1, 1]} : vector<4224x512xf32> to vector<8x512xf32>
    %add3A_1141 = arith.addf %add3A_1139, %slice3A_1140 : vector<8x512xf32>
    %slice3A_1142 = vector.extract_strided_slice %exp3A {offsets = [256, 0], sizes = [8, 512], strides = [1, 1]} : vector<4224x512xf32> to vector<8x512xf32>
    %add3A_1143 = arith.addf %add3A_1141, %slice3A_1142 : vector<8x512xf32>
    %slice3A_1144 = vector.extract_strided_slice %exp3A {offsets = [264, 0], sizes = [8, 512], strides = [1, 1]} : vector<4224x512xf32> to vector<8x512xf32>
    %add3A_1145 = arith.addf %add3A_1143, %slice3A_1144 : vector<8x512xf32>
    %slice3A_1146 = vector.extract_strided_slice %exp3A {offsets = [272, 0], sizes = [8, 512], strides = [1, 1]} : vector<4224x512xf32> to vector<8x512xf32>
    %add3A_1147 = arith.addf %add3A_1145, %slice3A_1146 : vector<8x512xf32>
    %slice3A_1148 = vector.extract_strided_slice %exp3A {offsets = [280, 0], sizes = [8, 512], strides = [1, 1]} : vector<4224x512xf32> to vector<8x512xf32>
    %add3A_1149 = arith.addf %add3A_1147, %slice3A_1148 : vector<8x512xf32>
    %slice3A_1150 = vector.extract_strided_slice %exp3A {offsets = [288, 0], sizes = [8, 512], strides = [1, 1]} : vector<4224x512xf32> to vector<8x512xf32>
    %add3A_1151 = arith.addf %add3A_1149, %slice3A_1150 : vector<8x512xf32>
    %slice3A_1152 = vector.extract_strided_slice %exp3A {offsets = [296, 0], sizes = [8, 512], strides = [1, 1]} : vector<4224x512xf32> to vector<8x512xf32>
    %add3A_1153 = arith.addf %add3A_1151, %slice3A_1152 : vector<8x512xf32>
    %slice3A_1154 = vector.extract_strided_slice %exp3A {offsets = [304, 0], sizes = [8, 512], strides = [1, 1]} : vector<4224x512xf32> to vector<8x512xf32>
    %add3A_1155 = arith.addf %add3A_1153, %slice3A_1154 : vector<8x512xf32>
    %slice3A_1156 = vector.extract_strided_slice %exp3A {offsets = [312, 0], sizes = [8, 512], strides = [1, 1]} : vector<4224x512xf32> to vector<8x512xf32>
    %add3A_1157 = arith.addf %add3A_1155, %slice3A_1156 : vector<8x512xf32>
    %slice3A_1158 = vector.extract_strided_slice %exp3A {offsets = [320, 0], sizes = [8, 512], strides = [1, 1]} : vector<4224x512xf32> to vector<8x512xf32>
    %add3A_1159 = arith.addf %add3A_1157, %slice3A_1158 : vector<8x512xf32>
    %slice3A_1160 = vector.extract_strided_slice %exp3A {offsets = [328, 0], sizes = [8, 512], strides = [1, 1]} : vector<4224x512xf32> to vector<8x512xf32>
    %add3A_1161 = arith.addf %add3A_1159, %slice3A_1160 : vector<8x512xf32>
    %slice3A_1162 = vector.extract_strided_slice %exp3A {offsets = [336, 0], sizes = [8, 512], strides = [1, 1]} : vector<4224x512xf32> to vector<8x512xf32>
    %add3A_1163 = arith.addf %add3A_1161, %slice3A_1162 : vector<8x512xf32>
    %slice3A_1164 = vector.extract_strided_slice %exp3A {offsets = [344, 0], sizes = [8, 512], strides = [1, 1]} : vector<4224x512xf32> to vector<8x512xf32>
    %add3A_1165 = arith.addf %add3A_1163, %slice3A_1164 : vector<8x512xf32>
    %slice3A_1166 = vector.extract_strided_slice %exp3A {offsets = [352, 0], sizes = [8, 512], strides = [1, 1]} : vector<4224x512xf32> to vector<8x512xf32>
    %add3A_1167 = arith.addf %add3A_1165, %slice3A_1166 : vector<8x512xf32>
    %slice3A_1168 = vector.extract_strided_slice %exp3A {offsets = [360, 0], sizes = [8, 512], strides = [1, 1]} : vector<4224x512xf32> to vector<8x512xf32>
    %add3A_1169 = arith.addf %add3A_1167, %slice3A_1168 : vector<8x512xf32>
    %slice3A_1170 = vector.extract_strided_slice %exp3A {offsets = [368, 0], sizes = [8, 512], strides = [1, 1]} : vector<4224x512xf32> to vector<8x512xf32>
    %add3A_1171 = arith.addf %add3A_1169, %slice3A_1170 : vector<8x512xf32>
    %slice3A_1172 = vector.extract_strided_slice %exp3A {offsets = [376, 0], sizes = [8, 512], strides = [1, 1]} : vector<4224x512xf32> to vector<8x512xf32>
    %add3A_1173 = arith.addf %add3A_1171, %slice3A_1172 : vector<8x512xf32>
    %slice3A_1174 = vector.extract_strided_slice %exp3A {offsets = [384, 0], sizes = [8, 512], strides = [1, 1]} : vector<4224x512xf32> to vector<8x512xf32>
    %add3A_1175 = arith.addf %add3A_1173, %slice3A_1174 : vector<8x512xf32>
    %slice3A_1176 = vector.extract_strided_slice %exp3A {offsets = [392, 0], sizes = [8, 512], strides = [1, 1]} : vector<4224x512xf32> to vector<8x512xf32>
    %add3A_1177 = arith.addf %add3A_1175, %slice3A_1176 : vector<8x512xf32>
    %slice3A_1178 = vector.extract_strided_slice %exp3A {offsets = [400, 0], sizes = [8, 512], strides = [1, 1]} : vector<4224x512xf32> to vector<8x512xf32>
    %add3A_1179 = arith.addf %add3A_1177, %slice3A_1178 : vector<8x512xf32>
    %slice3A_1180 = vector.extract_strided_slice %exp3A {offsets = [408, 0], sizes = [8, 512], strides = [1, 1]} : vector<4224x512xf32> to vector<8x512xf32>
    %add3A_1181 = arith.addf %add3A_1179, %slice3A_1180 : vector<8x512xf32>
    %slice3A_1182 = vector.extract_strided_slice %exp3A {offsets = [416, 0], sizes = [8, 512], strides = [1, 1]} : vector<4224x512xf32> to vector<8x512xf32>
    %add3A_1183 = arith.addf %add3A_1181, %slice3A_1182 : vector<8x512xf32>
    %slice3A_1184 = vector.extract_strided_slice %exp3A {offsets = [424, 0], sizes = [8, 512], strides = [1, 1]} : vector<4224x512xf32> to vector<8x512xf32>
    %add3A_1185 = arith.addf %add3A_1183, %slice3A_1184 : vector<8x512xf32>
    %slice3A_1186 = vector.extract_strided_slice %exp3A {offsets = [432, 0], sizes = [8, 512], strides = [1, 1]} : vector<4224x512xf32> to vector<8x512xf32>
    %add3A_1187 = arith.addf %add3A_1185, %slice3A_1186 : vector<8x512xf32>
    %slice3A_1188 = vector.extract_strided_slice %exp3A {offsets = [440, 0], sizes = [8, 512], strides = [1, 1]} : vector<4224x512xf32> to vector<8x512xf32>
    %add3A_1189 = arith.addf %add3A_1187, %slice3A_1188 : vector<8x512xf32>
    %slice3A_1190 = vector.extract_strided_slice %exp3A {offsets = [448, 0], sizes = [8, 512], strides = [1, 1]} : vector<4224x512xf32> to vector<8x512xf32>
    %add3A_1191 = arith.addf %add3A_1189, %slice3A_1190 : vector<8x512xf32>
    %slice3A_1192 = vector.extract_strided_slice %exp3A {offsets = [456, 0], sizes = [8, 512], strides = [1, 1]} : vector<4224x512xf32> to vector<8x512xf32>
    %add3A_1193 = arith.addf %add3A_1191, %slice3A_1192 : vector<8x512xf32>
    %slice3A_1194 = vector.extract_strided_slice %exp3A {offsets = [464, 0], sizes = [8, 512], strides = [1, 1]} : vector<4224x512xf32> to vector<8x512xf32>
    %add3A_1195 = arith.addf %add3A_1193, %slice3A_1194 : vector<8x512xf32>
    %slice3A_1196 = vector.extract_strided_slice %exp3A {offsets = [472, 0], sizes = [8, 512], strides = [1, 1]} : vector<4224x512xf32> to vector<8x512xf32>
    %add3A_1197 = arith.addf %add3A_1195, %slice3A_1196 : vector<8x512xf32>
    %slice3A_1198 = vector.extract_strided_slice %exp3A {offsets = [480, 0], sizes = [8, 512], strides = [1, 1]} : vector<4224x512xf32> to vector<8x512xf32>
    %add3A_1199 = arith.addf %add3A_1197, %slice3A_1198 : vector<8x512xf32>
    %slice3A_1200 = vector.extract_strided_slice %exp3A {offsets = [488, 0], sizes = [8, 512], strides = [1, 1]} : vector<4224x512xf32> to vector<8x512xf32>
    %add3A_1201 = arith.addf %add3A_1199, %slice3A_1200 : vector<8x512xf32>
    %slice3A_1202 = vector.extract_strided_slice %exp3A {offsets = [496, 0], sizes = [8, 512], strides = [1, 1]} : vector<4224x512xf32> to vector<8x512xf32>
    %add3A_1203 = arith.addf %add3A_1201, %slice3A_1202 : vector<8x512xf32>
    %slice3A_1204 = vector.extract_strided_slice %exp3A {offsets = [504, 0], sizes = [8, 512], strides = [1, 1]} : vector<4224x512xf32> to vector<8x512xf32>
    %add3A_1205 = arith.addf %add3A_1203, %slice3A_1204 : vector<8x512xf32>
    %slice3A_1206 = vector.extract_strided_slice %exp3A {offsets = [512, 0], sizes = [8, 512], strides = [1, 1]} : vector<4224x512xf32> to vector<8x512xf32>
    %add3A_1207 = arith.addf %add3A_1205, %slice3A_1206 : vector<8x512xf32>
    %slice3A_1208 = vector.extract_strided_slice %exp3A {offsets = [520, 0], sizes = [8, 512], strides = [1, 1]} : vector<4224x512xf32> to vector<8x512xf32>
    %add3A_1209 = arith.addf %add3A_1207, %slice3A_1208 : vector<8x512xf32>
    %slice3A_1210 = vector.extract_strided_slice %exp3A {offsets = [528, 0], sizes = [8, 512], strides = [1, 1]} : vector<4224x512xf32> to vector<8x512xf32>
    %add3A_1211 = arith.addf %add3A_1209, %slice3A_1210 : vector<8x512xf32>
    %slice3A_1212 = vector.extract_strided_slice %exp3A {offsets = [536, 0], sizes = [8, 512], strides = [1, 1]} : vector<4224x512xf32> to vector<8x512xf32>
    %add3A_1213 = arith.addf %add3A_1211, %slice3A_1212 : vector<8x512xf32>
    %slice3A_1214 = vector.extract_strided_slice %exp3A {offsets = [544, 0], sizes = [8, 512], strides = [1, 1]} : vector<4224x512xf32> to vector<8x512xf32>
    %add3A_1215 = arith.addf %add3A_1213, %slice3A_1214 : vector<8x512xf32>
    %slice3A_1216 = vector.extract_strided_slice %exp3A {offsets = [552, 0], sizes = [8, 512], strides = [1, 1]} : vector<4224x512xf32> to vector<8x512xf32>
    %add3A_1217 = arith.addf %add3A_1215, %slice3A_1216 : vector<8x512xf32>
    %slice3A_1218 = vector.extract_strided_slice %exp3A {offsets = [560, 0], sizes = [8, 512], strides = [1, 1]} : vector<4224x512xf32> to vector<8x512xf32>
    %add3A_1219 = arith.addf %add3A_1217, %slice3A_1218 : vector<8x512xf32>
    %slice3A_1220 = vector.extract_strided_slice %exp3A {offsets = [568, 0], sizes = [8, 512], strides = [1, 1]} : vector<4224x512xf32> to vector<8x512xf32>
    %add3A_1221 = arith.addf %add3A_1219, %slice3A_1220 : vector<8x512xf32>
    %slice3A_1222 = vector.extract_strided_slice %exp3A {offsets = [576, 0], sizes = [8, 512], strides = [1, 1]} : vector<4224x512xf32> to vector<8x512xf32>
    %add3A_1223 = arith.addf %add3A_1221, %slice3A_1222 : vector<8x512xf32>
    %slice3A_1224 = vector.extract_strided_slice %exp3A {offsets = [584, 0], sizes = [8, 512], strides = [1, 1]} : vector<4224x512xf32> to vector<8x512xf32>
    %add3A_1225 = arith.addf %add3A_1223, %slice3A_1224 : vector<8x512xf32>
    %slice3A_1226 = vector.extract_strided_slice %exp3A {offsets = [592, 0], sizes = [8, 512], strides = [1, 1]} : vector<4224x512xf32> to vector<8x512xf32>
    %add3A_1227 = arith.addf %add3A_1225, %slice3A_1226 : vector<8x512xf32>
    %slice3A_1228 = vector.extract_strided_slice %exp3A {offsets = [600, 0], sizes = [8, 512], strides = [1, 1]} : vector<4224x512xf32> to vector<8x512xf32>
    %add3A_1229 = arith.addf %add3A_1227, %slice3A_1228 : vector<8x512xf32>
    %slice3A_1230 = vector.extract_strided_slice %exp3A {offsets = [608, 0], sizes = [8, 512], strides = [1, 1]} : vector<4224x512xf32> to vector<8x512xf32>
    %add3A_1231 = arith.addf %add3A_1229, %slice3A_1230 : vector<8x512xf32>
    %slice3A_1232 = vector.extract_strided_slice %exp3A {offsets = [616, 0], sizes = [8, 512], strides = [1, 1]} : vector<4224x512xf32> to vector<8x512xf32>
    %add3A_1233 = arith.addf %add3A_1231, %slice3A_1232 : vector<8x512xf32>
    %slice3A_1234 = vector.extract_strided_slice %exp3A {offsets = [624, 0], sizes = [8, 512], strides = [1, 1]} : vector<4224x512xf32> to vector<8x512xf32>
    %add3A_1235 = arith.addf %add3A_1233, %slice3A_1234 : vector<8x512xf32>
    %slice3A_1236 = vector.extract_strided_slice %exp3A {offsets = [632, 0], sizes = [8, 512], strides = [1, 1]} : vector<4224x512xf32> to vector<8x512xf32>
    %add3A_1237 = arith.addf %add3A_1235, %slice3A_1236 : vector<8x512xf32>
    %slice3A_1238 = vector.extract_strided_slice %exp3A {offsets = [640, 0], sizes = [8, 512], strides = [1, 1]} : vector<4224x512xf32> to vector<8x512xf32>
    %add3A_1239 = arith.addf %add3A_1237, %slice3A_1238 : vector<8x512xf32>
    %slice3A_1240 = vector.extract_strided_slice %exp3A {offsets = [648, 0], sizes = [8, 512], strides = [1, 1]} : vector<4224x512xf32> to vector<8x512xf32>
    %add3A_1241 = arith.addf %add3A_1239, %slice3A_1240 : vector<8x512xf32>
    %slice3A_1242 = vector.extract_strided_slice %exp3A {offsets = [656, 0], sizes = [8, 512], strides = [1, 1]} : vector<4224x512xf32> to vector<8x512xf32>
    %add3A_1243 = arith.addf %add3A_1241, %slice3A_1242 : vector<8x512xf32>
    %slice3A_1244 = vector.extract_strided_slice %exp3A {offsets = [664, 0], sizes = [8, 512], strides = [1, 1]} : vector<4224x512xf32> to vector<8x512xf32>
    %add3A_1245 = arith.addf %add3A_1243, %slice3A_1244 : vector<8x512xf32>
    %slice3A_1246 = vector.extract_strided_slice %exp3A {offsets = [672, 0], sizes = [8, 512], strides = [1, 1]} : vector<4224x512xf32> to vector<8x512xf32>
    %add3A_1247 = arith.addf %add3A_1245, %slice3A_1246 : vector<8x512xf32>
    %slice3A_1248 = vector.extract_strided_slice %exp3A {offsets = [680, 0], sizes = [8, 512], strides = [1, 1]} : vector<4224x512xf32> to vector<8x512xf32>
    %add3A_1249 = arith.addf %add3A_1247, %slice3A_1248 : vector<8x512xf32>
    %slice3A_1250 = vector.extract_strided_slice %exp3A {offsets = [688, 0], sizes = [8, 512], strides = [1, 1]} : vector<4224x512xf32> to vector<8x512xf32>
    %add3A_1251 = arith.addf %add3A_1249, %slice3A_1250 : vector<8x512xf32>
    %slice3A_1252 = vector.extract_strided_slice %exp3A {offsets = [696, 0], sizes = [8, 512], strides = [1, 1]} : vector<4224x512xf32> to vector<8x512xf32>
    %add3A_1253 = arith.addf %add3A_1251, %slice3A_1252 : vector<8x512xf32>
    %slice3A_1254 = vector.extract_strided_slice %exp3A {offsets = [704, 0], sizes = [8, 512], strides = [1, 1]} : vector<4224x512xf32> to vector<8x512xf32>
    %add3A_1255 = arith.addf %add3A_1253, %slice3A_1254 : vector<8x512xf32>
    %slice3A_1256 = vector.extract_strided_slice %exp3A {offsets = [712, 0], sizes = [8, 512], strides = [1, 1]} : vector<4224x512xf32> to vector<8x512xf32>
    %add3A_1257 = arith.addf %add3A_1255, %slice3A_1256 : vector<8x512xf32>
    %slice3A_1258 = vector.extract_strided_slice %exp3A {offsets = [720, 0], sizes = [8, 512], strides = [1, 1]} : vector<4224x512xf32> to vector<8x512xf32>
    %add3A_1259 = arith.addf %add3A_1257, %slice3A_1258 : vector<8x512xf32>
    %slice3A_1260 = vector.extract_strided_slice %exp3A {offsets = [728, 0], sizes = [8, 512], strides = [1, 1]} : vector<4224x512xf32> to vector<8x512xf32>
    %add3A_1261 = arith.addf %add3A_1259, %slice3A_1260 : vector<8x512xf32>
    %slice3A_1262 = vector.extract_strided_slice %exp3A {offsets = [736, 0], sizes = [8, 512], strides = [1, 1]} : vector<4224x512xf32> to vector<8x512xf32>
    %add3A_1263 = arith.addf %add3A_1261, %slice3A_1262 : vector<8x512xf32>
    %slice3A_1264 = vector.extract_strided_slice %exp3A {offsets = [744, 0], sizes = [8, 512], strides = [1, 1]} : vector<4224x512xf32> to vector<8x512xf32>
    %add3A_1265 = arith.addf %add3A_1263, %slice3A_1264 : vector<8x512xf32>
    %slice3A_1266 = vector.extract_strided_slice %exp3A {offsets = [752, 0], sizes = [8, 512], strides = [1, 1]} : vector<4224x512xf32> to vector<8x512xf32>
    %add3A_1267 = arith.addf %add3A_1265, %slice3A_1266 : vector<8x512xf32>
    %slice3A_1268 = vector.extract_strided_slice %exp3A {offsets = [760, 0], sizes = [8, 512], strides = [1, 1]} : vector<4224x512xf32> to vector<8x512xf32>
    %add3A_1269 = arith.addf %add3A_1267, %slice3A_1268 : vector<8x512xf32>
    %slice3A_1270 = vector.extract_strided_slice %exp3A {offsets = [768, 0], sizes = [8, 512], strides = [1, 1]} : vector<4224x512xf32> to vector<8x512xf32>
    %add3A_1271 = arith.addf %add3A_1269, %slice3A_1270 : vector<8x512xf32>
    %slice3A_1272 = vector.extract_strided_slice %exp3A {offsets = [776, 0], sizes = [8, 512], strides = [1, 1]} : vector<4224x512xf32> to vector<8x512xf32>
    %add3A_1273 = arith.addf %add3A_1271, %slice3A_1272 : vector<8x512xf32>
    %slice3A_1274 = vector.extract_strided_slice %exp3A {offsets = [784, 0], sizes = [8, 512], strides = [1, 1]} : vector<4224x512xf32> to vector<8x512xf32>
    %add3A_1275 = arith.addf %add3A_1273, %slice3A_1274 : vector<8x512xf32>
    %slice3A_1276 = vector.extract_strided_slice %exp3A {offsets = [792, 0], sizes = [8, 512], strides = [1, 1]} : vector<4224x512xf32> to vector<8x512xf32>
    %add3A_1277 = arith.addf %add3A_1275, %slice3A_1276 : vector<8x512xf32>
    %slice3A_1278 = vector.extract_strided_slice %exp3A {offsets = [800, 0], sizes = [8, 512], strides = [1, 1]} : vector<4224x512xf32> to vector<8x512xf32>
    %add3A_1279 = arith.addf %add3A_1277, %slice3A_1278 : vector<8x512xf32>
    %slice3A_1280 = vector.extract_strided_slice %exp3A {offsets = [808, 0], sizes = [8, 512], strides = [1, 1]} : vector<4224x512xf32> to vector<8x512xf32>
    %add3A_1281 = arith.addf %add3A_1279, %slice3A_1280 : vector<8x512xf32>
    %slice3A_1282 = vector.extract_strided_slice %exp3A {offsets = [816, 0], sizes = [8, 512], strides = [1, 1]} : vector<4224x512xf32> to vector<8x512xf32>
    %add3A_1283 = arith.addf %add3A_1281, %slice3A_1282 : vector<8x512xf32>
    %slice3A_1284 = vector.extract_strided_slice %exp3A {offsets = [824, 0], sizes = [8, 512], strides = [1, 1]} : vector<4224x512xf32> to vector<8x512xf32>
    %add3A_1285 = arith.addf %add3A_1283, %slice3A_1284 : vector<8x512xf32>
    %slice3A_1286 = vector.extract_strided_slice %exp3A {offsets = [832, 0], sizes = [8, 512], strides = [1, 1]} : vector<4224x512xf32> to vector<8x512xf32>
    %add3A_1287 = arith.addf %add3A_1285, %slice3A_1286 : vector<8x512xf32>
    %slice3A_1288 = vector.extract_strided_slice %exp3A {offsets = [840, 0], sizes = [8, 512], strides = [1, 1]} : vector<4224x512xf32> to vector<8x512xf32>
    %add3A_1289 = arith.addf %add3A_1287, %slice3A_1288 : vector<8x512xf32>
    %slice3A_1290 = vector.extract_strided_slice %exp3A {offsets = [848, 0], sizes = [8, 512], strides = [1, 1]} : vector<4224x512xf32> to vector<8x512xf32>
    %add3A_1291 = arith.addf %add3A_1289, %slice3A_1290 : vector<8x512xf32>
    %slice3A_1292 = vector.extract_strided_slice %exp3A {offsets = [856, 0], sizes = [8, 512], strides = [1, 1]} : vector<4224x512xf32> to vector<8x512xf32>
    %add3A_1293 = arith.addf %add3A_1291, %slice3A_1292 : vector<8x512xf32>
    %slice3A_1294 = vector.extract_strided_slice %exp3A {offsets = [864, 0], sizes = [8, 512], strides = [1, 1]} : vector<4224x512xf32> to vector<8x512xf32>
    %add3A_1295 = arith.addf %add3A_1293, %slice3A_1294 : vector<8x512xf32>
    %slice3A_1296 = vector.extract_strided_slice %exp3A {offsets = [872, 0], sizes = [8, 512], strides = [1, 1]} : vector<4224x512xf32> to vector<8x512xf32>
    %add3A_1297 = arith.addf %add3A_1295, %slice3A_1296 : vector<8x512xf32>
    %slice3A_1298 = vector.extract_strided_slice %exp3A {offsets = [880, 0], sizes = [8, 512], strides = [1, 1]} : vector<4224x512xf32> to vector<8x512xf32>
    %add3A_1299 = arith.addf %add3A_1297, %slice3A_1298 : vector<8x512xf32>
    %slice3A_1300 = vector.extract_strided_slice %exp3A {offsets = [888, 0], sizes = [8, 512], strides = [1, 1]} : vector<4224x512xf32> to vector<8x512xf32>
    %add3A_1301 = arith.addf %add3A_1299, %slice3A_1300 : vector<8x512xf32>
    %slice3A_1302 = vector.extract_strided_slice %exp3A {offsets = [896, 0], sizes = [8, 512], strides = [1, 1]} : vector<4224x512xf32> to vector<8x512xf32>
    %add3A_1303 = arith.addf %add3A_1301, %slice3A_1302 : vector<8x512xf32>
    %slice3A_1304 = vector.extract_strided_slice %exp3A {offsets = [904, 0], sizes = [8, 512], strides = [1, 1]} : vector<4224x512xf32> to vector<8x512xf32>
    %add3A_1305 = arith.addf %add3A_1303, %slice3A_1304 : vector<8x512xf32>
    %slice3A_1306 = vector.extract_strided_slice %exp3A {offsets = [912, 0], sizes = [8, 512], strides = [1, 1]} : vector<4224x512xf32> to vector<8x512xf32>
    %add3A_1307 = arith.addf %add3A_1305, %slice3A_1306 : vector<8x512xf32>
    %slice3A_1308 = vector.extract_strided_slice %exp3A {offsets = [920, 0], sizes = [8, 512], strides = [1, 1]} : vector<4224x512xf32> to vector<8x512xf32>
    %add3A_1309 = arith.addf %add3A_1307, %slice3A_1308 : vector<8x512xf32>
    %slice3A_1310 = vector.extract_strided_slice %exp3A {offsets = [928, 0], sizes = [8, 512], strides = [1, 1]} : vector<4224x512xf32> to vector<8x512xf32>
    %add3A_1311 = arith.addf %add3A_1309, %slice3A_1310 : vector<8x512xf32>
    %slice3A_1312 = vector.extract_strided_slice %exp3A {offsets = [936, 0], sizes = [8, 512], strides = [1, 1]} : vector<4224x512xf32> to vector<8x512xf32>
    %add3A_1313 = arith.addf %add3A_1311, %slice3A_1312 : vector<8x512xf32>
    %slice3A_1314 = vector.extract_strided_slice %exp3A {offsets = [944, 0], sizes = [8, 512], strides = [1, 1]} : vector<4224x512xf32> to vector<8x512xf32>
    %add3A_1315 = arith.addf %add3A_1313, %slice3A_1314 : vector<8x512xf32>
    %slice3A_1316 = vector.extract_strided_slice %exp3A {offsets = [952, 0], sizes = [8, 512], strides = [1, 1]} : vector<4224x512xf32> to vector<8x512xf32>
    %add3A_1317 = arith.addf %add3A_1315, %slice3A_1316 : vector<8x512xf32>
    %slice3A_1318 = vector.extract_strided_slice %exp3A {offsets = [960, 0], sizes = [8, 512], strides = [1, 1]} : vector<4224x512xf32> to vector<8x512xf32>
    %add3A_1319 = arith.addf %add3A_1317, %slice3A_1318 : vector<8x512xf32>
    %slice3A_1320 = vector.extract_strided_slice %exp3A {offsets = [968, 0], sizes = [8, 512], strides = [1, 1]} : vector<4224x512xf32> to vector<8x512xf32>
    %add3A_1321 = arith.addf %add3A_1319, %slice3A_1320 : vector<8x512xf32>
    %slice3A_1322 = vector.extract_strided_slice %exp3A {offsets = [976, 0], sizes = [8, 512], strides = [1, 1]} : vector<4224x512xf32> to vector<8x512xf32>
    %add3A_1323 = arith.addf %add3A_1321, %slice3A_1322 : vector<8x512xf32>
    %slice3A_1324 = vector.extract_strided_slice %exp3A {offsets = [984, 0], sizes = [8, 512], strides = [1, 1]} : vector<4224x512xf32> to vector<8x512xf32>
    %add3A_1325 = arith.addf %add3A_1323, %slice3A_1324 : vector<8x512xf32>
    %slice3A_1326 = vector.extract_strided_slice %exp3A {offsets = [992, 0], sizes = [8, 512], strides = [1, 1]} : vector<4224x512xf32> to vector<8x512xf32>
    %add3A_1327 = arith.addf %add3A_1325, %slice3A_1326 : vector<8x512xf32>
    %slice3A_1328 = vector.extract_strided_slice %exp3A {offsets = [1000, 0], sizes = [8, 512], strides = [1, 1]} : vector<4224x512xf32> to vector<8x512xf32>
    %add3A_1329 = arith.addf %add3A_1327, %slice3A_1328 : vector<8x512xf32>
    %slice3A_1330 = vector.extract_strided_slice %exp3A {offsets = [1008, 0], sizes = [8, 512], strides = [1, 1]} : vector<4224x512xf32> to vector<8x512xf32>
    %add3A_1331 = arith.addf %add3A_1329, %slice3A_1330 : vector<8x512xf32>
    %slice3A_1332 = vector.extract_strided_slice %exp3A {offsets = [1016, 0], sizes = [8, 512], strides = [1, 1]} : vector<4224x512xf32> to vector<8x512xf32>
    %add3A_1333 = arith.addf %add3A_1331, %slice3A_1332 : vector<8x512xf32>
    %slice3A_1334 = vector.extract_strided_slice %exp3A {offsets = [1024, 0], sizes = [8, 512], strides = [1, 1]} : vector<4224x512xf32> to vector<8x512xf32>
    %add3A_1335 = arith.addf %add3A_1333, %slice3A_1334 : vector<8x512xf32>
    %slice3A_1336 = vector.extract_strided_slice %exp3A {offsets = [1032, 0], sizes = [8, 512], strides = [1, 1]} : vector<4224x512xf32> to vector<8x512xf32>
    %add3A_1337 = arith.addf %add3A_1335, %slice3A_1336 : vector<8x512xf32>
    %slice3A_1338 = vector.extract_strided_slice %exp3A {offsets = [1040, 0], sizes = [8, 512], strides = [1, 1]} : vector<4224x512xf32> to vector<8x512xf32>
    %add3A_1339 = arith.addf %add3A_1337, %slice3A_1338 : vector<8x512xf32>
    %slice3A_1340 = vector.extract_strided_slice %exp3A {offsets = [1048, 0], sizes = [8, 512], strides = [1, 1]} : vector<4224x512xf32> to vector<8x512xf32>
    %add3A_1341 = arith.addf %add3A_1339, %slice3A_1340 : vector<8x512xf32>
    %slice3A_1342 = vector.extract_strided_slice %exp3A {offsets = [1056, 0], sizes = [8, 512], strides = [1, 1]} : vector<4224x512xf32> to vector<8x512xf32>
    %add3A_1343 = arith.addf %add3A_1341, %slice3A_1342 : vector<8x512xf32>
    %slice3A_1344 = vector.extract_strided_slice %exp3A {offsets = [1064, 0], sizes = [8, 512], strides = [1, 1]} : vector<4224x512xf32> to vector<8x512xf32>
    %add3A_1345 = arith.addf %add3A_1343, %slice3A_1344 : vector<8x512xf32>
    %slice3A_1346 = vector.extract_strided_slice %exp3A {offsets = [1072, 0], sizes = [8, 512], strides = [1, 1]} : vector<4224x512xf32> to vector<8x512xf32>
    %add3A_1347 = arith.addf %add3A_1345, %slice3A_1346 : vector<8x512xf32>
    %slice3A_1348 = vector.extract_strided_slice %exp3A {offsets = [1080, 0], sizes = [8, 512], strides = [1, 1]} : vector<4224x512xf32> to vector<8x512xf32>
    %add3A_1349 = arith.addf %add3A_1347, %slice3A_1348 : vector<8x512xf32>
    %slice3A_1350 = vector.extract_strided_slice %exp3A {offsets = [1088, 0], sizes = [8, 512], strides = [1, 1]} : vector<4224x512xf32> to vector<8x512xf32>
    %add3A_1351 = arith.addf %add3A_1349, %slice3A_1350 : vector<8x512xf32>
    %slice3A_1352 = vector.extract_strided_slice %exp3A {offsets = [1096, 0], sizes = [8, 512], strides = [1, 1]} : vector<4224x512xf32> to vector<8x512xf32>
    %add3A_1353 = arith.addf %add3A_1351, %slice3A_1352 : vector<8x512xf32>
    %slice3A_1354 = vector.extract_strided_slice %exp3A {offsets = [1104, 0], sizes = [8, 512], strides = [1, 1]} : vector<4224x512xf32> to vector<8x512xf32>
    %add3A_1355 = arith.addf %add3A_1353, %slice3A_1354 : vector<8x512xf32>
    %slice3A_1356 = vector.extract_strided_slice %exp3A {offsets = [1112, 0], sizes = [8, 512], strides = [1, 1]} : vector<4224x512xf32> to vector<8x512xf32>
    %add3A_1357 = arith.addf %add3A_1355, %slice3A_1356 : vector<8x512xf32>
    %slice3A_1358 = vector.extract_strided_slice %exp3A {offsets = [1120, 0], sizes = [8, 512], strides = [1, 1]} : vector<4224x512xf32> to vector<8x512xf32>
    %add3A_1359 = arith.addf %add3A_1357, %slice3A_1358 : vector<8x512xf32>
    %slice3A_1360 = vector.extract_strided_slice %exp3A {offsets = [1128, 0], sizes = [8, 512], strides = [1, 1]} : vector<4224x512xf32> to vector<8x512xf32>
    %add3A_1361 = arith.addf %add3A_1359, %slice3A_1360 : vector<8x512xf32>
    %slice3A_1362 = vector.extract_strided_slice %exp3A {offsets = [1136, 0], sizes = [8, 512], strides = [1, 1]} : vector<4224x512xf32> to vector<8x512xf32>
    %add3A_1363 = arith.addf %add3A_1361, %slice3A_1362 : vector<8x512xf32>
    %slice3A_1364 = vector.extract_strided_slice %exp3A {offsets = [1144, 0], sizes = [8, 512], strides = [1, 1]} : vector<4224x512xf32> to vector<8x512xf32>
    %add3A_1365 = arith.addf %add3A_1363, %slice3A_1364 : vector<8x512xf32>
    %slice3A_1366 = vector.extract_strided_slice %exp3A {offsets = [1152, 0], sizes = [8, 512], strides = [1, 1]} : vector<4224x512xf32> to vector<8x512xf32>
    %add3A_1367 = arith.addf %add3A_1365, %slice3A_1366 : vector<8x512xf32>
    %slice3A_1368 = vector.extract_strided_slice %exp3A {offsets = [1160, 0], sizes = [8, 512], strides = [1, 1]} : vector<4224x512xf32> to vector<8x512xf32>
    %add3A_1369 = arith.addf %add3A_1367, %slice3A_1368 : vector<8x512xf32>
    %slice3A_1370 = vector.extract_strided_slice %exp3A {offsets = [1168, 0], sizes = [8, 512], strides = [1, 1]} : vector<4224x512xf32> to vector<8x512xf32>
    %add3A_1371 = arith.addf %add3A_1369, %slice3A_1370 : vector<8x512xf32>
    %slice3A_1372 = vector.extract_strided_slice %exp3A {offsets = [1176, 0], sizes = [8, 512], strides = [1, 1]} : vector<4224x512xf32> to vector<8x512xf32>
    %add3A_1373 = arith.addf %add3A_1371, %slice3A_1372 : vector<8x512xf32>
    %slice3A_1374 = vector.extract_strided_slice %exp3A {offsets = [1184, 0], sizes = [8, 512], strides = [1, 1]} : vector<4224x512xf32> to vector<8x512xf32>
    %add3A_1375 = arith.addf %add3A_1373, %slice3A_1374 : vector<8x512xf32>
    %slice3A_1376 = vector.extract_strided_slice %exp3A {offsets = [1192, 0], sizes = [8, 512], strides = [1, 1]} : vector<4224x512xf32> to vector<8x512xf32>
    %add3A_1377 = arith.addf %add3A_1375, %slice3A_1376 : vector<8x512xf32>
    %slice3A_1378 = vector.extract_strided_slice %exp3A {offsets = [1200, 0], sizes = [8, 512], strides = [1, 1]} : vector<4224x512xf32> to vector<8x512xf32>
    %add3A_1379 = arith.addf %add3A_1377, %slice3A_1378 : vector<8x512xf32>
    %slice3A_1380 = vector.extract_strided_slice %exp3A {offsets = [1208, 0], sizes = [8, 512], strides = [1, 1]} : vector<4224x512xf32> to vector<8x512xf32>
    %add3A_1381 = arith.addf %add3A_1379, %slice3A_1380 : vector<8x512xf32>
    %slice3A_1382 = vector.extract_strided_slice %exp3A {offsets = [1216, 0], sizes = [8, 512], strides = [1, 1]} : vector<4224x512xf32> to vector<8x512xf32>
    %add3A_1383 = arith.addf %add3A_1381, %slice3A_1382 : vector<8x512xf32>
    %slice3A_1384 = vector.extract_strided_slice %exp3A {offsets = [1224, 0], sizes = [8, 512], strides = [1, 1]} : vector<4224x512xf32> to vector<8x512xf32>
    %add3A_1385 = arith.addf %add3A_1383, %slice3A_1384 : vector<8x512xf32>
    %slice3A_1386 = vector.extract_strided_slice %exp3A {offsets = [1232, 0], sizes = [8, 512], strides = [1, 1]} : vector<4224x512xf32> to vector<8x512xf32>
    %add3A_1387 = arith.addf %add3A_1385, %slice3A_1386 : vector<8x512xf32>
    %slice3A_1388 = vector.extract_strided_slice %exp3A {offsets = [1240, 0], sizes = [8, 512], strides = [1, 1]} : vector<4224x512xf32> to vector<8x512xf32>
    %add3A_1389 = arith.addf %add3A_1387, %slice3A_1388 : vector<8x512xf32>
    %slice3A_1390 = vector.extract_strided_slice %exp3A {offsets = [1248, 0], sizes = [8, 512], strides = [1, 1]} : vector<4224x512xf32> to vector<8x512xf32>
    %add3A_1391 = arith.addf %add3A_1389, %slice3A_1390 : vector<8x512xf32>
    %slice3A_1392 = vector.extract_strided_slice %exp3A {offsets = [1256, 0], sizes = [8, 512], strides = [1, 1]} : vector<4224x512xf32> to vector<8x512xf32>
    %add3A_1393 = arith.addf %add3A_1391, %slice3A_1392 : vector<8x512xf32>
    %slice3A_1394 = vector.extract_strided_slice %exp3A {offsets = [1264, 0], sizes = [8, 512], strides = [1, 1]} : vector<4224x512xf32> to vector<8x512xf32>
    %add3A_1395 = arith.addf %add3A_1393, %slice3A_1394 : vector<8x512xf32>
    %slice3A_1396 = vector.extract_strided_slice %exp3A {offsets = [1272, 0], sizes = [8, 512], strides = [1, 1]} : vector<4224x512xf32> to vector<8x512xf32>
    %add3A_1397 = arith.addf %add3A_1395, %slice3A_1396 : vector<8x512xf32>
    %slice3A_1398 = vector.extract_strided_slice %exp3A {offsets = [1280, 0], sizes = [8, 512], strides = [1, 1]} : vector<4224x512xf32> to vector<8x512xf32>
    %add3A_1399 = arith.addf %add3A_1397, %slice3A_1398 : vector<8x512xf32>
    %slice3A_1400 = vector.extract_strided_slice %exp3A {offsets = [1288, 0], sizes = [8, 512], strides = [1, 1]} : vector<4224x512xf32> to vector<8x512xf32>
    %add3A_1401 = arith.addf %add3A_1399, %slice3A_1400 : vector<8x512xf32>
    %slice3A_1402 = vector.extract_strided_slice %exp3A {offsets = [1296, 0], sizes = [8, 512], strides = [1, 1]} : vector<4224x512xf32> to vector<8x512xf32>
    %add3A_1403 = arith.addf %add3A_1401, %slice3A_1402 : vector<8x512xf32>
    %slice3A_1404 = vector.extract_strided_slice %exp3A {offsets = [1304, 0], sizes = [8, 512], strides = [1, 1]} : vector<4224x512xf32> to vector<8x512xf32>
    %add3A_1405 = arith.addf %add3A_1403, %slice3A_1404 : vector<8x512xf32>
    %slice3A_1406 = vector.extract_strided_slice %exp3A {offsets = [1312, 0], sizes = [8, 512], strides = [1, 1]} : vector<4224x512xf32> to vector<8x512xf32>
    %add3A_1407 = arith.addf %add3A_1405, %slice3A_1406 : vector<8x512xf32>
    %slice3A_1408 = vector.extract_strided_slice %exp3A {offsets = [1320, 0], sizes = [8, 512], strides = [1, 1]} : vector<4224x512xf32> to vector<8x512xf32>
    %add3A_1409 = arith.addf %add3A_1407, %slice3A_1408 : vector<8x512xf32>
    %slice3A_1410 = vector.extract_strided_slice %exp3A {offsets = [1328, 0], sizes = [8, 512], strides = [1, 1]} : vector<4224x512xf32> to vector<8x512xf32>
    %add3A_1411 = arith.addf %add3A_1409, %slice3A_1410 : vector<8x512xf32>
    %slice3A_1412 = vector.extract_strided_slice %exp3A {offsets = [1336, 0], sizes = [8, 512], strides = [1, 1]} : vector<4224x512xf32> to vector<8x512xf32>
    %add3A_1413 = arith.addf %add3A_1411, %slice3A_1412 : vector<8x512xf32>
    %slice3A_1414 = vector.extract_strided_slice %exp3A {offsets = [1344, 0], sizes = [8, 512], strides = [1, 1]} : vector<4224x512xf32> to vector<8x512xf32>
    %add3A_1415 = arith.addf %add3A_1413, %slice3A_1414 : vector<8x512xf32>
    %slice3A_1416 = vector.extract_strided_slice %exp3A {offsets = [1352, 0], sizes = [8, 512], strides = [1, 1]} : vector<4224x512xf32> to vector<8x512xf32>
    %add3A_1417 = arith.addf %add3A_1415, %slice3A_1416 : vector<8x512xf32>
    %slice3A_1418 = vector.extract_strided_slice %exp3A {offsets = [1360, 0], sizes = [8, 512], strides = [1, 1]} : vector<4224x512xf32> to vector<8x512xf32>
    %add3A_1419 = arith.addf %add3A_1417, %slice3A_1418 : vector<8x512xf32>
    %slice3A_1420 = vector.extract_strided_slice %exp3A {offsets = [1368, 0], sizes = [8, 512], strides = [1, 1]} : vector<4224x512xf32> to vector<8x512xf32>
    %add3A_1421 = arith.addf %add3A_1419, %slice3A_1420 : vector<8x512xf32>
    %slice3A_1422 = vector.extract_strided_slice %exp3A {offsets = [1376, 0], sizes = [8, 512], strides = [1, 1]} : vector<4224x512xf32> to vector<8x512xf32>
    %add3A_1423 = arith.addf %add3A_1421, %slice3A_1422 : vector<8x512xf32>
    %slice3A_1424 = vector.extract_strided_slice %exp3A {offsets = [1384, 0], sizes = [8, 512], strides = [1, 1]} : vector<4224x512xf32> to vector<8x512xf32>
    %add3A_1425 = arith.addf %add3A_1423, %slice3A_1424 : vector<8x512xf32>
    %slice3A_1426 = vector.extract_strided_slice %exp3A {offsets = [1392, 0], sizes = [8, 512], strides = [1, 1]} : vector<4224x512xf32> to vector<8x512xf32>
    %add3A_1427 = arith.addf %add3A_1425, %slice3A_1426 : vector<8x512xf32>
    %slice3A_1428 = vector.extract_strided_slice %exp3A {offsets = [1400, 0], sizes = [8, 512], strides = [1, 1]} : vector<4224x512xf32> to vector<8x512xf32>
    %add3A_1429 = arith.addf %add3A_1427, %slice3A_1428 : vector<8x512xf32>
    %slice3A_1430 = vector.extract_strided_slice %exp3A {offsets = [1408, 0], sizes = [8, 512], strides = [1, 1]} : vector<4224x512xf32> to vector<8x512xf32>
    %add3A_1431 = arith.addf %add3A_1429, %slice3A_1430 : vector<8x512xf32>
    %slice3A_1432 = vector.extract_strided_slice %exp3A {offsets = [1416, 0], sizes = [8, 512], strides = [1, 1]} : vector<4224x512xf32> to vector<8x512xf32>
    %add3A_1433 = arith.addf %add3A_1431, %slice3A_1432 : vector<8x512xf32>
    %slice3A_1434 = vector.extract_strided_slice %exp3A {offsets = [1424, 0], sizes = [8, 512], strides = [1, 1]} : vector<4224x512xf32> to vector<8x512xf32>
    %add3A_1435 = arith.addf %add3A_1433, %slice3A_1434 : vector<8x512xf32>
    %slice3A_1436 = vector.extract_strided_slice %exp3A {offsets = [1432, 0], sizes = [8, 512], strides = [1, 1]} : vector<4224x512xf32> to vector<8x512xf32>
    %add3A_1437 = arith.addf %add3A_1435, %slice3A_1436 : vector<8x512xf32>
    %slice3A_1438 = vector.extract_strided_slice %exp3A {offsets = [1440, 0], sizes = [8, 512], strides = [1, 1]} : vector<4224x512xf32> to vector<8x512xf32>
    %add3A_1439 = arith.addf %add3A_1437, %slice3A_1438 : vector<8x512xf32>
    %slice3A_1440 = vector.extract_strided_slice %exp3A {offsets = [1448, 0], sizes = [8, 512], strides = [1, 1]} : vector<4224x512xf32> to vector<8x512xf32>
    %add3A_1441 = arith.addf %add3A_1439, %slice3A_1440 : vector<8x512xf32>
    %slice3A_1442 = vector.extract_strided_slice %exp3A {offsets = [1456, 0], sizes = [8, 512], strides = [1, 1]} : vector<4224x512xf32> to vector<8x512xf32>
    %add3A_1443 = arith.addf %add3A_1441, %slice3A_1442 : vector<8x512xf32>
    %slice3A_1444 = vector.extract_strided_slice %exp3A {offsets = [1464, 0], sizes = [8, 512], strides = [1, 1]} : vector<4224x512xf32> to vector<8x512xf32>
    %add3A_1445 = arith.addf %add3A_1443, %slice3A_1444 : vector<8x512xf32>
    %slice3A_1446 = vector.extract_strided_slice %exp3A {offsets = [1472, 0], sizes = [8, 512], strides = [1, 1]} : vector<4224x512xf32> to vector<8x512xf32>
    %add3A_1447 = arith.addf %add3A_1445, %slice3A_1446 : vector<8x512xf32>
    %slice3A_1448 = vector.extract_strided_slice %exp3A {offsets = [1480, 0], sizes = [8, 512], strides = [1, 1]} : vector<4224x512xf32> to vector<8x512xf32>
    %add3A_1449 = arith.addf %add3A_1447, %slice3A_1448 : vector<8x512xf32>
    %slice3A_1450 = vector.extract_strided_slice %exp3A {offsets = [1488, 0], sizes = [8, 512], strides = [1, 1]} : vector<4224x512xf32> to vector<8x512xf32>
    %add3A_1451 = arith.addf %add3A_1449, %slice3A_1450 : vector<8x512xf32>
    %slice3A_1452 = vector.extract_strided_slice %exp3A {offsets = [1496, 0], sizes = [8, 512], strides = [1, 1]} : vector<4224x512xf32> to vector<8x512xf32>
    %add3A_1453 = arith.addf %add3A_1451, %slice3A_1452 : vector<8x512xf32>
    %slice3A_1454 = vector.extract_strided_slice %exp3A {offsets = [1504, 0], sizes = [8, 512], strides = [1, 1]} : vector<4224x512xf32> to vector<8x512xf32>
    %add3A_1455 = arith.addf %add3A_1453, %slice3A_1454 : vector<8x512xf32>
    %slice3A_1456 = vector.extract_strided_slice %exp3A {offsets = [1512, 0], sizes = [8, 512], strides = [1, 1]} : vector<4224x512xf32> to vector<8x512xf32>
    %add3A_1457 = arith.addf %add3A_1455, %slice3A_1456 : vector<8x512xf32>
    %slice3A_1458 = vector.extract_strided_slice %exp3A {offsets = [1520, 0], sizes = [8, 512], strides = [1, 1]} : vector<4224x512xf32> to vector<8x512xf32>
    %add3A_1459 = arith.addf %add3A_1457, %slice3A_1458 : vector<8x512xf32>
    %slice3A_1460 = vector.extract_strided_slice %exp3A {offsets = [1528, 0], sizes = [8, 512], strides = [1, 1]} : vector<4224x512xf32> to vector<8x512xf32>
    %add3A_1461 = arith.addf %add3A_1459, %slice3A_1460 : vector<8x512xf32>
    %slice3A_1462 = vector.extract_strided_slice %exp3A {offsets = [1536, 0], sizes = [8, 512], strides = [1, 1]} : vector<4224x512xf32> to vector<8x512xf32>
    %add3A_1463 = arith.addf %add3A_1461, %slice3A_1462 : vector<8x512xf32>
    %slice3A_1464 = vector.extract_strided_slice %exp3A {offsets = [1544, 0], sizes = [8, 512], strides = [1, 1]} : vector<4224x512xf32> to vector<8x512xf32>
    %add3A_1465 = arith.addf %add3A_1463, %slice3A_1464 : vector<8x512xf32>
    %slice3A_1466 = vector.extract_strided_slice %exp3A {offsets = [1552, 0], sizes = [8, 512], strides = [1, 1]} : vector<4224x512xf32> to vector<8x512xf32>
    %add3A_1467 = arith.addf %add3A_1465, %slice3A_1466 : vector<8x512xf32>
    %slice3A_1468 = vector.extract_strided_slice %exp3A {offsets = [1560, 0], sizes = [8, 512], strides = [1, 1]} : vector<4224x512xf32> to vector<8x512xf32>
    %add3A_1469 = arith.addf %add3A_1467, %slice3A_1468 : vector<8x512xf32>
    %slice3A_1470 = vector.extract_strided_slice %exp3A {offsets = [1568, 0], sizes = [8, 512], strides = [1, 1]} : vector<4224x512xf32> to vector<8x512xf32>
    %add3A_1471 = arith.addf %add3A_1469, %slice3A_1470 : vector<8x512xf32>
    %slice3A_1472 = vector.extract_strided_slice %exp3A {offsets = [1576, 0], sizes = [8, 512], strides = [1, 1]} : vector<4224x512xf32> to vector<8x512xf32>
    %add3A_1473 = arith.addf %add3A_1471, %slice3A_1472 : vector<8x512xf32>
    %slice3A_1474 = vector.extract_strided_slice %exp3A {offsets = [1584, 0], sizes = [8, 512], strides = [1, 1]} : vector<4224x512xf32> to vector<8x512xf32>
    %add3A_1475 = arith.addf %add3A_1473, %slice3A_1474 : vector<8x512xf32>
    %slice3A_1476 = vector.extract_strided_slice %exp3A {offsets = [1592, 0], sizes = [8, 512], strides = [1, 1]} : vector<4224x512xf32> to vector<8x512xf32>
    %add3A_1477 = arith.addf %add3A_1475, %slice3A_1476 : vector<8x512xf32>
    %slice3A_1478 = vector.extract_strided_slice %exp3A {offsets = [1600, 0], sizes = [8, 512], strides = [1, 1]} : vector<4224x512xf32> to vector<8x512xf32>
    %add3A_1479 = arith.addf %add3A_1477, %slice3A_1478 : vector<8x512xf32>
    %slice3A_1480 = vector.extract_strided_slice %exp3A {offsets = [1608, 0], sizes = [8, 512], strides = [1, 1]} : vector<4224x512xf32> to vector<8x512xf32>
    %add3A_1481 = arith.addf %add3A_1479, %slice3A_1480 : vector<8x512xf32>
    %slice3A_1482 = vector.extract_strided_slice %exp3A {offsets = [1616, 0], sizes = [8, 512], strides = [1, 1]} : vector<4224x512xf32> to vector<8x512xf32>
    %add3A_1483 = arith.addf %add3A_1481, %slice3A_1482 : vector<8x512xf32>
    %slice3A_1484 = vector.extract_strided_slice %exp3A {offsets = [1624, 0], sizes = [8, 512], strides = [1, 1]} : vector<4224x512xf32> to vector<8x512xf32>
    %add3A_1485 = arith.addf %add3A_1483, %slice3A_1484 : vector<8x512xf32>
    %slice3A_1486 = vector.extract_strided_slice %exp3A {offsets = [1632, 0], sizes = [8, 512], strides = [1, 1]} : vector<4224x512xf32> to vector<8x512xf32>
    %add3A_1487 = arith.addf %add3A_1485, %slice3A_1486 : vector<8x512xf32>
    %slice3A_1488 = vector.extract_strided_slice %exp3A {offsets = [1640, 0], sizes = [8, 512], strides = [1, 1]} : vector<4224x512xf32> to vector<8x512xf32>
    %add3A_1489 = arith.addf %add3A_1487, %slice3A_1488 : vector<8x512xf32>
    %slice3A_1490 = vector.extract_strided_slice %exp3A {offsets = [1648, 0], sizes = [8, 512], strides = [1, 1]} : vector<4224x512xf32> to vector<8x512xf32>
    %add3A_1491 = arith.addf %add3A_1489, %slice3A_1490 : vector<8x512xf32>
    %slice3A_1492 = vector.extract_strided_slice %exp3A {offsets = [1656, 0], sizes = [8, 512], strides = [1, 1]} : vector<4224x512xf32> to vector<8x512xf32>
    %add3A_1493 = arith.addf %add3A_1491, %slice3A_1492 : vector<8x512xf32>
    %slice3A_1494 = vector.extract_strided_slice %exp3A {offsets = [1664, 0], sizes = [8, 512], strides = [1, 1]} : vector<4224x512xf32> to vector<8x512xf32>
    %add3A_1495 = arith.addf %add3A_1493, %slice3A_1494 : vector<8x512xf32>
    %slice3A_1496 = vector.extract_strided_slice %exp3A {offsets = [1672, 0], sizes = [8, 512], strides = [1, 1]} : vector<4224x512xf32> to vector<8x512xf32>
    %add3A_1497 = arith.addf %add3A_1495, %slice3A_1496 : vector<8x512xf32>
    %slice3A_1498 = vector.extract_strided_slice %exp3A {offsets = [1680, 0], sizes = [8, 512], strides = [1, 1]} : vector<4224x512xf32> to vector<8x512xf32>
    %add3A_1499 = arith.addf %add3A_1497, %slice3A_1498 : vector<8x512xf32>
    %slice3A_1500 = vector.extract_strided_slice %exp3A {offsets = [1688, 0], sizes = [8, 512], strides = [1, 1]} : vector<4224x512xf32> to vector<8x512xf32>
    %add3A_1501 = arith.addf %add3A_1499, %slice3A_1500 : vector<8x512xf32>
    %slice3A_1502 = vector.extract_strided_slice %exp3A {offsets = [1696, 0], sizes = [8, 512], strides = [1, 1]} : vector<4224x512xf32> to vector<8x512xf32>
    %add3A_1503 = arith.addf %add3A_1501, %slice3A_1502 : vector<8x512xf32>
    %slice3A_1504 = vector.extract_strided_slice %exp3A {offsets = [1704, 0], sizes = [8, 512], strides = [1, 1]} : vector<4224x512xf32> to vector<8x512xf32>
    %add3A_1505 = arith.addf %add3A_1503, %slice3A_1504 : vector<8x512xf32>
    %slice3A_1506 = vector.extract_strided_slice %exp3A {offsets = [1712, 0], sizes = [8, 512], strides = [1, 1]} : vector<4224x512xf32> to vector<8x512xf32>
    %add3A_1507 = arith.addf %add3A_1505, %slice3A_1506 : vector<8x512xf32>
    %slice3A_1508 = vector.extract_strided_slice %exp3A {offsets = [1720, 0], sizes = [8, 512], strides = [1, 1]} : vector<4224x512xf32> to vector<8x512xf32>
    %add3A_1509 = arith.addf %add3A_1507, %slice3A_1508 : vector<8x512xf32>
    %slice3A_1510 = vector.extract_strided_slice %exp3A {offsets = [1728, 0], sizes = [8, 512], strides = [1, 1]} : vector<4224x512xf32> to vector<8x512xf32>
    %add3A_1511 = arith.addf %add3A_1509, %slice3A_1510 : vector<8x512xf32>
    %slice3A_1512 = vector.extract_strided_slice %exp3A {offsets = [1736, 0], sizes = [8, 512], strides = [1, 1]} : vector<4224x512xf32> to vector<8x512xf32>
    %add3A_1513 = arith.addf %add3A_1511, %slice3A_1512 : vector<8x512xf32>
    %slice3A_1514 = vector.extract_strided_slice %exp3A {offsets = [1744, 0], sizes = [8, 512], strides = [1, 1]} : vector<4224x512xf32> to vector<8x512xf32>
    %add3A_1515 = arith.addf %add3A_1513, %slice3A_1514 : vector<8x512xf32>
    %slice3A_1516 = vector.extract_strided_slice %exp3A {offsets = [1752, 0], sizes = [8, 512], strides = [1, 1]} : vector<4224x512xf32> to vector<8x512xf32>
    %add3A_1517 = arith.addf %add3A_1515, %slice3A_1516 : vector<8x512xf32>
    %slice3A_1518 = vector.extract_strided_slice %exp3A {offsets = [1760, 0], sizes = [8, 512], strides = [1, 1]} : vector<4224x512xf32> to vector<8x512xf32>
    %add3A_1519 = arith.addf %add3A_1517, %slice3A_1518 : vector<8x512xf32>
    %slice3A_1520 = vector.extract_strided_slice %exp3A {offsets = [1768, 0], sizes = [8, 512], strides = [1, 1]} : vector<4224x512xf32> to vector<8x512xf32>
    %add3A_1521 = arith.addf %add3A_1519, %slice3A_1520 : vector<8x512xf32>
    %slice3A_1522 = vector.extract_strided_slice %exp3A {offsets = [1776, 0], sizes = [8, 512], strides = [1, 1]} : vector<4224x512xf32> to vector<8x512xf32>
    %add3A_1523 = arith.addf %add3A_1521, %slice3A_1522 : vector<8x512xf32>
    %slice3A_1524 = vector.extract_strided_slice %exp3A {offsets = [1784, 0], sizes = [8, 512], strides = [1, 1]} : vector<4224x512xf32> to vector<8x512xf32>
    %add3A_1525 = arith.addf %add3A_1523, %slice3A_1524 : vector<8x512xf32>
    %slice3A_1526 = vector.extract_strided_slice %exp3A {offsets = [1792, 0], sizes = [8, 512], strides = [1, 1]} : vector<4224x512xf32> to vector<8x512xf32>
    %add3A_1527 = arith.addf %add3A_1525, %slice3A_1526 : vector<8x512xf32>
    %slice3A_1528 = vector.extract_strided_slice %exp3A {offsets = [1800, 0], sizes = [8, 512], strides = [1, 1]} : vector<4224x512xf32> to vector<8x512xf32>
    %add3A_1529 = arith.addf %add3A_1527, %slice3A_1528 : vector<8x512xf32>
    %slice3A_1530 = vector.extract_strided_slice %exp3A {offsets = [1808, 0], sizes = [8, 512], strides = [1, 1]} : vector<4224x512xf32> to vector<8x512xf32>
    %add3A_1531 = arith.addf %add3A_1529, %slice3A_1530 : vector<8x512xf32>
    %slice3A_1532 = vector.extract_strided_slice %exp3A {offsets = [1816, 0], sizes = [8, 512], strides = [1, 1]} : vector<4224x512xf32> to vector<8x512xf32>
    %add3A_1533 = arith.addf %add3A_1531, %slice3A_1532 : vector<8x512xf32>
    %slice3A_1534 = vector.extract_strided_slice %exp3A {offsets = [1824, 0], sizes = [8, 512], strides = [1, 1]} : vector<4224x512xf32> to vector<8x512xf32>
    %add3A_1535 = arith.addf %add3A_1533, %slice3A_1534 : vector<8x512xf32>
    %slice3A_1536 = vector.extract_strided_slice %exp3A {offsets = [1832, 0], sizes = [8, 512], strides = [1, 1]} : vector<4224x512xf32> to vector<8x512xf32>
    %add3A_1537 = arith.addf %add3A_1535, %slice3A_1536 : vector<8x512xf32>
    %slice3A_1538 = vector.extract_strided_slice %exp3A {offsets = [1840, 0], sizes = [8, 512], strides = [1, 1]} : vector<4224x512xf32> to vector<8x512xf32>
    %add3A_1539 = arith.addf %add3A_1537, %slice3A_1538 : vector<8x512xf32>
    %slice3A_1540 = vector.extract_strided_slice %exp3A {offsets = [1848, 0], sizes = [8, 512], strides = [1, 1]} : vector<4224x512xf32> to vector<8x512xf32>
    %add3A_1541 = arith.addf %add3A_1539, %slice3A_1540 : vector<8x512xf32>
    %slice3A_1542 = vector.extract_strided_slice %exp3A {offsets = [1856, 0], sizes = [8, 512], strides = [1, 1]} : vector<4224x512xf32> to vector<8x512xf32>
    %add3A_1543 = arith.addf %add3A_1541, %slice3A_1542 : vector<8x512xf32>
    %slice3A_1544 = vector.extract_strided_slice %exp3A {offsets = [1864, 0], sizes = [8, 512], strides = [1, 1]} : vector<4224x512xf32> to vector<8x512xf32>
    %add3A_1545 = arith.addf %add3A_1543, %slice3A_1544 : vector<8x512xf32>
    %slice3A_1546 = vector.extract_strided_slice %exp3A {offsets = [1872, 0], sizes = [8, 512], strides = [1, 1]} : vector<4224x512xf32> to vector<8x512xf32>
    %add3A_1547 = arith.addf %add3A_1545, %slice3A_1546 : vector<8x512xf32>
    %slice3A_1548 = vector.extract_strided_slice %exp3A {offsets = [1880, 0], sizes = [8, 512], strides = [1, 1]} : vector<4224x512xf32> to vector<8x512xf32>
    %add3A_1549 = arith.addf %add3A_1547, %slice3A_1548 : vector<8x512xf32>
    %slice3A_1550 = vector.extract_strided_slice %exp3A {offsets = [1888, 0], sizes = [8, 512], strides = [1, 1]} : vector<4224x512xf32> to vector<8x512xf32>
    %add3A_1551 = arith.addf %add3A_1549, %slice3A_1550 : vector<8x512xf32>
    %slice3A_1552 = vector.extract_strided_slice %exp3A {offsets = [1896, 0], sizes = [8, 512], strides = [1, 1]} : vector<4224x512xf32> to vector<8x512xf32>
    %add3A_1553 = arith.addf %add3A_1551, %slice3A_1552 : vector<8x512xf32>
    %slice3A_1554 = vector.extract_strided_slice %exp3A {offsets = [1904, 0], sizes = [8, 512], strides = [1, 1]} : vector<4224x512xf32> to vector<8x512xf32>
    %add3A_1555 = arith.addf %add3A_1553, %slice3A_1554 : vector<8x512xf32>
    %slice3A_1556 = vector.extract_strided_slice %exp3A {offsets = [1912, 0], sizes = [8, 512], strides = [1, 1]} : vector<4224x512xf32> to vector<8x512xf32>
    %add3A_1557 = arith.addf %add3A_1555, %slice3A_1556 : vector<8x512xf32>
    %slice3A_1558 = vector.extract_strided_slice %exp3A {offsets = [1920, 0], sizes = [8, 512], strides = [1, 1]} : vector<4224x512xf32> to vector<8x512xf32>
    %add3A_1559 = arith.addf %add3A_1557, %slice3A_1558 : vector<8x512xf32>
    %slice3A_1560 = vector.extract_strided_slice %exp3A {offsets = [1928, 0], sizes = [8, 512], strides = [1, 1]} : vector<4224x512xf32> to vector<8x512xf32>
    %add3A_1561 = arith.addf %add3A_1559, %slice3A_1560 : vector<8x512xf32>
    %slice3A_1562 = vector.extract_strided_slice %exp3A {offsets = [1936, 0], sizes = [8, 512], strides = [1, 1]} : vector<4224x512xf32> to vector<8x512xf32>
    %add3A_1563 = arith.addf %add3A_1561, %slice3A_1562 : vector<8x512xf32>
    %slice3A_1564 = vector.extract_strided_slice %exp3A {offsets = [1944, 0], sizes = [8, 512], strides = [1, 1]} : vector<4224x512xf32> to vector<8x512xf32>
    %add3A_1565 = arith.addf %add3A_1563, %slice3A_1564 : vector<8x512xf32>
    %slice3A_1566 = vector.extract_strided_slice %exp3A {offsets = [1952, 0], sizes = [8, 512], strides = [1, 1]} : vector<4224x512xf32> to vector<8x512xf32>
    %add3A_1567 = arith.addf %add3A_1565, %slice3A_1566 : vector<8x512xf32>
    %slice3A_1568 = vector.extract_strided_slice %exp3A {offsets = [1960, 0], sizes = [8, 512], strides = [1, 1]} : vector<4224x512xf32> to vector<8x512xf32>
    %add3A_1569 = arith.addf %add3A_1567, %slice3A_1568 : vector<8x512xf32>
    %slice3A_1570 = vector.extract_strided_slice %exp3A {offsets = [1968, 0], sizes = [8, 512], strides = [1, 1]} : vector<4224x512xf32> to vector<8x512xf32>
    %add3A_1571 = arith.addf %add3A_1569, %slice3A_1570 : vector<8x512xf32>
    %slice3A_1572 = vector.extract_strided_slice %exp3A {offsets = [1976, 0], sizes = [8, 512], strides = [1, 1]} : vector<4224x512xf32> to vector<8x512xf32>
    %add3A_1573 = arith.addf %add3A_1571, %slice3A_1572 : vector<8x512xf32>
    %slice3A_1574 = vector.extract_strided_slice %exp3A {offsets = [1984, 0], sizes = [8, 512], strides = [1, 1]} : vector<4224x512xf32> to vector<8x512xf32>
    %add3A_1575 = arith.addf %add3A_1573, %slice3A_1574 : vector<8x512xf32>
    %slice3A_1576 = vector.extract_strided_slice %exp3A {offsets = [1992, 0], sizes = [8, 512], strides = [1, 1]} : vector<4224x512xf32> to vector<8x512xf32>
    %add3A_1577 = arith.addf %add3A_1575, %slice3A_1576 : vector<8x512xf32>
    %slice3A_1578 = vector.extract_strided_slice %exp3A {offsets = [2000, 0], sizes = [8, 512], strides = [1, 1]} : vector<4224x512xf32> to vector<8x512xf32>
    %add3A_1579 = arith.addf %add3A_1577, %slice3A_1578 : vector<8x512xf32>
    %slice3A_1580 = vector.extract_strided_slice %exp3A {offsets = [2008, 0], sizes = [8, 512], strides = [1, 1]} : vector<4224x512xf32> to vector<8x512xf32>
    %add3A_1581 = arith.addf %add3A_1579, %slice3A_1580 : vector<8x512xf32>
    %slice3A_1582 = vector.extract_strided_slice %exp3A {offsets = [2016, 0], sizes = [8, 512], strides = [1, 1]} : vector<4224x512xf32> to vector<8x512xf32>
    %add3A_1583 = arith.addf %add3A_1581, %slice3A_1582 : vector<8x512xf32>
    %slice3A_1584 = vector.extract_strided_slice %exp3A {offsets = [2024, 0], sizes = [8, 512], strides = [1, 1]} : vector<4224x512xf32> to vector<8x512xf32>
    %add3A_1585 = arith.addf %add3A_1583, %slice3A_1584 : vector<8x512xf32>
    %slice3A_1586 = vector.extract_strided_slice %exp3A {offsets = [2032, 0], sizes = [8, 512], strides = [1, 1]} : vector<4224x512xf32> to vector<8x512xf32>
    %add3A_1587 = arith.addf %add3A_1585, %slice3A_1586 : vector<8x512xf32>
    %slice3A_1588 = vector.extract_strided_slice %exp3A {offsets = [2040, 0], sizes = [8, 512], strides = [1, 1]} : vector<4224x512xf32> to vector<8x512xf32>
    %add3A_1589 = arith.addf %add3A_1587, %slice3A_1588 : vector<8x512xf32>
    %slice3A_1590 = vector.extract_strided_slice %exp3A {offsets = [2048, 0], sizes = [8, 512], strides = [1, 1]} : vector<4224x512xf32> to vector<8x512xf32>
    %add3A_1591 = arith.addf %add3A_1589, %slice3A_1590 : vector<8x512xf32>
    %slice3A_1592 = vector.extract_strided_slice %exp3A {offsets = [2056, 0], sizes = [8, 512], strides = [1, 1]} : vector<4224x512xf32> to vector<8x512xf32>
    %add3A_1593 = arith.addf %add3A_1591, %slice3A_1592 : vector<8x512xf32>
    %slice3A_1594 = vector.extract_strided_slice %exp3A {offsets = [2064, 0], sizes = [8, 512], strides = [1, 1]} : vector<4224x512xf32> to vector<8x512xf32>
    %add3A_1595 = arith.addf %add3A_1593, %slice3A_1594 : vector<8x512xf32>
    %slice3A_1596 = vector.extract_strided_slice %exp3A {offsets = [2072, 0], sizes = [8, 512], strides = [1, 1]} : vector<4224x512xf32> to vector<8x512xf32>
    %add3A_1597 = arith.addf %add3A_1595, %slice3A_1596 : vector<8x512xf32>
    %slice3A_1598 = vector.extract_strided_slice %exp3A {offsets = [2080, 0], sizes = [8, 512], strides = [1, 1]} : vector<4224x512xf32> to vector<8x512xf32>
    %add3A_1599 = arith.addf %add3A_1597, %slice3A_1598 : vector<8x512xf32>
    %slice3A_1600 = vector.extract_strided_slice %exp3A {offsets = [2088, 0], sizes = [8, 512], strides = [1, 1]} : vector<4224x512xf32> to vector<8x512xf32>
    %add3A_1601 = arith.addf %add3A_1599, %slice3A_1600 : vector<8x512xf32>
    %slice3A_1602 = vector.extract_strided_slice %exp3A {offsets = [2096, 0], sizes = [8, 512], strides = [1, 1]} : vector<4224x512xf32> to vector<8x512xf32>
    %add3A_1603 = arith.addf %add3A_1601, %slice3A_1602 : vector<8x512xf32>
    %slice3A_1604 = vector.extract_strided_slice %exp3A {offsets = [2104, 0], sizes = [8, 512], strides = [1, 1]} : vector<4224x512xf32> to vector<8x512xf32>
    %add3A_1605 = arith.addf %add3A_1603, %slice3A_1604 : vector<8x512xf32>
    %slice3A_1606 = vector.extract_strided_slice %exp3A {offsets = [2112, 0], sizes = [8, 512], strides = [1, 1]} : vector<4224x512xf32> to vector<8x512xf32>
    %add3A_1607 = arith.addf %add3A_1605, %slice3A_1606 : vector<8x512xf32>
    %slice3A_1608 = vector.extract_strided_slice %exp3A {offsets = [2120, 0], sizes = [8, 512], strides = [1, 1]} : vector<4224x512xf32> to vector<8x512xf32>
    %add3A_1609 = arith.addf %add3A_1607, %slice3A_1608 : vector<8x512xf32>
    %slice3A_1610 = vector.extract_strided_slice %exp3A {offsets = [2128, 0], sizes = [8, 512], strides = [1, 1]} : vector<4224x512xf32> to vector<8x512xf32>
    %add3A_1611 = arith.addf %add3A_1609, %slice3A_1610 : vector<8x512xf32>
    %slice3A_1612 = vector.extract_strided_slice %exp3A {offsets = [2136, 0], sizes = [8, 512], strides = [1, 1]} : vector<4224x512xf32> to vector<8x512xf32>
    %add3A_1613 = arith.addf %add3A_1611, %slice3A_1612 : vector<8x512xf32>
    %slice3A_1614 = vector.extract_strided_slice %exp3A {offsets = [2144, 0], sizes = [8, 512], strides = [1, 1]} : vector<4224x512xf32> to vector<8x512xf32>
    %add3A_1615 = arith.addf %add3A_1613, %slice3A_1614 : vector<8x512xf32>
    %slice3A_1616 = vector.extract_strided_slice %exp3A {offsets = [2152, 0], sizes = [8, 512], strides = [1, 1]} : vector<4224x512xf32> to vector<8x512xf32>
    %add3A_1617 = arith.addf %add3A_1615, %slice3A_1616 : vector<8x512xf32>
    %slice3A_1618 = vector.extract_strided_slice %exp3A {offsets = [2160, 0], sizes = [8, 512], strides = [1, 1]} : vector<4224x512xf32> to vector<8x512xf32>
    %add3A_1619 = arith.addf %add3A_1617, %slice3A_1618 : vector<8x512xf32>
    %slice3A_1620 = vector.extract_strided_slice %exp3A {offsets = [2168, 0], sizes = [8, 512], strides = [1, 1]} : vector<4224x512xf32> to vector<8x512xf32>
    %add3A_1621 = arith.addf %add3A_1619, %slice3A_1620 : vector<8x512xf32>
    %slice3A_1622 = vector.extract_strided_slice %exp3A {offsets = [2176, 0], sizes = [8, 512], strides = [1, 1]} : vector<4224x512xf32> to vector<8x512xf32>
    %add3A_1623 = arith.addf %add3A_1621, %slice3A_1622 : vector<8x512xf32>
    %slice3A_1624 = vector.extract_strided_slice %exp3A {offsets = [2184, 0], sizes = [8, 512], strides = [1, 1]} : vector<4224x512xf32> to vector<8x512xf32>
    %add3A_1625 = arith.addf %add3A_1623, %slice3A_1624 : vector<8x512xf32>
    %slice3A_1626 = vector.extract_strided_slice %exp3A {offsets = [2192, 0], sizes = [8, 512], strides = [1, 1]} : vector<4224x512xf32> to vector<8x512xf32>
    %add3A_1627 = arith.addf %add3A_1625, %slice3A_1626 : vector<8x512xf32>
    %slice3A_1628 = vector.extract_strided_slice %exp3A {offsets = [2200, 0], sizes = [8, 512], strides = [1, 1]} : vector<4224x512xf32> to vector<8x512xf32>
    %add3A_1629 = arith.addf %add3A_1627, %slice3A_1628 : vector<8x512xf32>
    %slice3A_1630 = vector.extract_strided_slice %exp3A {offsets = [2208, 0], sizes = [8, 512], strides = [1, 1]} : vector<4224x512xf32> to vector<8x512xf32>
    %add3A_1631 = arith.addf %add3A_1629, %slice3A_1630 : vector<8x512xf32>
    %slice3A_1632 = vector.extract_strided_slice %exp3A {offsets = [2216, 0], sizes = [8, 512], strides = [1, 1]} : vector<4224x512xf32> to vector<8x512xf32>
    %add3A_1633 = arith.addf %add3A_1631, %slice3A_1632 : vector<8x512xf32>
    %slice3A_1634 = vector.extract_strided_slice %exp3A {offsets = [2224, 0], sizes = [8, 512], strides = [1, 1]} : vector<4224x512xf32> to vector<8x512xf32>
    %add3A_1635 = arith.addf %add3A_1633, %slice3A_1634 : vector<8x512xf32>
    %slice3A_1636 = vector.extract_strided_slice %exp3A {offsets = [2232, 0], sizes = [8, 512], strides = [1, 1]} : vector<4224x512xf32> to vector<8x512xf32>
    %add3A_1637 = arith.addf %add3A_1635, %slice3A_1636 : vector<8x512xf32>
    %slice3A_1638 = vector.extract_strided_slice %exp3A {offsets = [2240, 0], sizes = [8, 512], strides = [1, 1]} : vector<4224x512xf32> to vector<8x512xf32>
    %add3A_1639 = arith.addf %add3A_1637, %slice3A_1638 : vector<8x512xf32>
    %slice3A_1640 = vector.extract_strided_slice %exp3A {offsets = [2248, 0], sizes = [8, 512], strides = [1, 1]} : vector<4224x512xf32> to vector<8x512xf32>
    %add3A_1641 = arith.addf %add3A_1639, %slice3A_1640 : vector<8x512xf32>
    %slice3A_1642 = vector.extract_strided_slice %exp3A {offsets = [2256, 0], sizes = [8, 512], strides = [1, 1]} : vector<4224x512xf32> to vector<8x512xf32>
    %add3A_1643 = arith.addf %add3A_1641, %slice3A_1642 : vector<8x512xf32>
    %slice3A_1644 = vector.extract_strided_slice %exp3A {offsets = [2264, 0], sizes = [8, 512], strides = [1, 1]} : vector<4224x512xf32> to vector<8x512xf32>
    %add3A_1645 = arith.addf %add3A_1643, %slice3A_1644 : vector<8x512xf32>
    %slice3A_1646 = vector.extract_strided_slice %exp3A {offsets = [2272, 0], sizes = [8, 512], strides = [1, 1]} : vector<4224x512xf32> to vector<8x512xf32>
    %add3A_1647 = arith.addf %add3A_1645, %slice3A_1646 : vector<8x512xf32>
    %slice3A_1648 = vector.extract_strided_slice %exp3A {offsets = [2280, 0], sizes = [8, 512], strides = [1, 1]} : vector<4224x512xf32> to vector<8x512xf32>
    %add3A_1649 = arith.addf %add3A_1647, %slice3A_1648 : vector<8x512xf32>
    %slice3A_1650 = vector.extract_strided_slice %exp3A {offsets = [2288, 0], sizes = [8, 512], strides = [1, 1]} : vector<4224x512xf32> to vector<8x512xf32>
    %add3A_1651 = arith.addf %add3A_1649, %slice3A_1650 : vector<8x512xf32>
    %slice3A_1652 = vector.extract_strided_slice %exp3A {offsets = [2296, 0], sizes = [8, 512], strides = [1, 1]} : vector<4224x512xf32> to vector<8x512xf32>
    %add3A_1653 = arith.addf %add3A_1651, %slice3A_1652 : vector<8x512xf32>
    %slice3A_1654 = vector.extract_strided_slice %exp3A {offsets = [2304, 0], sizes = [8, 512], strides = [1, 1]} : vector<4224x512xf32> to vector<8x512xf32>
    %add3A_1655 = arith.addf %add3A_1653, %slice3A_1654 : vector<8x512xf32>
    %slice3A_1656 = vector.extract_strided_slice %exp3A {offsets = [2312, 0], sizes = [8, 512], strides = [1, 1]} : vector<4224x512xf32> to vector<8x512xf32>
    %add3A_1657 = arith.addf %add3A_1655, %slice3A_1656 : vector<8x512xf32>
    %slice3A_1658 = vector.extract_strided_slice %exp3A {offsets = [2320, 0], sizes = [8, 512], strides = [1, 1]} : vector<4224x512xf32> to vector<8x512xf32>
    %add3A_1659 = arith.addf %add3A_1657, %slice3A_1658 : vector<8x512xf32>
    %slice3A_1660 = vector.extract_strided_slice %exp3A {offsets = [2328, 0], sizes = [8, 512], strides = [1, 1]} : vector<4224x512xf32> to vector<8x512xf32>
    %add3A_1661 = arith.addf %add3A_1659, %slice3A_1660 : vector<8x512xf32>
    %slice3A_1662 = vector.extract_strided_slice %exp3A {offsets = [2336, 0], sizes = [8, 512], strides = [1, 1]} : vector<4224x512xf32> to vector<8x512xf32>
    %add3A_1663 = arith.addf %add3A_1661, %slice3A_1662 : vector<8x512xf32>
    %slice3A_1664 = vector.extract_strided_slice %exp3A {offsets = [2344, 0], sizes = [8, 512], strides = [1, 1]} : vector<4224x512xf32> to vector<8x512xf32>
    %add3A_1665 = arith.addf %add3A_1663, %slice3A_1664 : vector<8x512xf32>
    %slice3A_1666 = vector.extract_strided_slice %exp3A {offsets = [2352, 0], sizes = [8, 512], strides = [1, 1]} : vector<4224x512xf32> to vector<8x512xf32>
    %add3A_1667 = arith.addf %add3A_1665, %slice3A_1666 : vector<8x512xf32>
    %slice3A_1668 = vector.extract_strided_slice %exp3A {offsets = [2360, 0], sizes = [8, 512], strides = [1, 1]} : vector<4224x512xf32> to vector<8x512xf32>
    %add3A_1669 = arith.addf %add3A_1667, %slice3A_1668 : vector<8x512xf32>
    %slice3A_1670 = vector.extract_strided_slice %exp3A {offsets = [2368, 0], sizes = [8, 512], strides = [1, 1]} : vector<4224x512xf32> to vector<8x512xf32>
    %add3A_1671 = arith.addf %add3A_1669, %slice3A_1670 : vector<8x512xf32>
    %slice3A_1672 = vector.extract_strided_slice %exp3A {offsets = [2376, 0], sizes = [8, 512], strides = [1, 1]} : vector<4224x512xf32> to vector<8x512xf32>
    %add3A_1673 = arith.addf %add3A_1671, %slice3A_1672 : vector<8x512xf32>
    %slice3A_1674 = vector.extract_strided_slice %exp3A {offsets = [2384, 0], sizes = [8, 512], strides = [1, 1]} : vector<4224x512xf32> to vector<8x512xf32>
    %add3A_1675 = arith.addf %add3A_1673, %slice3A_1674 : vector<8x512xf32>
    %slice3A_1676 = vector.extract_strided_slice %exp3A {offsets = [2392, 0], sizes = [8, 512], strides = [1, 1]} : vector<4224x512xf32> to vector<8x512xf32>
    %add3A_1677 = arith.addf %add3A_1675, %slice3A_1676 : vector<8x512xf32>
    %slice3A_1678 = vector.extract_strided_slice %exp3A {offsets = [2400, 0], sizes = [8, 512], strides = [1, 1]} : vector<4224x512xf32> to vector<8x512xf32>
    %add3A_1679 = arith.addf %add3A_1677, %slice3A_1678 : vector<8x512xf32>
    %slice3A_1680 = vector.extract_strided_slice %exp3A {offsets = [2408, 0], sizes = [8, 512], strides = [1, 1]} : vector<4224x512xf32> to vector<8x512xf32>
    %add3A_1681 = arith.addf %add3A_1679, %slice3A_1680 : vector<8x512xf32>
    %slice3A_1682 = vector.extract_strided_slice %exp3A {offsets = [2416, 0], sizes = [8, 512], strides = [1, 1]} : vector<4224x512xf32> to vector<8x512xf32>
    %add3A_1683 = arith.addf %add3A_1681, %slice3A_1682 : vector<8x512xf32>
    %slice3A_1684 = vector.extract_strided_slice %exp3A {offsets = [2424, 0], sizes = [8, 512], strides = [1, 1]} : vector<4224x512xf32> to vector<8x512xf32>
    %add3A_1685 = arith.addf %add3A_1683, %slice3A_1684 : vector<8x512xf32>
    %slice3A_1686 = vector.extract_strided_slice %exp3A {offsets = [2432, 0], sizes = [8, 512], strides = [1, 1]} : vector<4224x512xf32> to vector<8x512xf32>
    %add3A_1687 = arith.addf %add3A_1685, %slice3A_1686 : vector<8x512xf32>
    %slice3A_1688 = vector.extract_strided_slice %exp3A {offsets = [2440, 0], sizes = [8, 512], strides = [1, 1]} : vector<4224x512xf32> to vector<8x512xf32>
    %add3A_1689 = arith.addf %add3A_1687, %slice3A_1688 : vector<8x512xf32>
    %slice3A_1690 = vector.extract_strided_slice %exp3A {offsets = [2448, 0], sizes = [8, 512], strides = [1, 1]} : vector<4224x512xf32> to vector<8x512xf32>
    %add3A_1691 = arith.addf %add3A_1689, %slice3A_1690 : vector<8x512xf32>
    %slice3A_1692 = vector.extract_strided_slice %exp3A {offsets = [2456, 0], sizes = [8, 512], strides = [1, 1]} : vector<4224x512xf32> to vector<8x512xf32>
    %add3A_1693 = arith.addf %add3A_1691, %slice3A_1692 : vector<8x512xf32>
    %slice3A_1694 = vector.extract_strided_slice %exp3A {offsets = [2464, 0], sizes = [8, 512], strides = [1, 1]} : vector<4224x512xf32> to vector<8x512xf32>
    %add3A_1695 = arith.addf %add3A_1693, %slice3A_1694 : vector<8x512xf32>
    %slice3A_1696 = vector.extract_strided_slice %exp3A {offsets = [2472, 0], sizes = [8, 512], strides = [1, 1]} : vector<4224x512xf32> to vector<8x512xf32>
    %add3A_1697 = arith.addf %add3A_1695, %slice3A_1696 : vector<8x512xf32>
    %slice3A_1698 = vector.extract_strided_slice %exp3A {offsets = [2480, 0], sizes = [8, 512], strides = [1, 1]} : vector<4224x512xf32> to vector<8x512xf32>
    %add3A_1699 = arith.addf %add3A_1697, %slice3A_1698 : vector<8x512xf32>
    %slice3A_1700 = vector.extract_strided_slice %exp3A {offsets = [2488, 0], sizes = [8, 512], strides = [1, 1]} : vector<4224x512xf32> to vector<8x512xf32>
    %add3A_1701 = arith.addf %add3A_1699, %slice3A_1700 : vector<8x512xf32>
    %slice3A_1702 = vector.extract_strided_slice %exp3A {offsets = [2496, 0], sizes = [8, 512], strides = [1, 1]} : vector<4224x512xf32> to vector<8x512xf32>
    %add3A_1703 = arith.addf %add3A_1701, %slice3A_1702 : vector<8x512xf32>
    %slice3A_1704 = vector.extract_strided_slice %exp3A {offsets = [2504, 0], sizes = [8, 512], strides = [1, 1]} : vector<4224x512xf32> to vector<8x512xf32>
    %add3A_1705 = arith.addf %add3A_1703, %slice3A_1704 : vector<8x512xf32>
    %slice3A_1706 = vector.extract_strided_slice %exp3A {offsets = [2512, 0], sizes = [8, 512], strides = [1, 1]} : vector<4224x512xf32> to vector<8x512xf32>
    %add3A_1707 = arith.addf %add3A_1705, %slice3A_1706 : vector<8x512xf32>
    %slice3A_1708 = vector.extract_strided_slice %exp3A {offsets = [2520, 0], sizes = [8, 512], strides = [1, 1]} : vector<4224x512xf32> to vector<8x512xf32>
    %add3A_1709 = arith.addf %add3A_1707, %slice3A_1708 : vector<8x512xf32>
    %slice3A_1710 = vector.extract_strided_slice %exp3A {offsets = [2528, 0], sizes = [8, 512], strides = [1, 1]} : vector<4224x512xf32> to vector<8x512xf32>
    %add3A_1711 = arith.addf %add3A_1709, %slice3A_1710 : vector<8x512xf32>
    %slice3A_1712 = vector.extract_strided_slice %exp3A {offsets = [2536, 0], sizes = [8, 512], strides = [1, 1]} : vector<4224x512xf32> to vector<8x512xf32>
    %add3A_1713 = arith.addf %add3A_1711, %slice3A_1712 : vector<8x512xf32>
    %slice3A_1714 = vector.extract_strided_slice %exp3A {offsets = [2544, 0], sizes = [8, 512], strides = [1, 1]} : vector<4224x512xf32> to vector<8x512xf32>
    %add3A_1715 = arith.addf %add3A_1713, %slice3A_1714 : vector<8x512xf32>
    %slice3A_1716 = vector.extract_strided_slice %exp3A {offsets = [2552, 0], sizes = [8, 512], strides = [1, 1]} : vector<4224x512xf32> to vector<8x512xf32>
    %add3A_1717 = arith.addf %add3A_1715, %slice3A_1716 : vector<8x512xf32>
    %slice3A_1718 = vector.extract_strided_slice %exp3A {offsets = [2560, 0], sizes = [8, 512], strides = [1, 1]} : vector<4224x512xf32> to vector<8x512xf32>
    %add3A_1719 = arith.addf %add3A_1717, %slice3A_1718 : vector<8x512xf32>
    %slice3A_1720 = vector.extract_strided_slice %exp3A {offsets = [2568, 0], sizes = [8, 512], strides = [1, 1]} : vector<4224x512xf32> to vector<8x512xf32>
    %add3A_1721 = arith.addf %add3A_1719, %slice3A_1720 : vector<8x512xf32>
    %slice3A_1722 = vector.extract_strided_slice %exp3A {offsets = [2576, 0], sizes = [8, 512], strides = [1, 1]} : vector<4224x512xf32> to vector<8x512xf32>
    %add3A_1723 = arith.addf %add3A_1721, %slice3A_1722 : vector<8x512xf32>
    %slice3A_1724 = vector.extract_strided_slice %exp3A {offsets = [2584, 0], sizes = [8, 512], strides = [1, 1]} : vector<4224x512xf32> to vector<8x512xf32>
    %add3A_1725 = arith.addf %add3A_1723, %slice3A_1724 : vector<8x512xf32>
    %slice3A_1726 = vector.extract_strided_slice %exp3A {offsets = [2592, 0], sizes = [8, 512], strides = [1, 1]} : vector<4224x512xf32> to vector<8x512xf32>
    %add3A_1727 = arith.addf %add3A_1725, %slice3A_1726 : vector<8x512xf32>
    %slice3A_1728 = vector.extract_strided_slice %exp3A {offsets = [2600, 0], sizes = [8, 512], strides = [1, 1]} : vector<4224x512xf32> to vector<8x512xf32>
    %add3A_1729 = arith.addf %add3A_1727, %slice3A_1728 : vector<8x512xf32>
    %slice3A_1730 = vector.extract_strided_slice %exp3A {offsets = [2608, 0], sizes = [8, 512], strides = [1, 1]} : vector<4224x512xf32> to vector<8x512xf32>
    %add3A_1731 = arith.addf %add3A_1729, %slice3A_1730 : vector<8x512xf32>
    %slice3A_1732 = vector.extract_strided_slice %exp3A {offsets = [2616, 0], sizes = [8, 512], strides = [1, 1]} : vector<4224x512xf32> to vector<8x512xf32>
    %add3A_1733 = arith.addf %add3A_1731, %slice3A_1732 : vector<8x512xf32>
    %slice3A_1734 = vector.extract_strided_slice %exp3A {offsets = [2624, 0], sizes = [8, 512], strides = [1, 1]} : vector<4224x512xf32> to vector<8x512xf32>
    %add3A_1735 = arith.addf %add3A_1733, %slice3A_1734 : vector<8x512xf32>
    %slice3A_1736 = vector.extract_strided_slice %exp3A {offsets = [2632, 0], sizes = [8, 512], strides = [1, 1]} : vector<4224x512xf32> to vector<8x512xf32>
    %add3A_1737 = arith.addf %add3A_1735, %slice3A_1736 : vector<8x512xf32>
    %slice3A_1738 = vector.extract_strided_slice %exp3A {offsets = [2640, 0], sizes = [8, 512], strides = [1, 1]} : vector<4224x512xf32> to vector<8x512xf32>
    %add3A_1739 = arith.addf %add3A_1737, %slice3A_1738 : vector<8x512xf32>
    %slice3A_1740 = vector.extract_strided_slice %exp3A {offsets = [2648, 0], sizes = [8, 512], strides = [1, 1]} : vector<4224x512xf32> to vector<8x512xf32>
    %add3A_1741 = arith.addf %add3A_1739, %slice3A_1740 : vector<8x512xf32>
    %slice3A_1742 = vector.extract_strided_slice %exp3A {offsets = [2656, 0], sizes = [8, 512], strides = [1, 1]} : vector<4224x512xf32> to vector<8x512xf32>
    %add3A_1743 = arith.addf %add3A_1741, %slice3A_1742 : vector<8x512xf32>
    %slice3A_1744 = vector.extract_strided_slice %exp3A {offsets = [2664, 0], sizes = [8, 512], strides = [1, 1]} : vector<4224x512xf32> to vector<8x512xf32>
    %add3A_1745 = arith.addf %add3A_1743, %slice3A_1744 : vector<8x512xf32>
    %slice3A_1746 = vector.extract_strided_slice %exp3A {offsets = [2672, 0], sizes = [8, 512], strides = [1, 1]} : vector<4224x512xf32> to vector<8x512xf32>
    %add3A_1747 = arith.addf %add3A_1745, %slice3A_1746 : vector<8x512xf32>
    %slice3A_1748 = vector.extract_strided_slice %exp3A {offsets = [2680, 0], sizes = [8, 512], strides = [1, 1]} : vector<4224x512xf32> to vector<8x512xf32>
    %add3A_1749 = arith.addf %add3A_1747, %slice3A_1748 : vector<8x512xf32>
    %slice3A_1750 = vector.extract_strided_slice %exp3A {offsets = [2688, 0], sizes = [8, 512], strides = [1, 1]} : vector<4224x512xf32> to vector<8x512xf32>
    %add3A_1751 = arith.addf %add3A_1749, %slice3A_1750 : vector<8x512xf32>
    %slice3A_1752 = vector.extract_strided_slice %exp3A {offsets = [2696, 0], sizes = [8, 512], strides = [1, 1]} : vector<4224x512xf32> to vector<8x512xf32>
    %add3A_1753 = arith.addf %add3A_1751, %slice3A_1752 : vector<8x512xf32>
    %slice3A_1754 = vector.extract_strided_slice %exp3A {offsets = [2704, 0], sizes = [8, 512], strides = [1, 1]} : vector<4224x512xf32> to vector<8x512xf32>
    %add3A_1755 = arith.addf %add3A_1753, %slice3A_1754 : vector<8x512xf32>
    %slice3A_1756 = vector.extract_strided_slice %exp3A {offsets = [2712, 0], sizes = [8, 512], strides = [1, 1]} : vector<4224x512xf32> to vector<8x512xf32>
    %add3A_1757 = arith.addf %add3A_1755, %slice3A_1756 : vector<8x512xf32>
    %slice3A_1758 = vector.extract_strided_slice %exp3A {offsets = [2720, 0], sizes = [8, 512], strides = [1, 1]} : vector<4224x512xf32> to vector<8x512xf32>
    %add3A_1759 = arith.addf %add3A_1757, %slice3A_1758 : vector<8x512xf32>
    %slice3A_1760 = vector.extract_strided_slice %exp3A {offsets = [2728, 0], sizes = [8, 512], strides = [1, 1]} : vector<4224x512xf32> to vector<8x512xf32>
    %add3A_1761 = arith.addf %add3A_1759, %slice3A_1760 : vector<8x512xf32>
    %slice3A_1762 = vector.extract_strided_slice %exp3A {offsets = [2736, 0], sizes = [8, 512], strides = [1, 1]} : vector<4224x512xf32> to vector<8x512xf32>
    %add3A_1763 = arith.addf %add3A_1761, %slice3A_1762 : vector<8x512xf32>
    %slice3A_1764 = vector.extract_strided_slice %exp3A {offsets = [2744, 0], sizes = [8, 512], strides = [1, 1]} : vector<4224x512xf32> to vector<8x512xf32>
    %add3A_1765 = arith.addf %add3A_1763, %slice3A_1764 : vector<8x512xf32>
    %slice3A_1766 = vector.extract_strided_slice %exp3A {offsets = [2752, 0], sizes = [8, 512], strides = [1, 1]} : vector<4224x512xf32> to vector<8x512xf32>
    %add3A_1767 = arith.addf %add3A_1765, %slice3A_1766 : vector<8x512xf32>
    %slice3A_1768 = vector.extract_strided_slice %exp3A {offsets = [2760, 0], sizes = [8, 512], strides = [1, 1]} : vector<4224x512xf32> to vector<8x512xf32>
    %add3A_1769 = arith.addf %add3A_1767, %slice3A_1768 : vector<8x512xf32>
    %slice3A_1770 = vector.extract_strided_slice %exp3A {offsets = [2768, 0], sizes = [8, 512], strides = [1, 1]} : vector<4224x512xf32> to vector<8x512xf32>
    %add3A_1771 = arith.addf %add3A_1769, %slice3A_1770 : vector<8x512xf32>
    %slice3A_1772 = vector.extract_strided_slice %exp3A {offsets = [2776, 0], sizes = [8, 512], strides = [1, 1]} : vector<4224x512xf32> to vector<8x512xf32>
    %add3A_1773 = arith.addf %add3A_1771, %slice3A_1772 : vector<8x512xf32>
    %slice3A_1774 = vector.extract_strided_slice %exp3A {offsets = [2784, 0], sizes = [8, 512], strides = [1, 1]} : vector<4224x512xf32> to vector<8x512xf32>
    %add3A_1775 = arith.addf %add3A_1773, %slice3A_1774 : vector<8x512xf32>
    %slice3A_1776 = vector.extract_strided_slice %exp3A {offsets = [2792, 0], sizes = [8, 512], strides = [1, 1]} : vector<4224x512xf32> to vector<8x512xf32>
    %add3A_1777 = arith.addf %add3A_1775, %slice3A_1776 : vector<8x512xf32>
    %slice3A_1778 = vector.extract_strided_slice %exp3A {offsets = [2800, 0], sizes = [8, 512], strides = [1, 1]} : vector<4224x512xf32> to vector<8x512xf32>
    %add3A_1779 = arith.addf %add3A_1777, %slice3A_1778 : vector<8x512xf32>
    %slice3A_1780 = vector.extract_strided_slice %exp3A {offsets = [2808, 0], sizes = [8, 512], strides = [1, 1]} : vector<4224x512xf32> to vector<8x512xf32>
    %add3A_1781 = arith.addf %add3A_1779, %slice3A_1780 : vector<8x512xf32>
    %slice3A_1782 = vector.extract_strided_slice %exp3A {offsets = [2816, 0], sizes = [8, 512], strides = [1, 1]} : vector<4224x512xf32> to vector<8x512xf32>
    %add3A_1783 = arith.addf %add3A_1781, %slice3A_1782 : vector<8x512xf32>
    %slice3A_1784 = vector.extract_strided_slice %exp3A {offsets = [2824, 0], sizes = [8, 512], strides = [1, 1]} : vector<4224x512xf32> to vector<8x512xf32>
    %add3A_1785 = arith.addf %add3A_1783, %slice3A_1784 : vector<8x512xf32>
    %slice3A_1786 = vector.extract_strided_slice %exp3A {offsets = [2832, 0], sizes = [8, 512], strides = [1, 1]} : vector<4224x512xf32> to vector<8x512xf32>
    %add3A_1787 = arith.addf %add3A_1785, %slice3A_1786 : vector<8x512xf32>
    %slice3A_1788 = vector.extract_strided_slice %exp3A {offsets = [2840, 0], sizes = [8, 512], strides = [1, 1]} : vector<4224x512xf32> to vector<8x512xf32>
    %add3A_1789 = arith.addf %add3A_1787, %slice3A_1788 : vector<8x512xf32>
    %slice3A_1790 = vector.extract_strided_slice %exp3A {offsets = [2848, 0], sizes = [8, 512], strides = [1, 1]} : vector<4224x512xf32> to vector<8x512xf32>
    %add3A_1791 = arith.addf %add3A_1789, %slice3A_1790 : vector<8x512xf32>
    %slice3A_1792 = vector.extract_strided_slice %exp3A {offsets = [2856, 0], sizes = [8, 512], strides = [1, 1]} : vector<4224x512xf32> to vector<8x512xf32>
    %add3A_1793 = arith.addf %add3A_1791, %slice3A_1792 : vector<8x512xf32>
    %slice3A_1794 = vector.extract_strided_slice %exp3A {offsets = [2864, 0], sizes = [8, 512], strides = [1, 1]} : vector<4224x512xf32> to vector<8x512xf32>
    %add3A_1795 = arith.addf %add3A_1793, %slice3A_1794 : vector<8x512xf32>
    %slice3A_1796 = vector.extract_strided_slice %exp3A {offsets = [2872, 0], sizes = [8, 512], strides = [1, 1]} : vector<4224x512xf32> to vector<8x512xf32>
    %add3A_1797 = arith.addf %add3A_1795, %slice3A_1796 : vector<8x512xf32>
    %slice3A_1798 = vector.extract_strided_slice %exp3A {offsets = [2880, 0], sizes = [8, 512], strides = [1, 1]} : vector<4224x512xf32> to vector<8x512xf32>
    %add3A_1799 = arith.addf %add3A_1797, %slice3A_1798 : vector<8x512xf32>
    %slice3A_1800 = vector.extract_strided_slice %exp3A {offsets = [2888, 0], sizes = [8, 512], strides = [1, 1]} : vector<4224x512xf32> to vector<8x512xf32>
    %add3A_1801 = arith.addf %add3A_1799, %slice3A_1800 : vector<8x512xf32>
    %slice3A_1802 = vector.extract_strided_slice %exp3A {offsets = [2896, 0], sizes = [8, 512], strides = [1, 1]} : vector<4224x512xf32> to vector<8x512xf32>
    %add3A_1803 = arith.addf %add3A_1801, %slice3A_1802 : vector<8x512xf32>
    %slice3A_1804 = vector.extract_strided_slice %exp3A {offsets = [2904, 0], sizes = [8, 512], strides = [1, 1]} : vector<4224x512xf32> to vector<8x512xf32>
    %add3A_1805 = arith.addf %add3A_1803, %slice3A_1804 : vector<8x512xf32>
    %slice3A_1806 = vector.extract_strided_slice %exp3A {offsets = [2912, 0], sizes = [8, 512], strides = [1, 1]} : vector<4224x512xf32> to vector<8x512xf32>
    %add3A_1807 = arith.addf %add3A_1805, %slice3A_1806 : vector<8x512xf32>
    %slice3A_1808 = vector.extract_strided_slice %exp3A {offsets = [2920, 0], sizes = [8, 512], strides = [1, 1]} : vector<4224x512xf32> to vector<8x512xf32>
    %add3A_1809 = arith.addf %add3A_1807, %slice3A_1808 : vector<8x512xf32>
    %slice3A_1810 = vector.extract_strided_slice %exp3A {offsets = [2928, 0], sizes = [8, 512], strides = [1, 1]} : vector<4224x512xf32> to vector<8x512xf32>
    %add3A_1811 = arith.addf %add3A_1809, %slice3A_1810 : vector<8x512xf32>
    %slice3A_1812 = vector.extract_strided_slice %exp3A {offsets = [2936, 0], sizes = [8, 512], strides = [1, 1]} : vector<4224x512xf32> to vector<8x512xf32>
    %add3A_1813 = arith.addf %add3A_1811, %slice3A_1812 : vector<8x512xf32>
    %slice3A_1814 = vector.extract_strided_slice %exp3A {offsets = [2944, 0], sizes = [8, 512], strides = [1, 1]} : vector<4224x512xf32> to vector<8x512xf32>
    %add3A_1815 = arith.addf %add3A_1813, %slice3A_1814 : vector<8x512xf32>
    %slice3A_1816 = vector.extract_strided_slice %exp3A {offsets = [2952, 0], sizes = [8, 512], strides = [1, 1]} : vector<4224x512xf32> to vector<8x512xf32>
    %add3A_1817 = arith.addf %add3A_1815, %slice3A_1816 : vector<8x512xf32>
    %slice3A_1818 = vector.extract_strided_slice %exp3A {offsets = [2960, 0], sizes = [8, 512], strides = [1, 1]} : vector<4224x512xf32> to vector<8x512xf32>
    %add3A_1819 = arith.addf %add3A_1817, %slice3A_1818 : vector<8x512xf32>
    %slice3A_1820 = vector.extract_strided_slice %exp3A {offsets = [2968, 0], sizes = [8, 512], strides = [1, 1]} : vector<4224x512xf32> to vector<8x512xf32>
    %add3A_1821 = arith.addf %add3A_1819, %slice3A_1820 : vector<8x512xf32>
    %slice3A_1822 = vector.extract_strided_slice %exp3A {offsets = [2976, 0], sizes = [8, 512], strides = [1, 1]} : vector<4224x512xf32> to vector<8x512xf32>
    %add3A_1823 = arith.addf %add3A_1821, %slice3A_1822 : vector<8x512xf32>
    %slice3A_1824 = vector.extract_strided_slice %exp3A {offsets = [2984, 0], sizes = [8, 512], strides = [1, 1]} : vector<4224x512xf32> to vector<8x512xf32>
    %add3A_1825 = arith.addf %add3A_1823, %slice3A_1824 : vector<8x512xf32>
    %slice3A_1826 = vector.extract_strided_slice %exp3A {offsets = [2992, 0], sizes = [8, 512], strides = [1, 1]} : vector<4224x512xf32> to vector<8x512xf32>
    %add3A_1827 = arith.addf %add3A_1825, %slice3A_1826 : vector<8x512xf32>
    %slice3A_1828 = vector.extract_strided_slice %exp3A {offsets = [3000, 0], sizes = [8, 512], strides = [1, 1]} : vector<4224x512xf32> to vector<8x512xf32>
    %add3A_1829 = arith.addf %add3A_1827, %slice3A_1828 : vector<8x512xf32>
    %slice3A_1830 = vector.extract_strided_slice %exp3A {offsets = [3008, 0], sizes = [8, 512], strides = [1, 1]} : vector<4224x512xf32> to vector<8x512xf32>
    %add3A_1831 = arith.addf %add3A_1829, %slice3A_1830 : vector<8x512xf32>
    %slice3A_1832 = vector.extract_strided_slice %exp3A {offsets = [3016, 0], sizes = [8, 512], strides = [1, 1]} : vector<4224x512xf32> to vector<8x512xf32>
    %add3A_1833 = arith.addf %add3A_1831, %slice3A_1832 : vector<8x512xf32>
    %slice3A_1834 = vector.extract_strided_slice %exp3A {offsets = [3024, 0], sizes = [8, 512], strides = [1, 1]} : vector<4224x512xf32> to vector<8x512xf32>
    %add3A_1835 = arith.addf %add3A_1833, %slice3A_1834 : vector<8x512xf32>
    %slice3A_1836 = vector.extract_strided_slice %exp3A {offsets = [3032, 0], sizes = [8, 512], strides = [1, 1]} : vector<4224x512xf32> to vector<8x512xf32>
    %add3A_1837 = arith.addf %add3A_1835, %slice3A_1836 : vector<8x512xf32>
    %slice3A_1838 = vector.extract_strided_slice %exp3A {offsets = [3040, 0], sizes = [8, 512], strides = [1, 1]} : vector<4224x512xf32> to vector<8x512xf32>
    %add3A_1839 = arith.addf %add3A_1837, %slice3A_1838 : vector<8x512xf32>
    %slice3A_1840 = vector.extract_strided_slice %exp3A {offsets = [3048, 0], sizes = [8, 512], strides = [1, 1]} : vector<4224x512xf32> to vector<8x512xf32>
    %add3A_1841 = arith.addf %add3A_1839, %slice3A_1840 : vector<8x512xf32>
    %slice3A_1842 = vector.extract_strided_slice %exp3A {offsets = [3056, 0], sizes = [8, 512], strides = [1, 1]} : vector<4224x512xf32> to vector<8x512xf32>
    %add3A_1843 = arith.addf %add3A_1841, %slice3A_1842 : vector<8x512xf32>
    %slice3A_1844 = vector.extract_strided_slice %exp3A {offsets = [3064, 0], sizes = [8, 512], strides = [1, 1]} : vector<4224x512xf32> to vector<8x512xf32>
    %add3A_1845 = arith.addf %add3A_1843, %slice3A_1844 : vector<8x512xf32>
    %slice3A_1846 = vector.extract_strided_slice %exp3A {offsets = [3072, 0], sizes = [8, 512], strides = [1, 1]} : vector<4224x512xf32> to vector<8x512xf32>
    %add3A_1847 = arith.addf %add3A_1845, %slice3A_1846 : vector<8x512xf32>
    %slice3A_1848 = vector.extract_strided_slice %exp3A {offsets = [3080, 0], sizes = [8, 512], strides = [1, 1]} : vector<4224x512xf32> to vector<8x512xf32>
    %add3A_1849 = arith.addf %add3A_1847, %slice3A_1848 : vector<8x512xf32>
    %slice3A_1850 = vector.extract_strided_slice %exp3A {offsets = [3088, 0], sizes = [8, 512], strides = [1, 1]} : vector<4224x512xf32> to vector<8x512xf32>
    %add3A_1851 = arith.addf %add3A_1849, %slice3A_1850 : vector<8x512xf32>
    %slice3A_1852 = vector.extract_strided_slice %exp3A {offsets = [3096, 0], sizes = [8, 512], strides = [1, 1]} : vector<4224x512xf32> to vector<8x512xf32>
    %add3A_1853 = arith.addf %add3A_1851, %slice3A_1852 : vector<8x512xf32>
    %slice3A_1854 = vector.extract_strided_slice %exp3A {offsets = [3104, 0], sizes = [8, 512], strides = [1, 1]} : vector<4224x512xf32> to vector<8x512xf32>
    %add3A_1855 = arith.addf %add3A_1853, %slice3A_1854 : vector<8x512xf32>
    %slice3A_1856 = vector.extract_strided_slice %exp3A {offsets = [3112, 0], sizes = [8, 512], strides = [1, 1]} : vector<4224x512xf32> to vector<8x512xf32>
    %add3A_1857 = arith.addf %add3A_1855, %slice3A_1856 : vector<8x512xf32>
    %slice3A_1858 = vector.extract_strided_slice %exp3A {offsets = [3120, 0], sizes = [8, 512], strides = [1, 1]} : vector<4224x512xf32> to vector<8x512xf32>
    %add3A_1859 = arith.addf %add3A_1857, %slice3A_1858 : vector<8x512xf32>
    %slice3A_1860 = vector.extract_strided_slice %exp3A {offsets = [3128, 0], sizes = [8, 512], strides = [1, 1]} : vector<4224x512xf32> to vector<8x512xf32>
    %add3A_1861 = arith.addf %add3A_1859, %slice3A_1860 : vector<8x512xf32>
    %slice3A_1862 = vector.extract_strided_slice %exp3A {offsets = [3136, 0], sizes = [8, 512], strides = [1, 1]} : vector<4224x512xf32> to vector<8x512xf32>
    %add3A_1863 = arith.addf %add3A_1861, %slice3A_1862 : vector<8x512xf32>
    %slice3A_1864 = vector.extract_strided_slice %exp3A {offsets = [3144, 0], sizes = [8, 512], strides = [1, 1]} : vector<4224x512xf32> to vector<8x512xf32>
    %add3A_1865 = arith.addf %add3A_1863, %slice3A_1864 : vector<8x512xf32>
    %slice3A_1866 = vector.extract_strided_slice %exp3A {offsets = [3152, 0], sizes = [8, 512], strides = [1, 1]} : vector<4224x512xf32> to vector<8x512xf32>
    %add3A_1867 = arith.addf %add3A_1865, %slice3A_1866 : vector<8x512xf32>
    %slice3A_1868 = vector.extract_strided_slice %exp3A {offsets = [3160, 0], sizes = [8, 512], strides = [1, 1]} : vector<4224x512xf32> to vector<8x512xf32>
    %add3A_1869 = arith.addf %add3A_1867, %slice3A_1868 : vector<8x512xf32>
    %slice3A_1870 = vector.extract_strided_slice %exp3A {offsets = [3168, 0], sizes = [8, 512], strides = [1, 1]} : vector<4224x512xf32> to vector<8x512xf32>
    %add3A_1871 = arith.addf %add3A_1869, %slice3A_1870 : vector<8x512xf32>
    %slice3A_1872 = vector.extract_strided_slice %exp3A {offsets = [3176, 0], sizes = [8, 512], strides = [1, 1]} : vector<4224x512xf32> to vector<8x512xf32>
    %add3A_1873 = arith.addf %add3A_1871, %slice3A_1872 : vector<8x512xf32>
    %slice3A_1874 = vector.extract_strided_slice %exp3A {offsets = [3184, 0], sizes = [8, 512], strides = [1, 1]} : vector<4224x512xf32> to vector<8x512xf32>
    %add3A_1875 = arith.addf %add3A_1873, %slice3A_1874 : vector<8x512xf32>
    %slice3A_1876 = vector.extract_strided_slice %exp3A {offsets = [3192, 0], sizes = [8, 512], strides = [1, 1]} : vector<4224x512xf32> to vector<8x512xf32>
    %add3A_1877 = arith.addf %add3A_1875, %slice3A_1876 : vector<8x512xf32>
    %slice3A_1878 = vector.extract_strided_slice %exp3A {offsets = [3200, 0], sizes = [8, 512], strides = [1, 1]} : vector<4224x512xf32> to vector<8x512xf32>
    %add3A_1879 = arith.addf %add3A_1877, %slice3A_1878 : vector<8x512xf32>
    %slice3A_1880 = vector.extract_strided_slice %exp3A {offsets = [3208, 0], sizes = [8, 512], strides = [1, 1]} : vector<4224x512xf32> to vector<8x512xf32>
    %add3A_1881 = arith.addf %add3A_1879, %slice3A_1880 : vector<8x512xf32>
    %slice3A_1882 = vector.extract_strided_slice %exp3A {offsets = [3216, 0], sizes = [8, 512], strides = [1, 1]} : vector<4224x512xf32> to vector<8x512xf32>
    %add3A_1883 = arith.addf %add3A_1881, %slice3A_1882 : vector<8x512xf32>
    %slice3A_1884 = vector.extract_strided_slice %exp3A {offsets = [3224, 0], sizes = [8, 512], strides = [1, 1]} : vector<4224x512xf32> to vector<8x512xf32>
    %add3A_1885 = arith.addf %add3A_1883, %slice3A_1884 : vector<8x512xf32>
    %slice3A_1886 = vector.extract_strided_slice %exp3A {offsets = [3232, 0], sizes = [8, 512], strides = [1, 1]} : vector<4224x512xf32> to vector<8x512xf32>
    %add3A_1887 = arith.addf %add3A_1885, %slice3A_1886 : vector<8x512xf32>
    %slice3A_1888 = vector.extract_strided_slice %exp3A {offsets = [3240, 0], sizes = [8, 512], strides = [1, 1]} : vector<4224x512xf32> to vector<8x512xf32>
    %add3A_1889 = arith.addf %add3A_1887, %slice3A_1888 : vector<8x512xf32>
    %slice3A_1890 = vector.extract_strided_slice %exp3A {offsets = [3248, 0], sizes = [8, 512], strides = [1, 1]} : vector<4224x512xf32> to vector<8x512xf32>
    %add3A_1891 = arith.addf %add3A_1889, %slice3A_1890 : vector<8x512xf32>
    %slice3A_1892 = vector.extract_strided_slice %exp3A {offsets = [3256, 0], sizes = [8, 512], strides = [1, 1]} : vector<4224x512xf32> to vector<8x512xf32>
    %add3A_1893 = arith.addf %add3A_1891, %slice3A_1892 : vector<8x512xf32>
    %slice3A_1894 = vector.extract_strided_slice %exp3A {offsets = [3264, 0], sizes = [8, 512], strides = [1, 1]} : vector<4224x512xf32> to vector<8x512xf32>
    %add3A_1895 = arith.addf %add3A_1893, %slice3A_1894 : vector<8x512xf32>
    %slice3A_1896 = vector.extract_strided_slice %exp3A {offsets = [3272, 0], sizes = [8, 512], strides = [1, 1]} : vector<4224x512xf32> to vector<8x512xf32>
    %add3A_1897 = arith.addf %add3A_1895, %slice3A_1896 : vector<8x512xf32>
    %slice3A_1898 = vector.extract_strided_slice %exp3A {offsets = [3280, 0], sizes = [8, 512], strides = [1, 1]} : vector<4224x512xf32> to vector<8x512xf32>
    %add3A_1899 = arith.addf %add3A_1897, %slice3A_1898 : vector<8x512xf32>
    %slice3A_1900 = vector.extract_strided_slice %exp3A {offsets = [3288, 0], sizes = [8, 512], strides = [1, 1]} : vector<4224x512xf32> to vector<8x512xf32>
    %add3A_1901 = arith.addf %add3A_1899, %slice3A_1900 : vector<8x512xf32>
    %slice3A_1902 = vector.extract_strided_slice %exp3A {offsets = [3296, 0], sizes = [8, 512], strides = [1, 1]} : vector<4224x512xf32> to vector<8x512xf32>
    %add3A_1903 = arith.addf %add3A_1901, %slice3A_1902 : vector<8x512xf32>
    %slice3A_1904 = vector.extract_strided_slice %exp3A {offsets = [3304, 0], sizes = [8, 512], strides = [1, 1]} : vector<4224x512xf32> to vector<8x512xf32>
    %add3A_1905 = arith.addf %add3A_1903, %slice3A_1904 : vector<8x512xf32>
    %slice3A_1906 = vector.extract_strided_slice %exp3A {offsets = [3312, 0], sizes = [8, 512], strides = [1, 1]} : vector<4224x512xf32> to vector<8x512xf32>
    %add3A_1907 = arith.addf %add3A_1905, %slice3A_1906 : vector<8x512xf32>
    %slice3A_1908 = vector.extract_strided_slice %exp3A {offsets = [3320, 0], sizes = [8, 512], strides = [1, 1]} : vector<4224x512xf32> to vector<8x512xf32>
    %add3A_1909 = arith.addf %add3A_1907, %slice3A_1908 : vector<8x512xf32>
    %slice3A_1910 = vector.extract_strided_slice %exp3A {offsets = [3328, 0], sizes = [8, 512], strides = [1, 1]} : vector<4224x512xf32> to vector<8x512xf32>
    %add3A_1911 = arith.addf %add3A_1909, %slice3A_1910 : vector<8x512xf32>
    %slice3A_1912 = vector.extract_strided_slice %exp3A {offsets = [3336, 0], sizes = [8, 512], strides = [1, 1]} : vector<4224x512xf32> to vector<8x512xf32>
    %add3A_1913 = arith.addf %add3A_1911, %slice3A_1912 : vector<8x512xf32>
    %slice3A_1914 = vector.extract_strided_slice %exp3A {offsets = [3344, 0], sizes = [8, 512], strides = [1, 1]} : vector<4224x512xf32> to vector<8x512xf32>
    %add3A_1915 = arith.addf %add3A_1913, %slice3A_1914 : vector<8x512xf32>
    %slice3A_1916 = vector.extract_strided_slice %exp3A {offsets = [3352, 0], sizes = [8, 512], strides = [1, 1]} : vector<4224x512xf32> to vector<8x512xf32>
    %add3A_1917 = arith.addf %add3A_1915, %slice3A_1916 : vector<8x512xf32>
    %slice3A_1918 = vector.extract_strided_slice %exp3A {offsets = [3360, 0], sizes = [8, 512], strides = [1, 1]} : vector<4224x512xf32> to vector<8x512xf32>
    %add3A_1919 = arith.addf %add3A_1917, %slice3A_1918 : vector<8x512xf32>
    %slice3A_1920 = vector.extract_strided_slice %exp3A {offsets = [3368, 0], sizes = [8, 512], strides = [1, 1]} : vector<4224x512xf32> to vector<8x512xf32>
    %add3A_1921 = arith.addf %add3A_1919, %slice3A_1920 : vector<8x512xf32>
    %slice3A_1922 = vector.extract_strided_slice %exp3A {offsets = [3376, 0], sizes = [8, 512], strides = [1, 1]} : vector<4224x512xf32> to vector<8x512xf32>
    %add3A_1923 = arith.addf %add3A_1921, %slice3A_1922 : vector<8x512xf32>
    %slice3A_1924 = vector.extract_strided_slice %exp3A {offsets = [3384, 0], sizes = [8, 512], strides = [1, 1]} : vector<4224x512xf32> to vector<8x512xf32>
    %add3A_1925 = arith.addf %add3A_1923, %slice3A_1924 : vector<8x512xf32>
    %slice3A_1926 = vector.extract_strided_slice %exp3A {offsets = [3392, 0], sizes = [8, 512], strides = [1, 1]} : vector<4224x512xf32> to vector<8x512xf32>
    %add3A_1927 = arith.addf %add3A_1925, %slice3A_1926 : vector<8x512xf32>
    %slice3A_1928 = vector.extract_strided_slice %exp3A {offsets = [3400, 0], sizes = [8, 512], strides = [1, 1]} : vector<4224x512xf32> to vector<8x512xf32>
    %add3A_1929 = arith.addf %add3A_1927, %slice3A_1928 : vector<8x512xf32>
    %slice3A_1930 = vector.extract_strided_slice %exp3A {offsets = [3408, 0], sizes = [8, 512], strides = [1, 1]} : vector<4224x512xf32> to vector<8x512xf32>
    %add3A_1931 = arith.addf %add3A_1929, %slice3A_1930 : vector<8x512xf32>
    %slice3A_1932 = vector.extract_strided_slice %exp3A {offsets = [3416, 0], sizes = [8, 512], strides = [1, 1]} : vector<4224x512xf32> to vector<8x512xf32>
    %add3A_1933 = arith.addf %add3A_1931, %slice3A_1932 : vector<8x512xf32>
    %slice3A_1934 = vector.extract_strided_slice %exp3A {offsets = [3424, 0], sizes = [8, 512], strides = [1, 1]} : vector<4224x512xf32> to vector<8x512xf32>
    %add3A_1935 = arith.addf %add3A_1933, %slice3A_1934 : vector<8x512xf32>
    %slice3A_1936 = vector.extract_strided_slice %exp3A {offsets = [3432, 0], sizes = [8, 512], strides = [1, 1]} : vector<4224x512xf32> to vector<8x512xf32>
    %add3A_1937 = arith.addf %add3A_1935, %slice3A_1936 : vector<8x512xf32>
    %slice3A_1938 = vector.extract_strided_slice %exp3A {offsets = [3440, 0], sizes = [8, 512], strides = [1, 1]} : vector<4224x512xf32> to vector<8x512xf32>
    %add3A_1939 = arith.addf %add3A_1937, %slice3A_1938 : vector<8x512xf32>
    %slice3A_1940 = vector.extract_strided_slice %exp3A {offsets = [3448, 0], sizes = [8, 512], strides = [1, 1]} : vector<4224x512xf32> to vector<8x512xf32>
    %add3A_1941 = arith.addf %add3A_1939, %slice3A_1940 : vector<8x512xf32>
    %slice3A_1942 = vector.extract_strided_slice %exp3A {offsets = [3456, 0], sizes = [8, 512], strides = [1, 1]} : vector<4224x512xf32> to vector<8x512xf32>
    %add3A_1943 = arith.addf %add3A_1941, %slice3A_1942 : vector<8x512xf32>
    %slice3A_1944 = vector.extract_strided_slice %exp3A {offsets = [3464, 0], sizes = [8, 512], strides = [1, 1]} : vector<4224x512xf32> to vector<8x512xf32>
    %add3A_1945 = arith.addf %add3A_1943, %slice3A_1944 : vector<8x512xf32>
    %slice3A_1946 = vector.extract_strided_slice %exp3A {offsets = [3472, 0], sizes = [8, 512], strides = [1, 1]} : vector<4224x512xf32> to vector<8x512xf32>
    %add3A_1947 = arith.addf %add3A_1945, %slice3A_1946 : vector<8x512xf32>
    %slice3A_1948 = vector.extract_strided_slice %exp3A {offsets = [3480, 0], sizes = [8, 512], strides = [1, 1]} : vector<4224x512xf32> to vector<8x512xf32>
    %add3A_1949 = arith.addf %add3A_1947, %slice3A_1948 : vector<8x512xf32>
    %slice3A_1950 = vector.extract_strided_slice %exp3A {offsets = [3488, 0], sizes = [8, 512], strides = [1, 1]} : vector<4224x512xf32> to vector<8x512xf32>
    %add3A_1951 = arith.addf %add3A_1949, %slice3A_1950 : vector<8x512xf32>
    %slice3A_1952 = vector.extract_strided_slice %exp3A {offsets = [3496, 0], sizes = [8, 512], strides = [1, 1]} : vector<4224x512xf32> to vector<8x512xf32>
    %add3A_1953 = arith.addf %add3A_1951, %slice3A_1952 : vector<8x512xf32>
    %slice3A_1954 = vector.extract_strided_slice %exp3A {offsets = [3504, 0], sizes = [8, 512], strides = [1, 1]} : vector<4224x512xf32> to vector<8x512xf32>
    %add3A_1955 = arith.addf %add3A_1953, %slice3A_1954 : vector<8x512xf32>
    %slice3A_1956 = vector.extract_strided_slice %exp3A {offsets = [3512, 0], sizes = [8, 512], strides = [1, 1]} : vector<4224x512xf32> to vector<8x512xf32>
    %add3A_1957 = arith.addf %add3A_1955, %slice3A_1956 : vector<8x512xf32>
    %slice3A_1958 = vector.extract_strided_slice %exp3A {offsets = [3520, 0], sizes = [8, 512], strides = [1, 1]} : vector<4224x512xf32> to vector<8x512xf32>
    %add3A_1959 = arith.addf %add3A_1957, %slice3A_1958 : vector<8x512xf32>
    %slice3A_1960 = vector.extract_strided_slice %exp3A {offsets = [3528, 0], sizes = [8, 512], strides = [1, 1]} : vector<4224x512xf32> to vector<8x512xf32>
    %add3A_1961 = arith.addf %add3A_1959, %slice3A_1960 : vector<8x512xf32>
    %slice3A_1962 = vector.extract_strided_slice %exp3A {offsets = [3536, 0], sizes = [8, 512], strides = [1, 1]} : vector<4224x512xf32> to vector<8x512xf32>
    %add3A_1963 = arith.addf %add3A_1961, %slice3A_1962 : vector<8x512xf32>
    %slice3A_1964 = vector.extract_strided_slice %exp3A {offsets = [3544, 0], sizes = [8, 512], strides = [1, 1]} : vector<4224x512xf32> to vector<8x512xf32>
    %add3A_1965 = arith.addf %add3A_1963, %slice3A_1964 : vector<8x512xf32>
    %slice3A_1966 = vector.extract_strided_slice %exp3A {offsets = [3552, 0], sizes = [8, 512], strides = [1, 1]} : vector<4224x512xf32> to vector<8x512xf32>
    %add3A_1967 = arith.addf %add3A_1965, %slice3A_1966 : vector<8x512xf32>
    %slice3A_1968 = vector.extract_strided_slice %exp3A {offsets = [3560, 0], sizes = [8, 512], strides = [1, 1]} : vector<4224x512xf32> to vector<8x512xf32>
    %add3A_1969 = arith.addf %add3A_1967, %slice3A_1968 : vector<8x512xf32>
    %slice3A_1970 = vector.extract_strided_slice %exp3A {offsets = [3568, 0], sizes = [8, 512], strides = [1, 1]} : vector<4224x512xf32> to vector<8x512xf32>
    %add3A_1971 = arith.addf %add3A_1969, %slice3A_1970 : vector<8x512xf32>
    %slice3A_1972 = vector.extract_strided_slice %exp3A {offsets = [3576, 0], sizes = [8, 512], strides = [1, 1]} : vector<4224x512xf32> to vector<8x512xf32>
    %add3A_1973 = arith.addf %add3A_1971, %slice3A_1972 : vector<8x512xf32>
    %slice3A_1974 = vector.extract_strided_slice %exp3A {offsets = [3584, 0], sizes = [8, 512], strides = [1, 1]} : vector<4224x512xf32> to vector<8x512xf32>
    %add3A_1975 = arith.addf %add3A_1973, %slice3A_1974 : vector<8x512xf32>
    %slice3A_1976 = vector.extract_strided_slice %exp3A {offsets = [3592, 0], sizes = [8, 512], strides = [1, 1]} : vector<4224x512xf32> to vector<8x512xf32>
    %add3A_1977 = arith.addf %add3A_1975, %slice3A_1976 : vector<8x512xf32>
    %slice3A_1978 = vector.extract_strided_slice %exp3A {offsets = [3600, 0], sizes = [8, 512], strides = [1, 1]} : vector<4224x512xf32> to vector<8x512xf32>
    %add3A_1979 = arith.addf %add3A_1977, %slice3A_1978 : vector<8x512xf32>
    %slice3A_1980 = vector.extract_strided_slice %exp3A {offsets = [3608, 0], sizes = [8, 512], strides = [1, 1]} : vector<4224x512xf32> to vector<8x512xf32>
    %add3A_1981 = arith.addf %add3A_1979, %slice3A_1980 : vector<8x512xf32>
    %slice3A_1982 = vector.extract_strided_slice %exp3A {offsets = [3616, 0], sizes = [8, 512], strides = [1, 1]} : vector<4224x512xf32> to vector<8x512xf32>
    %add3A_1983 = arith.addf %add3A_1981, %slice3A_1982 : vector<8x512xf32>
    %slice3A_1984 = vector.extract_strided_slice %exp3A {offsets = [3624, 0], sizes = [8, 512], strides = [1, 1]} : vector<4224x512xf32> to vector<8x512xf32>
    %add3A_1985 = arith.addf %add3A_1983, %slice3A_1984 : vector<8x512xf32>
    %slice3A_1986 = vector.extract_strided_slice %exp3A {offsets = [3632, 0], sizes = [8, 512], strides = [1, 1]} : vector<4224x512xf32> to vector<8x512xf32>
    %add3A_1987 = arith.addf %add3A_1985, %slice3A_1986 : vector<8x512xf32>
    %slice3A_1988 = vector.extract_strided_slice %exp3A {offsets = [3640, 0], sizes = [8, 512], strides = [1, 1]} : vector<4224x512xf32> to vector<8x512xf32>
    %add3A_1989 = arith.addf %add3A_1987, %slice3A_1988 : vector<8x512xf32>
    %slice3A_1990 = vector.extract_strided_slice %exp3A {offsets = [3648, 0], sizes = [8, 512], strides = [1, 1]} : vector<4224x512xf32> to vector<8x512xf32>
    %add3A_1991 = arith.addf %add3A_1989, %slice3A_1990 : vector<8x512xf32>
    %slice3A_1992 = vector.extract_strided_slice %exp3A {offsets = [3656, 0], sizes = [8, 512], strides = [1, 1]} : vector<4224x512xf32> to vector<8x512xf32>
    %add3A_1993 = arith.addf %add3A_1991, %slice3A_1992 : vector<8x512xf32>
    %slice3A_1994 = vector.extract_strided_slice %exp3A {offsets = [3664, 0], sizes = [8, 512], strides = [1, 1]} : vector<4224x512xf32> to vector<8x512xf32>
    %add3A_1995 = arith.addf %add3A_1993, %slice3A_1994 : vector<8x512xf32>
    %slice3A_1996 = vector.extract_strided_slice %exp3A {offsets = [3672, 0], sizes = [8, 512], strides = [1, 1]} : vector<4224x512xf32> to vector<8x512xf32>
    %add3A_1997 = arith.addf %add3A_1995, %slice3A_1996 : vector<8x512xf32>
    %slice3A_1998 = vector.extract_strided_slice %exp3A {offsets = [3680, 0], sizes = [8, 512], strides = [1, 1]} : vector<4224x512xf32> to vector<8x512xf32>
    %add3A_1999 = arith.addf %add3A_1997, %slice3A_1998 : vector<8x512xf32>
    %slice3A_2000 = vector.extract_strided_slice %exp3A {offsets = [3688, 0], sizes = [8, 512], strides = [1, 1]} : vector<4224x512xf32> to vector<8x512xf32>
    %add3A_2001 = arith.addf %add3A_1999, %slice3A_2000 : vector<8x512xf32>
    %slice3A_2002 = vector.extract_strided_slice %exp3A {offsets = [3696, 0], sizes = [8, 512], strides = [1, 1]} : vector<4224x512xf32> to vector<8x512xf32>
    %add3A_2003 = arith.addf %add3A_2001, %slice3A_2002 : vector<8x512xf32>
    %slice3A_2004 = vector.extract_strided_slice %exp3A {offsets = [3704, 0], sizes = [8, 512], strides = [1, 1]} : vector<4224x512xf32> to vector<8x512xf32>
    %add3A_2005 = arith.addf %add3A_2003, %slice3A_2004 : vector<8x512xf32>
    %slice3A_2006 = vector.extract_strided_slice %exp3A {offsets = [3712, 0], sizes = [8, 512], strides = [1, 1]} : vector<4224x512xf32> to vector<8x512xf32>
    %add3A_2007 = arith.addf %add3A_2005, %slice3A_2006 : vector<8x512xf32>
    %slice3A_2008 = vector.extract_strided_slice %exp3A {offsets = [3720, 0], sizes = [8, 512], strides = [1, 1]} : vector<4224x512xf32> to vector<8x512xf32>
    %add3A_2009 = arith.addf %add3A_2007, %slice3A_2008 : vector<8x512xf32>
    %slice3A_2010 = vector.extract_strided_slice %exp3A {offsets = [3728, 0], sizes = [8, 512], strides = [1, 1]} : vector<4224x512xf32> to vector<8x512xf32>
    %add3A_2011 = arith.addf %add3A_2009, %slice3A_2010 : vector<8x512xf32>
    %slice3A_2012 = vector.extract_strided_slice %exp3A {offsets = [3736, 0], sizes = [8, 512], strides = [1, 1]} : vector<4224x512xf32> to vector<8x512xf32>
    %add3A_2013 = arith.addf %add3A_2011, %slice3A_2012 : vector<8x512xf32>
    %slice3A_2014 = vector.extract_strided_slice %exp3A {offsets = [3744, 0], sizes = [8, 512], strides = [1, 1]} : vector<4224x512xf32> to vector<8x512xf32>
    %add3A_2015 = arith.addf %add3A_2013, %slice3A_2014 : vector<8x512xf32>
    %slice3A_2016 = vector.extract_strided_slice %exp3A {offsets = [3752, 0], sizes = [8, 512], strides = [1, 1]} : vector<4224x512xf32> to vector<8x512xf32>
    %add3A_2017 = arith.addf %add3A_2015, %slice3A_2016 : vector<8x512xf32>
    %slice3A_2018 = vector.extract_strided_slice %exp3A {offsets = [3760, 0], sizes = [8, 512], strides = [1, 1]} : vector<4224x512xf32> to vector<8x512xf32>
    %add3A_2019 = arith.addf %add3A_2017, %slice3A_2018 : vector<8x512xf32>
    %slice3A_2020 = vector.extract_strided_slice %exp3A {offsets = [3768, 0], sizes = [8, 512], strides = [1, 1]} : vector<4224x512xf32> to vector<8x512xf32>
    %add3A_2021 = arith.addf %add3A_2019, %slice3A_2020 : vector<8x512xf32>
    %slice3A_2022 = vector.extract_strided_slice %exp3A {offsets = [3776, 0], sizes = [8, 512], strides = [1, 1]} : vector<4224x512xf32> to vector<8x512xf32>
    %add3A_2023 = arith.addf %add3A_2021, %slice3A_2022 : vector<8x512xf32>
    %slice3A_2024 = vector.extract_strided_slice %exp3A {offsets = [3784, 0], sizes = [8, 512], strides = [1, 1]} : vector<4224x512xf32> to vector<8x512xf32>
    %add3A_2025 = arith.addf %add3A_2023, %slice3A_2024 : vector<8x512xf32>
    %slice3A_2026 = vector.extract_strided_slice %exp3A {offsets = [3792, 0], sizes = [8, 512], strides = [1, 1]} : vector<4224x512xf32> to vector<8x512xf32>
    %add3A_2027 = arith.addf %add3A_2025, %slice3A_2026 : vector<8x512xf32>
    %slice3A_2028 = vector.extract_strided_slice %exp3A {offsets = [3800, 0], sizes = [8, 512], strides = [1, 1]} : vector<4224x512xf32> to vector<8x512xf32>
    %add3A_2029 = arith.addf %add3A_2027, %slice3A_2028 : vector<8x512xf32>
    %slice3A_2030 = vector.extract_strided_slice %exp3A {offsets = [3808, 0], sizes = [8, 512], strides = [1, 1]} : vector<4224x512xf32> to vector<8x512xf32>
    %add3A_2031 = arith.addf %add3A_2029, %slice3A_2030 : vector<8x512xf32>
    %slice3A_2032 = vector.extract_strided_slice %exp3A {offsets = [3816, 0], sizes = [8, 512], strides = [1, 1]} : vector<4224x512xf32> to vector<8x512xf32>
    %add3A_2033 = arith.addf %add3A_2031, %slice3A_2032 : vector<8x512xf32>
    %slice3A_2034 = vector.extract_strided_slice %exp3A {offsets = [3824, 0], sizes = [8, 512], strides = [1, 1]} : vector<4224x512xf32> to vector<8x512xf32>
    %add3A_2035 = arith.addf %add3A_2033, %slice3A_2034 : vector<8x512xf32>
    %slice3A_2036 = vector.extract_strided_slice %exp3A {offsets = [3832, 0], sizes = [8, 512], strides = [1, 1]} : vector<4224x512xf32> to vector<8x512xf32>
    %add3A_2037 = arith.addf %add3A_2035, %slice3A_2036 : vector<8x512xf32>
    %slice3A_2038 = vector.extract_strided_slice %exp3A {offsets = [3840, 0], sizes = [8, 512], strides = [1, 1]} : vector<4224x512xf32> to vector<8x512xf32>
    %add3A_2039 = arith.addf %add3A_2037, %slice3A_2038 : vector<8x512xf32>
    %slice3A_2040 = vector.extract_strided_slice %exp3A {offsets = [3848, 0], sizes = [8, 512], strides = [1, 1]} : vector<4224x512xf32> to vector<8x512xf32>
    %add3A_2041 = arith.addf %add3A_2039, %slice3A_2040 : vector<8x512xf32>
    %slice3A_2042 = vector.extract_strided_slice %exp3A {offsets = [3856, 0], sizes = [8, 512], strides = [1, 1]} : vector<4224x512xf32> to vector<8x512xf32>
    %add3A_2043 = arith.addf %add3A_2041, %slice3A_2042 : vector<8x512xf32>
    %slice3A_2044 = vector.extract_strided_slice %exp3A {offsets = [3864, 0], sizes = [8, 512], strides = [1, 1]} : vector<4224x512xf32> to vector<8x512xf32>
    %add3A_2045 = arith.addf %add3A_2043, %slice3A_2044 : vector<8x512xf32>
    %slice3A_2046 = vector.extract_strided_slice %exp3A {offsets = [3872, 0], sizes = [8, 512], strides = [1, 1]} : vector<4224x512xf32> to vector<8x512xf32>
    %add3A_2047 = arith.addf %add3A_2045, %slice3A_2046 : vector<8x512xf32>
    %slice3A_2048 = vector.extract_strided_slice %exp3A {offsets = [3880, 0], sizes = [8, 512], strides = [1, 1]} : vector<4224x512xf32> to vector<8x512xf32>
    %add3A_2049 = arith.addf %add3A_2047, %slice3A_2048 : vector<8x512xf32>
    %slice3A_2050 = vector.extract_strided_slice %exp3A {offsets = [3888, 0], sizes = [8, 512], strides = [1, 1]} : vector<4224x512xf32> to vector<8x512xf32>
    %add3A_2051 = arith.addf %add3A_2049, %slice3A_2050 : vector<8x512xf32>
    %slice3A_2052 = vector.extract_strided_slice %exp3A {offsets = [3896, 0], sizes = [8, 512], strides = [1, 1]} : vector<4224x512xf32> to vector<8x512xf32>
    %add3A_2053 = arith.addf %add3A_2051, %slice3A_2052 : vector<8x512xf32>
    %slice3A_2054 = vector.extract_strided_slice %exp3A {offsets = [3904, 0], sizes = [8, 512], strides = [1, 1]} : vector<4224x512xf32> to vector<8x512xf32>
    %add3A_2055 = arith.addf %add3A_2053, %slice3A_2054 : vector<8x512xf32>
    %slice3A_2056 = vector.extract_strided_slice %exp3A {offsets = [3912, 0], sizes = [8, 512], strides = [1, 1]} : vector<4224x512xf32> to vector<8x512xf32>
    %add3A_2057 = arith.addf %add3A_2055, %slice3A_2056 : vector<8x512xf32>
    %slice3A_2058 = vector.extract_strided_slice %exp3A {offsets = [3920, 0], sizes = [8, 512], strides = [1, 1]} : vector<4224x512xf32> to vector<8x512xf32>
    %add3A_2059 = arith.addf %add3A_2057, %slice3A_2058 : vector<8x512xf32>
    %slice3A_2060 = vector.extract_strided_slice %exp3A {offsets = [3928, 0], sizes = [8, 512], strides = [1, 1]} : vector<4224x512xf32> to vector<8x512xf32>
    %add3A_2061 = arith.addf %add3A_2059, %slice3A_2060 : vector<8x512xf32>
    %slice3A_2062 = vector.extract_strided_slice %exp3A {offsets = [3936, 0], sizes = [8, 512], strides = [1, 1]} : vector<4224x512xf32> to vector<8x512xf32>
    %add3A_2063 = arith.addf %add3A_2061, %slice3A_2062 : vector<8x512xf32>
    %slice3A_2064 = vector.extract_strided_slice %exp3A {offsets = [3944, 0], sizes = [8, 512], strides = [1, 1]} : vector<4224x512xf32> to vector<8x512xf32>
    %add3A_2065 = arith.addf %add3A_2063, %slice3A_2064 : vector<8x512xf32>
    %slice3A_2066 = vector.extract_strided_slice %exp3A {offsets = [3952, 0], sizes = [8, 512], strides = [1, 1]} : vector<4224x512xf32> to vector<8x512xf32>
    %add3A_2067 = arith.addf %add3A_2065, %slice3A_2066 : vector<8x512xf32>
    %slice3A_2068 = vector.extract_strided_slice %exp3A {offsets = [3960, 0], sizes = [8, 512], strides = [1, 1]} : vector<4224x512xf32> to vector<8x512xf32>
    %add3A_2069 = arith.addf %add3A_2067, %slice3A_2068 : vector<8x512xf32>
    %slice3A_2070 = vector.extract_strided_slice %exp3A {offsets = [3968, 0], sizes = [8, 512], strides = [1, 1]} : vector<4224x512xf32> to vector<8x512xf32>
    %add3A_2071 = arith.addf %add3A_2069, %slice3A_2070 : vector<8x512xf32>
    %slice3A_2072 = vector.extract_strided_slice %exp3A {offsets = [3976, 0], sizes = [8, 512], strides = [1, 1]} : vector<4224x512xf32> to vector<8x512xf32>
    %add3A_2073 = arith.addf %add3A_2071, %slice3A_2072 : vector<8x512xf32>
    %slice3A_2074 = vector.extract_strided_slice %exp3A {offsets = [3984, 0], sizes = [8, 512], strides = [1, 1]} : vector<4224x512xf32> to vector<8x512xf32>
    %add3A_2075 = arith.addf %add3A_2073, %slice3A_2074 : vector<8x512xf32>
    %slice3A_2076 = vector.extract_strided_slice %exp3A {offsets = [3992, 0], sizes = [8, 512], strides = [1, 1]} : vector<4224x512xf32> to vector<8x512xf32>
    %add3A_2077 = arith.addf %add3A_2075, %slice3A_2076 : vector<8x512xf32>
    %slice3A_2078 = vector.extract_strided_slice %exp3A {offsets = [4000, 0], sizes = [8, 512], strides = [1, 1]} : vector<4224x512xf32> to vector<8x512xf32>
    %add3A_2079 = arith.addf %add3A_2077, %slice3A_2078 : vector<8x512xf32>
    %slice3A_2080 = vector.extract_strided_slice %exp3A {offsets = [4008, 0], sizes = [8, 512], strides = [1, 1]} : vector<4224x512xf32> to vector<8x512xf32>
    %add3A_2081 = arith.addf %add3A_2079, %slice3A_2080 : vector<8x512xf32>
    %slice3A_2082 = vector.extract_strided_slice %exp3A {offsets = [4016, 0], sizes = [8, 512], strides = [1, 1]} : vector<4224x512xf32> to vector<8x512xf32>
    %add3A_2083 = arith.addf %add3A_2081, %slice3A_2082 : vector<8x512xf32>
    %slice3A_2084 = vector.extract_strided_slice %exp3A {offsets = [4024, 0], sizes = [8, 512], strides = [1, 1]} : vector<4224x512xf32> to vector<8x512xf32>
    %add3A_2085 = arith.addf %add3A_2083, %slice3A_2084 : vector<8x512xf32>
    %slice3A_2086 = vector.extract_strided_slice %exp3A {offsets = [4032, 0], sizes = [8, 512], strides = [1, 1]} : vector<4224x512xf32> to vector<8x512xf32>
    %add3A_2087 = arith.addf %add3A_2085, %slice3A_2086 : vector<8x512xf32>
    %slice3A_2088 = vector.extract_strided_slice %exp3A {offsets = [4040, 0], sizes = [8, 512], strides = [1, 1]} : vector<4224x512xf32> to vector<8x512xf32>
    %add3A_2089 = arith.addf %add3A_2087, %slice3A_2088 : vector<8x512xf32>
    %slice3A_2090 = vector.extract_strided_slice %exp3A {offsets = [4048, 0], sizes = [8, 512], strides = [1, 1]} : vector<4224x512xf32> to vector<8x512xf32>
    %add3A_2091 = arith.addf %add3A_2089, %slice3A_2090 : vector<8x512xf32>
    %slice3A_2092 = vector.extract_strided_slice %exp3A {offsets = [4056, 0], sizes = [8, 512], strides = [1, 1]} : vector<4224x512xf32> to vector<8x512xf32>
    %add3A_2093 = arith.addf %add3A_2091, %slice3A_2092 : vector<8x512xf32>
    %slice3A_2094 = vector.extract_strided_slice %exp3A {offsets = [4064, 0], sizes = [8, 512], strides = [1, 1]} : vector<4224x512xf32> to vector<8x512xf32>
    %add3A_2095 = arith.addf %add3A_2093, %slice3A_2094 : vector<8x512xf32>
    %slice3A_2096 = vector.extract_strided_slice %exp3A {offsets = [4072, 0], sizes = [8, 512], strides = [1, 1]} : vector<4224x512xf32> to vector<8x512xf32>
    %add3A_2097 = arith.addf %add3A_2095, %slice3A_2096 : vector<8x512xf32>
    %slice3A_2098 = vector.extract_strided_slice %exp3A {offsets = [4080, 0], sizes = [8, 512], strides = [1, 1]} : vector<4224x512xf32> to vector<8x512xf32>
    %add3A_2099 = arith.addf %add3A_2097, %slice3A_2098 : vector<8x512xf32>
    %slice3A_2100 = vector.extract_strided_slice %exp3A {offsets = [4088, 0], sizes = [8, 512], strides = [1, 1]} : vector<4224x512xf32> to vector<8x512xf32>
    %add3A_2101 = arith.addf %add3A_2099, %slice3A_2100 : vector<8x512xf32>
    %slice3A_2102 = vector.extract_strided_slice %exp3A {offsets = [4096, 0], sizes = [8, 512], strides = [1, 1]} : vector<4224x512xf32> to vector<8x512xf32>
    %add3A_2103 = arith.addf %add3A_2101, %slice3A_2102 : vector<8x512xf32>
    %slice3A_2104 = vector.extract_strided_slice %exp3A {offsets = [4104, 0], sizes = [8, 512], strides = [1, 1]} : vector<4224x512xf32> to vector<8x512xf32>
    %add3A_2105 = arith.addf %add3A_2103, %slice3A_2104 : vector<8x512xf32>
    %slice3A_2106 = vector.extract_strided_slice %exp3A {offsets = [4112, 0], sizes = [8, 512], strides = [1, 1]} : vector<4224x512xf32> to vector<8x512xf32>
    %add3A_2107 = arith.addf %add3A_2105, %slice3A_2106 : vector<8x512xf32>
    %slice3A_2108 = vector.extract_strided_slice %exp3A {offsets = [4120, 0], sizes = [8, 512], strides = [1, 1]} : vector<4224x512xf32> to vector<8x512xf32>
    %add3A_2109 = arith.addf %add3A_2107, %slice3A_2108 : vector<8x512xf32>
    %slice3A_2110 = vector.extract_strided_slice %exp3A {offsets = [4128, 0], sizes = [8, 512], strides = [1, 1]} : vector<4224x512xf32> to vector<8x512xf32>
    %add3A_2111 = arith.addf %add3A_2109, %slice3A_2110 : vector<8x512xf32>
    %slice3A_2112 = vector.extract_strided_slice %exp3A {offsets = [4136, 0], sizes = [8, 512], strides = [1, 1]} : vector<4224x512xf32> to vector<8x512xf32>
    %add3A_2113 = arith.addf %add3A_2111, %slice3A_2112 : vector<8x512xf32>
    %slice3A_2114 = vector.extract_strided_slice %exp3A {offsets = [4144, 0], sizes = [8, 512], strides = [1, 1]} : vector<4224x512xf32> to vector<8x512xf32>
    %add3A_2115 = arith.addf %add3A_2113, %slice3A_2114 : vector<8x512xf32>
    %slice3A_2116 = vector.extract_strided_slice %exp3A {offsets = [4152, 0], sizes = [8, 512], strides = [1, 1]} : vector<4224x512xf32> to vector<8x512xf32>
    %add3A_2117 = arith.addf %add3A_2115, %slice3A_2116 : vector<8x512xf32>
    %slice3A_2118 = vector.extract_strided_slice %exp3A {offsets = [4160, 0], sizes = [8, 512], strides = [1, 1]} : vector<4224x512xf32> to vector<8x512xf32>
    %add3A_2119 = arith.addf %add3A_2117, %slice3A_2118 : vector<8x512xf32>
    %slice3A_2120 = vector.extract_strided_slice %exp3A {offsets = [4168, 0], sizes = [8, 512], strides = [1, 1]} : vector<4224x512xf32> to vector<8x512xf32>
    %add3A_2121 = arith.addf %add3A_2119, %slice3A_2120 : vector<8x512xf32>
    %slice3A_2122 = vector.extract_strided_slice %exp3A {offsets = [4176, 0], sizes = [8, 512], strides = [1, 1]} : vector<4224x512xf32> to vector<8x512xf32>
    %add3A_2123 = arith.addf %add3A_2121, %slice3A_2122 : vector<8x512xf32>
    %slice3A_2124 = vector.extract_strided_slice %exp3A {offsets = [4184, 0], sizes = [8, 512], strides = [1, 1]} : vector<4224x512xf32> to vector<8x512xf32>
    %add3A_2125 = arith.addf %add3A_2123, %slice3A_2124 : vector<8x512xf32>
    %slice3A_2126 = vector.extract_strided_slice %exp3A {offsets = [4192, 0], sizes = [8, 512], strides = [1, 1]} : vector<4224x512xf32> to vector<8x512xf32>
    %add3A_2127 = arith.addf %add3A_2125, %slice3A_2126 : vector<8x512xf32>
    %slice3A_2128 = vector.extract_strided_slice %exp3A {offsets = [4200, 0], sizes = [8, 512], strides = [1, 1]} : vector<4224x512xf32> to vector<8x512xf32>
    %add3A_2129 = arith.addf %add3A_2127, %slice3A_2128 : vector<8x512xf32>
    %slice3A_2130 = vector.extract_strided_slice %exp3A {offsets = [4208, 0], sizes = [8, 512], strides = [1, 1]} : vector<4224x512xf32> to vector<8x512xf32>
    %add3A_2131 = arith.addf %add3A_2129, %slice3A_2130 : vector<8x512xf32>
    %slice3A_2132 = vector.extract_strided_slice %exp3A {offsets = [4216, 0], sizes = [8, 512], strides = [1, 1]} : vector<4224x512xf32> to vector<8x512xf32>
    %add3A_2133 = arith.addf %add3A_2131, %slice3A_2132 : vector<8x512xf32>
    %slice3A_2134 = vector.extract_strided_slice %add3A_2133 {offsets = [0, 0], sizes = [4, 512], strides = [1, 1]} : vector<8x512xf32> to vector<4x512xf32>
    %slice3A_2135 = vector.extract_strided_slice %add3A_2133 {offsets = [4, 0], sizes = [4, 512], strides = [1, 1]} : vector<8x512xf32> to vector<4x512xf32>
    %add3A_2136 = arith.addf %slice3A_2134, %slice3A_2135 : vector<4x512xf32>
    %slice3A_2137 = vector.extract_strided_slice %add3A_2136 {offsets = [0, 0], sizes = [2, 512], strides = [1, 1]} : vector<4x512xf32> to vector<2x512xf32>
    %slice3A_2138 = vector.extract_strided_slice %add3A_2136 {offsets = [2, 0], sizes = [2, 512], strides = [1, 1]} : vector<4x512xf32> to vector<2x512xf32>
    %add3A_2139 = arith.addf %slice3A_2137, %slice3A_2138 : vector<2x512xf32>
    %slice3A_2140 = vector.extract_strided_slice %add3A_2139 {offsets = [0, 0], sizes = [1, 512], strides = [1, 1]} : vector<2x512xf32> to vector<1x512xf32>
    %slice3A_2141 = vector.extract_strided_slice %add3A_2139 {offsets = [1, 0], sizes = [1, 512], strides = [1, 1]} : vector<2x512xf32> to vector<1x512xf32>
    %add3A_2142 = arith.addf %slice3A_2140, %slice3A_2141 : vector<1x512xf32>
    %div3A = arith.constant 1.000000e+00 : f32
    %div3A_2143 = vector.broadcast %div3A : f32 to vector<1x512xf32>
    %div3A_2144 = arith.divf %div3A_2143, %add3A_2142 : vector<1x512xf32>
    %mul3A = vector.broadcast %div3A_2144 : vector<1x512xf32> to vector<4224x512xf32>
    %mul3A_2145 = arith.mulf %exp3A, %mul3A : vector<4224x512xf32>
    %get3A_2146 = arith.constant 0 : index
    %get3A_2147 = arith.constant 0 : index
    %get3A_2148 = vector.load %arg11[%get3A_2146, %get3A_2147] : memref<4224x128xf32, #tpu.memory_space<vmem>>, vector<4224x128xf32>
    %slice3A_2149 = vector.extract_strided_slice %mul3A_2145 {offsets = [0, 0], sizes = [4224, 128], strides = [1, 1]} : vector<4224x512xf32> to vector<4224x128xf32>
    %add3A_2150 = arith.addf %get3A_2148, %slice3A_2149 : vector<4224x128xf32>
    %slice3A_2151 = vector.extract_strided_slice %mul3A_2145 {offsets = [0, 128], sizes = [4224, 128], strides = [1, 1]} : vector<4224x512xf32> to vector<4224x128xf32>
    %add3A_2152 = arith.addf %add3A_2150, %slice3A_2151 : vector<4224x128xf32>
    %slice3A_2153 = vector.extract_strided_slice %mul3A_2145 {offsets = [0, 256], sizes = [4224, 128], strides = [1, 1]} : vector<4224x512xf32> to vector<4224x128xf32>
    %add3A_2154 = arith.addf %add3A_2152, %slice3A_2153 : vector<4224x128xf32>
    %slice3A_2155 = vector.extract_strided_slice %mul3A_2145 {offsets = [0, 384], sizes = [4224, 128], strides = [1, 1]} : vector<4224x512xf32> to vector<4224x128xf32>
    %add3A_2156 = arith.addf %add3A_2154, %slice3A_2155 : vector<4224x128xf32>
    %swap3A = arith.constant 0 : index
    %swap3A_2157 = arith.constant 0 : index
    %swap3A_2158 = vector.load %arg11[%swap3A, %swap3A_2157] : memref<4224x128xf32, #tpu.memory_space<vmem>>, vector<4224x128xf32>
    tpu.vector_store %arg11[%swap3A, %swap3A_2157], %add3A_2156 {strides = array<i32>} : memref<4224x128xf32, #tpu.memory_space<vmem>>, vector<4224x128xf32>,
    %get3A_2159 = arith.constant 0 : index
    %get3A_2160 = arith.constant 0 : index
    %get3A_2161 = vector.load %arg12[%get3A_2159, %get3A_2160] : memref<8x128xf32, #tpu.memory_space<vmem>>, vector<8x128xf32>
    %slice3A_2162 = vector.extract_strided_slice %mul3A_2145 {offsets = [4096, 0], sizes = [8, 128], strides = [1, 1]} : vector<4224x512xf32> to vector<8x128xf32>
    %max3A_2163 = arith.maximumf %get3A_2161, %slice3A_2162 : vector<8x128xf32>
    %slice3A_2164 = vector.extract_strided_slice %mul3A_2145 {offsets = [4096, 128], sizes = [8, 128], strides = [1, 1]} : vector<4224x512xf32> to vector<8x128xf32>
    %max3A_2165 = arith.maximumf %max3A_2163, %slice3A_2164 : vector<8x128xf32>
    %slice3A_2166 = vector.extract_strided_slice %mul3A_2145 {offsets = [4096, 256], sizes = [8, 128], strides = [1, 1]} : vector<4224x512xf32> to vector<8x128xf32>
    %max3A_2167 = arith.maximumf %max3A_2165, %slice3A_2166 : vector<8x128xf32>
    %slice3A_2168 = vector.extract_strided_slice %mul3A_2145 {offsets = [4096, 384], sizes = [8, 128], strides = [1, 1]} : vector<4224x512xf32> to vector<8x128xf32>
    %max3A_2169 = arith.maximumf %max3A_2167, %slice3A_2168 : vector<8x128xf32>
    %swap3A_2170 = arith.constant 0 : index
    %swap3A_2171 = arith.constant 0 : index
    %swap3A_2172 = vector.load %arg12[%swap3A_2170, %swap3A_2171] : memref<8x128xf32, #tpu.memory_space<vmem>>, vector<8x128xf32>
    tpu.vector_store %arg12[%swap3A_2170, %swap3A_2171], %max3A_2169 {strides = array<i32>} : memref<8x128xf32, #tpu.memory_space<vmem>>, vector<8x128xf32>,
    %eq3A_2173 = arith.constant 7 : i32
    %eq3A_2174 = arith.cmpi eq, %arg1, %eq3A_2173 : i32
    %convert_element_type3A_2175 = arith.extui %eq3A_2174 : i1 to i32
    %cond3A_2176 = arith.constant 0 : i32
    %cond3A_2177 = arith.cmpi ne, %convert_element_type3A_2175, %cond3A_2176 : i32
    scf.if %cond3A_2177 {
      %get3A_2186 = arith.constant 0 : index
      %get3A_2187 = arith.constant 0 : index
      %get3A_2188 = vector.load %arg11[%get3A_2186, %get3A_2187] : memref<4224x128xf32, #tpu.memory_space<vmem>>, vector<4224x128xf32>
      %slice3A_2189 = vector.extract_strided_slice %get3A_2188 {offsets = [0, 0], sizes = [4224, 64], strides = [1, 1]} : vector<4224x128xf32> to vector<4224x64xf32>
      %slice3A_2190 = vector.extract_strided_slice %get3A_2188 {offsets = [0, 64], sizes = [4224, 64], strides = [1, 1]} : vector<4224x128xf32> to vector<4224x64xf32>
      %add3A_2191 = arith.addf %slice3A_2189, %slice3A_2190 : vector<4224x64xf32>
      %slice3A_2192 = vector.extract_strided_slice %add3A_2191 {offsets = [0, 0], sizes = [4224, 32], strides = [1, 1]} : vector<4224x64xf32> to vector<4224x32xf32>
      %slice3A_2193 = vector.extract_strided_slice %add3A_2191 {offsets = [0, 32], sizes = [4224, 32], strides = [1, 1]} : vector<4224x64xf32> to vector<4224x32xf32>
      %add3A_2194 = arith.addf %slice3A_2192, %slice3A_2193 : vector<4224x32xf32>
      %slice3A_2195 = vector.extract_strided_slice %add3A_2194 {offsets = [0, 0], sizes = [4224, 16], strides = [1, 1]} : vector<4224x32xf32> to vector<4224x16xf32>
      %slice3A_2196 = vector.extract_strided_slice %add3A_2194 {offsets = [0, 16], sizes = [4224, 16], strides = [1, 1]} : vector<4224x32xf32> to vector<4224x16xf32>
      %add3A_2197 = arith.addf %slice3A_2195, %slice3A_2196 : vector<4224x16xf32>
      %slice3A_2198 = vector.extract_strided_slice %add3A_2197 {offsets = [0, 0], sizes = [4224, 8], strides = [1, 1]} : vector<4224x16xf32> to vector<4224x8xf32>
      %slice3A_2199 = vector.extract_strided_slice %add3A_2197 {offsets = [0, 8], sizes = [4224, 8], strides = [1, 1]} : vector<4224x16xf32> to vector<4224x8xf32>
      %add3A_2200 = arith.addf %slice3A_2198, %slice3A_2199 : vector<4224x8xf32>
      %slice3A_2201 = vector.extract_strided_slice %add3A_2200 {offsets = [0, 0], sizes = [4224, 4], strides = [1, 1]} : vector<4224x8xf32> to vector<4224x4xf32>
      %slice3A_2202 = vector.extract_strided_slice %add3A_2200 {offsets = [0, 4], sizes = [4224, 4], strides = [1, 1]} : vector<4224x8xf32> to vector<4224x4xf32>
      %add3A_2203 = arith.addf %slice3A_2201, %slice3A_2202 : vector<4224x4xf32>
      %slice3A_2204 = vector.extract_strided_slice %add3A_2203 {offsets = [0, 0], sizes = [4224, 2], strides = [1, 1]} : vector<4224x4xf32> to vector<4224x2xf32>
      %slice3A_2205 = vector.extract_strided_slice %add3A_2203 {offsets = [0, 2], sizes = [4224, 2], strides = [1, 1]} : vector<4224x4xf32> to vector<4224x2xf32>
      %add3A_2206 = arith.addf %slice3A_2204, %slice3A_2205 : vector<4224x2xf32>
      %slice3A_2207 = vector.extract_strided_slice %add3A_2206 {offsets = [0, 0], sizes = [4224, 1], strides = [1, 1]} : vector<4224x2xf32> to vector<4224x1xf32>
      %slice3A_2208 = vector.extract_strided_slice %add3A_2206 {offsets = [0, 1], sizes = [4224, 1], strides = [1, 1]} : vector<4224x2xf32> to vector<4224x1xf32>
      %add3A_2209 = arith.addf %slice3A_2207, %slice3A_2208 : vector<4224x1xf32>
      %slice3A_2210 = vector.extract_strided_slice %add3A_2209 {offsets = [0, 0], sizes = [4096, 1], strides = [1, 1]} : vector<4224x1xf32> to vector<4096x1xf32>
      %swap3A_2211 = arith.constant 0 : index
      %swap3A_2212 = arith.constant 0 : index
      %swap3A_2213 = arith.constant 0 : index
      %swap3A_2214 = vector.load %arg7[%swap3A_2211, %swap3A_2212, %swap3A_2213] : memref<1x4096x1xf32, #tpu.memory_space<vmem>>, vector<1x4096x1xf32>
      %swap3A_2215 = vector.shape_cast %swap3A_2214 : vector<1x4096x1xf32> to vector<4096x1xf32>
      %swap3A_2216 = vector.shape_cast %slice3A_2210 : vector<4096x1xf32> to vector<1x4096x1xf32>
      tpu.vector_store %arg7[%swap3A_2211, %swap3A_2212, %swap3A_2213], %swap3A_2216 {strides = array<i32>} : memref<1x4096x1xf32, #tpu.memory_space<vmem>>, vector<1x4096x1xf32>,
      %get3A_2217 = arith.constant 0 : index
      %get3A_2218 = arith.constant 0 : index
      %get3A_2219 = vector.load %arg12[%get3A_2217, %get3A_2218] : memref<8x128xf32, #tpu.memory_space<vmem>>, vector<8x128xf32>
      %swap3A_2220 = arith.constant 0 : index
      %swap3A_2221 = arith.constant 0 : index
      %swap3A_2222 = arith.constant 0 : index
      %swap3A_2223 = vector.load %arg8[%swap3A_2220, %swap3A_2221, %swap3A_2222] : memref<1x8x128xf32, #tpu.memory_space<vmem>>, vector<1x8x128xf32>
      %swap3A_2224 = vector.shape_cast %swap3A_2223 : vector<1x8x128xf32> to vector<8x128xf32>
      %swap3A_2225 = vector.shape_cast %get3A_2219 : vector<8x128xf32> to vector<1x8x128xf32>
      tpu.vector_store %arg8[%swap3A_2220, %swap3A_2221, %swap3A_2222], %swap3A_2225 {strides = array<i32>} : memref<1x8x128xf32, #tpu.memory_space<vmem>>, vector<1x8x128xf32>,
    } else {
    }
    %transpose3A = tpu.transpose %get3A_5, [1, 0] : vector<64x512xf32> -> vector<512x64xf32>
    %broadcast_in_dim3A_2178 = arith.constant 0.000000e+00 : f32
    %broadcast_in_dim3A_2179 = vector.broadcast %broadcast_in_dim3A_2178 : f32 to vector<512x64xf32>
    %concatenate3A = tpu.concatenate %transpose3A, %broadcast_in_dim3A_2179 in 1 : vector<512x64xf32>, vector<512x64xf32> -> vector<512x128xf32>
    %swap3A_2180 = arith.constant 0 : index
    %swap3A_2181 = arith.constant 0 : index
    %swap3A_2182 = arith.constant 0 : index
    %swap3A_2183 = vector.load %arg9[%swap3A_2180, %swap3A_2181, %swap3A_2182] : memref<1x512x128xf32, #tpu.memory_space<vmem>>, vector<1x512x128xf32>
    %swap3A_2184 = vector.shape_cast %swap3A_2183 : vector<1x512x128xf32> to vector<512x128xf32>
    %swap3A_2185 = vector.shape_cast %concatenate3A : vector<512x128xf32> to vector<1x512x128xf32>
    tpu.vector_store %arg9[%swap3A_2180, %swap3A_2181, %swap3A_2182], %swap3A_2185 {strides = array<i32>} : memref<1x512x128xf32, #tpu.memory_space<vmem>>, vector<1x512x128xf32>,
    return
  }
  func.func @transform_0(%arg0: i32, %arg1: i32) -> (i32, i32, i32) {
    %c0_i32 = arith.constant 0 : i32
    %c0_i32_0 = arith.constant 0 : i32
    %c0_i32_1 = arith.constant 0 : i32
    return %arg0, %c0_i32, %c0_i32_0 : i32, i32, i32
  }
  func.func @transform_1(%arg0: i32, %arg1: i32) -> (i32, i32, i32) {
    %c0_i32 = arith.constant 0 : i32
    %c0_i32_0 = arith.constant 0 : i32
    return %arg0, %c0_i32, %arg1 : i32, i32, i32
  }
  func.func @transform_2(%arg0: i32, %arg1: i32) -> (i32, i32, i32) {
    %c0_i32 = arith.constant 0 : i32
    %c0_i32_0 = arith.constant 0 : i32
    %c0_i32_1 = arith.constant 0 : i32
    %c0_i32_2 = arith.constant 0 : i32
    return %c0_i32, %c0_i32_0, %c0_i32_1 : i32, i32, i32
  }
  func.func @transform_3(%arg0: i32, %arg1: i32) -> (i32, i32) {
    %c0_i32 = arith.constant 0 : i32
    %c0_i32_0 = arith.constant 0 : i32
    %c0_i32_1 = arith.constant 0 : i32
    return %c0_i32, %c0_i32_0 : i32, i32
  }
  func.func @transform_4(%arg0: i32, %arg1: i32) -> (i32, i32) {
    %c0_i32 = arith.constant 0 : i32
    %c0_i32_0 = arith.constant 0 : i32
    %c0_i32_1 = arith.constant 0 : i32
    return %c0_i32, %c0_i32_0 : i32, i32
  }
  func.func @transform_5(%arg0: i32, %arg1: i32) -> (i32, i32, i32) {
    %c0_i32 = arith.constant 0 : i32
    %c0_i32_0 = arith.constant 0 : i32
    %c0_i32_1 = arith.constant 0 : i32
    return %arg0, %c0_i32, %c0_i32_0 : i32, i32, i32
  }
  func.func @transform_6(%arg0: i32, %arg1: i32) -> (i32, i32, i32) {
    %c0_i32 = arith.constant 0 : i32
    %c0_i32_0 = arith.constant 0 : i32
    %c0_i32_1 = arith.constant 0 : i32
    return %arg0, %c0_i32, %c0_i32_0 : i32, i32, i32
  }
  func.func @transform_7(%arg0: i32, %arg1: i32) -> (i32, i32, i32) {
    %c0_i32 = arith.constant 0 : i32
    %c0_i32_0 = arith.constant 0 : i32
    return %arg0, %arg1, %c0_i32 : i32, i32, i32
  }
}

</mosaic_0001>

<sc_bundles>
// kernel: kernel.10.cloned.1.call-start
scs
__scs_entry_jumppad:
0x0: {  	(pc) =	sbr.rel $0x88, $3  }
0x1: {  	(tag) =	ssettag $0x0;
	lr =	simm.s32 $0x1  }
0x2: {  	[smem:$0x3F9C] =	sst lr;
	_ =	strace $0xD0000000  }
0x3: {  	_ = 	snop  }
0x4: {  	_ = 	snop  }
0x5: {  	_ = 	snop  }
0x6: {  	_ = 	snop  }
0x7: {  	_ = 	snop  }
__scs_overlays_trampoline_lowered:
0x8: {  	[smem:$0x3FAB] =	sst s0  }
0x9: {  	[smem:$0x3FAC] =	sst s1  }
0xa: {  	[smem:$0x3FAD] =	sst s2  }
0xb: {  	[smem:$0x3FAE] =	sst s3  }
0xc: {  	[smem:$0x3FAF] =	sst s4  }
0xd: {  	[smem:$0x3FB0] =	sst s5  }
0xe: {  	[smem:$0x3FB1] =	sst s6  }
0xf: {  	[smem:$0x3FB2] =	sst s7  }
0x10: {  	[smem:$0x3FB3] =	sst s8  }
0x11: {  	[smem:$0x3FB4] =	sst s9;
	s0 =	simm.s32 @!p0 $0x0  }
0x12: {  	s1 =	sld [smem:$0x3F9A];
	s0 =	simm.s32 @p0 $0x1  }
0x13: {  	[smem:$0x3FB5] =	sst s0;
	s0 =	simm.s32 @!p1 $0x0  }
0x14: {  	s2 =	sld [smem:$0x3F99];
	s0 =	simm.s32 @p1 $0x1  }
0x15: {  	[smem:$0x3FB6] =	sst s0;
	s0 =	simm.s32 @!p2 $0x0  }
0x16: {  	s3 =	sld [smem:$0x3FDB];
	s0 =	simm.s32 @p2 $0x1  }
0x17: {  	s4 =	simm.s32 $0x1BF5;
	[smem:$0x3FB8] =	sst s0  }
0x18: {  	s0 =	sld [smem:$0x3F9B];
	_ =	swait.ge [sflag:s4], $0x0  }
0x19: {  	s7 =	sld [smem:$0x3F9C]  }
0x1a: {  	s8 =	sadd.s32 $0xFFFFE003, lr  }
0x1b: {  	s9 =	sadd.s32 $0xFFFFFEF7, lr;
	s5 =	simm.s32 $0xFFFFFFFF;
	p2 =	slt.u32 s8, $0xFFFFF086  }
0x1c: {  	p1 =	slt.u32 s9, $0xF7A;
	s5 =	simm.s32 @!p2 $0x0  }
0x1d: {  	s5 =	simm.s32 @p1 $0x1;
	p0 =	seq.s32 s7, s2  }
0x1e: {  	s7 =	smul.u32 @!p0 $0xF7A, s2;
	p2 =	seq.s32 @!p0 s5, $0x0  }
0x1f: {  	s9 =	smul.u32 $0xF7A, s1;
	s8 =	simm.s32 @!p0 $0x1BF5;
	p2 =	por !p2, p0  }
0x20: {  	[sflag:s8] =	ssyncset.s32 @!p0 $0xFFFFF086;
	s6 =	sadd.s32 @!p0 s3, s7;
	s7 =	simm.s32 @!p0 $0x108  }
0x21: {  	s3 =	sadd.s32 s3, s9;
	s6 =	sadd.s32 @!p0 $0x88, s6;
	s7 =	simm.s32 @p2 $0x1082  }
0x22: {  	[simem:s7], [sflag:s8] =	dma.local @!p0 [hbm:s6], $0xF7A  }
0x23: {  	s9 =	sor.u32 $0xD0000000, s2;
	s6 =	simm.s32 $0x108;
	_ =	swait.ge @!p0 [sflag:s8], $0x0  }
0x24: {  	s3 =	sadd.s32 $0x88, s3;
	s6 =	simm.s32 @!p1 $0x1082;
	[sflag:s4] =	ssyncset.s32 $0xFFFFF086  }
0x25: {  	[simem:s6], [sflag:s4] =	dma.local [hbm:s3], $0xF7A  }
0x26: {  	[smem:$0x3F9C] =	sst s1;
	(tag) =	ssettag s2;
	_ =	strace s9  }
0x27: {  	s1 =	sld [smem:$0x3FAC]  }
0x28: {  	s2 =	sld [smem:$0x3FAD]  }
0x29: {  	s4 =	sld [smem:$0x3FAF]  }
0x2a: {  	p0 =	seq.s32 s5, $0x0;
	s5 =	sld [smem:$0x3FB0]  }
0x2b: {  	s6 =	sld [smem:$0x3FB1]  }
0x2c: {  	s7 =	sld [smem:$0x3FB2]  }
0x2d: {  	s3 =	simm.s32 $0x108;
	s8 =	sld [smem:$0x3FB3]  }
0x2e: {  	s3 =	simm.s32 @!p0 $0x1082;
	s9 =	sld [smem:$0x3FB4]  }
0x2f: {  	lr =	sadd.s32 s0, s3;
	s0 =	sld [smem:$0x3FAB]  }
0x30: {  	s3 =	sld [smem:$0x3FAE]  }
0x31: {  	[smem:$0x3FB7] =	sst s10  }
0x32: {  	s10 =	sld [smem:$0x3FB5];
	_ =	sdelay $0x3  }
0x33: {  	p0 =	seq.s32 s10, $0x1;
	s10 =	sld [smem:$0x3FB7];
	_ =	sdelay $0x3  }
0x34: {  	[smem:$0x3FB7] =	sst s10  }
0x35: {  	s10 =	sld [smem:$0x3FB6];
	_ =	sdelay $0x3  }
0x36: {  	p1 =	seq.s32 s10, $0x1;
	s10 =	sld [smem:$0x3FB7];
	_ =	sdelay $0x3  }
0x37: {  	[smem:$0x3FB7] =	sst s10  }
0x38: {  	s10 =	sld [smem:$0x3FB8]  }
0x39: {  	_ = 	snop;
	(pc) =	sbr.ind lr, $3  }
0x3a: {  	_ = 	snop  }
0x3b: {  	_ = 	snop  }
0x3c: {  	p2 =	seq.s32 s10, $0x1;
	s10 =	sld [smem:$0x3FB7]  }
0x3d: {  	_ =	shalt  }
0x3e: {  	_ =	shalt  }
0x3f: {  	_ =	shalt  }
0x40: {  	_ =	shalt  }
0x41: {  	_ =	shalt  }
0x42: {  	_ =	shalt  }
0x43: {  	_ =	shalt  }
0x44: {  	_ =	shalt  }
0x45: {  	_ =	shalt  }
0x46: {  	_ =	shalt  }
0x47: {  	_ =	shalt  }
0x48: {  	_ =	shalt  }
0x49: {  	_ =	shalt  }
0x4a: {  	_ =	shalt  }
0x4b: {  	_ =	shalt  }
0x4c: {  	_ =	shalt  }
0x4d: {  	_ =	shalt  }
0x4e: {  	_ =	shalt  }
0x4f: {  	_ =	shalt  }
0x50: {  	_ =	shalt  }
0x51: {  	_ =	shalt  }
0x52: {  	_ =	shalt  }
0x53: {  	_ =	shalt  }
0x54: {  	_ =	shalt  }
0x55: {  	_ =	shalt  }
0x56: {  	_ =	shalt  }
0x57: {  	_ =	shalt  }
0x58: {  	_ =	shalt  }
0x59: {  	_ =	shalt  }
0x5a: {  	_ =	shalt  }
0x5b: {  	_ =	shalt  }
0x5c: {  	_ =	shalt  }
0x5d: {  	_ =	shalt  }
0x5e: {  	_ =	shalt  }
0x5f: {  	_ =	shalt  }
0x60: {  	_ =	shalt  }
0x61: {  	_ =	shalt  }
0x62: {  	_ =	shalt  }
0x63: {  	_ =	shalt  }
0x64: {  	_ =	shalt  }
0x65: {  	_ =	shalt  }
0x66: {  	_ =	shalt  }
0x67: {  	_ =	shalt  }
0x68: {  	_ =	shalt  }
0x69: {  	_ =	shalt  }
0x6a: {  	_ =	shalt  }
0x6b: {  	_ =	shalt  }
0x6c: {  	_ =	shalt  }
0x6d: {  	_ =	shalt  }
0x6e: {  	_ =	shalt  }
0x6f: {  	_ =	shalt  }
0x70: {  	_ =	shalt  }
0x71: {  	_ =	shalt  }
0x72: {  	_ =	shalt  }
0x73: {  	_ =	shalt  }
0x74: {  	_ =	shalt  }
0x75: {  	_ =	shalt  }
0x76: {  	_ =	shalt  }
0x77: {  	_ =	shalt  }
0x78: {  	_ =	shalt  }
0x79: {  	_ =	shalt  }
0x7a: {  	_ =	shalt  }
0x7b: {  	_ =	shalt  }
0x7c: {  	_ =	shalt  }
0x7d: {  	_ =	shalt  }
0x7e: {  	_ =	shalt  }
0x7f: {  	_ =	shalt  }
0x80: {  	_ =	shalt  }
0x81: {  	_ =	shalt  }
0x82: {  	_ =	shalt  }
0x83: {  	_ =	shalt  }
0x84: {  	_ =	shalt  }
0x85: {  	_ =	shalt  }
0x86: {  	_ =	shalt  }
0x87: {  	_ =	shalt  }
.Lfunc_end0:
.L_simem_size_0:
called_computation.1_lowered:
.L_overlay_start_0:
0x88: {  	s2 =	sld [smem:$0x3FD9]  }
0x89: {  	s3 =	sld [smem:$0x3FFE];
	_ =	sdelay $0x1  }
0x8a: {  	s1 =	srdreg.scid  }
0x8b: {  	s0 =	sand.u32 $0x1, s1  }
0x8c: {  	s14 =	sshll.u32 s0, $0xA;
	s2 =	sadd.s32 s3, s2  }
0x8d: {  	s2 =	sadd.s32 s2, s14  }
0x8e: {  	[smem:$0x3FC3] =	sst s2  }
0x8f: {  	_ = 	snop  }
0x90: {  	s2 =	sld [smem:$0x3FD0];
	_ =	sdelay $0x2  }
0x91: {  	s15 =	simm.s32 $0xA;
	s4 =	simm.s32 $0x10  }
0x92: {  	[smem:s4], [sflag:s15] =	dma.local [hbm:s2], $0x1  }
0x93: {  	_ =	swait.eq [sflag:s15], $0x1  }
0x94: {  	[sflag:s15] =	ssyncset.done $0x0  }
0x95: {  	[sflag:s15] =	ssyncadd.s32 $0xFFFFFFFF  }
0x96: {  	s16 =	sld [smem:$0x11];
	(tm) =	ssettm $0x1  }
0x97: {  	s17 =	sld [smem:$0x3FFB];
	_ =	sdelay $0x3  }
0x98: {  	_ =	strace s17  }
0x99: {  	s3 =	sld [smem:$0x3FFC];
	_ =	sdelay $0x3  }
0x9a: {  	_ =	strace s3  }
0x9b: {  	s3 =	sld [smem:$0x3FFD];
	_ =	sdelay $0x3  }
0x9c: {  	_ =	strace s3  }
0x9d: {  	_ =	strace $0x8FFFFFFF  }
0x9e: {  	s18 =	sld [smem:$0x3FDB];
	_ =	sdelay $0x1  }
0x9f: {  	s19 =	simm.s32 $_scs_section_size  }
0xa0: {  	s5 =	simm.s32 $_size__tile_overlayer_lowered;
	s6 =	simm.s32 $_tile_overlayer_lowered  }
0xa1: {  	s22 =	simm.s32 $0x1BFF;
	s21 =	sshll.u32 s6, $0x1;
	s3 =	sadd.s32 s19, s18  }
0xa2: {  	s7 =	simm.s32 $0x0;
	s20 =	sshll.u32 s5, $0x1;
	s5 =	sadd.s32 s21, s3  }
0xa3: {  	[timem:s7], [sflag:s22] =	dma.local [hbm:s5], s20  }
0xa4: {  	_ =	swait.ge [sflag:s22], s20  }
0xa5: {  	s4 =	ssub.s32 $0x0, s20;
	[sflag:s22] =	ssyncset.done $0x0  }
0xa6: {  	[sflag:s22] =	ssyncadd.s32 s4;
	_ =	sdelay $0x1  }
0xa7: {  	s23 =	simm.s32 $0x1B8B  }
0xa8: {  	_ =	swait.ge [sflag:s23], $0x1  }
0xa9: {  	[sflag:s23] =	ssyncset.done $0x0  }
0xaa: {  	s25 =	simm.s32 $0x1B8E;
	s24 =	sld [smem:$0x3FFE];
	[sflag:s23] =	ssyncadd.s32 $0xFFFFFFFF  }
0xab: {  	s26 =	simm.s32 $execute0_lowered;
	[smem:$0x3FD2] =	sst s25  }
0xac: {  	s5 =	sshll.u32 s26, $0x1;
	_ =	strace $0x80000049;
	[dreg:$0x1] =	wrdreg $0xFFFFFFFF  }
0xad: {  	s28 =	simm.s32 $_size_execute0_lowered;
	s3 =	sadd.s32 s3, s5;
	[dreg:$0x0] =	wrdreg $0x0  }
0xae: {  	s5 =	sshll.u32 s28, $0x1;
	[dreg:$0x2] =	wrdreg s3  }
0xaf: {  	[dreg:$0x3] =	wrdreg s5  }
0xb0: {  	[dreg:$0x4] =	wrdreg $0xC0  }
0xb1: {  	_ =	task [dreg:s7], $0x5FFFF  }
0xb2: {  	[dreg:$0x1] =	wrdreg $0xFFFFFFFF  }
0xb3: {  	[dreg:$0x0] =	wrdreg $0x60  }
0xb4: {  	[dreg:$0x2] =	wrdreg s16  }
0xb5: {  	[dreg:$0x3] =	wrdreg s24  }
0xb6: {  	[dreg:$0x4] =	wrdreg $0x9  }
0xb7: {  	_ =	task.clear_ibuf [dreg:s7], $0x5FFFF;
	_ =	strace $0x90000049  }
0xb8: {  	s29 =	simm.s32 $0x9;
	_ =	strace $0x8000004B  }
0xb9: {  	_ =	swait.ge [sflag:s29], $0x1  }
0xba: {  	[sflag:s29] =	ssyncadd.s32 $0xFFFFFFFF  }
0xbb: {  	_ =	strace $0x9000004B  }
0xbc: {  	_ =	sfence  }
0xbd: {  	s30 =	sld [smem:$0x0];
	_ =	sdelay $0x2  }
0xbe: {  	s31 =	sshll.u32 s1, $0xD;
	s1 =	sshrl.u32 s1, $0x2  }
0xbf: {  	s3 =	sand.u32 $0x4000, s31;
	s1 =	sadd.s32 s1, s30  }
0xc0: {  	s0 =	sor.u32 s3, s0;
	s1 =	sshll.u32 s1, $0x11  }
0xc1: {  	s0 =	sor.u32 s1, s0  }
0xc2: {  	s0 =	sadd.s32 $0x8F2B, s0  }
0xc3: {  	[sflag:s0] =	ssyncadd.remote.s32 $0x1  }
0xc4: {  	_ =	sfence.sel $0xFFFF  }
0xc5: {  	[dreg:$0x0] =	wrdreg $0xFFFFFFFF;
	(pc) =	sbr.abs _section_cstart, $3  }
0xc6: {  	[dreg:$0x1] =	wrdreg $0xFFFFFFFF  }
0xc7: {  	_ =	task.clear_ibuf [dreg:s7], $0x2FFFF;
	_ =	strace $0x9FFFFFFF  }
0xc8: {  	(tm) =	ssettm $0x7FFFFFFF  }
0xc9: {  	_ =	shalt  }
tec
execute0_lowered:
.L_overlay_start_1:
0x0: {  	(tag) =	ssettag $0x1  }
0x1: {  	s3 =	rddreg [dreg:$0x0]  }
0x2: {  	s8 =	rddreg [dreg:$0x1]  }
0x3: {  	s0 =	rddreg [dreg:$0x2]  }
0x4: {  	s2 =	simm.s32 $0x0;
	s1 =	stileid.u32;
	s4 =	srdreg.scid  }
0x5: {  	[smem:$0x7FF] =	sst s2;
	s5 =	sand.u32 $0x1, s4;
	s26 =	sshll.u32 s1, $0x8  }
0x6: {  	s6 =	sshrl.u32 s1, $0x2;
	s7 =	sshll.u32 s5, $0x7;
	s4 =	sand.u32 $0x300, s26  }
0x7: {  	_ =	strace $0x8000004A;
	s28 =	sshll.u32 s6, $0x4;
	s29 =	sshll.u32 s6, $0x10  }
0x8: {  	s10 =	sshll.u32 s6, $0xE;
	s11 =	ssub.s32 $0x2, s5;
	s9 =	sor.u32 s7, s4  }
0x9: {  	s6 =	simm.s32 $0x80;
	s3 =	sadd.s32 s3, s28;
	s30 =	sshrl.u32 s9, $0x1  }
0xa: {  	s7 =	sadd.s32 s29, s8;
	s4 =	sadd.s32 s30, s3;
	s3 =	simm.s32 $0x2  }
0xb: {  	[tilespmem:s2], [sflag:$0x2] =	stream.linear.gather [hbm4b:s4+s2], $0x80, $0x38;
	[tilespmem:$0x4080] =	vst v63  }
0xc: {  	s12 =	sshrl.u32 s11, $0x1;
	s8 =	sadd.s32 s10, s8;
	_ =	swait.ge [sflag:s3], $0x80  }
0xd: {  	s5 =	sadd.s32 $0x1600, s7;
	s31 =	ssub.s32 s11, s12;
	[sflag:s3] =	ssyncset.done $0x0  }
0xe: {  	s7 =	simm.s32 $0x1;
	s10 =	smax.u32 s31, $0x1;
	[sflag:s3] =	ssyncadd.s32 $0xFFFFFF80  }
0xf: {  	[tilespmem:s6], [sflag:$0x1] =	stream.indirect.gather [hbm4b:s5+s6], $0x80, s2, s6, $0xb8;
	[tilespmem:$0x4080] =	vst v63  }
0x10: {  	s8 =	sadd.s32 $0x41600, s8;
	p0 =	sne.s32 s10, $0x1;
	_ =	swait.ge [sflag:s7], $0x4000  }
.Ltmp0:
0x11: {  	s9 =	sshll.u32 s9, $0x4;
	[sflag:s7] =	ssyncset.done $0x0;
	(pc) =	sbr.rel @!p0 .LBB2_2-.Ltmp0, $4  }
0x12: {  	s8 =	sadd.s32 s9, s8;
	[sflag:s7] =	ssyncadd.s32 $0xFFFFC000  }
0x13: {  	[hbm4b:s8+s2] =	stream.linear.scatter [tilespmem:s6], [sflag:$0x2], $0x4000, $0x38;
	[tilespmem:$0x4080] =	vst v63  }
0x14: {  	_ =	swait.ge [sflag:s3], $0x4000  }
0x15: {  	s9 =	sadd.s32 $0xFFFFFFFF, s10;
	[sflag:s3] =	ssyncset.done $0x0  }
.LBB2_1:
0x16: {  	p0 =	sne.s32 s9, $0x1;
	s9 =	sadd.s32 $0xFFFFFFFF, s9;
	[sflag:s3] =	ssyncadd.s32 $0xFFFFC000  }
0x17: {  	[tilespmem:s2], [sflag:$0x2] =	stream.linear.gather [hbm4b:s4+s2], $0x80, $0x38;
	[tilespmem:$0x4080] =	vst v63  }
0x18: {  	_ =	swait.ge [sflag:s3], $0x80  }
0x19: {  	[sflag:s3] =	ssyncset.done $0x0  }
0x1a: {  	[sflag:s3] =	ssyncadd.s32 $0xFFFFFF80  }
0x1b: {  	[tilespmem:s6], [sflag:$0x1] =	stream.indirect.gather [hbm4b:s5+s6], $0x80, s2, s6, $0xb8;
	[tilespmem:$0x4080] =	vst v63  }
0x1c: {  	_ =	swait.ge [sflag:s7], $0x4000  }
.Ltmp1:
0x1d: {  	[sflag:s7] =	ssyncset.done $0x0;
	(pc) =	sbr.rel @p0 .LBB2_1-.Ltmp1, $4  }
0x1e: {  	[sflag:s7] =	ssyncadd.s32 $0xFFFFC000  }
0x1f: {  	[hbm4b:s8+s2] =	stream.linear.scatter [tilespmem:s6], [sflag:$0x2], $0x4000, $0x38;
	[tilespmem:$0x4080] =	vst v63  }
0x20: {  	_ =	swait.ge [sflag:s3], $0x4000  }
0x21: {  	[sflag:s3] =	ssyncset.done $0x0  }
.LBB2_2:
0x22: {  	[sflag:s3] =	ssyncadd.s32 $0xFFFFC000  }
0x23: {  	_ =	sfence.sel $0x180000  }
0x24: {  	[bflag:$0x0] =	sbarrier.arrive $0xFFFF  }
0x25: {  	p0 =	sne.s32 s1, $0x0;
	_ =	strace $0x9000004A  }
0x26: {  	s0 =	sadd.s32 @!p0 $0x100000, s0;
	[bflag:$0x2] =	sbarrier.arrive $0xFFFF  }
0x27: {  	[sflag:s0] =	ssyncadd.tile.s32 @!p0 $0x1;
	_ =	shalt  }
.Lfunc_end2:
_tile_overlayer_lowered:
.L_overlay_start_2:
0x28: {  	(tag) =	ssettag $0x2  }
0x29: {  	s0 =	rddreg [dreg:$0x0];
	s2 =	stileid.u32  }
0x2a: {  	s1 =	rddreg [dreg:$0x1];
	p0 =	sne.s32 s2, $0x0  }
0x2b: {  	s3 =	rddreg [dreg:$0x2];
	[bflag:$0x3] =	sbarrier.arrive $0xFFFF;
	s2 =	simm.s32 @!p0 $0x1C02  }
0x2c: {  	[timem:s3], [sflag:s2] =	dma.local @!p0 [hbm:s0], s1  }
0x2d: {  	s0 =	simm.s32 @!p0 $0x2  }
0x2e: {  	_ =	swait.ge @!p0 [sflag:s0], s1  }
0x2f: {  	s1 =	ssub.s32 @!p0 $0x0, s1;
	[sflag:s0] =	ssyncset.done @!p0 $0x0  }
0x30: {  	[sflag:s0] =	ssyncadd.s32 @!p0 s1  }
0x31: {  	[bflag:$0x3] =	sbarrier.arrive $0xFFFF  }
0x32: {  	_ =	shalt  }

// kernel: kernel.7.cloned.1.call-start
scs
__scs_entry_jumppad:
0x0: {  	(pc) =	sbr.rel $0x88, $3  }
0x1: {  	(tag) =	ssettag $0x0;
	lr =	simm.s32 $0x1  }
0x2: {  	[smem:$0x3F9C] =	sst lr;
	_ =	strace $0xD0000000  }
0x3: {  	_ = 	snop  }
0x4: {  	_ = 	snop  }
0x5: {  	_ = 	snop  }
0x6: {  	_ = 	snop  }
0x7: {  	_ = 	snop  }
__scs_overlays_trampoline_lowered:
0x8: {  	[smem:$0x3FAB] =	sst s0  }
0x9: {  	[smem:$0x3FAC] =	sst s1  }
0xa: {  	[smem:$0x3FAD] =	sst s2  }
0xb: {  	[smem:$0x3FAE] =	sst s3  }
0xc: {  	[smem:$0x3FAF] =	sst s4  }
0xd: {  	[smem:$0x3FB0] =	sst s5  }
0xe: {  	[smem:$0x3FB1] =	sst s6  }
0xf: {  	[smem:$0x3FB2] =	sst s7  }
0x10: {  	[smem:$0x3FB3] =	sst s8  }
0x11: {  	[smem:$0x3FB4] =	sst s9;
	s0 =	simm.s32 @!p0 $0x0  }
0x12: {  	s1 =	sld [smem:$0x3F9A];
	s0 =	simm.s32 @p0 $0x1  }
0x13: {  	[smem:$0x3FB5] =	sst s0;
	s0 =	simm.s32 @!p1 $0x0  }
0x14: {  	s2 =	sld [smem:$0x3F99];
	s0 =	simm.s32 @p1 $0x1  }
0x15: {  	[smem:$0x3FB6] =	sst s0;
	s0 =	simm.s32 @!p2 $0x0  }
0x16: {  	s3 =	sld [smem:$0x3FDB];
	s0 =	simm.s32 @p2 $0x1  }
0x17: {  	s4 =	simm.s32 $0x1BF5;
	[smem:$0x3FB8] =	sst s0  }
0x18: {  	s0 =	sld [smem:$0x3F9B];
	_ =	swait.ge [sflag:s4], $0x0  }
0x19: {  	s7 =	sld [smem:$0x3F9C]  }
0x1a: {  	s8 =	sadd.s32 $0xFFFFE003, lr  }
0x1b: {  	s9 =	sadd.s32 $0xFFFFFEF7, lr;
	s5 =	simm.s32 $0xFFFFFFFF;
	p2 =	slt.u32 s8, $0xFFFFF086  }
0x1c: {  	p1 =	slt.u32 s9, $0xF7A;
	s5 =	simm.s32 @!p2 $0x0  }
0x1d: {  	s5 =	simm.s32 @p1 $0x1;
	p0 =	seq.s32 s7, s2  }
0x1e: {  	s7 =	smul.u32 @!p0 $0xF7A, s2;
	p2 =	seq.s32 @!p0 s5, $0x0  }
0x1f: {  	s9 =	smul.u32 $0xF7A, s1;
	s8 =	simm.s32 @!p0 $0x1BF5;
	p2 =	por !p2, p0  }
0x20: {  	[sflag:s8] =	ssyncset.s32 @!p0 $0xFFFFF086;
	s6 =	sadd.s32 @!p0 s3, s7;
	s7 =	simm.s32 @!p0 $0x108  }
0x21: {  	s3 =	sadd.s32 s3, s9;
	s6 =	sadd.s32 @!p0 $0x88, s6;
	s7 =	simm.s32 @p2 $0x1082  }
0x22: {  	[simem:s7], [sflag:s8] =	dma.local @!p0 [hbm:s6], $0xF7A  }
0x23: {  	s9 =	sor.u32 $0xD0000000, s2;
	s6 =	simm.s32 $0x108;
	_ =	swait.ge @!p0 [sflag:s8], $0x0  }
0x24: {  	s3 =	sadd.s32 $0x88, s3;
	s6 =	simm.s32 @!p1 $0x1082;
	[sflag:s4] =	ssyncset.s32 $0xFFFFF086  }
0x25: {  	[simem:s6], [sflag:s4] =	dma.local [hbm:s3], $0xF7A  }
0x26: {  	[smem:$0x3F9C] =	sst s1;
	(tag) =	ssettag s2;
	_ =	strace s9  }
0x27: {  	s1 =	sld [smem:$0x3FAC]  }
0x28: {  	s2 =	sld [smem:$0x3FAD]  }
0x29: {  	s4 =	sld [smem:$0x3FAF]  }
0x2a: {  	p0 =	seq.s32 s5, $0x0;
	s5 =	sld [smem:$0x3FB0]  }
0x2b: {  	s6 =	sld [smem:$0x3FB1]  }
0x2c: {  	s7 =	sld [smem:$0x3FB2]  }
0x2d: {  	s3 =	simm.s32 $0x108;
	s8 =	sld [smem:$0x3FB3]  }
0x2e: {  	s3 =	simm.s32 @!p0 $0x1082;
	s9 =	sld [smem:$0x3FB4]  }
0x2f: {  	lr =	sadd.s32 s0, s3;
	s0 =	sld [smem:$0x3FAB]  }
0x30: {  	s3 =	sld [smem:$0x3FAE]  }
0x31: {  	[smem:$0x3FB7] =	sst s10  }
0x32: {  	s10 =	sld [smem:$0x3FB5];
	_ =	sdelay $0x3  }
0x33: {  	p0 =	seq.s32 s10, $0x1;
	s10 =	sld [smem:$0x3FB7];
	_ =	sdelay $0x3  }
0x34: {  	[smem:$0x3FB7] =	sst s10  }
0x35: {  	s10 =	sld [smem:$0x3FB6];
	_ =	sdelay $0x3  }
0x36: {  	p1 =	seq.s32 s10, $0x1;
	s10 =	sld [smem:$0x3FB7];
	_ =	sdelay $0x3  }
0x37: {  	[smem:$0x3FB7] =	sst s10  }
0x38: {  	s10 =	sld [smem:$0x3FB8]  }
0x39: {  	_ = 	snop;
	(pc) =	sbr.ind lr, $3  }
0x3a: {  	_ = 	snop  }
0x3b: {  	_ = 	snop  }
0x3c: {  	p2 =	seq.s32 s10, $0x1;
	s10 =	sld [smem:$0x3FB7]  }
0x3d: {  	_ =	shalt  }
0x3e: {  	_ =	shalt  }
0x3f: {  	_ =	shalt  }
0x40: {  	_ =	shalt  }
0x41: {  	_ =	shalt  }
0x42: {  	_ =	shalt  }
0x43: {  	_ =	shalt  }
0x44: {  	_ =	shalt  }
0x45: {  	_ =	shalt  }
0x46: {  	_ =	shalt  }
0x47: {  	_ =	shalt  }
0x48: {  	_ =	shalt  }
0x49: {  	_ =	shalt  }
0x4a: {  	_ =	shalt  }
0x4b: {  	_ =	shalt  }
0x4c: {  	_ =	shalt  }
0x4d: {  	_ =	shalt  }
0x4e: {  	_ =	shalt  }
0x4f: {  	_ =	shalt  }
0x50: {  	_ =	shalt  }
0x51: {  	_ =	shalt  }
0x52: {  	_ =	shalt  }
0x53: {  	_ =	shalt  }
0x54: {  	_ =	shalt  }
0x55: {  	_ =	shalt  }
0x56: {  	_ =	shalt  }
0x57: {  	_ =	shalt  }
0x58: {  	_ =	shalt  }
0x59: {  	_ =	shalt  }
0x5a: {  	_ =	shalt  }
0x5b: {  	_ =	shalt  }
0x5c: {  	_ =	shalt  }
0x5d: {  	_ =	shalt  }
0x5e: {  	_ =	shalt  }
0x5f: {  	_ =	shalt  }
0x60: {  	_ =	shalt  }
0x61: {  	_ =	shalt  }
0x62: {  	_ =	shalt  }
0x63: {  	_ =	shalt  }
0x64: {  	_ =	shalt  }
0x65: {  	_ =	shalt  }
0x66: {  	_ =	shalt  }
0x67: {  	_ =	shalt  }
0x68: {  	_ =	shalt  }
0x69: {  	_ =	shalt  }
0x6a: {  	_ =	shalt  }
0x6b: {  	_ =	shalt  }
0x6c: {  	_ =	shalt  }
0x6d: {  	_ =	shalt  }
0x6e: {  	_ =	shalt  }
0x6f: {  	_ =	shalt  }
0x70: {  	_ =	shalt  }
0x71: {  	_ =	shalt  }
0x72: {  	_ =	shalt  }
0x73: {  	_ =	shalt  }
0x74: {  	_ =	shalt  }
0x75: {  	_ =	shalt  }
0x76: {  	_ =	shalt  }
0x77: {  	_ =	shalt  }
0x78: {  	_ =	shalt  }
0x79: {  	_ =	shalt  }
0x7a: {  	_ =	shalt  }
0x7b: {  	_ =	shalt  }
0x7c: {  	_ =	shalt  }
0x7d: {  	_ =	shalt  }
0x7e: {  	_ =	shalt  }
0x7f: {  	_ =	shalt  }
0x80: {  	_ =	shalt  }
0x81: {  	_ =	shalt  }
0x82: {  	_ =	shalt  }
0x83: {  	_ =	shalt  }
0x84: {  	_ =	shalt  }
0x85: {  	_ =	shalt  }
0x86: {  	_ =	shalt  }
0x87: {  	_ =	shalt  }
.Lfunc_end0:
.L_simem_size_0:
called_computation_lowered:
.L_overlay_start_0:
0x88: {  	s2 =	sld [smem:$0x3FD9]  }
0x89: {  	s3 =	sld [smem:$0x3FFE];
	_ =	sdelay $0x1  }
0x8a: {  	s1 =	srdreg.scid  }
0x8b: {  	s0 =	sand.u32 $0x1, s1  }
0x8c: {  	s14 =	sshll.u32 s0, $0xA;
	s2 =	sadd.s32 s3, s2  }
0x8d: {  	s2 =	sadd.s32 s2, s14  }
0x8e: {  	[smem:$0x3FC3] =	sst s2  }
0x8f: {  	_ = 	snop  }
0x90: {  	s2 =	sld [smem:$0x3FD0];
	_ =	sdelay $0x2  }
0x91: {  	s15 =	simm.s32 $0xA;
	s4 =	simm.s32 $0x10  }
0x92: {  	[smem:s4], [sflag:s15] =	dma.local [hbm:s2], $0x1  }
0x93: {  	_ =	swait.eq [sflag:s15], $0x1  }
0x94: {  	[sflag:s15] =	ssyncset.done $0x0  }
0x95: {  	s16 =	sld [smem:$0x10];
	[sflag:s15] =	ssyncadd.s32 $0xFFFFFFFF  }
0x96: {  	s17 =	sld [smem:$0x11];
	(tm) =	ssettm $0x1  }
0x97: {  	s18 =	sld [smem:$0x3FFB];
	_ =	sdelay $0x3  }
0x98: {  	_ =	strace s18  }
0x99: {  	s4 =	sld [smem:$0x3FFC];
	_ =	sdelay $0x3  }
0x9a: {  	_ =	strace s4  }
0x9b: {  	s4 =	sld [smem:$0x3FFD];
	_ =	sdelay $0x3  }
0x9c: {  	_ =	strace s4  }
0x9d: {  	_ =	strace $0x8FFFFFFF  }
0x9e: {  	s19 =	sld [smem:$0x3FDB];
	_ =	sdelay $0x1  }
0x9f: {  	s5 =	simm.s32 $_scs_section_size  }
0xa0: {  	s6 =	simm.s32 $_size__tile_overlayer_lowered;
	s7 =	simm.s32 $_tile_overlayer_lowered  }
0xa1: {  	s22 =	simm.s32 $0x1BFF;
	s21 =	sshll.u32 s7, $0x1;
	s4 =	sadd.s32 s5, s19  }
0xa2: {  	s8 =	simm.s32 $0x0;
	s20 =	sshll.u32 s6, $0x1;
	s6 =	sadd.s32 s21, s4  }
0xa3: {  	[timem:s8], [sflag:s22] =	dma.local [hbm:s6], s20  }
0xa4: {  	_ =	swait.ge [sflag:s22], s20  }
0xa5: {  	s5 =	ssub.s32 $0x0, s20;
	[sflag:s22] =	ssyncset.done $0x0  }
0xa6: {  	[sflag:s22] =	ssyncadd.s32 s5;
	_ =	sdelay $0x1  }
0xa7: {  	s23 =	simm.s32 $0x1B8B  }
0xa8: {  	_ =	swait.ge [sflag:s23], $0x1  }
0xa9: {  	[sflag:s23] =	ssyncset.done $0x0  }
0xaa: {  	s25 =	simm.s32 $0x1B8E;
	s24 =	sld [smem:$0x3FFE];
	[sflag:s23] =	ssyncadd.s32 $0xFFFFFFFF  }
0xab: {  	s26 =	simm.s32 $execute0_lowered;
	[smem:$0x3FD2] =	sst s25  }
0xac: {  	s6 =	sshll.u32 s26, $0x1;
	_ =	strace $0x80000046;
	[dreg:$0x1] =	wrdreg $0xFFFFFFFF  }
0xad: {  	s28 =	simm.s32 $_size_execute0_lowered;
	s4 =	sadd.s32 s4, s6;
	[dreg:$0x0] =	wrdreg $0x0  }
0xae: {  	s6 =	sshll.u32 s28, $0x1;
	[dreg:$0x2] =	wrdreg s4  }
0xaf: {  	[dreg:$0x3] =	wrdreg s6  }
0xb0: {  	[dreg:$0x4] =	wrdreg $0xC0  }
0xb1: {  	_ =	task [dreg:s8], $0x5FFFF  }
0xb2: {  	[dreg:$0x1] =	wrdreg $0xFFFFFFFF  }
0xb3: {  	[dreg:$0x0] =	wrdreg $0x60  }
0xb4: {  	[dreg:$0x2] =	wrdreg s16  }
0xb5: {  	[dreg:$0x3] =	wrdreg s24  }
0xb6: {  	[dreg:$0x4] =	wrdreg s17  }
0xb7: {  	[dreg:$0x5] =	wrdreg $0x9  }
0xb8: {  	_ =	task.clear_ibuf [dreg:s8], $0x6FFFF;
	_ =	strace $0x90000046  }
0xb9: {  	s29 =	simm.s32 $0x9;
	_ =	strace $0x80000048  }
0xba: {  	_ =	swait.ge [sflag:s29], $0x1  }
0xbb: {  	[sflag:s29] =	ssyncadd.s32 $0xFFFFFFFF  }
0xbc: {  	_ =	strace $0x90000048  }
0xbd: {  	_ =	sfence  }
0xbe: {  	s30 =	sld [smem:$0x0];
	_ =	sdelay $0x2  }
0xbf: {  	s31 =	sshll.u32 s1, $0xD;
	s1 =	sshrl.u32 s1, $0x2  }
0xc0: {  	s3 =	sand.u32 $0x4000, s31;
	s1 =	sadd.s32 s1, s30  }
0xc1: {  	s0 =	sor.u32 s3, s0;
	s1 =	sshll.u32 s1, $0x11  }
0xc2: {  	s0 =	sor.u32 s1, s0  }
0xc3: {  	s0 =	sadd.s32 $0x8F2B, s0  }
0xc4: {  	[sflag:s0] =	ssyncadd.remote.s32 $0x1  }
0xc5: {  	_ =	sfence.sel $0xFFFF  }
0xc6: {  	[dreg:$0x0] =	wrdreg $0xFFFFFFFF;
	(pc) =	sbr.abs _section_cstart, $3  }
0xc7: {  	[dreg:$0x1] =	wrdreg $0xFFFFFFFF  }
0xc8: {  	_ =	task.clear_ibuf [dreg:s8], $0x2FFFF;
	_ =	strace $0x9FFFFFFF  }
0xc9: {  	(tm) =	ssettm $0x7FFFFFFF  }
tec
execute0_lowered:
.L_overlay_start_1:
0x0: {  	(tag) =	ssettag $0x1  }
0x1: {  	s0 =	srdreg.scid  }
0x2: {  	s0 =	sand.u32 $0x1, s0  }
0x3: {  	s1 =	stileid.u32;
	p0 =	seq.s32 s0, $0x1  }
0x4: {  	p1 =	sgt.u32 @!p0 s1, $0x3  }
0x5: {  	p0 =	por p0, p1  }
.Ltmp0:
0x6: {  	s5 =	rddreg [dreg:$0x0];
	(pc) =	sbr.rel @p0 .LBB2_4-.Ltmp0, $4  }
0x7: {  	s4 =	rddreg [dreg:$0x1]  }
0x8: {  	s3 =	rddreg [dreg:$0x2];
	s2 =	simm.s32 $0x0  }
0x9: {  	[smem:$0x7FF] =	sst s2  }
0xa: {  	s0 =	rddreg [dreg:$0x3];
	_ =	strace $0x80000047  }
0xb: {  	s6 =	sshll.u32 s1, $0x4;
	s7 =	simm.s32 $0x80  }
0xc: {  	s8 =	simm.s32 $0x200;
	s30 =	simm.s32 $0x1;
	s5 =	sadd.s32 s5, s6  }
0xd: {  	[tilespmem:s2], [sflag:$0x1] =	stream.strided.gather [hbm4b:s5+s7], $0x1000, s8, s7, $0x38;
	[tilespmem:$0x1480] =	vst v63  }
0xe: {  	_ =	swait.ge [sflag:s30], $0x1000  }
0xf: {  	s4 =	sadd.s32 $0x41600, s4;
	[sflag:s30] =	ssyncset.done $0x0  }
0x10: {  	s31 =	sadd.s32 s4, s6;
	s4 =	simm.s32 $0x1000;
	[sflag:s30] =	ssyncadd.s32 $0xFFFFF000  }
0x11: {  	[tilespmem:s4], [sflag:$0x1] =	stream.linear.gather [hbm4b:s31+s2], $0x80, $0x38;
	[tilespmem:$0x1480] =	vst v63  }
0x12: {  	_ =	swait.ge [sflag:s30], $0x80  }
0x13: {  	s3 =	sadd.s32 s3, s6;
	[sflag:s30] =	ssyncset.done $0x0  }
0x14: {  	v0 =	vlaneseq.u32;
	s6 =	simm.s32 $0x0;
	s5 =	simm.s32 $0x1080;
	[sflag:s30] =	ssyncadd.s32 $0xFFFFFF80  }
.LBB2_2:
0x15: {  	v1 =	vld [tilespmem:s2+$0x0];
	_ =	sdelay $0x4  }
0x16: {  	v2 =	vshra.s32 v1, $0xA  }
0x17: {  	v3 =	vadd.s32 $0x8, v2;
	_ =	sdelay $0x4  }
0x18: {  	v3 =	vld.idx.msk [tilespmem:v3+s4+$0x0], $0xffff  }
0x19: {  	v2 =	vld.idx.msk [tilespmem:v2+s4+$0x0], $0xffff;
	_ =	sdelay $0x2  }
0x1a: {  	v1 =	vand.u32 $0x3FF, v1  }
0x1b: {  	vm0 =	vlt.s32 v1, v3  }
0x1c: {  	p0 =	sne.s32 s6, $0xFF0;
	v1 =	vadd.s32 v1, v2  }
.Ltmp1:
0x1d: {  	_ = 	snop;
	(pc) =	sbr.rel @p0 .LBB2_2-.Ltmp1, $3  }
0x1e: {  	_ =	sdelay $0x1  }
0x1f: {  	v2 =	vor.u32 s6, v0  }
0x20: {  	s2 =	sadd.s32 $0x10, s2;
	s6 =	sadd.s32 $0x10, s6;
	[tilespmem:v1+s5+$0x0] =	vst.idx.msk vm0, v2  }
0x21: {  	s2 =	simm.s32 $0x80  }
0x22: {  	s4 =	simm.s32 $0x200;
	s5 =	simm.s32 $0x1080;
	s31 =	simm.s32 $0x1  }
0x23: {  	[hbm4b:s3+s2] =	stream.strided.scatter [tilespmem:s5], [sflag:$0x1], $0x400, s4, s2, $0x38;
	[tilespmem:$0x1480] =	vst v63  }
0x24: {  	_ =	swait.ge [sflag:s31], $0x400  }
0x25: {  	[sflag:s31] =	ssyncset.done $0x0  }
0x26: {  	[sflag:s31] =	ssyncadd.s32 $0xFFFFFC00  }
.LBB2_4:
0x27: {  	_ =	sfence.sel $0x180000  }
0x28: {  	[bflag:$0x0] =	sbarrier.arrive $0xFFFF  }
0x29: {  	p0 =	sne.s32 s1, $0x0;
	_ =	strace $0x90000047  }
0x2a: {  	s0 =	sadd.s32 @!p0 $0x100000, s0;
	[bflag:$0x2] =	sbarrier.arrive $0xFFFF  }
0x2b: {  	[sflag:s0] =	ssyncadd.tile.s32 @!p0 $0x1;
	_ =	shalt  }
.Lfunc_end2:
_tile_overlayer_lowered:
.L_overlay_start_2:
0x2c: {  	(tag) =	ssettag $0x2  }
0x2d: {  	s0 =	rddreg [dreg:$0x0];
	s2 =	stileid.u32  }
0x2e: {  	s1 =	rddreg [dreg:$0x1];
	p0 =	sne.s32 s2, $0x0  }
0x2f: {  	s3 =	rddreg [dreg:$0x2];
	[bflag:$0x3] =	sbarrier.arrive $0xFFFF;
	s2 =	simm.s32 @!p0 $0x1C01  }
0x30: {  	[timem:s3], [sflag:s2] =	dma.local @!p0 [hbm:s0], s1  }
0x31: {  	s0 =	simm.s32 @!p0 $0x1  }
0x32: {  	_ =	swait.ge @!p0 [sflag:s0], s1  }
0x33: {  	s1 =	ssub.s32 @!p0 $0x0, s1;
	[sflag:s0] =	ssyncset.done @!p0 $0x0  }
0x34: {  	[sflag:s0] =	ssyncadd.s32 @!p0 s1  }
0x35: {  	[bflag:$0x3] =	sbarrier.arrive $0xFFFF  }
0x36: {  	_ =	shalt  }

</sc_bundles>
